<compile_context>
chip_gen: v7x
topology: tpu7x:2x2x1
jax: 0.10.2.dev20260603
libtpu: 0.0.44.dev20260713+nightly
codegen_flags: <defaults>
</compile_context>

<pallas_src>
import functools
import jax
import jax.numpy as jnp
from jax import lax
from jax.experimental import pallas as pl
from jax.experimental.pallas import tpu as pltpu
from jax.experimental.pallas import tpu_sc as plsc

NQ = 8192
NV = 6890
NVP = 6912
NW = 32
QPW = NQ // NW
NGRP = QPW // 16
CHUNK = 96
NCH = NVP // CHUNK
BIG = 3.0e38



def _d2_kernel(xt_ref, vp_ref, o_ref):
    xt = xt_ref[...]
    vp = vp_ref[...]
    xv = jnp.dot(vp.astype(jnp.bfloat16), xt.astype(jnp.bfloat16),
                 preferred_element_type=jnp.float32)
    x2 = (xt[0:1, :] * xt[0:1, :] + xt[1:2, :] * xt[1:2, :]) \
        + xt[2:3, :] * xt[2:3, :]
    v2 = (vp[:, 0:1] * vp[:, 0:1] + vp[:, 1:2] * vp[:, 1:2]) \
        + vp[:, 2:3] * vp[:, 2:3]
    t = x2 + v2
    o_ref[...] = jnp.maximum(t - 2.0 * xv, 1e-12)


def _tc_d2(xqt, vp3):
    BM, BN = 384, 2048
    return pl.pallas_call(
        _d2_kernel,
        out_shape=jax.ShapeDtypeStruct((NVP, NQ), jnp.float32),
        grid=(NVP // BM, NQ // BN),
        in_specs=[
            pl.BlockSpec((3, BN), lambda i, j: (0, j)),
            pl.BlockSpec((BM, 3), lambda i, j: (i, 0)),
        ],
        out_specs=pl.BlockSpec((BM, BN), lambda i, j: (i, j)),
    )(xqt, vp3)



def _splat_i32(x):
    return jnp.zeros((16,), jnp.int32) + x


def _take(v, idx):
    return lax.gather(
        v, idx[:, None],
        lax.GatherDimensionNumbers(offset_dims=(), collapsed_slice_dims=(0,),
                                   start_index_map=(0,)),
        slice_sizes=(1,), mode=lax.GatherScatterMode.PROMISE_IN_BOUNDS)


def _bcast_lane(v, q):
    return _take(v, _splat_i32(q))


def _allsum(v):
    lanes = lax.iota(jnp.int32, 16)
    for s in (8, 4, 2, 1):
        v = v + _take(v, (lanes + s) & 15)
    return v


def _newton_sqrt(x):
    i = lax.bitcast_convert_type(x, jnp.int32)
    g = lax.bitcast_convert_type((i >> 1) + jnp.int32(0x1FBD1DF5), jnp.float32)
    for _ in range(3):
        g = 0.5 * (g + x / g)
    return g


def _sc_knn(d2m, xqt, ctab):
    mesh = plsc.VectorSubcoreMesh(core_axis_name="c", subcore_axis_name="s")

    @functools.partial(
        pl.kernel,
        mesh=mesh,
        out_type=[
            jax.ShapeDtypeStruct((3, NQ), jnp.float32),
            jax.ShapeDtypeStruct((NQ,), jnp.float32),
        ],
        scratch_types=[
            pltpu.VMEM((CHUNK, QPW), jnp.float32),
            pltpu.VMEM((CHUNK, QPW), jnp.float32),
            pltpu.VMEM((3, QPW), jnp.float32),
            pltpu.VMEM((4 * NGRP * 16,), jnp.float32),
            pltpu.VMEM((4 * NGRP * 16,), jnp.int32),
            pltpu.VMEM((4 * NGRP * 16,), jnp.float32),
            pltpu.VMEM((4, QPW), jnp.int32),
            pltpu.VMEM((512, 128), jnp.float32),
            pltpu.VMEM((3, QPW), jnp.float32),
            pltpu.VMEM((QPW,), jnp.float32),
            pltpu.SemaphoreType.DMA,
            pltpu.SemaphoreType.DMA,
            pltpu.SemaphoreType.DMA,
        ],
    )
    def body(d_hbm, q_hbm, ctab_hbm, oxyz_hbm, oval_hbm,
             dbuf0, dbuf1, qbuf, st_d, st_i, dist_s, idxf, gbuf,
             outx, outv, sem0, sem1, gsem):
        wid = lax.axis_index("s") * 2 + lax.axis_index("c")
        base = wid * QPW
        lanes = lax.iota(jnp.int32, 16)

        pltpu.sync_copy(q_hbm.at[:, pl.ds(base, QPW)], qbuf)
        for gi in range(4 * NGRP):
            st_d[pl.ds(gi * 16, 16)] = jnp.full((16,), BIG, jnp.float32)
            st_i[pl.ds(gi * 16, 16)] = jnp.zeros((16,), jnp.int32)

        def start_chunk(c, buf, sem):
            pltpu.async_copy(
                d_hbm.at[pl.ds(c * CHUNK, CHUNK), pl.ds(base, QPW)], buf, sem)

        def wait_chunk(buf, sem):
            pltpu.make_async_copy(
                d_hbm.at[pl.ds(0, CHUNK), pl.ds(base, QPW)], buf, sem).wait()

        start_chunk(0, dbuf0, sem0)
        start_chunk(1, dbuf1, sem1)

        def process(buf, rowbase, gp):
            NI = 4
            g16s = [gp * 16 * NI + 16 * t for t in range(NI)]
            bases = [gp * 64 * NI + 64 * t for t in range(NI)]
            st = []
            for b in bases:
                st += [st_d[pl.ds(b + 16 * r, 16)] for r in range(4)]
                st += [st_i[pl.ds(b + 16 * r, 16)] for r in range(4)]

            def ins2(j2, carry):
                s = list(carry[:-1])
                jv = carry[-1]
                jb = j2 * 2
                for u in range(2):
                    for t in range(NI):
                        o = t * 8
                        d0, d1, d2, d3, i0, i1, i2, i3 = s[o:o + 8]
                        dv = buf[jb + u, pl.ds(g16s[t], 16)]
                        c0 = dv < d0
                        c1 = dv < d1
                        c2 = dv < d2
                        c3 = dv < d3
                        s[o + 3] = jnp.where(c2, d2, jnp.where(c3, dv, d3))
                        s[o + 7] = jnp.where(c2, i2, jnp.where(c3, jv, i3))
                        s[o + 2] = jnp.where(c1, d1, jnp.where(c2, dv, d2))
                        s[o + 6] = jnp.where(c1, i1, jnp.where(c2, jv, i2))
                        s[o + 1] = jnp.where(c0, d0, jnp.where(c1, dv, d1))
                        s[o + 5] = jnp.where(c0, i0, jnp.where(c1, jv, i1))
                        s[o + 0] = jnp.where(c0, dv, d0)
                        s[o + 4] = jnp.where(c0, jv, i0)
                    jv = jv + 1
                return (*s, jv)

            jv0 = _splat_i32(rowbase)
            out = lax.fori_loop(0, CHUNK // 2, ins2, (*st, jv0))
            for t in range(NI):
                b = bases[t]
                o = t * 8
                for r in range(4):
                    st_d[pl.ds(b + 16 * r, 16)] = out[o + r]
                    st_i[pl.ds(b + 16 * r, 16)] = out[o + 4 + r]

        def chunk_pair(p, _):
            c0 = 2 * p
            wait_chunk(dbuf0, sem0)
            lax.fori_loop(0, NGRP // 4,
                          lambda g, _: (process(dbuf0, c0 * CHUNK, g), 0)[1], 0)

            @pl.when(c0 + 2 < NCH)
            def _():
                start_chunk(c0 + 2, dbuf0, sem0)

            wait_chunk(dbuf1, sem1)
            lax.fori_loop(0, NGRP // 4,
                          lambda g, _: (process(dbuf1, (c0 + 1) * CHUNK, g), 0)[1], 0)

            @pl.when(c0 + 3 < NCH)
            def _():
                start_chunk(c0 + 3, dbuf1, sem1)
            return 0

        lax.fori_loop(0, NCH // 2, chunk_pair, 0)

        def ph2(g, _):
            for k4 in range(4):
                dk = st_d[pl.ds((g * 4 + k4) * 16, 16)]
                dist_s[pl.ds((g * 4 + k4) * 16, 16)] = _newton_sqrt(dk)
                idxf[k4, pl.ds(g * 16, 16)] = st_i[pl.ds((g * 4 + k4) * 16, 16)]
            return 0

        lax.fori_loop(0, NGRP, ph2, 0)

        for half in range(2):
            handles = []
            for k4 in range(4):
                idxslice = idxf.at[k4, pl.ds(half * 128, 128)]
                handles.append(pltpu.async_copy(
                    ctab_hbm.at[idxslice], gbuf.at[pl.ds(k4 * 128, 128)],
                    gsem))
            for h in handles:
                h.wait()

            def ph3(gl, _):
                g = half * 8 + gl
                g16 = g * 16
                l16 = gl * 16
                one = jnp.full((16,), 1.0, jnp.float32)
                zero = jnp.zeros((16,), jnp.float32)

                def sq_body(qi, carry):
                    s1v, s2v, s3v = carry
                    r0 = l16 + qi
                    l0a = gbuf[r0, pl.ds(0, 16)]
                    l0b = gbuf[r0, pl.ds(16, 16)]
                    lsel = lanes == _splat_i32(qi)
                    la = gbuf[128 + r0, pl.ds(0, 16)]
                    lb = gbuf[128 + r0, pl.ds(16, 16)]
                    t1 = _allsum(jnp.abs(la - l0a) + jnp.abs(lb - l0b))
                    la = gbuf[256 + r0, pl.ds(0, 16)]
                    lb = gbuf[256 + r0, pl.ds(16, 16)]
                    t2 = _allsum(jnp.abs(la - l0a) + jnp.abs(lb - l0b))
                    la = gbuf[384 + r0, pl.ds(0, 16)]
                    lb = gbuf[384 + r0, pl.ds(16, 16)]
                    t3 = _allsum(jnp.abs(la - l0a) + jnp.abs(lb - l0b))
                    return (jnp.where(lsel, t1, s1v),
                            jnp.where(lsel, t2, s2v),
                            jnp.where(lsel, t3, s3v))

                s1v, s2v, s3v = lax.fori_loop(0, 16, sq_body,
                                              (zero, zero, zero))
                wst2 = jnp.float32(2.0 * 0.1 ** 2)
                m1 = jnp.where(jnp.exp(-s1v / wst2) > 0.9, one, zero)
                m2 = jnp.where(jnp.exp(-s2v / wst2) > 0.9, one, zero)
                m3 = jnp.where(jnp.exp(-s3v / wst2) > 0.9, one, zero)
                dd0 = dist_s[pl.ds((g * 4 + 0) * 16, 16)]
                dd1 = dist_s[pl.ds((g * 4 + 1) * 16, 16)]
                dd2 = dist_s[pl.ds((g * 4 + 2) * 16, 16)]
                dd3 = dist_s[pl.ds((g * 4 + 3) * 16, 16)]
                w0 = jnp.exp(-dd0)
                w1 = jnp.exp(-dd1) * m1
                w2 = jnp.exp(-dd2) * m2
                w3 = jnp.exp(-dd3) * m3
                ws = (w0 + w1) + (w2 + w3)
                w0 = w0 / ws
                w1 = w1 / ws
                w2 = w2 / ws
                w3 = w3 / ws
                xd = ((w0 * dd0 + w1 * dd1) + w2 * dd2) + w3 * dd3
                outv[pl.ds(g16, 16)] = jnp.where(xd < 0.2, one, zero)
                qr0 = qbuf[0, pl.ds(g16, 16)]
                qr1 = qbuf[1, pl.ds(g16, 16)]
                qr2 = qbuf[2, pl.ds(g16, 16)]
                emod = lanes & 3

                def blend_body(qi, carry):
                    oxx, oxy, oxz = carry
                    r0 = l16 + qi
                    acc = ((_bcast_lane(w0, qi) * gbuf[r0, pl.ds(32, 16)]
                            + _bcast_lane(w1, qi) * gbuf[128 + r0, pl.ds(32, 16)])
                           + _bcast_lane(w2, qi) * gbuf[256 + r0, pl.ds(32, 16)]) \
                        + _bcast_lane(w3, qi) * gbuf[384 + r0, pl.ds(32, 16)]
                    hv = jnp.where(emod == 0, _bcast_lane(qr0, qi),
                                   jnp.where(emod == 1, _bcast_lane(qr1, qi),
                                             jnp.where(emod == 2,
                                                       _bcast_lane(qr2, qi),
                                                       one)))
                    p = acc * hv
                    p = p + _take(p, (lanes + 1) & 15)
                    p = p + _take(p, (lanes + 2) & 15)
                    lsel = lanes == _splat_i32(qi)
                    return (jnp.where(lsel, _bcast_lane(p, 0), oxx),
                            jnp.where(lsel, _bcast_lane(p, 4), oxy),
                            jnp.where(lsel, _bcast_lane(p, 8), oxz))

                oxx, oxy, oxz = lax.fori_loop(0, 16, blend_body,
                                              (zero, zero, zero))
                outx[0, pl.ds(g16, 16)] = oxx
                outx[1, pl.ds(g16, 16)] = oxy
                outx[2, pl.ds(g16, 16)] = oxz
                return 0

            lax.fori_loop(0, 8, ph3, 0)

        pltpu.sync_copy(outx, oxyz_hbm.at[:, pl.ds(base, QPW)])
        pltpu.sync_copy(outv, oval_hbm.at[pl.ds(base, QPW)])

    return body(d2m, xqt, ctab)



def kernel(xyz, verts, verts_transform_inv, lbs_weights):
    xq = xyz[0]
    vp3 = jnp.concatenate(
        [verts[0], jnp.full((NVP - NV, 3), 1.0e6, jnp.float32)], axis=0)
    xqt = xq.T
    lbsp = jnp.pad(lbs_weights, ((0, NVP - NV), (0, 8)))
    tfp = jnp.pad(verts_transform_inv[0].reshape(NV, 16),
                  ((0, NVP - NV), (0, 0)))
    ctab = jnp.concatenate(
        [lbsp, tfp, jnp.zeros((NVP, 80), jnp.float32)], axis=1)
    d2m = _tc_d2(xqt, vp3)
    outx, outv = _sc_knn(d2m, xqt, ctab)
    return outx.T[None], outv[None, :, None]

# --- scband reference (transcript-rebuilt; emitter-appended) ---
"""Pipeline reference for scband-anim-ne-rf-51908974739808 (READ-ONLY COPY).

The authoritative reference and input builder live on the scoring server;
editing this copy changes nothing except your own understanding.
"""

import jax, jax.numpy as jnp
import numpy as np


def setup_inputs(seed: int = 0) -> dict:
    key = jax.random.key(seed)
    k1, k2, k3, k4 = jax.random.split(key, 4)
    xyz = jax.random.normal(k1, (1, 8192, 3), dtype=jnp.float32)
    verts = jax.random.normal(k2, (1, 6890, 3), dtype=jnp.float32)
    verts_transform_inv = jax.random.normal(k3, (1, 6890, 4, 4), dtype=jnp.float32)
    lbs = jax.random.uniform(k4, (6890, 24), dtype=jnp.float32)
    lbs = lbs / jnp.sum(lbs, axis=-1, keepdims=True)
    return {
        "xyz": xyz,
        "verts": verts,
        "verts_transform_inv": verts_transform_inv,
        "lbs_weights": lbs,
    }


def _knn_unpose(xyz, verts, verts_transform_inv, lbs_weights, k=4, weight_std=0.1, dis_threshold=0.2):
    # pairwise L2 distances (same math as torch.norm(xyz.unsqueeze(2) - verts.unsqueeze(1)))
    x2 = jnp.sum(xyz * xyz, axis=-1)[:, :, None]
    v2 = jnp.sum(verts * verts, axis=-1)[:, None, :]
    xv = jnp.einsum('bnd,bmd->bnm', xyz, verts)
    dist = jnp.sqrt(jnp.maximum(x2 + v2 - 2.0 * xv, 1e-12))
    # smallest-k via top_k on negated distances (torch: dist.topk(k, largest=False))
    neg_vals, neighbs = jax.lax.top_k(-dist, k)
    neighbs_dist = -neg_vals  # [b, n, k]
    # gather lbs weights of neighbors (embedding-style gather)
    xyz_neighbs_lbs_weight = lbs_weights[neighbs]  # [b, n, k, J]
    weight_std2 = 2.0 * weight_std ** 2
    conf = jnp.exp(-jnp.sum(jnp.abs(xyz_neighbs_lbs_weight - xyz_neighbs_lbs_weight[..., 0:1, :]), axis=-1) / weight_std2)
    conf = (conf > 0.9).astype(jnp.float32)
    w = jnp.exp(-neighbs_dist) * conf
    w = w / jnp.sum(w, axis=-1, keepdims=True)
    # batch_index_select of per-vertex 4x4 transforms
    xyz_neighbs_transform_inv = jax.vmap(lambda t, i: t[i])(verts_transform_inv, neighbs)  # [b, n, k, 4, 4]
    xyz_transform_inv = jnp.sum(w[..., None, None] * xyz_neighbs_transform_inv, axis=2)  # [b, n, 4, 4]
    xyz_dist = jnp.sum(w * neighbs_dist, axis=2, keepdims=True)  # [b, n, 1]
    xyz_valid = (xyz_dist < dis_threshold).astype(jnp.float32)
    # batch_transform with pad_ones=True
    homo = jnp.ones((*xyz.shape[:-1], 1), dtype=xyz.dtype)
    v_homo = jnp.concatenate([xyz, homo], axis=-1)
    xyz_unposed = jnp.matmul(xyz_transform_inv, v_homo[..., None])[..., :3, 0]
    return xyz_unposed, xyz_valid


def reference(xyz, verts, verts_transform_inv, lbs_weights):
    return _knn_unpose(xyz, verts, verts_transform_inv, lbs_weights)

if __name__ == "__main__":
    import jax
    _d = setup_inputs()
    print(jax.jit(kernel)(*tuple(_d.values())))

</pallas_src>

<mosaic_0001>
#map = affine_map<(d0, d1) -> (0, 0)>
#map1 = affine_map<(d0, d1) -> (0)>
module attributes {stable_mosaic.version = 14 : i64} {
  func.func @body(%arg0: i32, %arg1: i32, %arg2: memref<6912x8192xf32, #tpu.memory_space<hbm>>, %arg3: memref<3x8192xf32, #tpu.memory_space<hbm>>, %arg4: memref<6912x128xf32, #tpu.memory_space<hbm>>, %arg5: memref<3x8192xf32, #tpu.memory_space<hbm>>, %arg6: memref<8192xf32, #tpu.memory_space<hbm>>, %arg7: memref<96x256xf32, #tpu.memory_space<vmem>>, %arg8: memref<96x256xf32, #tpu.memory_space<vmem>>, %arg9: memref<3x256xf32, #tpu.memory_space<vmem>>, %arg10: memref<1024xf32, #tpu.memory_space<vmem>>, %arg11: memref<1024xi32, #tpu.memory_space<vmem>>, %arg12: memref<1024xf32, #tpu.memory_space<vmem>>, %arg13: memref<4x256xi32, #tpu.memory_space<vmem>>, %arg14: memref<512x128xf32, #tpu.memory_space<vmem>>, %arg15: memref<3x256xf32, #tpu.memory_space<vmem>>, %arg16: memref<256xf32, #tpu.memory_space<vmem>>, %arg17: memref<!tpu.dma_semaphore, #tpu.memory_space<semaphore_mem>>, %arg18: memref<!tpu.dma_semaphore, #tpu.memory_space<semaphore_mem>>, %arg19: memref<!tpu.dma_semaphore, #tpu.memory_space<semaphore_mem>>) attributes {dimension_semantics = [#tpu.dimension_semantics<core_parallel>, #tpu.dimension_semantics<subcore_parallel>], iteration_bounds = array<i64: 2, 16>, scalar_prefetch = 0 : i64, scratch_operands = 13 : i64, tpu.core_type = #tpu.core_type<sc_vector_subcore>, window_params = [{transform_indices = #map}, {transform_indices = #map}, {transform_indices = #map}, {transform_indices = #map}, {transform_indices = #map1}]} {
    %mul3A = arith.constant 2 : i32
    %mul3A_0 = arith.muli %arg1, %mul3A : i32
    %add3A = arith.addi %mul3A_0, %arg0 : i32
    %mul3A_1 = arith.constant 256 : i32
    %mul3A_2 = arith.muli %add3A, %mul3A_1 : i32
    %iota3A = tpu.iota {dimensions = array<i32: 0>} : vector<16xi32>
    "tpu.region"() ({
      %run_scoped3A = tpu.sem_alloc : memref<!tpu.dma_semaphore, #tpu.memory_space<semaphore_mem>>
      %dma_start3A_962 = arith.constant 0 : i32
      %dma_start3A_963 = tpu.memref_slice %arg3[%dma_start3A_962, %mul3A_2] : memref<3x8192xf32, #tpu.memory_space<hbm>> -> memref<3x256xf32, #tpu.memory_space<hbm>>
      %dma_start3A_964 = arith.constant 0 : i32
      %dma_start3A_965 = tpu.memref_slice %arg3[%dma_start3A_964, %mul3A_2] : memref<3x8192xf32, #tpu.memory_space<hbm>> -> memref<3x256xf32, #tpu.memory_space<hbm>>
      tpu.enqueue_dma source(%dma_start3A_965 : memref<3x256xf32, #tpu.memory_space<hbm>>) target(%arg9 : memref<3x256xf32, #tpu.memory_space<vmem>>) target_semaphore(%run_scoped3A : memref<!tpu.dma_semaphore, #tpu.memory_space<semaphore_mem>>)
      %dma_wait3A_966 = arith.constant 0 : i32
      %dma_wait3A_967 = tpu.memref_slice %arg3[%dma_wait3A_966, %mul3A_2] : memref<3x8192xf32, #tpu.memory_space<hbm>> -> memref<3x256xf32, #tpu.memory_space<hbm>>
      %dma_wait3A_968 = arith.constant 0 : i32
      %dma_wait3A_969 = tpu.memref_slice %arg3[%dma_wait3A_968, %mul3A_2] : memref<3x8192xf32, #tpu.memory_space<hbm>> -> memref<3x256xf32, #tpu.memory_space<hbm>>
      tpu.wait_dma2 semaphore(%run_scoped3A : memref<!tpu.dma_semaphore, #tpu.memory_space<semaphore_mem>>) src(%dma_wait3A_969 : memref<3x256xf32, #tpu.memory_space<hbm>>) dst(%arg9 : memref<3x256xf32, #tpu.memory_space<vmem>>)
      tpu.yield
    }) : () -> ()
    %broadcast_in_dim3A = arith.constant 3.000000e+38 : f32
    %broadcast_in_dim3A_3 = vector.broadcast %broadcast_in_dim3A : f32 to vector<16xf32>
    %swap3A = arith.constant 0 : index
    %swap3A_4 = tpu.vector_load %arg10[%swap3A] {strides = array<i32>} : memref<1024xf32, #tpu.memory_space<vmem>>, vector<16xf32>,
    %swap3A_5 = vector.shape_cast %swap3A_4 : vector<16xf32> to vector<16xf32>
    %swap3A_6 = vector.shape_cast %broadcast_in_dim3A_3 : vector<16xf32> to vector<16xf32>
    tpu.vector_store %arg10[%swap3A], %swap3A_6 {strides = array<i32>} : memref<1024xf32, #tpu.memory_space<vmem>>, vector<16xf32>,
    %broadcast_in_dim3A_7 = arith.constant 0 : i32
    %broadcast_in_dim3A_8 = vector.broadcast %broadcast_in_dim3A_7 : i32 to vector<16xi32>
    %swap3A_9 = arith.constant 0 : index
    %swap3A_10 = tpu.vector_load %arg11[%swap3A_9] {strides = array<i32>} : memref<1024xi32, #tpu.memory_space<vmem>>, vector<16xi32>,
    %swap3A_11 = vector.shape_cast %swap3A_10 : vector<16xi32> to vector<16xi32>
    %swap3A_12 = vector.shape_cast %broadcast_in_dim3A_8 : vector<16xi32> to vector<16xi32>
    tpu.vector_store %arg11[%swap3A_9], %swap3A_12 {strides = array<i32>} : memref<1024xi32, #tpu.memory_space<vmem>>, vector<16xi32>,
    %broadcast_in_dim3A_13 = arith.constant 3.000000e+38 : f32
    %broadcast_in_dim3A_14 = vector.broadcast %broadcast_in_dim3A_13 : f32 to vector<16xf32>
    %swap3A_15 = arith.constant 16 : index
    %swap3A_16 = tpu.vector_load %arg10[%swap3A_15] {strides = array<i32>} : memref<1024xf32, #tpu.memory_space<vmem>>, vector<16xf32>,
    %swap3A_17 = vector.shape_cast %swap3A_16 : vector<16xf32> to vector<16xf32>
    %swap3A_18 = vector.shape_cast %broadcast_in_dim3A_14 : vector<16xf32> to vector<16xf32>
    tpu.vector_store %arg10[%swap3A_15], %swap3A_18 {strides = array<i32>} : memref<1024xf32, #tpu.memory_space<vmem>>, vector<16xf32>,
    %broadcast_in_dim3A_19 = arith.constant 0 : i32
    %broadcast_in_dim3A_20 = vector.broadcast %broadcast_in_dim3A_19 : i32 to vector<16xi32>
    %swap3A_21 = arith.constant 16 : index
    %swap3A_22 = tpu.vector_load %arg11[%swap3A_21] {strides = array<i32>} : memref<1024xi32, #tpu.memory_space<vmem>>, vector<16xi32>,
    %swap3A_23 = vector.shape_cast %swap3A_22 : vector<16xi32> to vector<16xi32>
    %swap3A_24 = vector.shape_cast %broadcast_in_dim3A_20 : vector<16xi32> to vector<16xi32>
    tpu.vector_store %arg11[%swap3A_21], %swap3A_24 {strides = array<i32>} : memref<1024xi32, #tpu.memory_space<vmem>>, vector<16xi32>,
    %broadcast_in_dim3A_25 = arith.constant 3.000000e+38 : f32
    %broadcast_in_dim3A_26 = vector.broadcast %broadcast_in_dim3A_25 : f32 to vector<16xf32>
    %swap3A_27 = arith.constant 32 : index
    %swap3A_28 = tpu.vector_load %arg10[%swap3A_27] {strides = array<i32>} : memref<1024xf32, #tpu.memory_space<vmem>>, vector<16xf32>,
    %swap3A_29 = vector.shape_cast %swap3A_28 : vector<16xf32> to vector<16xf32>
    %swap3A_30 = vector.shape_cast %broadcast_in_dim3A_26 : vector<16xf32> to vector<16xf32>
    tpu.vector_store %arg10[%swap3A_27], %swap3A_30 {strides = array<i32>} : memref<1024xf32, #tpu.memory_space<vmem>>, vector<16xf32>,
    %broadcast_in_dim3A_31 = arith.constant 0 : i32
    %broadcast_in_dim3A_32 = vector.broadcast %broadcast_in_dim3A_31 : i32 to vector<16xi32>
    %swap3A_33 = arith.constant 32 : index
    %swap3A_34 = tpu.vector_load %arg11[%swap3A_33] {strides = array<i32>} : memref<1024xi32, #tpu.memory_space<vmem>>, vector<16xi32>,
    %swap3A_35 = vector.shape_cast %swap3A_34 : vector<16xi32> to vector<16xi32>
    %swap3A_36 = vector.shape_cast %broadcast_in_dim3A_32 : vector<16xi32> to vector<16xi32>
    tpu.vector_store %arg11[%swap3A_33], %swap3A_36 {strides = array<i32>} : memref<1024xi32, #tpu.memory_space<vmem>>, vector<16xi32>,
    %broadcast_in_dim3A_37 = arith.constant 3.000000e+38 : f32
    %broadcast_in_dim3A_38 = vector.broadcast %broadcast_in_dim3A_37 : f32 to vector<16xf32>
    %swap3A_39 = arith.constant 48 : index
    %swap3A_40 = tpu.vector_load %arg10[%swap3A_39] {strides = array<i32>} : memref<1024xf32, #tpu.memory_space<vmem>>, vector<16xf32>,
    %swap3A_41 = vector.shape_cast %swap3A_40 : vector<16xf32> to vector<16xf32>
    %swap3A_42 = vector.shape_cast %broadcast_in_dim3A_38 : vector<16xf32> to vector<16xf32>
    tpu.vector_store %arg10[%swap3A_39], %swap3A_42 {strides = array<i32>} : memref<1024xf32, #tpu.memory_space<vmem>>, vector<16xf32>,
    %broadcast_in_dim3A_43 = arith.constant 0 : i32
    %broadcast_in_dim3A_44 = vector.broadcast %broadcast_in_dim3A_43 : i32 to vector<16xi32>
    %swap3A_45 = arith.constant 48 : index
    %swap3A_46 = tpu.vector_load %arg11[%swap3A_45] {strides = array<i32>} : memref<1024xi32, #tpu.memory_space<vmem>>, vector<16xi32>,
    %swap3A_47 = vector.shape_cast %swap3A_46 : vector<16xi32> to vector<16xi32>
    %swap3A_48 = vector.shape_cast %broadcast_in_dim3A_44 : vector<16xi32> to vector<16xi32>
    tpu.vector_store %arg11[%swap3A_45], %swap3A_48 {strides = array<i32>} : memref<1024xi32, #tpu.memory_space<vmem>>, vector<16xi32>,
    %broadcast_in_dim3A_49 = arith.constant 3.000000e+38 : f32
    %broadcast_in_dim3A_50 = vector.broadcast %broadcast_in_dim3A_49 : f32 to vector<16xf32>
    %swap3A_51 = arith.constant 64 : index
    %swap3A_52 = tpu.vector_load %arg10[%swap3A_51] {strides = array<i32>} : memref<1024xf32, #tpu.memory_space<vmem>>, vector<16xf32>,
    %swap3A_53 = vector.shape_cast %swap3A_52 : vector<16xf32> to vector<16xf32>
    %swap3A_54 = vector.shape_cast %broadcast_in_dim3A_50 : vector<16xf32> to vector<16xf32>
    tpu.vector_store %arg10[%swap3A_51], %swap3A_54 {strides = array<i32>} : memref<1024xf32, #tpu.memory_space<vmem>>, vector<16xf32>,
    %broadcast_in_dim3A_55 = arith.constant 0 : i32
    %broadcast_in_dim3A_56 = vector.broadcast %broadcast_in_dim3A_55 : i32 to vector<16xi32>
    %swap3A_57 = arith.constant 64 : index
    %swap3A_58 = tpu.vector_load %arg11[%swap3A_57] {strides = array<i32>} : memref<1024xi32, #tpu.memory_space<vmem>>, vector<16xi32>,
    %swap3A_59 = vector.shape_cast %swap3A_58 : vector<16xi32> to vector<16xi32>
    %swap3A_60 = vector.shape_cast %broadcast_in_dim3A_56 : vector<16xi32> to vector<16xi32>
    tpu.vector_store %arg11[%swap3A_57], %swap3A_60 {strides = array<i32>} : memref<1024xi32, #tpu.memory_space<vmem>>, vector<16xi32>,
    %broadcast_in_dim3A_61 = arith.constant 3.000000e+38 : f32
    %broadcast_in_dim3A_62 = vector.broadcast %broadcast_in_dim3A_61 : f32 to vector<16xf32>
    %swap3A_63 = arith.constant 80 : index
    %swap3A_64 = tpu.vector_load %arg10[%swap3A_63] {strides = array<i32>} : memref<1024xf32, #tpu.memory_space<vmem>>, vector<16xf32>,
    %swap3A_65 = vector.shape_cast %swap3A_64 : vector<16xf32> to vector<16xf32>
    %swap3A_66 = vector.shape_cast %broadcast_in_dim3A_62 : vector<16xf32> to vector<16xf32>
    tpu.vector_store %arg10[%swap3A_63], %swap3A_66 {strides = array<i32>} : memref<1024xf32, #tpu.memory_space<vmem>>, vector<16xf32>,
    %broadcast_in_dim3A_67 = arith.constant 0 : i32
    %broadcast_in_dim3A_68 = vector.broadcast %broadcast_in_dim3A_67 : i32 to vector<16xi32>
    %swap3A_69 = arith.constant 80 : index
    %swap3A_70 = tpu.vector_load %arg11[%swap3A_69] {strides = array<i32>} : memref<1024xi32, #tpu.memory_space<vmem>>, vector<16xi32>,
    %swap3A_71 = vector.shape_cast %swap3A_70 : vector<16xi32> to vector<16xi32>
    %swap3A_72 = vector.shape_cast %broadcast_in_dim3A_68 : vector<16xi32> to vector<16xi32>
    tpu.vector_store %arg11[%swap3A_69], %swap3A_72 {strides = array<i32>} : memref<1024xi32, #tpu.memory_space<vmem>>, vector<16xi32>,
    %broadcast_in_dim3A_73 = arith.constant 3.000000e+38 : f32
    %broadcast_in_dim3A_74 = vector.broadcast %broadcast_in_dim3A_73 : f32 to vector<16xf32>
    %swap3A_75 = arith.constant 96 : index
    %swap3A_76 = tpu.vector_load %arg10[%swap3A_75] {strides = array<i32>} : memref<1024xf32, #tpu.memory_space<vmem>>, vector<16xf32>,
    %swap3A_77 = vector.shape_cast %swap3A_76 : vector<16xf32> to vector<16xf32>
    %swap3A_78 = vector.shape_cast %broadcast_in_dim3A_74 : vector<16xf32> to vector<16xf32>
    tpu.vector_store %arg10[%swap3A_75], %swap3A_78 {strides = array<i32>} : memref<1024xf32, #tpu.memory_space<vmem>>, vector<16xf32>,
    %broadcast_in_dim3A_79 = arith.constant 0 : i32
    %broadcast_in_dim3A_80 = vector.broadcast %broadcast_in_dim3A_79 : i32 to vector<16xi32>
    %swap3A_81 = arith.constant 96 : index
    %swap3A_82 = tpu.vector_load %arg11[%swap3A_81] {strides = array<i32>} : memref<1024xi32, #tpu.memory_space<vmem>>, vector<16xi32>,
    %swap3A_83 = vector.shape_cast %swap3A_82 : vector<16xi32> to vector<16xi32>
    %swap3A_84 = vector.shape_cast %broadcast_in_dim3A_80 : vector<16xi32> to vector<16xi32>
    tpu.vector_store %arg11[%swap3A_81], %swap3A_84 {strides = array<i32>} : memref<1024xi32, #tpu.memory_space<vmem>>, vector<16xi32>,
    %broadcast_in_dim3A_85 = arith.constant 3.000000e+38 : f32
    %broadcast_in_dim3A_86 = vector.broadcast %broadcast_in_dim3A_85 : f32 to vector<16xf32>
    %swap3A_87 = arith.constant 112 : index
    %swap3A_88 = tpu.vector_load %arg10[%swap3A_87] {strides = array<i32>} : memref<1024xf32, #tpu.memory_space<vmem>>, vector<16xf32>,
    %swap3A_89 = vector.shape_cast %swap3A_88 : vector<16xf32> to vector<16xf32>
    %swap3A_90 = vector.shape_cast %broadcast_in_dim3A_86 : vector<16xf32> to vector<16xf32>
    tpu.vector_store %arg10[%swap3A_87], %swap3A_90 {strides = array<i32>} : memref<1024xf32, #tpu.memory_space<vmem>>, vector<16xf32>,
    %broadcast_in_dim3A_91 = arith.constant 0 : i32
    %broadcast_in_dim3A_92 = vector.broadcast %broadcast_in_dim3A_91 : i32 to vector<16xi32>
    %swap3A_93 = arith.constant 112 : index
    %swap3A_94 = tpu.vector_load %arg11[%swap3A_93] {strides = array<i32>} : memref<1024xi32, #tpu.memory_space<vmem>>, vector<16xi32>,
    %swap3A_95 = vector.shape_cast %swap3A_94 : vector<16xi32> to vector<16xi32>
    %swap3A_96 = vector.shape_cast %broadcast_in_dim3A_92 : vector<16xi32> to vector<16xi32>
    tpu.vector_store %arg11[%swap3A_93], %swap3A_96 {strides = array<i32>} : memref<1024xi32, #tpu.memory_space<vmem>>, vector<16xi32>,
    %broadcast_in_dim3A_97 = arith.constant 3.000000e+38 : f32
    %broadcast_in_dim3A_98 = vector.broadcast %broadcast_in_dim3A_97 : f32 to vector<16xf32>
    %swap3A_99 = arith.constant 128 : index
    %swap3A_100 = tpu.vector_load %arg10[%swap3A_99] {strides = array<i32>} : memref<1024xf32, #tpu.memory_space<vmem>>, vector<16xf32>,
    %swap3A_101 = vector.shape_cast %swap3A_100 : vector<16xf32> to vector<16xf32>
    %swap3A_102 = vector.shape_cast %broadcast_in_dim3A_98 : vector<16xf32> to vector<16xf32>
    tpu.vector_store %arg10[%swap3A_99], %swap3A_102 {strides = array<i32>} : memref<1024xf32, #tpu.memory_space<vmem>>, vector<16xf32>,
    %broadcast_in_dim3A_103 = arith.constant 0 : i32
    %broadcast_in_dim3A_104 = vector.broadcast %broadcast_in_dim3A_103 : i32 to vector<16xi32>
    %swap3A_105 = arith.constant 128 : index
    %swap3A_106 = tpu.vector_load %arg11[%swap3A_105] {strides = array<i32>} : memref<1024xi32, #tpu.memory_space<vmem>>, vector<16xi32>,
    %swap3A_107 = vector.shape_cast %swap3A_106 : vector<16xi32> to vector<16xi32>
    %swap3A_108 = vector.shape_cast %broadcast_in_dim3A_104 : vector<16xi32> to vector<16xi32>
    tpu.vector_store %arg11[%swap3A_105], %swap3A_108 {strides = array<i32>} : memref<1024xi32, #tpu.memory_space<vmem>>, vector<16xi32>,
    %broadcast_in_dim3A_109 = arith.constant 3.000000e+38 : f32
    %broadcast_in_dim3A_110 = vector.broadcast %broadcast_in_dim3A_109 : f32 to vector<16xf32>
    %swap3A_111 = arith.constant 144 : index
    %swap3A_112 = tpu.vector_load %arg10[%swap3A_111] {strides = array<i32>} : memref<1024xf32, #tpu.memory_space<vmem>>, vector<16xf32>,
    %swap3A_113 = vector.shape_cast %swap3A_112 : vector<16xf32> to vector<16xf32>
    %swap3A_114 = vector.shape_cast %broadcast_in_dim3A_110 : vector<16xf32> to vector<16xf32>
    tpu.vector_store %arg10[%swap3A_111], %swap3A_114 {strides = array<i32>} : memref<1024xf32, #tpu.memory_space<vmem>>, vector<16xf32>,
    %broadcast_in_dim3A_115 = arith.constant 0 : i32
    %broadcast_in_dim3A_116 = vector.broadcast %broadcast_in_dim3A_115 : i32 to vector<16xi32>
    %swap3A_117 = arith.constant 144 : index
    %swap3A_118 = tpu.vector_load %arg11[%swap3A_117] {strides = array<i32>} : memref<1024xi32, #tpu.memory_space<vmem>>, vector<16xi32>,
    %swap3A_119 = vector.shape_cast %swap3A_118 : vector<16xi32> to vector<16xi32>
    %swap3A_120 = vector.shape_cast %broadcast_in_dim3A_116 : vector<16xi32> to vector<16xi32>
    tpu.vector_store %arg11[%swap3A_117], %swap3A_120 {strides = array<i32>} : memref<1024xi32, #tpu.memory_space<vmem>>, vector<16xi32>,
    %broadcast_in_dim3A_121 = arith.constant 3.000000e+38 : f32
    %broadcast_in_dim3A_122 = vector.broadcast %broadcast_in_dim3A_121 : f32 to vector<16xf32>
    %swap3A_123 = arith.constant 160 : index
    %swap3A_124 = tpu.vector_load %arg10[%swap3A_123] {strides = array<i32>} : memref<1024xf32, #tpu.memory_space<vmem>>, vector<16xf32>,
    %swap3A_125 = vector.shape_cast %swap3A_124 : vector<16xf32> to vector<16xf32>
    %swap3A_126 = vector.shape_cast %broadcast_in_dim3A_122 : vector<16xf32> to vector<16xf32>
    tpu.vector_store %arg10[%swap3A_123], %swap3A_126 {strides = array<i32>} : memref<1024xf32, #tpu.memory_space<vmem>>, vector<16xf32>,
    %broadcast_in_dim3A_127 = arith.constant 0 : i32
    %broadcast_in_dim3A_128 = vector.broadcast %broadcast_in_dim3A_127 : i32 to vector<16xi32>
    %swap3A_129 = arith.constant 160 : index
    %swap3A_130 = tpu.vector_load %arg11[%swap3A_129] {strides = array<i32>} : memref<1024xi32, #tpu.memory_space<vmem>>, vector<16xi32>,
    %swap3A_131 = vector.shape_cast %swap3A_130 : vector<16xi32> to vector<16xi32>
    %swap3A_132 = vector.shape_cast %broadcast_in_dim3A_128 : vector<16xi32> to vector<16xi32>
    tpu.vector_store %arg11[%swap3A_129], %swap3A_132 {strides = array<i32>} : memref<1024xi32, #tpu.memory_space<vmem>>, vector<16xi32>,
    %broadcast_in_dim3A_133 = arith.constant 3.000000e+38 : f32
    %broadcast_in_dim3A_134 = vector.broadcast %broadcast_in_dim3A_133 : f32 to vector<16xf32>
    %swap3A_135 = arith.constant 176 : index
    %swap3A_136 = tpu.vector_load %arg10[%swap3A_135] {strides = array<i32>} : memref<1024xf32, #tpu.memory_space<vmem>>, vector<16xf32>,
    %swap3A_137 = vector.shape_cast %swap3A_136 : vector<16xf32> to vector<16xf32>
    %swap3A_138 = vector.shape_cast %broadcast_in_dim3A_134 : vector<16xf32> to vector<16xf32>
    tpu.vector_store %arg10[%swap3A_135], %swap3A_138 {strides = array<i32>} : memref<1024xf32, #tpu.memory_space<vmem>>, vector<16xf32>,
    %broadcast_in_dim3A_139 = arith.constant 0 : i32
    %broadcast_in_dim3A_140 = vector.broadcast %broadcast_in_dim3A_139 : i32 to vector<16xi32>
    %swap3A_141 = arith.constant 176 : index
    %swap3A_142 = tpu.vector_load %arg11[%swap3A_141] {strides = array<i32>} : memref<1024xi32, #tpu.memory_space<vmem>>, vector<16xi32>,
    %swap3A_143 = vector.shape_cast %swap3A_142 : vector<16xi32> to vector<16xi32>
    %swap3A_144 = vector.shape_cast %broadcast_in_dim3A_140 : vector<16xi32> to vector<16xi32>
    tpu.vector_store %arg11[%swap3A_141], %swap3A_144 {strides = array<i32>} : memref<1024xi32, #tpu.memory_space<vmem>>, vector<16xi32>,
    %broadcast_in_dim3A_145 = arith.constant 3.000000e+38 : f32
    %broadcast_in_dim3A_146 = vector.broadcast %broadcast_in_dim3A_145 : f32 to vector<16xf32>
    %swap3A_147 = arith.constant 192 : index
    %swap3A_148 = tpu.vector_load %arg10[%swap3A_147] {strides = array<i32>} : memref<1024xf32, #tpu.memory_space<vmem>>, vector<16xf32>,
    %swap3A_149 = vector.shape_cast %swap3A_148 : vector<16xf32> to vector<16xf32>
    %swap3A_150 = vector.shape_cast %broadcast_in_dim3A_146 : vector<16xf32> to vector<16xf32>
    tpu.vector_store %arg10[%swap3A_147], %swap3A_150 {strides = array<i32>} : memref<1024xf32, #tpu.memory_space<vmem>>, vector<16xf32>,
    %broadcast_in_dim3A_151 = arith.constant 0 : i32
    %broadcast_in_dim3A_152 = vector.broadcast %broadcast_in_dim3A_151 : i32 to vector<16xi32>
    %swap3A_153 = arith.constant 192 : index
    %swap3A_154 = tpu.vector_load %arg11[%swap3A_153] {strides = array<i32>} : memref<1024xi32, #tpu.memory_space<vmem>>, vector<16xi32>,
    %swap3A_155 = vector.shape_cast %swap3A_154 : vector<16xi32> to vector<16xi32>
    %swap3A_156 = vector.shape_cast %broadcast_in_dim3A_152 : vector<16xi32> to vector<16xi32>
    tpu.vector_store %arg11[%swap3A_153], %swap3A_156 {strides = array<i32>} : memref<1024xi32, #tpu.memory_space<vmem>>, vector<16xi32>,
    %broadcast_in_dim3A_157 = arith.constant 3.000000e+38 : f32
    %broadcast_in_dim3A_158 = vector.broadcast %broadcast_in_dim3A_157 : f32 to vector<16xf32>
    %swap3A_159 = arith.constant 208 : index
    %swap3A_160 = tpu.vector_load %arg10[%swap3A_159] {strides = array<i32>} : memref<1024xf32, #tpu.memory_space<vmem>>, vector<16xf32>,
    %swap3A_161 = vector.shape_cast %swap3A_160 : vector<16xf32> to vector<16xf32>
    %swap3A_162 = vector.shape_cast %broadcast_in_dim3A_158 : vector<16xf32> to vector<16xf32>
    tpu.vector_store %arg10[%swap3A_159], %swap3A_162 {strides = array<i32>} : memref<1024xf32, #tpu.memory_space<vmem>>, vector<16xf32>,
    %broadcast_in_dim3A_163 = arith.constant 0 : i32
    %broadcast_in_dim3A_164 = vector.broadcast %broadcast_in_dim3A_163 : i32 to vector<16xi32>
    %swap3A_165 = arith.constant 208 : index
    %swap3A_166 = tpu.vector_load %arg11[%swap3A_165] {strides = array<i32>} : memref<1024xi32, #tpu.memory_space<vmem>>, vector<16xi32>,
    %swap3A_167 = vector.shape_cast %swap3A_166 : vector<16xi32> to vector<16xi32>
    %swap3A_168 = vector.shape_cast %broadcast_in_dim3A_164 : vector<16xi32> to vector<16xi32>
    tpu.vector_store %arg11[%swap3A_165], %swap3A_168 {strides = array<i32>} : memref<1024xi32, #tpu.memory_space<vmem>>, vector<16xi32>,
    %broadcast_in_dim3A_169 = arith.constant 3.000000e+38 : f32
    %broadcast_in_dim3A_170 = vector.broadcast %broadcast_in_dim3A_169 : f32 to vector<16xf32>
    %swap3A_171 = arith.constant 224 : index
    %swap3A_172 = tpu.vector_load %arg10[%swap3A_171] {strides = array<i32>} : memref<1024xf32, #tpu.memory_space<vmem>>, vector<16xf32>,
    %swap3A_173 = vector.shape_cast %swap3A_172 : vector<16xf32> to vector<16xf32>
    %swap3A_174 = vector.shape_cast %broadcast_in_dim3A_170 : vector<16xf32> to vector<16xf32>
    tpu.vector_store %arg10[%swap3A_171], %swap3A_174 {strides = array<i32>} : memref<1024xf32, #tpu.memory_space<vmem>>, vector<16xf32>,
    %broadcast_in_dim3A_175 = arith.constant 0 : i32
    %broadcast_in_dim3A_176 = vector.broadcast %broadcast_in_dim3A_175 : i32 to vector<16xi32>
    %swap3A_177 = arith.constant 224 : index
    %swap3A_178 = tpu.vector_load %arg11[%swap3A_177] {strides = array<i32>} : memref<1024xi32, #tpu.memory_space<vmem>>, vector<16xi32>,
    %swap3A_179 = vector.shape_cast %swap3A_178 : vector<16xi32> to vector<16xi32>
    %swap3A_180 = vector.shape_cast %broadcast_in_dim3A_176 : vector<16xi32> to vector<16xi32>
    tpu.vector_store %arg11[%swap3A_177], %swap3A_180 {strides = array<i32>} : memref<1024xi32, #tpu.memory_space<vmem>>, vector<16xi32>,
    %broadcast_in_dim3A_181 = arith.constant 3.000000e+38 : f32
    %broadcast_in_dim3A_182 = vector.broadcast %broadcast_in_dim3A_181 : f32 to vector<16xf32>
    %swap3A_183 = arith.constant 240 : index
    %swap3A_184 = tpu.vector_load %arg10[%swap3A_183] {strides = array<i32>} : memref<1024xf32, #tpu.memory_space<vmem>>, vector<16xf32>,
    %swap3A_185 = vector.shape_cast %swap3A_184 : vector<16xf32> to vector<16xf32>
    %swap3A_186 = vector.shape_cast %broadcast_in_dim3A_182 : vector<16xf32> to vector<16xf32>
    tpu.vector_store %arg10[%swap3A_183], %swap3A_186 {strides = array<i32>} : memref<1024xf32, #tpu.memory_space<vmem>>, vector<16xf32>,
    %broadcast_in_dim3A_187 = arith.constant 0 : i32
    %broadcast_in_dim3A_188 = vector.broadcast %broadcast_in_dim3A_187 : i32 to vector<16xi32>
    %swap3A_189 = arith.constant 240 : index
    %swap3A_190 = tpu.vector_load %arg11[%swap3A_189] {strides = array<i32>} : memref<1024xi32, #tpu.memory_space<vmem>>, vector<16xi32>,
    %swap3A_191 = vector.shape_cast %swap3A_190 : vector<16xi32> to vector<16xi32>
    %swap3A_192 = vector.shape_cast %broadcast_in_dim3A_188 : vector<16xi32> to vector<16xi32>
    tpu.vector_store %arg11[%swap3A_189], %swap3A_192 {strides = array<i32>} : memref<1024xi32, #tpu.memory_space<vmem>>, vector<16xi32>,
    %broadcast_in_dim3A_193 = arith.constant 3.000000e+38 : f32
    %broadcast_in_dim3A_194 = vector.broadcast %broadcast_in_dim3A_193 : f32 to vector<16xf32>
    %swap3A_195 = arith.constant 256 : index
    %swap3A_196 = tpu.vector_load %arg10[%swap3A_195] {strides = array<i32>} : memref<1024xf32, #tpu.memory_space<vmem>>, vector<16xf32>,
    %swap3A_197 = vector.shape_cast %swap3A_196 : vector<16xf32> to vector<16xf32>
    %swap3A_198 = vector.shape_cast %broadcast_in_dim3A_194 : vector<16xf32> to vector<16xf32>
    tpu.vector_store %arg10[%swap3A_195], %swap3A_198 {strides = array<i32>} : memref<1024xf32, #tpu.memory_space<vmem>>, vector<16xf32>,
    %broadcast_in_dim3A_199 = arith.constant 0 : i32
    %broadcast_in_dim3A_200 = vector.broadcast %broadcast_in_dim3A_199 : i32 to vector<16xi32>
    %swap3A_201 = arith.constant 256 : index
    %swap3A_202 = tpu.vector_load %arg11[%swap3A_201] {strides = array<i32>} : memref<1024xi32, #tpu.memory_space<vmem>>, vector<16xi32>,
    %swap3A_203 = vector.shape_cast %swap3A_202 : vector<16xi32> to vector<16xi32>
    %swap3A_204 = vector.shape_cast %broadcast_in_dim3A_200 : vector<16xi32> to vector<16xi32>
    tpu.vector_store %arg11[%swap3A_201], %swap3A_204 {strides = array<i32>} : memref<1024xi32, #tpu.memory_space<vmem>>, vector<16xi32>,
    %broadcast_in_dim3A_205 = arith.constant 3.000000e+38 : f32
    %broadcast_in_dim3A_206 = vector.broadcast %broadcast_in_dim3A_205 : f32 to vector<16xf32>
    %swap3A_207 = arith.constant 272 : index
    %swap3A_208 = tpu.vector_load %arg10[%swap3A_207] {strides = array<i32>} : memref<1024xf32, #tpu.memory_space<vmem>>, vector<16xf32>,
    %swap3A_209 = vector.shape_cast %swap3A_208 : vector<16xf32> to vector<16xf32>
    %swap3A_210 = vector.shape_cast %broadcast_in_dim3A_206 : vector<16xf32> to vector<16xf32>
    tpu.vector_store %arg10[%swap3A_207], %swap3A_210 {strides = array<i32>} : memref<1024xf32, #tpu.memory_space<vmem>>, vector<16xf32>,
    %broadcast_in_dim3A_211 = arith.constant 0 : i32
    %broadcast_in_dim3A_212 = vector.broadcast %broadcast_in_dim3A_211 : i32 to vector<16xi32>
    %swap3A_213 = arith.constant 272 : index
    %swap3A_214 = tpu.vector_load %arg11[%swap3A_213] {strides = array<i32>} : memref<1024xi32, #tpu.memory_space<vmem>>, vector<16xi32>,
    %swap3A_215 = vector.shape_cast %swap3A_214 : vector<16xi32> to vector<16xi32>
    %swap3A_216 = vector.shape_cast %broadcast_in_dim3A_212 : vector<16xi32> to vector<16xi32>
    tpu.vector_store %arg11[%swap3A_213], %swap3A_216 {strides = array<i32>} : memref<1024xi32, #tpu.memory_space<vmem>>, vector<16xi32>,
    %broadcast_in_dim3A_217 = arith.constant 3.000000e+38 : f32
    %broadcast_in_dim3A_218 = vector.broadcast %broadcast_in_dim3A_217 : f32 to vector<16xf32>
    %swap3A_219 = arith.constant 288 : index
    %swap3A_220 = tpu.vector_load %arg10[%swap3A_219] {strides = array<i32>} : memref<1024xf32, #tpu.memory_space<vmem>>, vector<16xf32>,
    %swap3A_221 = vector.shape_cast %swap3A_220 : vector<16xf32> to vector<16xf32>
    %swap3A_222 = vector.shape_cast %broadcast_in_dim3A_218 : vector<16xf32> to vector<16xf32>
    tpu.vector_store %arg10[%swap3A_219], %swap3A_222 {strides = array<i32>} : memref<1024xf32, #tpu.memory_space<vmem>>, vector<16xf32>,
    %broadcast_in_dim3A_223 = arith.constant 0 : i32
    %broadcast_in_dim3A_224 = vector.broadcast %broadcast_in_dim3A_223 : i32 to vector<16xi32>
    %swap3A_225 = arith.constant 288 : index
    %swap3A_226 = tpu.vector_load %arg11[%swap3A_225] {strides = array<i32>} : memref<1024xi32, #tpu.memory_space<vmem>>, vector<16xi32>,
    %swap3A_227 = vector.shape_cast %swap3A_226 : vector<16xi32> to vector<16xi32>
    %swap3A_228 = vector.shape_cast %broadcast_in_dim3A_224 : vector<16xi32> to vector<16xi32>
    tpu.vector_store %arg11[%swap3A_225], %swap3A_228 {strides = array<i32>} : memref<1024xi32, #tpu.memory_space<vmem>>, vector<16xi32>,
    %broadcast_in_dim3A_229 = arith.constant 3.000000e+38 : f32
    %broadcast_in_dim3A_230 = vector.broadcast %broadcast_in_dim3A_229 : f32 to vector<16xf32>
    %swap3A_231 = arith.constant 304 : index
    %swap3A_232 = tpu.vector_load %arg10[%swap3A_231] {strides = array<i32>} : memref<1024xf32, #tpu.memory_space<vmem>>, vector<16xf32>,
    %swap3A_233 = vector.shape_cast %swap3A_232 : vector<16xf32> to vector<16xf32>
    %swap3A_234 = vector.shape_cast %broadcast_in_dim3A_230 : vector<16xf32> to vector<16xf32>
    tpu.vector_store %arg10[%swap3A_231], %swap3A_234 {strides = array<i32>} : memref<1024xf32, #tpu.memory_space<vmem>>, vector<16xf32>,
    %broadcast_in_dim3A_235 = arith.constant 0 : i32
    %broadcast_in_dim3A_236 = vector.broadcast %broadcast_in_dim3A_235 : i32 to vector<16xi32>
    %swap3A_237 = arith.constant 304 : index
    %swap3A_238 = tpu.vector_load %arg11[%swap3A_237] {strides = array<i32>} : memref<1024xi32, #tpu.memory_space<vmem>>, vector<16xi32>,
    %swap3A_239 = vector.shape_cast %swap3A_238 : vector<16xi32> to vector<16xi32>
    %swap3A_240 = vector.shape_cast %broadcast_in_dim3A_236 : vector<16xi32> to vector<16xi32>
    tpu.vector_store %arg11[%swap3A_237], %swap3A_240 {strides = array<i32>} : memref<1024xi32, #tpu.memory_space<vmem>>, vector<16xi32>,
    %broadcast_in_dim3A_241 = arith.constant 3.000000e+38 : f32
    %broadcast_in_dim3A_242 = vector.broadcast %broadcast_in_dim3A_241 : f32 to vector<16xf32>
    %swap3A_243 = arith.constant 320 : index
    %swap3A_244 = tpu.vector_load %arg10[%swap3A_243] {strides = array<i32>} : memref<1024xf32, #tpu.memory_space<vmem>>, vector<16xf32>,
    %swap3A_245 = vector.shape_cast %swap3A_244 : vector<16xf32> to vector<16xf32>
    %swap3A_246 = vector.shape_cast %broadcast_in_dim3A_242 : vector<16xf32> to vector<16xf32>
    tpu.vector_store %arg10[%swap3A_243], %swap3A_246 {strides = array<i32>} : memref<1024xf32, #tpu.memory_space<vmem>>, vector<16xf32>,
    %broadcast_in_dim3A_247 = arith.constant 0 : i32
    %broadcast_in_dim3A_248 = vector.broadcast %broadcast_in_dim3A_247 : i32 to vector<16xi32>
    %swap3A_249 = arith.constant 320 : index
    %swap3A_250 = tpu.vector_load %arg11[%swap3A_249] {strides = array<i32>} : memref<1024xi32, #tpu.memory_space<vmem>>, vector<16xi32>,
    %swap3A_251 = vector.shape_cast %swap3A_250 : vector<16xi32> to vector<16xi32>
    %swap3A_252 = vector.shape_cast %broadcast_in_dim3A_248 : vector<16xi32> to vector<16xi32>
    tpu.vector_store %arg11[%swap3A_249], %swap3A_252 {strides = array<i32>} : memref<1024xi32, #tpu.memory_space<vmem>>, vector<16xi32>,
    %broadcast_in_dim3A_253 = arith.constant 3.000000e+38 : f32
    %broadcast_in_dim3A_254 = vector.broadcast %broadcast_in_dim3A_253 : f32 to vector<16xf32>
    %swap3A_255 = arith.constant 336 : index
    %swap3A_256 = tpu.vector_load %arg10[%swap3A_255] {strides = array<i32>} : memref<1024xf32, #tpu.memory_space<vmem>>, vector<16xf32>,
    %swap3A_257 = vector.shape_cast %swap3A_256 : vector<16xf32> to vector<16xf32>
    %swap3A_258 = vector.shape_cast %broadcast_in_dim3A_254 : vector<16xf32> to vector<16xf32>
    tpu.vector_store %arg10[%swap3A_255], %swap3A_258 {strides = array<i32>} : memref<1024xf32, #tpu.memory_space<vmem>>, vector<16xf32>,
    %broadcast_in_dim3A_259 = arith.constant 0 : i32
    %broadcast_in_dim3A_260 = vector.broadcast %broadcast_in_dim3A_259 : i32 to vector<16xi32>
    %swap3A_261 = arith.constant 336 : index
    %swap3A_262 = tpu.vector_load %arg11[%swap3A_261] {strides = array<i32>} : memref<1024xi32, #tpu.memory_space<vmem>>, vector<16xi32>,
    %swap3A_263 = vector.shape_cast %swap3A_262 : vector<16xi32> to vector<16xi32>
    %swap3A_264 = vector.shape_cast %broadcast_in_dim3A_260 : vector<16xi32> to vector<16xi32>
    tpu.vector_store %arg11[%swap3A_261], %swap3A_264 {strides = array<i32>} : memref<1024xi32, #tpu.memory_space<vmem>>, vector<16xi32>,
    %broadcast_in_dim3A_265 = arith.constant 3.000000e+38 : f32
    %broadcast_in_dim3A_266 = vector.broadcast %broadcast_in_dim3A_265 : f32 to vector<16xf32>
    %swap3A_267 = arith.constant 352 : index
    %swap3A_268 = tpu.vector_load %arg10[%swap3A_267] {strides = array<i32>} : memref<1024xf32, #tpu.memory_space<vmem>>, vector<16xf32>,
    %swap3A_269 = vector.shape_cast %swap3A_268 : vector<16xf32> to vector<16xf32>
    %swap3A_270 = vector.shape_cast %broadcast_in_dim3A_266 : vector<16xf32> to vector<16xf32>
    tpu.vector_store %arg10[%swap3A_267], %swap3A_270 {strides = array<i32>} : memref<1024xf32, #tpu.memory_space<vmem>>, vector<16xf32>,
    %broadcast_in_dim3A_271 = arith.constant 0 : i32
    %broadcast_in_dim3A_272 = vector.broadcast %broadcast_in_dim3A_271 : i32 to vector<16xi32>
    %swap3A_273 = arith.constant 352 : index
    %swap3A_274 = tpu.vector_load %arg11[%swap3A_273] {strides = array<i32>} : memref<1024xi32, #tpu.memory_space<vmem>>, vector<16xi32>,
    %swap3A_275 = vector.shape_cast %swap3A_274 : vector<16xi32> to vector<16xi32>
    %swap3A_276 = vector.shape_cast %broadcast_in_dim3A_272 : vector<16xi32> to vector<16xi32>
    tpu.vector_store %arg11[%swap3A_273], %swap3A_276 {strides = array<i32>} : memref<1024xi32, #tpu.memory_space<vmem>>, vector<16xi32>,
    %broadcast_in_dim3A_277 = arith.constant 3.000000e+38 : f32
    %broadcast_in_dim3A_278 = vector.broadcast %broadcast_in_dim3A_277 : f32 to vector<16xf32>
    %swap3A_279 = arith.constant 368 : index
    %swap3A_280 = tpu.vector_load %arg10[%swap3A_279] {strides = array<i32>} : memref<1024xf32, #tpu.memory_space<vmem>>, vector<16xf32>,
    %swap3A_281 = vector.shape_cast %swap3A_280 : vector<16xf32> to vector<16xf32>
    %swap3A_282 = vector.shape_cast %broadcast_in_dim3A_278 : vector<16xf32> to vector<16xf32>
    tpu.vector_store %arg10[%swap3A_279], %swap3A_282 {strides = array<i32>} : memref<1024xf32, #tpu.memory_space<vmem>>, vector<16xf32>,
    %broadcast_in_dim3A_283 = arith.constant 0 : i32
    %broadcast_in_dim3A_284 = vector.broadcast %broadcast_in_dim3A_283 : i32 to vector<16xi32>
    %swap3A_285 = arith.constant 368 : index
    %swap3A_286 = tpu.vector_load %arg11[%swap3A_285] {strides = array<i32>} : memref<1024xi32, #tpu.memory_space<vmem>>, vector<16xi32>,
    %swap3A_287 = vector.shape_cast %swap3A_286 : vector<16xi32> to vector<16xi32>
    %swap3A_288 = vector.shape_cast %broadcast_in_dim3A_284 : vector<16xi32> to vector<16xi32>
    tpu.vector_store %arg11[%swap3A_285], %swap3A_288 {strides = array<i32>} : memref<1024xi32, #tpu.memory_space<vmem>>, vector<16xi32>,
    %broadcast_in_dim3A_289 = arith.constant 3.000000e+38 : f32
    %broadcast_in_dim3A_290 = vector.broadcast %broadcast_in_dim3A_289 : f32 to vector<16xf32>
    %swap3A_291 = arith.constant 384 : index
    %swap3A_292 = tpu.vector_load %arg10[%swap3A_291] {strides = array<i32>} : memref<1024xf32, #tpu.memory_space<vmem>>, vector<16xf32>,
    %swap3A_293 = vector.shape_cast %swap3A_292 : vector<16xf32> to vector<16xf32>
    %swap3A_294 = vector.shape_cast %broadcast_in_dim3A_290 : vector<16xf32> to vector<16xf32>
    tpu.vector_store %arg10[%swap3A_291], %swap3A_294 {strides = array<i32>} : memref<1024xf32, #tpu.memory_space<vmem>>, vector<16xf32>,
    %broadcast_in_dim3A_295 = arith.constant 0 : i32
    %broadcast_in_dim3A_296 = vector.broadcast %broadcast_in_dim3A_295 : i32 to vector<16xi32>
    %swap3A_297 = arith.constant 384 : index
    %swap3A_298 = tpu.vector_load %arg11[%swap3A_297] {strides = array<i32>} : memref<1024xi32, #tpu.memory_space<vmem>>, vector<16xi32>,
    %swap3A_299 = vector.shape_cast %swap3A_298 : vector<16xi32> to vector<16xi32>
    %swap3A_300 = vector.shape_cast %broadcast_in_dim3A_296 : vector<16xi32> to vector<16xi32>
    tpu.vector_store %arg11[%swap3A_297], %swap3A_300 {strides = array<i32>} : memref<1024xi32, #tpu.memory_space<vmem>>, vector<16xi32>,
    %broadcast_in_dim3A_301 = arith.constant 3.000000e+38 : f32
    %broadcast_in_dim3A_302 = vector.broadcast %broadcast_in_dim3A_301 : f32 to vector<16xf32>
    %swap3A_303 = arith.constant 400 : index
    %swap3A_304 = tpu.vector_load %arg10[%swap3A_303] {strides = array<i32>} : memref<1024xf32, #tpu.memory_space<vmem>>, vector<16xf32>,
    %swap3A_305 = vector.shape_cast %swap3A_304 : vector<16xf32> to vector<16xf32>
    %swap3A_306 = vector.shape_cast %broadcast_in_dim3A_302 : vector<16xf32> to vector<16xf32>
    tpu.vector_store %arg10[%swap3A_303], %swap3A_306 {strides = array<i32>} : memref<1024xf32, #tpu.memory_space<vmem>>, vector<16xf32>,
    %broadcast_in_dim3A_307 = arith.constant 0 : i32
    %broadcast_in_dim3A_308 = vector.broadcast %broadcast_in_dim3A_307 : i32 to vector<16xi32>
    %swap3A_309 = arith.constant 400 : index
    %swap3A_310 = tpu.vector_load %arg11[%swap3A_309] {strides = array<i32>} : memref<1024xi32, #tpu.memory_space<vmem>>, vector<16xi32>,
    %swap3A_311 = vector.shape_cast %swap3A_310 : vector<16xi32> to vector<16xi32>
    %swap3A_312 = vector.shape_cast %broadcast_in_dim3A_308 : vector<16xi32> to vector<16xi32>
    tpu.vector_store %arg11[%swap3A_309], %swap3A_312 {strides = array<i32>} : memref<1024xi32, #tpu.memory_space<vmem>>, vector<16xi32>,
    %broadcast_in_dim3A_313 = arith.constant 3.000000e+38 : f32
    %broadcast_in_dim3A_314 = vector.broadcast %broadcast_in_dim3A_313 : f32 to vector<16xf32>
    %swap3A_315 = arith.constant 416 : index
    %swap3A_316 = tpu.vector_load %arg10[%swap3A_315] {strides = array<i32>} : memref<1024xf32, #tpu.memory_space<vmem>>, vector<16xf32>,
    %swap3A_317 = vector.shape_cast %swap3A_316 : vector<16xf32> to vector<16xf32>
    %swap3A_318 = vector.shape_cast %broadcast_in_dim3A_314 : vector<16xf32> to vector<16xf32>
    tpu.vector_store %arg10[%swap3A_315], %swap3A_318 {strides = array<i32>} : memref<1024xf32, #tpu.memory_space<vmem>>, vector<16xf32>,
    %broadcast_in_dim3A_319 = arith.constant 0 : i32
    %broadcast_in_dim3A_320 = vector.broadcast %broadcast_in_dim3A_319 : i32 to vector<16xi32>
    %swap3A_321 = arith.constant 416 : index
    %swap3A_322 = tpu.vector_load %arg11[%swap3A_321] {strides = array<i32>} : memref<1024xi32, #tpu.memory_space<vmem>>, vector<16xi32>,
    %swap3A_323 = vector.shape_cast %swap3A_322 : vector<16xi32> to vector<16xi32>
    %swap3A_324 = vector.shape_cast %broadcast_in_dim3A_320 : vector<16xi32> to vector<16xi32>
    tpu.vector_store %arg11[%swap3A_321], %swap3A_324 {strides = array<i32>} : memref<1024xi32, #tpu.memory_space<vmem>>, vector<16xi32>,
    %broadcast_in_dim3A_325 = arith.constant 3.000000e+38 : f32
    %broadcast_in_dim3A_326 = vector.broadcast %broadcast_in_dim3A_325 : f32 to vector<16xf32>
    %swap3A_327 = arith.constant 432 : index
    %swap3A_328 = tpu.vector_load %arg10[%swap3A_327] {strides = array<i32>} : memref<1024xf32, #tpu.memory_space<vmem>>, vector<16xf32>,
    %swap3A_329 = vector.shape_cast %swap3A_328 : vector<16xf32> to vector<16xf32>
    %swap3A_330 = vector.shape_cast %broadcast_in_dim3A_326 : vector<16xf32> to vector<16xf32>
    tpu.vector_store %arg10[%swap3A_327], %swap3A_330 {strides = array<i32>} : memref<1024xf32, #tpu.memory_space<vmem>>, vector<16xf32>,
    %broadcast_in_dim3A_331 = arith.constant 0 : i32
    %broadcast_in_dim3A_332 = vector.broadcast %broadcast_in_dim3A_331 : i32 to vector<16xi32>
    %swap3A_333 = arith.constant 432 : index
    %swap3A_334 = tpu.vector_load %arg11[%swap3A_333] {strides = array<i32>} : memref<1024xi32, #tpu.memory_space<vmem>>, vector<16xi32>,
    %swap3A_335 = vector.shape_cast %swap3A_334 : vector<16xi32> to vector<16xi32>
    %swap3A_336 = vector.shape_cast %broadcast_in_dim3A_332 : vector<16xi32> to vector<16xi32>
    tpu.vector_store %arg11[%swap3A_333], %swap3A_336 {strides = array<i32>} : memref<1024xi32, #tpu.memory_space<vmem>>, vector<16xi32>,
    %broadcast_in_dim3A_337 = arith.constant 3.000000e+38 : f32
    %broadcast_in_dim3A_338 = vector.broadcast %broadcast_in_dim3A_337 : f32 to vector<16xf32>
    %swap3A_339 = arith.constant 448 : index
    %swap3A_340 = tpu.vector_load %arg10[%swap3A_339] {strides = array<i32>} : memref<1024xf32, #tpu.memory_space<vmem>>, vector<16xf32>,
    %swap3A_341 = vector.shape_cast %swap3A_340 : vector<16xf32> to vector<16xf32>
    %swap3A_342 = vector.shape_cast %broadcast_in_dim3A_338 : vector<16xf32> to vector<16xf32>
    tpu.vector_store %arg10[%swap3A_339], %swap3A_342 {strides = array<i32>} : memref<1024xf32, #tpu.memory_space<vmem>>, vector<16xf32>,
    %broadcast_in_dim3A_343 = arith.constant 0 : i32
    %broadcast_in_dim3A_344 = vector.broadcast %broadcast_in_dim3A_343 : i32 to vector<16xi32>
    %swap3A_345 = arith.constant 448 : index
    %swap3A_346 = tpu.vector_load %arg11[%swap3A_345] {strides = array<i32>} : memref<1024xi32, #tpu.memory_space<vmem>>, vector<16xi32>,
    %swap3A_347 = vector.shape_cast %swap3A_346 : vector<16xi32> to vector<16xi32>
    %swap3A_348 = vector.shape_cast %broadcast_in_dim3A_344 : vector<16xi32> to vector<16xi32>
    tpu.vector_store %arg11[%swap3A_345], %swap3A_348 {strides = array<i32>} : memref<1024xi32, #tpu.memory_space<vmem>>, vector<16xi32>,
    %broadcast_in_dim3A_349 = arith.constant 3.000000e+38 : f32
    %broadcast_in_dim3A_350 = vector.broadcast %broadcast_in_dim3A_349 : f32 to vector<16xf32>
    %swap3A_351 = arith.constant 464 : index
    %swap3A_352 = tpu.vector_load %arg10[%swap3A_351] {strides = array<i32>} : memref<1024xf32, #tpu.memory_space<vmem>>, vector<16xf32>,
    %swap3A_353 = vector.shape_cast %swap3A_352 : vector<16xf32> to vector<16xf32>
    %swap3A_354 = vector.shape_cast %broadcast_in_dim3A_350 : vector<16xf32> to vector<16xf32>
    tpu.vector_store %arg10[%swap3A_351], %swap3A_354 {strides = array<i32>} : memref<1024xf32, #tpu.memory_space<vmem>>, vector<16xf32>,
    %broadcast_in_dim3A_355 = arith.constant 0 : i32
    %broadcast_in_dim3A_356 = vector.broadcast %broadcast_in_dim3A_355 : i32 to vector<16xi32>
    %swap3A_357 = arith.constant 464 : index
    %swap3A_358 = tpu.vector_load %arg11[%swap3A_357] {strides = array<i32>} : memref<1024xi32, #tpu.memory_space<vmem>>, vector<16xi32>,
    %swap3A_359 = vector.shape_cast %swap3A_358 : vector<16xi32> to vector<16xi32>
    %swap3A_360 = vector.shape_cast %broadcast_in_dim3A_356 : vector<16xi32> to vector<16xi32>
    tpu.vector_store %arg11[%swap3A_357], %swap3A_360 {strides = array<i32>} : memref<1024xi32, #tpu.memory_space<vmem>>, vector<16xi32>,
    %broadcast_in_dim3A_361 = arith.constant 3.000000e+38 : f32
    %broadcast_in_dim3A_362 = vector.broadcast %broadcast_in_dim3A_361 : f32 to vector<16xf32>
    %swap3A_363 = arith.constant 480 : index
    %swap3A_364 = tpu.vector_load %arg10[%swap3A_363] {strides = array<i32>} : memref<1024xf32, #tpu.memory_space<vmem>>, vector<16xf32>,
    %swap3A_365 = vector.shape_cast %swap3A_364 : vector<16xf32> to vector<16xf32>
    %swap3A_366 = vector.shape_cast %broadcast_in_dim3A_362 : vector<16xf32> to vector<16xf32>
    tpu.vector_store %arg10[%swap3A_363], %swap3A_366 {strides = array<i32>} : memref<1024xf32, #tpu.memory_space<vmem>>, vector<16xf32>,
    %broadcast_in_dim3A_367 = arith.constant 0 : i32
    %broadcast_in_dim3A_368 = vector.broadcast %broadcast_in_dim3A_367 : i32 to vector<16xi32>
    %swap3A_369 = arith.constant 480 : index
    %swap3A_370 = tpu.vector_load %arg11[%swap3A_369] {strides = array<i32>} : memref<1024xi32, #tpu.memory_space<vmem>>, vector<16xi32>,
    %swap3A_371 = vector.shape_cast %swap3A_370 : vector<16xi32> to vector<16xi32>
    %swap3A_372 = vector.shape_cast %broadcast_in_dim3A_368 : vector<16xi32> to vector<16xi32>
    tpu.vector_store %arg11[%swap3A_369], %swap3A_372 {strides = array<i32>} : memref<1024xi32, #tpu.memory_space<vmem>>, vector<16xi32>,
    %broadcast_in_dim3A_373 = arith.constant 3.000000e+38 : f32
    %broadcast_in_dim3A_374 = vector.broadcast %broadcast_in_dim3A_373 : f32 to vector<16xf32>
    %swap3A_375 = arith.constant 496 : index
    %swap3A_376 = tpu.vector_load %arg10[%swap3A_375] {strides = array<i32>} : memref<1024xf32, #tpu.memory_space<vmem>>, vector<16xf32>,
    %swap3A_377 = vector.shape_cast %swap3A_376 : vector<16xf32> to vector<16xf32>
    %swap3A_378 = vector.shape_cast %broadcast_in_dim3A_374 : vector<16xf32> to vector<16xf32>
    tpu.vector_store %arg10[%swap3A_375], %swap3A_378 {strides = array<i32>} : memref<1024xf32, #tpu.memory_space<vmem>>, vector<16xf32>,
    %broadcast_in_dim3A_379 = arith.constant 0 : i32
    %broadcast_in_dim3A_380 = vector.broadcast %broadcast_in_dim3A_379 : i32 to vector<16xi32>
    %swap3A_381 = arith.constant 496 : index
    %swap3A_382 = tpu.vector_load %arg11[%swap3A_381] {strides = array<i32>} : memref<1024xi32, #tpu.memory_space<vmem>>, vector<16xi32>,
    %swap3A_383 = vector.shape_cast %swap3A_382 : vector<16xi32> to vector<16xi32>
    %swap3A_384 = vector.shape_cast %broadcast_in_dim3A_380 : vector<16xi32> to vector<16xi32>
    tpu.vector_store %arg11[%swap3A_381], %swap3A_384 {strides = array<i32>} : memref<1024xi32, #tpu.memory_space<vmem>>, vector<16xi32>,
    %broadcast_in_dim3A_385 = arith.constant 3.000000e+38 : f32
    %broadcast_in_dim3A_386 = vector.broadcast %broadcast_in_dim3A_385 : f32 to vector<16xf32>
    %swap3A_387 = arith.constant 512 : index
    %swap3A_388 = tpu.vector_load %arg10[%swap3A_387] {strides = array<i32>} : memref<1024xf32, #tpu.memory_space<vmem>>, vector<16xf32>,
    %swap3A_389 = vector.shape_cast %swap3A_388 : vector<16xf32> to vector<16xf32>
    %swap3A_390 = vector.shape_cast %broadcast_in_dim3A_386 : vector<16xf32> to vector<16xf32>
    tpu.vector_store %arg10[%swap3A_387], %swap3A_390 {strides = array<i32>} : memref<1024xf32, #tpu.memory_space<vmem>>, vector<16xf32>,
    %broadcast_in_dim3A_391 = arith.constant 0 : i32
    %broadcast_in_dim3A_392 = vector.broadcast %broadcast_in_dim3A_391 : i32 to vector<16xi32>
    %swap3A_393 = arith.constant 512 : index
    %swap3A_394 = tpu.vector_load %arg11[%swap3A_393] {strides = array<i32>} : memref<1024xi32, #tpu.memory_space<vmem>>, vector<16xi32>,
    %swap3A_395 = vector.shape_cast %swap3A_394 : vector<16xi32> to vector<16xi32>
    %swap3A_396 = vector.shape_cast %broadcast_in_dim3A_392 : vector<16xi32> to vector<16xi32>
    tpu.vector_store %arg11[%swap3A_393], %swap3A_396 {strides = array<i32>} : memref<1024xi32, #tpu.memory_space<vmem>>, vector<16xi32>,
    %broadcast_in_dim3A_397 = arith.constant 3.000000e+38 : f32
    %broadcast_in_dim3A_398 = vector.broadcast %broadcast_in_dim3A_397 : f32 to vector<16xf32>
    %swap3A_399 = arith.constant 528 : index
    %swap3A_400 = tpu.vector_load %arg10[%swap3A_399] {strides = array<i32>} : memref<1024xf32, #tpu.memory_space<vmem>>, vector<16xf32>,
    %swap3A_401 = vector.shape_cast %swap3A_400 : vector<16xf32> to vector<16xf32>
    %swap3A_402 = vector.shape_cast %broadcast_in_dim3A_398 : vector<16xf32> to vector<16xf32>
    tpu.vector_store %arg10[%swap3A_399], %swap3A_402 {strides = array<i32>} : memref<1024xf32, #tpu.memory_space<vmem>>, vector<16xf32>,
    %broadcast_in_dim3A_403 = arith.constant 0 : i32
    %broadcast_in_dim3A_404 = vector.broadcast %broadcast_in_dim3A_403 : i32 to vector<16xi32>
    %swap3A_405 = arith.constant 528 : index
    %swap3A_406 = tpu.vector_load %arg11[%swap3A_405] {strides = array<i32>} : memref<1024xi32, #tpu.memory_space<vmem>>, vector<16xi32>,
    %swap3A_407 = vector.shape_cast %swap3A_406 : vector<16xi32> to vector<16xi32>
    %swap3A_408 = vector.shape_cast %broadcast_in_dim3A_404 : vector<16xi32> to vector<16xi32>
    tpu.vector_store %arg11[%swap3A_405], %swap3A_408 {strides = array<i32>} : memref<1024xi32, #tpu.memory_space<vmem>>, vector<16xi32>,
    %broadcast_in_dim3A_409 = arith.constant 3.000000e+38 : f32
    %broadcast_in_dim3A_410 = vector.broadcast %broadcast_in_dim3A_409 : f32 to vector<16xf32>
    %swap3A_411 = arith.constant 544 : index
    %swap3A_412 = tpu.vector_load %arg10[%swap3A_411] {strides = array<i32>} : memref<1024xf32, #tpu.memory_space<vmem>>, vector<16xf32>,
    %swap3A_413 = vector.shape_cast %swap3A_412 : vector<16xf32> to vector<16xf32>
    %swap3A_414 = vector.shape_cast %broadcast_in_dim3A_410 : vector<16xf32> to vector<16xf32>
    tpu.vector_store %arg10[%swap3A_411], %swap3A_414 {strides = array<i32>} : memref<1024xf32, #tpu.memory_space<vmem>>, vector<16xf32>,
    %broadcast_in_dim3A_415 = arith.constant 0 : i32
    %broadcast_in_dim3A_416 = vector.broadcast %broadcast_in_dim3A_415 : i32 to vector<16xi32>
    %swap3A_417 = arith.constant 544 : index
    %swap3A_418 = tpu.vector_load %arg11[%swap3A_417] {strides = array<i32>} : memref<1024xi32, #tpu.memory_space<vmem>>, vector<16xi32>,
    %swap3A_419 = vector.shape_cast %swap3A_418 : vector<16xi32> to vector<16xi32>
    %swap3A_420 = vector.shape_cast %broadcast_in_dim3A_416 : vector<16xi32> to vector<16xi32>
    tpu.vector_store %arg11[%swap3A_417], %swap3A_420 {strides = array<i32>} : memref<1024xi32, #tpu.memory_space<vmem>>, vector<16xi32>,
    %broadcast_in_dim3A_421 = arith.constant 3.000000e+38 : f32
    %broadcast_in_dim3A_422 = vector.broadcast %broadcast_in_dim3A_421 : f32 to vector<16xf32>
    %swap3A_423 = arith.constant 560 : index
    %swap3A_424 = tpu.vector_load %arg10[%swap3A_423] {strides = array<i32>} : memref<1024xf32, #tpu.memory_space<vmem>>, vector<16xf32>,
    %swap3A_425 = vector.shape_cast %swap3A_424 : vector<16xf32> to vector<16xf32>
    %swap3A_426 = vector.shape_cast %broadcast_in_dim3A_422 : vector<16xf32> to vector<16xf32>
    tpu.vector_store %arg10[%swap3A_423], %swap3A_426 {strides = array<i32>} : memref<1024xf32, #tpu.memory_space<vmem>>, vector<16xf32>,
    %broadcast_in_dim3A_427 = arith.constant 0 : i32
    %broadcast_in_dim3A_428 = vector.broadcast %broadcast_in_dim3A_427 : i32 to vector<16xi32>
    %swap3A_429 = arith.constant 560 : index
    %swap3A_430 = tpu.vector_load %arg11[%swap3A_429] {strides = array<i32>} : memref<1024xi32, #tpu.memory_space<vmem>>, vector<16xi32>,
    %swap3A_431 = vector.shape_cast %swap3A_430 : vector<16xi32> to vector<16xi32>
    %swap3A_432 = vector.shape_cast %broadcast_in_dim3A_428 : vector<16xi32> to vector<16xi32>
    tpu.vector_store %arg11[%swap3A_429], %swap3A_432 {strides = array<i32>} : memref<1024xi32, #tpu.memory_space<vmem>>, vector<16xi32>,
    %broadcast_in_dim3A_433 = arith.constant 3.000000e+38 : f32
    %broadcast_in_dim3A_434 = vector.broadcast %broadcast_in_dim3A_433 : f32 to vector<16xf32>
    %swap3A_435 = arith.constant 576 : index
    %swap3A_436 = tpu.vector_load %arg10[%swap3A_435] {strides = array<i32>} : memref<1024xf32, #tpu.memory_space<vmem>>, vector<16xf32>,
    %swap3A_437 = vector.shape_cast %swap3A_436 : vector<16xf32> to vector<16xf32>
    %swap3A_438 = vector.shape_cast %broadcast_in_dim3A_434 : vector<16xf32> to vector<16xf32>
    tpu.vector_store %arg10[%swap3A_435], %swap3A_438 {strides = array<i32>} : memref<1024xf32, #tpu.memory_space<vmem>>, vector<16xf32>,
    %broadcast_in_dim3A_439 = arith.constant 0 : i32
    %broadcast_in_dim3A_440 = vector.broadcast %broadcast_in_dim3A_439 : i32 to vector<16xi32>
    %swap3A_441 = arith.constant 576 : index
    %swap3A_442 = tpu.vector_load %arg11[%swap3A_441] {strides = array<i32>} : memref<1024xi32, #tpu.memory_space<vmem>>, vector<16xi32>,
    %swap3A_443 = vector.shape_cast %swap3A_442 : vector<16xi32> to vector<16xi32>
    %swap3A_444 = vector.shape_cast %broadcast_in_dim3A_440 : vector<16xi32> to vector<16xi32>
    tpu.vector_store %arg11[%swap3A_441], %swap3A_444 {strides = array<i32>} : memref<1024xi32, #tpu.memory_space<vmem>>, vector<16xi32>,
    %broadcast_in_dim3A_445 = arith.constant 3.000000e+38 : f32
    %broadcast_in_dim3A_446 = vector.broadcast %broadcast_in_dim3A_445 : f32 to vector<16xf32>
    %swap3A_447 = arith.constant 592 : index
    %swap3A_448 = tpu.vector_load %arg10[%swap3A_447] {strides = array<i32>} : memref<1024xf32, #tpu.memory_space<vmem>>, vector<16xf32>,
    %swap3A_449 = vector.shape_cast %swap3A_448 : vector<16xf32> to vector<16xf32>
    %swap3A_450 = vector.shape_cast %broadcast_in_dim3A_446 : vector<16xf32> to vector<16xf32>
    tpu.vector_store %arg10[%swap3A_447], %swap3A_450 {strides = array<i32>} : memref<1024xf32, #tpu.memory_space<vmem>>, vector<16xf32>,
    %broadcast_in_dim3A_451 = arith.constant 0 : i32
    %broadcast_in_dim3A_452 = vector.broadcast %broadcast_in_dim3A_451 : i32 to vector<16xi32>
    %swap3A_453 = arith.constant 592 : index
    %swap3A_454 = tpu.vector_load %arg11[%swap3A_453] {strides = array<i32>} : memref<1024xi32, #tpu.memory_space<vmem>>, vector<16xi32>,
    %swap3A_455 = vector.shape_cast %swap3A_454 : vector<16xi32> to vector<16xi32>
    %swap3A_456 = vector.shape_cast %broadcast_in_dim3A_452 : vector<16xi32> to vector<16xi32>
    tpu.vector_store %arg11[%swap3A_453], %swap3A_456 {strides = array<i32>} : memref<1024xi32, #tpu.memory_space<vmem>>, vector<16xi32>,
    %broadcast_in_dim3A_457 = arith.constant 3.000000e+38 : f32
    %broadcast_in_dim3A_458 = vector.broadcast %broadcast_in_dim3A_457 : f32 to vector<16xf32>
    %swap3A_459 = arith.constant 608 : index
    %swap3A_460 = tpu.vector_load %arg10[%swap3A_459] {strides = array<i32>} : memref<1024xf32, #tpu.memory_space<vmem>>, vector<16xf32>,
    %swap3A_461 = vector.shape_cast %swap3A_460 : vector<16xf32> to vector<16xf32>
    %swap3A_462 = vector.shape_cast %broadcast_in_dim3A_458 : vector<16xf32> to vector<16xf32>
    tpu.vector_store %arg10[%swap3A_459], %swap3A_462 {strides = array<i32>} : memref<1024xf32, #tpu.memory_space<vmem>>, vector<16xf32>,
    %broadcast_in_dim3A_463 = arith.constant 0 : i32
    %broadcast_in_dim3A_464 = vector.broadcast %broadcast_in_dim3A_463 : i32 to vector<16xi32>
    %swap3A_465 = arith.constant 608 : index
    %swap3A_466 = tpu.vector_load %arg11[%swap3A_465] {strides = array<i32>} : memref<1024xi32, #tpu.memory_space<vmem>>, vector<16xi32>,
    %swap3A_467 = vector.shape_cast %swap3A_466 : vector<16xi32> to vector<16xi32>
    %swap3A_468 = vector.shape_cast %broadcast_in_dim3A_464 : vector<16xi32> to vector<16xi32>
    tpu.vector_store %arg11[%swap3A_465], %swap3A_468 {strides = array<i32>} : memref<1024xi32, #tpu.memory_space<vmem>>, vector<16xi32>,
    %broadcast_in_dim3A_469 = arith.constant 3.000000e+38 : f32
    %broadcast_in_dim3A_470 = vector.broadcast %broadcast_in_dim3A_469 : f32 to vector<16xf32>
    %swap3A_471 = arith.constant 624 : index
    %swap3A_472 = tpu.vector_load %arg10[%swap3A_471] {strides = array<i32>} : memref<1024xf32, #tpu.memory_space<vmem>>, vector<16xf32>,
    %swap3A_473 = vector.shape_cast %swap3A_472 : vector<16xf32> to vector<16xf32>
    %swap3A_474 = vector.shape_cast %broadcast_in_dim3A_470 : vector<16xf32> to vector<16xf32>
    tpu.vector_store %arg10[%swap3A_471], %swap3A_474 {strides = array<i32>} : memref<1024xf32, #tpu.memory_space<vmem>>, vector<16xf32>,
    %broadcast_in_dim3A_475 = arith.constant 0 : i32
    %broadcast_in_dim3A_476 = vector.broadcast %broadcast_in_dim3A_475 : i32 to vector<16xi32>
    %swap3A_477 = arith.constant 624 : index
    %swap3A_478 = tpu.vector_load %arg11[%swap3A_477] {strides = array<i32>} : memref<1024xi32, #tpu.memory_space<vmem>>, vector<16xi32>,
    %swap3A_479 = vector.shape_cast %swap3A_478 : vector<16xi32> to vector<16xi32>
    %swap3A_480 = vector.shape_cast %broadcast_in_dim3A_476 : vector<16xi32> to vector<16xi32>
    tpu.vector_store %arg11[%swap3A_477], %swap3A_480 {strides = array<i32>} : memref<1024xi32, #tpu.memory_space<vmem>>, vector<16xi32>,
    %broadcast_in_dim3A_481 = arith.constant 3.000000e+38 : f32
    %broadcast_in_dim3A_482 = vector.broadcast %broadcast_in_dim3A_481 : f32 to vector<16xf32>
    %swap3A_483 = arith.constant 640 : index
    %swap3A_484 = tpu.vector_load %arg10[%swap3A_483] {strides = array<i32>} : memref<1024xf32, #tpu.memory_space<vmem>>, vector<16xf32>,
    %swap3A_485 = vector.shape_cast %swap3A_484 : vector<16xf32> to vector<16xf32>
    %swap3A_486 = vector.shape_cast %broadcast_in_dim3A_482 : vector<16xf32> to vector<16xf32>
    tpu.vector_store %arg10[%swap3A_483], %swap3A_486 {strides = array<i32>} : memref<1024xf32, #tpu.memory_space<vmem>>, vector<16xf32>,
    %broadcast_in_dim3A_487 = arith.constant 0 : i32
    %broadcast_in_dim3A_488 = vector.broadcast %broadcast_in_dim3A_487 : i32 to vector<16xi32>
    %swap3A_489 = arith.constant 640 : index
    %swap3A_490 = tpu.vector_load %arg11[%swap3A_489] {strides = array<i32>} : memref<1024xi32, #tpu.memory_space<vmem>>, vector<16xi32>,
    %swap3A_491 = vector.shape_cast %swap3A_490 : vector<16xi32> to vector<16xi32>
    %swap3A_492 = vector.shape_cast %broadcast_in_dim3A_488 : vector<16xi32> to vector<16xi32>
    tpu.vector_store %arg11[%swap3A_489], %swap3A_492 {strides = array<i32>} : memref<1024xi32, #tpu.memory_space<vmem>>, vector<16xi32>,
    %broadcast_in_dim3A_493 = arith.constant 3.000000e+38 : f32
    %broadcast_in_dim3A_494 = vector.broadcast %broadcast_in_dim3A_493 : f32 to vector<16xf32>
    %swap3A_495 = arith.constant 656 : index
    %swap3A_496 = tpu.vector_load %arg10[%swap3A_495] {strides = array<i32>} : memref<1024xf32, #tpu.memory_space<vmem>>, vector<16xf32>,
    %swap3A_497 = vector.shape_cast %swap3A_496 : vector<16xf32> to vector<16xf32>
    %swap3A_498 = vector.shape_cast %broadcast_in_dim3A_494 : vector<16xf32> to vector<16xf32>
    tpu.vector_store %arg10[%swap3A_495], %swap3A_498 {strides = array<i32>} : memref<1024xf32, #tpu.memory_space<vmem>>, vector<16xf32>,
    %broadcast_in_dim3A_499 = arith.constant 0 : i32
    %broadcast_in_dim3A_500 = vector.broadcast %broadcast_in_dim3A_499 : i32 to vector<16xi32>
    %swap3A_501 = arith.constant 656 : index
    %swap3A_502 = tpu.vector_load %arg11[%swap3A_501] {strides = array<i32>} : memref<1024xi32, #tpu.memory_space<vmem>>, vector<16xi32>,
    %swap3A_503 = vector.shape_cast %swap3A_502 : vector<16xi32> to vector<16xi32>
    %swap3A_504 = vector.shape_cast %broadcast_in_dim3A_500 : vector<16xi32> to vector<16xi32>
    tpu.vector_store %arg11[%swap3A_501], %swap3A_504 {strides = array<i32>} : memref<1024xi32, #tpu.memory_space<vmem>>, vector<16xi32>,
    %broadcast_in_dim3A_505 = arith.constant 3.000000e+38 : f32
    %broadcast_in_dim3A_506 = vector.broadcast %broadcast_in_dim3A_505 : f32 to vector<16xf32>
    %swap3A_507 = arith.constant 672 : index
    %swap3A_508 = tpu.vector_load %arg10[%swap3A_507] {strides = array<i32>} : memref<1024xf32, #tpu.memory_space<vmem>>, vector<16xf32>,
    %swap3A_509 = vector.shape_cast %swap3A_508 : vector<16xf32> to vector<16xf32>
    %swap3A_510 = vector.shape_cast %broadcast_in_dim3A_506 : vector<16xf32> to vector<16xf32>
    tpu.vector_store %arg10[%swap3A_507], %swap3A_510 {strides = array<i32>} : memref<1024xf32, #tpu.memory_space<vmem>>, vector<16xf32>,
    %broadcast_in_dim3A_511 = arith.constant 0 : i32
    %broadcast_in_dim3A_512 = vector.broadcast %broadcast_in_dim3A_511 : i32 to vector<16xi32>
    %swap3A_513 = arith.constant 672 : index
    %swap3A_514 = tpu.vector_load %arg11[%swap3A_513] {strides = array<i32>} : memref<1024xi32, #tpu.memory_space<vmem>>, vector<16xi32>,
    %swap3A_515 = vector.shape_cast %swap3A_514 : vector<16xi32> to vector<16xi32>
    %swap3A_516 = vector.shape_cast %broadcast_in_dim3A_512 : vector<16xi32> to vector<16xi32>
    tpu.vector_store %arg11[%swap3A_513], %swap3A_516 {strides = array<i32>} : memref<1024xi32, #tpu.memory_space<vmem>>, vector<16xi32>,
    %broadcast_in_dim3A_517 = arith.constant 3.000000e+38 : f32
    %broadcast_in_dim3A_518 = vector.broadcast %broadcast_in_dim3A_517 : f32 to vector<16xf32>
    %swap3A_519 = arith.constant 688 : index
    %swap3A_520 = tpu.vector_load %arg10[%swap3A_519] {strides = array<i32>} : memref<1024xf32, #tpu.memory_space<vmem>>, vector<16xf32>,
    %swap3A_521 = vector.shape_cast %swap3A_520 : vector<16xf32> to vector<16xf32>
    %swap3A_522 = vector.shape_cast %broadcast_in_dim3A_518 : vector<16xf32> to vector<16xf32>
    tpu.vector_store %arg10[%swap3A_519], %swap3A_522 {strides = array<i32>} : memref<1024xf32, #tpu.memory_space<vmem>>, vector<16xf32>,
    %broadcast_in_dim3A_523 = arith.constant 0 : i32
    %broadcast_in_dim3A_524 = vector.broadcast %broadcast_in_dim3A_523 : i32 to vector<16xi32>
    %swap3A_525 = arith.constant 688 : index
    %swap3A_526 = tpu.vector_load %arg11[%swap3A_525] {strides = array<i32>} : memref<1024xi32, #tpu.memory_space<vmem>>, vector<16xi32>,
    %swap3A_527 = vector.shape_cast %swap3A_526 : vector<16xi32> to vector<16xi32>
    %swap3A_528 = vector.shape_cast %broadcast_in_dim3A_524 : vector<16xi32> to vector<16xi32>
    tpu.vector_store %arg11[%swap3A_525], %swap3A_528 {strides = array<i32>} : memref<1024xi32, #tpu.memory_space<vmem>>, vector<16xi32>,
    %broadcast_in_dim3A_529 = arith.constant 3.000000e+38 : f32
    %broadcast_in_dim3A_530 = vector.broadcast %broadcast_in_dim3A_529 : f32 to vector<16xf32>
    %swap3A_531 = arith.constant 704 : index
    %swap3A_532 = tpu.vector_load %arg10[%swap3A_531] {strides = array<i32>} : memref<1024xf32, #tpu.memory_space<vmem>>, vector<16xf32>,
    %swap3A_533 = vector.shape_cast %swap3A_532 : vector<16xf32> to vector<16xf32>
    %swap3A_534 = vector.shape_cast %broadcast_in_dim3A_530 : vector<16xf32> to vector<16xf32>
    tpu.vector_store %arg10[%swap3A_531], %swap3A_534 {strides = array<i32>} : memref<1024xf32, #tpu.memory_space<vmem>>, vector<16xf32>,
    %broadcast_in_dim3A_535 = arith.constant 0 : i32
    %broadcast_in_dim3A_536 = vector.broadcast %broadcast_in_dim3A_535 : i32 to vector<16xi32>
    %swap3A_537 = arith.constant 704 : index
    %swap3A_538 = tpu.vector_load %arg11[%swap3A_537] {strides = array<i32>} : memref<1024xi32, #tpu.memory_space<vmem>>, vector<16xi32>,
    %swap3A_539 = vector.shape_cast %swap3A_538 : vector<16xi32> to vector<16xi32>
    %swap3A_540 = vector.shape_cast %broadcast_in_dim3A_536 : vector<16xi32> to vector<16xi32>
    tpu.vector_store %arg11[%swap3A_537], %swap3A_540 {strides = array<i32>} : memref<1024xi32, #tpu.memory_space<vmem>>, vector<16xi32>,
    %broadcast_in_dim3A_541 = arith.constant 3.000000e+38 : f32
    %broadcast_in_dim3A_542 = vector.broadcast %broadcast_in_dim3A_541 : f32 to vector<16xf32>
    %swap3A_543 = arith.constant 720 : index
    %swap3A_544 = tpu.vector_load %arg10[%swap3A_543] {strides = array<i32>} : memref<1024xf32, #tpu.memory_space<vmem>>, vector<16xf32>,
    %swap3A_545 = vector.shape_cast %swap3A_544 : vector<16xf32> to vector<16xf32>
    %swap3A_546 = vector.shape_cast %broadcast_in_dim3A_542 : vector<16xf32> to vector<16xf32>
    tpu.vector_store %arg10[%swap3A_543], %swap3A_546 {strides = array<i32>} : memref<1024xf32, #tpu.memory_space<vmem>>, vector<16xf32>,
    %broadcast_in_dim3A_547 = arith.constant 0 : i32
    %broadcast_in_dim3A_548 = vector.broadcast %broadcast_in_dim3A_547 : i32 to vector<16xi32>
    %swap3A_549 = arith.constant 720 : index
    %swap3A_550 = tpu.vector_load %arg11[%swap3A_549] {strides = array<i32>} : memref<1024xi32, #tpu.memory_space<vmem>>, vector<16xi32>,
    %swap3A_551 = vector.shape_cast %swap3A_550 : vector<16xi32> to vector<16xi32>
    %swap3A_552 = vector.shape_cast %broadcast_in_dim3A_548 : vector<16xi32> to vector<16xi32>
    tpu.vector_store %arg11[%swap3A_549], %swap3A_552 {strides = array<i32>} : memref<1024xi32, #tpu.memory_space<vmem>>, vector<16xi32>,
    %broadcast_in_dim3A_553 = arith.constant 3.000000e+38 : f32
    %broadcast_in_dim3A_554 = vector.broadcast %broadcast_in_dim3A_553 : f32 to vector<16xf32>
    %swap3A_555 = arith.constant 736 : index
    %swap3A_556 = tpu.vector_load %arg10[%swap3A_555] {strides = array<i32>} : memref<1024xf32, #tpu.memory_space<vmem>>, vector<16xf32>,
    %swap3A_557 = vector.shape_cast %swap3A_556 : vector<16xf32> to vector<16xf32>
    %swap3A_558 = vector.shape_cast %broadcast_in_dim3A_554 : vector<16xf32> to vector<16xf32>
    tpu.vector_store %arg10[%swap3A_555], %swap3A_558 {strides = array<i32>} : memref<1024xf32, #tpu.memory_space<vmem>>, vector<16xf32>,
    %broadcast_in_dim3A_559 = arith.constant 0 : i32
    %broadcast_in_dim3A_560 = vector.broadcast %broadcast_in_dim3A_559 : i32 to vector<16xi32>
    %swap3A_561 = arith.constant 736 : index
    %swap3A_562 = tpu.vector_load %arg11[%swap3A_561] {strides = array<i32>} : memref<1024xi32, #tpu.memory_space<vmem>>, vector<16xi32>,
    %swap3A_563 = vector.shape_cast %swap3A_562 : vector<16xi32> to vector<16xi32>
    %swap3A_564 = vector.shape_cast %broadcast_in_dim3A_560 : vector<16xi32> to vector<16xi32>
    tpu.vector_store %arg11[%swap3A_561], %swap3A_564 {strides = array<i32>} : memref<1024xi32, #tpu.memory_space<vmem>>, vector<16xi32>,
    %broadcast_in_dim3A_565 = arith.constant 3.000000e+38 : f32
    %broadcast_in_dim3A_566 = vector.broadcast %broadcast_in_dim3A_565 : f32 to vector<16xf32>
    %swap3A_567 = arith.constant 752 : index
    %swap3A_568 = tpu.vector_load %arg10[%swap3A_567] {strides = array<i32>} : memref<1024xf32, #tpu.memory_space<vmem>>, vector<16xf32>,
    %swap3A_569 = vector.shape_cast %swap3A_568 : vector<16xf32> to vector<16xf32>
    %swap3A_570 = vector.shape_cast %broadcast_in_dim3A_566 : vector<16xf32> to vector<16xf32>
    tpu.vector_store %arg10[%swap3A_567], %swap3A_570 {strides = array<i32>} : memref<1024xf32, #tpu.memory_space<vmem>>, vector<16xf32>,
    %broadcast_in_dim3A_571 = arith.constant 0 : i32
    %broadcast_in_dim3A_572 = vector.broadcast %broadcast_in_dim3A_571 : i32 to vector<16xi32>
    %swap3A_573 = arith.constant 752 : index
    %swap3A_574 = tpu.vector_load %arg11[%swap3A_573] {strides = array<i32>} : memref<1024xi32, #tpu.memory_space<vmem>>, vector<16xi32>,
    %swap3A_575 = vector.shape_cast %swap3A_574 : vector<16xi32> to vector<16xi32>
    %swap3A_576 = vector.shape_cast %broadcast_in_dim3A_572 : vector<16xi32> to vector<16xi32>
    tpu.vector_store %arg11[%swap3A_573], %swap3A_576 {strides = array<i32>} : memref<1024xi32, #tpu.memory_space<vmem>>, vector<16xi32>,
    %broadcast_in_dim3A_577 = arith.constant 3.000000e+38 : f32
    %broadcast_in_dim3A_578 = vector.broadcast %broadcast_in_dim3A_577 : f32 to vector<16xf32>
    %swap3A_579 = arith.constant 768 : index
    %swap3A_580 = tpu.vector_load %arg10[%swap3A_579] {strides = array<i32>} : memref<1024xf32, #tpu.memory_space<vmem>>, vector<16xf32>,
    %swap3A_581 = vector.shape_cast %swap3A_580 : vector<16xf32> to vector<16xf32>
    %swap3A_582 = vector.shape_cast %broadcast_in_dim3A_578 : vector<16xf32> to vector<16xf32>
    tpu.vector_store %arg10[%swap3A_579], %swap3A_582 {strides = array<i32>} : memref<1024xf32, #tpu.memory_space<vmem>>, vector<16xf32>,
    %broadcast_in_dim3A_583 = arith.constant 0 : i32
    %broadcast_in_dim3A_584 = vector.broadcast %broadcast_in_dim3A_583 : i32 to vector<16xi32>
    %swap3A_585 = arith.constant 768 : index
    %swap3A_586 = tpu.vector_load %arg11[%swap3A_585] {strides = array<i32>} : memref<1024xi32, #tpu.memory_space<vmem>>, vector<16xi32>,
    %swap3A_587 = vector.shape_cast %swap3A_586 : vector<16xi32> to vector<16xi32>
    %swap3A_588 = vector.shape_cast %broadcast_in_dim3A_584 : vector<16xi32> to vector<16xi32>
    tpu.vector_store %arg11[%swap3A_585], %swap3A_588 {strides = array<i32>} : memref<1024xi32, #tpu.memory_space<vmem>>, vector<16xi32>,
    %broadcast_in_dim3A_589 = arith.constant 3.000000e+38 : f32
    %broadcast_in_dim3A_590 = vector.broadcast %broadcast_in_dim3A_589 : f32 to vector<16xf32>
    %swap3A_591 = arith.constant 784 : index
    %swap3A_592 = tpu.vector_load %arg10[%swap3A_591] {strides = array<i32>} : memref<1024xf32, #tpu.memory_space<vmem>>, vector<16xf32>,
    %swap3A_593 = vector.shape_cast %swap3A_592 : vector<16xf32> to vector<16xf32>
    %swap3A_594 = vector.shape_cast %broadcast_in_dim3A_590 : vector<16xf32> to vector<16xf32>
    tpu.vector_store %arg10[%swap3A_591], %swap3A_594 {strides = array<i32>} : memref<1024xf32, #tpu.memory_space<vmem>>, vector<16xf32>,
    %broadcast_in_dim3A_595 = arith.constant 0 : i32
    %broadcast_in_dim3A_596 = vector.broadcast %broadcast_in_dim3A_595 : i32 to vector<16xi32>
    %swap3A_597 = arith.constant 784 : index
    %swap3A_598 = tpu.vector_load %arg11[%swap3A_597] {strides = array<i32>} : memref<1024xi32, #tpu.memory_space<vmem>>, vector<16xi32>,
    %swap3A_599 = vector.shape_cast %swap3A_598 : vector<16xi32> to vector<16xi32>
    %swap3A_600 = vector.shape_cast %broadcast_in_dim3A_596 : vector<16xi32> to vector<16xi32>
    tpu.vector_store %arg11[%swap3A_597], %swap3A_600 {strides = array<i32>} : memref<1024xi32, #tpu.memory_space<vmem>>, vector<16xi32>,
    %broadcast_in_dim3A_601 = arith.constant 3.000000e+38 : f32
    %broadcast_in_dim3A_602 = vector.broadcast %broadcast_in_dim3A_601 : f32 to vector<16xf32>
    %swap3A_603 = arith.constant 800 : index
    %swap3A_604 = tpu.vector_load %arg10[%swap3A_603] {strides = array<i32>} : memref<1024xf32, #tpu.memory_space<vmem>>, vector<16xf32>,
    %swap3A_605 = vector.shape_cast %swap3A_604 : vector<16xf32> to vector<16xf32>
    %swap3A_606 = vector.shape_cast %broadcast_in_dim3A_602 : vector<16xf32> to vector<16xf32>
    tpu.vector_store %arg10[%swap3A_603], %swap3A_606 {strides = array<i32>} : memref<1024xf32, #tpu.memory_space<vmem>>, vector<16xf32>,
    %broadcast_in_dim3A_607 = arith.constant 0 : i32
    %broadcast_in_dim3A_608 = vector.broadcast %broadcast_in_dim3A_607 : i32 to vector<16xi32>
    %swap3A_609 = arith.constant 800 : index
    %swap3A_610 = tpu.vector_load %arg11[%swap3A_609] {strides = array<i32>} : memref<1024xi32, #tpu.memory_space<vmem>>, vector<16xi32>,
    %swap3A_611 = vector.shape_cast %swap3A_610 : vector<16xi32> to vector<16xi32>
    %swap3A_612 = vector.shape_cast %broadcast_in_dim3A_608 : vector<16xi32> to vector<16xi32>
    tpu.vector_store %arg11[%swap3A_609], %swap3A_612 {strides = array<i32>} : memref<1024xi32, #tpu.memory_space<vmem>>, vector<16xi32>,
    %broadcast_in_dim3A_613 = arith.constant 3.000000e+38 : f32
    %broadcast_in_dim3A_614 = vector.broadcast %broadcast_in_dim3A_613 : f32 to vector<16xf32>
    %swap3A_615 = arith.constant 816 : index
    %swap3A_616 = tpu.vector_load %arg10[%swap3A_615] {strides = array<i32>} : memref<1024xf32, #tpu.memory_space<vmem>>, vector<16xf32>,
    %swap3A_617 = vector.shape_cast %swap3A_616 : vector<16xf32> to vector<16xf32>
    %swap3A_618 = vector.shape_cast %broadcast_in_dim3A_614 : vector<16xf32> to vector<16xf32>
    tpu.vector_store %arg10[%swap3A_615], %swap3A_618 {strides = array<i32>} : memref<1024xf32, #tpu.memory_space<vmem>>, vector<16xf32>,
    %broadcast_in_dim3A_619 = arith.constant 0 : i32
    %broadcast_in_dim3A_620 = vector.broadcast %broadcast_in_dim3A_619 : i32 to vector<16xi32>
    %swap3A_621 = arith.constant 816 : index
    %swap3A_622 = tpu.vector_load %arg11[%swap3A_621] {strides = array<i32>} : memref<1024xi32, #tpu.memory_space<vmem>>, vector<16xi32>,
    %swap3A_623 = vector.shape_cast %swap3A_622 : vector<16xi32> to vector<16xi32>
    %swap3A_624 = vector.shape_cast %broadcast_in_dim3A_620 : vector<16xi32> to vector<16xi32>
    tpu.vector_store %arg11[%swap3A_621], %swap3A_624 {strides = array<i32>} : memref<1024xi32, #tpu.memory_space<vmem>>, vector<16xi32>,
    %broadcast_in_dim3A_625 = arith.constant 3.000000e+38 : f32
    %broadcast_in_dim3A_626 = vector.broadcast %broadcast_in_dim3A_625 : f32 to vector<16xf32>
    %swap3A_627 = arith.constant 832 : index
    %swap3A_628 = tpu.vector_load %arg10[%swap3A_627] {strides = array<i32>} : memref<1024xf32, #tpu.memory_space<vmem>>, vector<16xf32>,
    %swap3A_629 = vector.shape_cast %swap3A_628 : vector<16xf32> to vector<16xf32>
    %swap3A_630 = vector.shape_cast %broadcast_in_dim3A_626 : vector<16xf32> to vector<16xf32>
    tpu.vector_store %arg10[%swap3A_627], %swap3A_630 {strides = array<i32>} : memref<1024xf32, #tpu.memory_space<vmem>>, vector<16xf32>,
    %broadcast_in_dim3A_631 = arith.constant 0 : i32
    %broadcast_in_dim3A_632 = vector.broadcast %broadcast_in_dim3A_631 : i32 to vector<16xi32>
    %swap3A_633 = arith.constant 832 : index
    %swap3A_634 = tpu.vector_load %arg11[%swap3A_633] {strides = array<i32>} : memref<1024xi32, #tpu.memory_space<vmem>>, vector<16xi32>,
    %swap3A_635 = vector.shape_cast %swap3A_634 : vector<16xi32> to vector<16xi32>
    %swap3A_636 = vector.shape_cast %broadcast_in_dim3A_632 : vector<16xi32> to vector<16xi32>
    tpu.vector_store %arg11[%swap3A_633], %swap3A_636 {strides = array<i32>} : memref<1024xi32, #tpu.memory_space<vmem>>, vector<16xi32>,
    %broadcast_in_dim3A_637 = arith.constant 3.000000e+38 : f32
    %broadcast_in_dim3A_638 = vector.broadcast %broadcast_in_dim3A_637 : f32 to vector<16xf32>
    %swap3A_639 = arith.constant 848 : index
    %swap3A_640 = tpu.vector_load %arg10[%swap3A_639] {strides = array<i32>} : memref<1024xf32, #tpu.memory_space<vmem>>, vector<16xf32>,
    %swap3A_641 = vector.shape_cast %swap3A_640 : vector<16xf32> to vector<16xf32>
    %swap3A_642 = vector.shape_cast %broadcast_in_dim3A_638 : vector<16xf32> to vector<16xf32>
    tpu.vector_store %arg10[%swap3A_639], %swap3A_642 {strides = array<i32>} : memref<1024xf32, #tpu.memory_space<vmem>>, vector<16xf32>,
    %broadcast_in_dim3A_643 = arith.constant 0 : i32
    %broadcast_in_dim3A_644 = vector.broadcast %broadcast_in_dim3A_643 : i32 to vector<16xi32>
    %swap3A_645 = arith.constant 848 : index
    %swap3A_646 = tpu.vector_load %arg11[%swap3A_645] {strides = array<i32>} : memref<1024xi32, #tpu.memory_space<vmem>>, vector<16xi32>,
    %swap3A_647 = vector.shape_cast %swap3A_646 : vector<16xi32> to vector<16xi32>
    %swap3A_648 = vector.shape_cast %broadcast_in_dim3A_644 : vector<16xi32> to vector<16xi32>
    tpu.vector_store %arg11[%swap3A_645], %swap3A_648 {strides = array<i32>} : memref<1024xi32, #tpu.memory_space<vmem>>, vector<16xi32>,
    %broadcast_in_dim3A_649 = arith.constant 3.000000e+38 : f32
    %broadcast_in_dim3A_650 = vector.broadcast %broadcast_in_dim3A_649 : f32 to vector<16xf32>
    %swap3A_651 = arith.constant 864 : index
    %swap3A_652 = tpu.vector_load %arg10[%swap3A_651] {strides = array<i32>} : memref<1024xf32, #tpu.memory_space<vmem>>, vector<16xf32>,
    %swap3A_653 = vector.shape_cast %swap3A_652 : vector<16xf32> to vector<16xf32>
    %swap3A_654 = vector.shape_cast %broadcast_in_dim3A_650 : vector<16xf32> to vector<16xf32>
    tpu.vector_store %arg10[%swap3A_651], %swap3A_654 {strides = array<i32>} : memref<1024xf32, #tpu.memory_space<vmem>>, vector<16xf32>,
    %broadcast_in_dim3A_655 = arith.constant 0 : i32
    %broadcast_in_dim3A_656 = vector.broadcast %broadcast_in_dim3A_655 : i32 to vector<16xi32>
    %swap3A_657 = arith.constant 864 : index
    %swap3A_658 = tpu.vector_load %arg11[%swap3A_657] {strides = array<i32>} : memref<1024xi32, #tpu.memory_space<vmem>>, vector<16xi32>,
    %swap3A_659 = vector.shape_cast %swap3A_658 : vector<16xi32> to vector<16xi32>
    %swap3A_660 = vector.shape_cast %broadcast_in_dim3A_656 : vector<16xi32> to vector<16xi32>
    tpu.vector_store %arg11[%swap3A_657], %swap3A_660 {strides = array<i32>} : memref<1024xi32, #tpu.memory_space<vmem>>, vector<16xi32>,
    %broadcast_in_dim3A_661 = arith.constant 3.000000e+38 : f32
    %broadcast_in_dim3A_662 = vector.broadcast %broadcast_in_dim3A_661 : f32 to vector<16xf32>
    %swap3A_663 = arith.constant 880 : index
    %swap3A_664 = tpu.vector_load %arg10[%swap3A_663] {strides = array<i32>} : memref<1024xf32, #tpu.memory_space<vmem>>, vector<16xf32>,
    %swap3A_665 = vector.shape_cast %swap3A_664 : vector<16xf32> to vector<16xf32>
    %swap3A_666 = vector.shape_cast %broadcast_in_dim3A_662 : vector<16xf32> to vector<16xf32>
    tpu.vector_store %arg10[%swap3A_663], %swap3A_666 {strides = array<i32>} : memref<1024xf32, #tpu.memory_space<vmem>>, vector<16xf32>,
    %broadcast_in_dim3A_667 = arith.constant 0 : i32
    %broadcast_in_dim3A_668 = vector.broadcast %broadcast_in_dim3A_667 : i32 to vector<16xi32>
    %swap3A_669 = arith.constant 880 : index
    %swap3A_670 = tpu.vector_load %arg11[%swap3A_669] {strides = array<i32>} : memref<1024xi32, #tpu.memory_space<vmem>>, vector<16xi32>,
    %swap3A_671 = vector.shape_cast %swap3A_670 : vector<16xi32> to vector<16xi32>
    %swap3A_672 = vector.shape_cast %broadcast_in_dim3A_668 : vector<16xi32> to vector<16xi32>
    tpu.vector_store %arg11[%swap3A_669], %swap3A_672 {strides = array<i32>} : memref<1024xi32, #tpu.memory_space<vmem>>, vector<16xi32>,
    %broadcast_in_dim3A_673 = arith.constant 3.000000e+38 : f32
    %broadcast_in_dim3A_674 = vector.broadcast %broadcast_in_dim3A_673 : f32 to vector<16xf32>
    %swap3A_675 = arith.constant 896 : index
    %swap3A_676 = tpu.vector_load %arg10[%swap3A_675] {strides = array<i32>} : memref<1024xf32, #tpu.memory_space<vmem>>, vector<16xf32>,
    %swap3A_677 = vector.shape_cast %swap3A_676 : vector<16xf32> to vector<16xf32>
    %swap3A_678 = vector.shape_cast %broadcast_in_dim3A_674 : vector<16xf32> to vector<16xf32>
    tpu.vector_store %arg10[%swap3A_675], %swap3A_678 {strides = array<i32>} : memref<1024xf32, #tpu.memory_space<vmem>>, vector<16xf32>,
    %broadcast_in_dim3A_679 = arith.constant 0 : i32
    %broadcast_in_dim3A_680 = vector.broadcast %broadcast_in_dim3A_679 : i32 to vector<16xi32>
    %swap3A_681 = arith.constant 896 : index
    %swap3A_682 = tpu.vector_load %arg11[%swap3A_681] {strides = array<i32>} : memref<1024xi32, #tpu.memory_space<vmem>>, vector<16xi32>,
    %swap3A_683 = vector.shape_cast %swap3A_682 : vector<16xi32> to vector<16xi32>
    %swap3A_684 = vector.shape_cast %broadcast_in_dim3A_680 : vector<16xi32> to vector<16xi32>
    tpu.vector_store %arg11[%swap3A_681], %swap3A_684 {strides = array<i32>} : memref<1024xi32, #tpu.memory_space<vmem>>, vector<16xi32>,
    %broadcast_in_dim3A_685 = arith.constant 3.000000e+38 : f32
    %broadcast_in_dim3A_686 = vector.broadcast %broadcast_in_dim3A_685 : f32 to vector<16xf32>
    %swap3A_687 = arith.constant 912 : index
    %swap3A_688 = tpu.vector_load %arg10[%swap3A_687] {strides = array<i32>} : memref<1024xf32, #tpu.memory_space<vmem>>, vector<16xf32>,
    %swap3A_689 = vector.shape_cast %swap3A_688 : vector<16xf32> to vector<16xf32>
    %swap3A_690 = vector.shape_cast %broadcast_in_dim3A_686 : vector<16xf32> to vector<16xf32>
    tpu.vector_store %arg10[%swap3A_687], %swap3A_690 {strides = array<i32>} : memref<1024xf32, #tpu.memory_space<vmem>>, vector<16xf32>,
    %broadcast_in_dim3A_691 = arith.constant 0 : i32
    %broadcast_in_dim3A_692 = vector.broadcast %broadcast_in_dim3A_691 : i32 to vector<16xi32>
    %swap3A_693 = arith.constant 912 : index
    %swap3A_694 = tpu.vector_load %arg11[%swap3A_693] {strides = array<i32>} : memref<1024xi32, #tpu.memory_space<vmem>>, vector<16xi32>,
    %swap3A_695 = vector.shape_cast %swap3A_694 : vector<16xi32> to vector<16xi32>
    %swap3A_696 = vector.shape_cast %broadcast_in_dim3A_692 : vector<16xi32> to vector<16xi32>
    tpu.vector_store %arg11[%swap3A_693], %swap3A_696 {strides = array<i32>} : memref<1024xi32, #tpu.memory_space<vmem>>, vector<16xi32>,
    %broadcast_in_dim3A_697 = arith.constant 3.000000e+38 : f32
    %broadcast_in_dim3A_698 = vector.broadcast %broadcast_in_dim3A_697 : f32 to vector<16xf32>
    %swap3A_699 = arith.constant 928 : index
    %swap3A_700 = tpu.vector_load %arg10[%swap3A_699] {strides = array<i32>} : memref<1024xf32, #tpu.memory_space<vmem>>, vector<16xf32>,
    %swap3A_701 = vector.shape_cast %swap3A_700 : vector<16xf32> to vector<16xf32>
    %swap3A_702 = vector.shape_cast %broadcast_in_dim3A_698 : vector<16xf32> to vector<16xf32>
    tpu.vector_store %arg10[%swap3A_699], %swap3A_702 {strides = array<i32>} : memref<1024xf32, #tpu.memory_space<vmem>>, vector<16xf32>,
    %broadcast_in_dim3A_703 = arith.constant 0 : i32
    %broadcast_in_dim3A_704 = vector.broadcast %broadcast_in_dim3A_703 : i32 to vector<16xi32>
    %swap3A_705 = arith.constant 928 : index
    %swap3A_706 = tpu.vector_load %arg11[%swap3A_705] {strides = array<i32>} : memref<1024xi32, #tpu.memory_space<vmem>>, vector<16xi32>,
    %swap3A_707 = vector.shape_cast %swap3A_706 : vector<16xi32> to vector<16xi32>
    %swap3A_708 = vector.shape_cast %broadcast_in_dim3A_704 : vector<16xi32> to vector<16xi32>
    tpu.vector_store %arg11[%swap3A_705], %swap3A_708 {strides = array<i32>} : memref<1024xi32, #tpu.memory_space<vmem>>, vector<16xi32>,
    %broadcast_in_dim3A_709 = arith.constant 3.000000e+38 : f32
    %broadcast_in_dim3A_710 = vector.broadcast %broadcast_in_dim3A_709 : f32 to vector<16xf32>
    %swap3A_711 = arith.constant 944 : index
    %swap3A_712 = tpu.vector_load %arg10[%swap3A_711] {strides = array<i32>} : memref<1024xf32, #tpu.memory_space<vmem>>, vector<16xf32>,
    %swap3A_713 = vector.shape_cast %swap3A_712 : vector<16xf32> to vector<16xf32>
    %swap3A_714 = vector.shape_cast %broadcast_in_dim3A_710 : vector<16xf32> to vector<16xf32>
    tpu.vector_store %arg10[%swap3A_711], %swap3A_714 {strides = array<i32>} : memref<1024xf32, #tpu.memory_space<vmem>>, vector<16xf32>,
    %broadcast_in_dim3A_715 = arith.constant 0 : i32
    %broadcast_in_dim3A_716 = vector.broadcast %broadcast_in_dim3A_715 : i32 to vector<16xi32>
    %swap3A_717 = arith.constant 944 : index
    %swap3A_718 = tpu.vector_load %arg11[%swap3A_717] {strides = array<i32>} : memref<1024xi32, #tpu.memory_space<vmem>>, vector<16xi32>,
    %swap3A_719 = vector.shape_cast %swap3A_718 : vector<16xi32> to vector<16xi32>
    %swap3A_720 = vector.shape_cast %broadcast_in_dim3A_716 : vector<16xi32> to vector<16xi32>
    tpu.vector_store %arg11[%swap3A_717], %swap3A_720 {strides = array<i32>} : memref<1024xi32, #tpu.memory_space<vmem>>, vector<16xi32>,
    %broadcast_in_dim3A_721 = arith.constant 3.000000e+38 : f32
    %broadcast_in_dim3A_722 = vector.broadcast %broadcast_in_dim3A_721 : f32 to vector<16xf32>
    %swap3A_723 = arith.constant 960 : index
    %swap3A_724 = tpu.vector_load %arg10[%swap3A_723] {strides = array<i32>} : memref<1024xf32, #tpu.memory_space<vmem>>, vector<16xf32>,
    %swap3A_725 = vector.shape_cast %swap3A_724 : vector<16xf32> to vector<16xf32>
    %swap3A_726 = vector.shape_cast %broadcast_in_dim3A_722 : vector<16xf32> to vector<16xf32>
    tpu.vector_store %arg10[%swap3A_723], %swap3A_726 {strides = array<i32>} : memref<1024xf32, #tpu.memory_space<vmem>>, vector<16xf32>,
    %broadcast_in_dim3A_727 = arith.constant 0 : i32
    %broadcast_in_dim3A_728 = vector.broadcast %broadcast_in_dim3A_727 : i32 to vector<16xi32>
    %swap3A_729 = arith.constant 960 : index
    %swap3A_730 = tpu.vector_load %arg11[%swap3A_729] {strides = array<i32>} : memref<1024xi32, #tpu.memory_space<vmem>>, vector<16xi32>,
    %swap3A_731 = vector.shape_cast %swap3A_730 : vector<16xi32> to vector<16xi32>
    %swap3A_732 = vector.shape_cast %broadcast_in_dim3A_728 : vector<16xi32> to vector<16xi32>
    tpu.vector_store %arg11[%swap3A_729], %swap3A_732 {strides = array<i32>} : memref<1024xi32, #tpu.memory_space<vmem>>, vector<16xi32>,
    %broadcast_in_dim3A_733 = arith.constant 3.000000e+38 : f32
    %broadcast_in_dim3A_734 = vector.broadcast %broadcast_in_dim3A_733 : f32 to vector<16xf32>
    %swap3A_735 = arith.constant 976 : index
    %swap3A_736 = tpu.vector_load %arg10[%swap3A_735] {strides = array<i32>} : memref<1024xf32, #tpu.memory_space<vmem>>, vector<16xf32>,
    %swap3A_737 = vector.shape_cast %swap3A_736 : vector<16xf32> to vector<16xf32>
    %swap3A_738 = vector.shape_cast %broadcast_in_dim3A_734 : vector<16xf32> to vector<16xf32>
    tpu.vector_store %arg10[%swap3A_735], %swap3A_738 {strides = array<i32>} : memref<1024xf32, #tpu.memory_space<vmem>>, vector<16xf32>,
    %broadcast_in_dim3A_739 = arith.constant 0 : i32
    %broadcast_in_dim3A_740 = vector.broadcast %broadcast_in_dim3A_739 : i32 to vector<16xi32>
    %swap3A_741 = arith.constant 976 : index
    %swap3A_742 = tpu.vector_load %arg11[%swap3A_741] {strides = array<i32>} : memref<1024xi32, #tpu.memory_space<vmem>>, vector<16xi32>,
    %swap3A_743 = vector.shape_cast %swap3A_742 : vector<16xi32> to vector<16xi32>
    %swap3A_744 = vector.shape_cast %broadcast_in_dim3A_740 : vector<16xi32> to vector<16xi32>
    tpu.vector_store %arg11[%swap3A_741], %swap3A_744 {strides = array<i32>} : memref<1024xi32, #tpu.memory_space<vmem>>, vector<16xi32>,
    %broadcast_in_dim3A_745 = arith.constant 3.000000e+38 : f32
    %broadcast_in_dim3A_746 = vector.broadcast %broadcast_in_dim3A_745 : f32 to vector<16xf32>
    %swap3A_747 = arith.constant 992 : index
    %swap3A_748 = tpu.vector_load %arg10[%swap3A_747] {strides = array<i32>} : memref<1024xf32, #tpu.memory_space<vmem>>, vector<16xf32>,
    %swap3A_749 = vector.shape_cast %swap3A_748 : vector<16xf32> to vector<16xf32>
    %swap3A_750 = vector.shape_cast %broadcast_in_dim3A_746 : vector<16xf32> to vector<16xf32>
    tpu.vector_store %arg10[%swap3A_747], %swap3A_750 {strides = array<i32>} : memref<1024xf32, #tpu.memory_space<vmem>>, vector<16xf32>,
    %broadcast_in_dim3A_751 = arith.constant 0 : i32
    %broadcast_in_dim3A_752 = vector.broadcast %broadcast_in_dim3A_751 : i32 to vector<16xi32>
    %swap3A_753 = arith.constant 992 : index
    %swap3A_754 = tpu.vector_load %arg11[%swap3A_753] {strides = array<i32>} : memref<1024xi32, #tpu.memory_space<vmem>>, vector<16xi32>,
    %swap3A_755 = vector.shape_cast %swap3A_754 : vector<16xi32> to vector<16xi32>
    %swap3A_756 = vector.shape_cast %broadcast_in_dim3A_752 : vector<16xi32> to vector<16xi32>
    tpu.vector_store %arg11[%swap3A_753], %swap3A_756 {strides = array<i32>} : memref<1024xi32, #tpu.memory_space<vmem>>, vector<16xi32>,
    %broadcast_in_dim3A_757 = arith.constant 3.000000e+38 : f32
    %broadcast_in_dim3A_758 = vector.broadcast %broadcast_in_dim3A_757 : f32 to vector<16xf32>
    %swap3A_759 = arith.constant 1008 : index
    %swap3A_760 = tpu.vector_load %arg10[%swap3A_759] {strides = array<i32>} : memref<1024xf32, #tpu.memory_space<vmem>>, vector<16xf32>,
    %swap3A_761 = vector.shape_cast %swap3A_760 : vector<16xf32> to vector<16xf32>
    %swap3A_762 = vector.shape_cast %broadcast_in_dim3A_758 : vector<16xf32> to vector<16xf32>
    tpu.vector_store %arg10[%swap3A_759], %swap3A_762 {strides = array<i32>} : memref<1024xf32, #tpu.memory_space<vmem>>, vector<16xf32>,
    %broadcast_in_dim3A_763 = arith.constant 0 : i32
    %broadcast_in_dim3A_764 = vector.broadcast %broadcast_in_dim3A_763 : i32 to vector<16xi32>
    %swap3A_765 = arith.constant 1008 : index
    %swap3A_766 = tpu.vector_load %arg11[%swap3A_765] {strides = array<i32>} : memref<1024xi32, #tpu.memory_space<vmem>>, vector<16xi32>,
    %swap3A_767 = vector.shape_cast %swap3A_766 : vector<16xi32> to vector<16xi32>
    %swap3A_768 = vector.shape_cast %broadcast_in_dim3A_764 : vector<16xi32> to vector<16xi32>
    tpu.vector_store %arg11[%swap3A_765], %swap3A_768 {strides = array<i32>} : memref<1024xi32, #tpu.memory_space<vmem>>, vector<16xi32>,
    %dma_start3A = arith.constant 0 : i32
    %dma_start3A_769 = tpu.memref_slice %arg2[%dma_start3A, %mul3A_2] : memref<6912x8192xf32, #tpu.memory_space<hbm>> -> memref<96x256xf32, #tpu.memory_space<hbm>>
    %dma_start3A_770 = arith.constant 0 : i32
    %dma_start3A_771 = tpu.memref_slice %arg2[%dma_start3A_770, %mul3A_2] : memref<6912x8192xf32, #tpu.memory_space<hbm>> -> memref<96x256xf32, #tpu.memory_space<hbm>>
    tpu.enqueue_dma source(%dma_start3A_771 : memref<96x256xf32, #tpu.memory_space<hbm>>) target(%arg7 : memref<96x256xf32, #tpu.memory_space<vmem>>) target_semaphore(%arg17 : memref<!tpu.dma_semaphore, #tpu.memory_space<semaphore_mem>>)
    %dma_start3A_772 = arith.constant 96 : i32
    %dma_start3A_773 = tpu.memref_slice %arg2[%dma_start3A_772, %mul3A_2] : memref<6912x8192xf32, #tpu.memory_space<hbm>> -> memref<96x256xf32, #tpu.memory_space<hbm>>
    %dma_start3A_774 = arith.constant 96 : i32
    %dma_start3A_775 = tpu.memref_slice %arg2[%dma_start3A_774, %mul3A_2] : memref<6912x8192xf32, #tpu.memory_space<hbm>> -> memref<96x256xf32, #tpu.memory_space<hbm>>
    tpu.enqueue_dma source(%dma_start3A_775 : memref<96x256xf32, #tpu.memory_space<hbm>>) target(%arg8 : memref<96x256xf32, #tpu.memory_space<vmem>>) target_semaphore(%arg18 : memref<!tpu.dma_semaphore, #tpu.memory_space<semaphore_mem>>)
    %scan3A = arith.constant 0 : i32
    %scan3A_776 = arith.constant 0 : i32
    %scan3A_777 = arith.constant 36 : i32
    %scan3A_778 = arith.addi %scan3A_776, %scan3A_777 : i32
    %scan3A_779 = arith.constant 1 : i32
    %scan3A_780 = scf.for %scan3A_962 = %scan3A_776 to %scan3A_778 step %scan3A_779 iter_args(%scan3A_963 = %scan3A) -> (i32)  : i32 {
      %mul3A_964 = arith.constant 2 : i32
      %mul3A_965 = arith.muli %mul3A_964, %scan3A_962 : i32
      %dma_wait3A_966 = arith.constant 0 : i32
      %dma_wait3A_967 = tpu.memref_slice %arg2[%dma_wait3A_966, %mul3A_2] : memref<6912x8192xf32, #tpu.memory_space<hbm>> -> memref<96x256xf32, #tpu.memory_space<hbm>>
      %dma_wait3A_968 = arith.constant 0 : i32
      %dma_wait3A_969 = tpu.memref_slice %arg2[%dma_wait3A_968, %mul3A_2] : memref<6912x8192xf32, #tpu.memory_space<hbm>> -> memref<96x256xf32, #tpu.memory_space<hbm>>
      tpu.wait_dma2 semaphore(%arg17 : memref<!tpu.dma_semaphore, #tpu.memory_space<semaphore_mem>>) src(%dma_wait3A_969 : memref<96x256xf32, #tpu.memory_space<hbm>>) dst(%arg7 : memref<96x256xf32, #tpu.memory_space<vmem>>)
      %scan3A_970 = arith.constant 0 : i32
      %scan3A_971 = arith.constant 0 : i32
      %scan3A_972 = arith.constant 4 : i32
      %scan3A_973 = arith.addi %scan3A_971, %scan3A_972 : i32
      %scan3A_974 = arith.constant 1 : i32
      %scan3A_975 = scf.for %scan3A_1000 = %scan3A_971 to %scan3A_973 step %scan3A_974 iter_args(%scan3A_1001 = %scan3A_970) -> (i32)  : i32 {
        %mul3A_1002 = arith.constant 96 : i32
        %mul3A_1003 = arith.muli %mul3A_965, %mul3A_1002 : i32
        %mul3A_1004 = arith.constant 16 : i32
        %mul3A_1005 = arith.muli %scan3A_1000, %mul3A_1004 : i32
        %mul3A_1006 = arith.constant 4 : i32
        %mul3A_1007 = arith.muli %mul3A_1005, %mul3A_1006 : i32
        %add3A_1008 = arith.constant 0 : i32
        %add3A_1009 = arith.addi %mul3A_1007, %add3A_1008 : i32
        %mul3A_1010 = arith.constant 16 : i32
        %mul3A_1011 = arith.muli %scan3A_1000, %mul3A_1010 : i32
        %mul3A_1012 = arith.constant 4 : i32
        %mul3A_1013 = arith.muli %mul3A_1011, %mul3A_1012 : i32
        %add3A_1014 = arith.constant 16 : i32
        %add3A_1015 = arith.addi %mul3A_1013, %add3A_1014 : i32
        %mul3A_1016 = arith.constant 16 : i32
        %mul3A_1017 = arith.muli %scan3A_1000, %mul3A_1016 : i32
        %mul3A_1018 = arith.constant 4 : i32
        %mul3A_1019 = arith.muli %mul3A_1017, %mul3A_1018 : i32
        %add3A_1020 = arith.constant 32 : i32
        %add3A_1021 = arith.addi %mul3A_1019, %add3A_1020 : i32
        %mul3A_1022 = arith.constant 16 : i32
        %mul3A_1023 = arith.muli %scan3A_1000, %mul3A_1022 : i32
        %mul3A_1024 = arith.constant 4 : i32
        %mul3A_1025 = arith.muli %mul3A_1023, %mul3A_1024 : i32
        %add3A_1026 = arith.constant 48 : i32
        %add3A_1027 = arith.addi %mul3A_1025, %add3A_1026 : i32
        %mul3A_1028 = arith.constant 64 : i32
        %mul3A_1029 = arith.muli %scan3A_1000, %mul3A_1028 : i32
        %mul3A_1030 = arith.constant 4 : i32
        %mul3A_1031 = arith.muli %mul3A_1029, %mul3A_1030 : i32
        %add3A_1032 = arith.constant 0 : i32
        %add3A_1033 = arith.addi %mul3A_1031, %add3A_1032 : i32
        %mul3A_1034 = arith.constant 64 : i32
        %mul3A_1035 = arith.muli %scan3A_1000, %mul3A_1034 : i32
        %mul3A_1036 = arith.constant 4 : i32
        %mul3A_1037 = arith.muli %mul3A_1035, %mul3A_1036 : i32
        %add3A_1038 = arith.constant 64 : i32
        %add3A_1039 = arith.addi %mul3A_1037, %add3A_1038 : i32
        %mul3A_1040 = arith.constant 64 : i32
        %mul3A_1041 = arith.muli %scan3A_1000, %mul3A_1040 : i32
        %mul3A_1042 = arith.constant 4 : i32
        %mul3A_1043 = arith.muli %mul3A_1041, %mul3A_1042 : i32
        %add3A_1044 = arith.constant 128 : i32
        %add3A_1045 = arith.addi %mul3A_1043, %add3A_1044 : i32
        %mul3A_1046 = arith.constant 64 : i32
        %mul3A_1047 = arith.muli %scan3A_1000, %mul3A_1046 : i32
        %mul3A_1048 = arith.constant 4 : i32
        %mul3A_1049 = arith.muli %mul3A_1047, %mul3A_1048 : i32
        %add3A_1050 = arith.constant 192 : i32
        %add3A_1051 = arith.addi %mul3A_1049, %add3A_1050 : i32
        %add3A_1052 = arith.constant 0 : i32
        %add3A_1053 = arith.addi %add3A_1033, %add3A_1052 : i32
        %get3A = arith.index_cast %add3A_1053 : i32 to index
        %get3A_1054 = tpu.vector_load %arg10[%get3A] {strides = array<i32>} : memref<1024xf32, #tpu.memory_space<vmem>>, vector<16xf32>,
        %get3A_1055 = vector.shape_cast %get3A_1054 : vector<16xf32> to vector<16xf32>
        %add3A_1056 = arith.constant 16 : i32
        %add3A_1057 = arith.addi %add3A_1033, %add3A_1056 : i32
        %get3A_1058 = arith.index_cast %add3A_1057 : i32 to index
        %get3A_1059 = tpu.vector_load %arg10[%get3A_1058] {strides = array<i32>} : memref<1024xf32, #tpu.memory_space<vmem>>, vector<16xf32>,
        %get3A_1060 = vector.shape_cast %get3A_1059 : vector<16xf32> to vector<16xf32>
        %add3A_1061 = arith.constant 32 : i32
        %add3A_1062 = arith.addi %add3A_1033, %add3A_1061 : i32
        %get3A_1063 = arith.index_cast %add3A_1062 : i32 to index
        %get3A_1064 = tpu.vector_load %arg10[%get3A_1063] {strides = array<i32>} : memref<1024xf32, #tpu.memory_space<vmem>>, vector<16xf32>,
        %get3A_1065 = vector.shape_cast %get3A_1064 : vector<16xf32> to vector<16xf32>
        %add3A_1066 = arith.constant 48 : i32
        %add3A_1067 = arith.addi %add3A_1033, %add3A_1066 : i32
        %get3A_1068 = arith.index_cast %add3A_1067 : i32 to index
        %get3A_1069 = tpu.vector_load %arg10[%get3A_1068] {strides = array<i32>} : memref<1024xf32, #tpu.memory_space<vmem>>, vector<16xf32>,
        %get3A_1070 = vector.shape_cast %get3A_1069 : vector<16xf32> to vector<16xf32>
        %add3A_1071 = arith.constant 0 : i32
        %add3A_1072 = arith.addi %add3A_1033, %add3A_1071 : i32
        %get3A_1073 = arith.index_cast %add3A_1072 : i32 to index
        %get3A_1074 = tpu.vector_load %arg11[%get3A_1073] {strides = array<i32>} : memref<1024xi32, #tpu.memory_space<vmem>>, vector<16xi32>,
        %get3A_1075 = vector.shape_cast %get3A_1074 : vector<16xi32> to vector<16xi32>
        %add3A_1076 = arith.constant 16 : i32
        %add3A_1077 = arith.addi %add3A_1033, %add3A_1076 : i32
        %get3A_1078 = arith.index_cast %add3A_1077 : i32 to index
        %get3A_1079 = tpu.vector_load %arg11[%get3A_1078] {strides = array<i32>} : memref<1024xi32, #tpu.memory_space<vmem>>, vector<16xi32>,
        %get3A_1080 = vector.shape_cast %get3A_1079 : vector<16xi32> to vector<16xi32>
        %add3A_1081 = arith.constant 32 : i32
        %add3A_1082 = arith.addi %add3A_1033, %add3A_1081 : i32
        %get3A_1083 = arith.index_cast %add3A_1082 : i32 to index
        %get3A_1084 = tpu.vector_load %arg11[%get3A_1083] {strides = array<i32>} : memref<1024xi32, #tpu.memory_space<vmem>>, vector<16xi32>,
        %get3A_1085 = vector.shape_cast %get3A_1084 : vector<16xi32> to vector<16xi32>
        %add3A_1086 = arith.constant 48 : i32
        %add3A_1087 = arith.addi %add3A_1033, %add3A_1086 : i32
        %get3A_1088 = arith.index_cast %add3A_1087 : i32 to index
        %get3A_1089 = tpu.vector_load %arg11[%get3A_1088] {strides = array<i32>} : memref<1024xi32, #tpu.memory_space<vmem>>, vector<16xi32>,
        %get3A_1090 = vector.shape_cast %get3A_1089 : vector<16xi32> to vector<16xi32>
        %add3A_1091 = arith.constant 0 : i32
        %add3A_1092 = arith.addi %add3A_1039, %add3A_1091 : i32
        %get3A_1093 = arith.index_cast %add3A_1092 : i32 to index
        %get3A_1094 = tpu.vector_load %arg10[%get3A_1093] {strides = array<i32>} : memref<1024xf32, #tpu.memory_space<vmem>>, vector<16xf32>,
        %get3A_1095 = vector.shape_cast %get3A_1094 : vector<16xf32> to vector<16xf32>
        %add3A_1096 = arith.constant 16 : i32
        %add3A_1097 = arith.addi %add3A_1039, %add3A_1096 : i32
        %get3A_1098 = arith.index_cast %add3A_1097 : i32 to index
        %get3A_1099 = tpu.vector_load %arg10[%get3A_1098] {strides = array<i32>} : memref<1024xf32, #tpu.memory_space<vmem>>, vector<16xf32>,
        %get3A_1100 = vector.shape_cast %get3A_1099 : vector<16xf32> to vector<16xf32>
        %add3A_1101 = arith.constant 32 : i32
        %add3A_1102 = arith.addi %add3A_1039, %add3A_1101 : i32
        %get3A_1103 = arith.index_cast %add3A_1102 : i32 to index
        %get3A_1104 = tpu.vector_load %arg10[%get3A_1103] {strides = array<i32>} : memref<1024xf32, #tpu.memory_space<vmem>>, vector<16xf32>,
        %get3A_1105 = vector.shape_cast %get3A_1104 : vector<16xf32> to vector<16xf32>
        %add3A_1106 = arith.constant 48 : i32
        %add3A_1107 = arith.addi %add3A_1039, %add3A_1106 : i32
        %get3A_1108 = arith.index_cast %add3A_1107 : i32 to index
        %get3A_1109 = tpu.vector_load %arg10[%get3A_1108] {strides = array<i32>} : memref<1024xf32, #tpu.memory_space<vmem>>, vector<16xf32>,
        %get3A_1110 = vector.shape_cast %get3A_1109 : vector<16xf32> to vector<16xf32>
        %add3A_1111 = arith.constant 0 : i32
        %add3A_1112 = arith.addi %add3A_1039, %add3A_1111 : i32
        %get3A_1113 = arith.index_cast %add3A_1112 : i32 to index
        %get3A_1114 = tpu.vector_load %arg11[%get3A_1113] {strides = array<i32>} : memref<1024xi32, #tpu.memory_space<vmem>>, vector<16xi32>,
        %get3A_1115 = vector.shape_cast %get3A_1114 : vector<16xi32> to vector<16xi32>
        %add3A_1116 = arith.constant 16 : i32
        %add3A_1117 = arith.addi %add3A_1039, %add3A_1116 : i32
        %get3A_1118 = arith.index_cast %add3A_1117 : i32 to index
        %get3A_1119 = tpu.vector_load %arg11[%get3A_1118] {strides = array<i32>} : memref<1024xi32, #tpu.memory_space<vmem>>, vector<16xi32>,
        %get3A_1120 = vector.shape_cast %get3A_1119 : vector<16xi32> to vector<16xi32>
        %add3A_1121 = arith.constant 32 : i32
        %add3A_1122 = arith.addi %add3A_1039, %add3A_1121 : i32
        %get3A_1123 = arith.index_cast %add3A_1122 : i32 to index
        %get3A_1124 = tpu.vector_load %arg11[%get3A_1123] {strides = array<i32>} : memref<1024xi32, #tpu.memory_space<vmem>>, vector<16xi32>,
        %get3A_1125 = vector.shape_cast %get3A_1124 : vector<16xi32> to vector<16xi32>
        %add3A_1126 = arith.constant 48 : i32
        %add3A_1127 = arith.addi %add3A_1039, %add3A_1126 : i32
        %get3A_1128 = arith.index_cast %add3A_1127 : i32 to index
        %get3A_1129 = tpu.vector_load %arg11[%get3A_1128] {strides = array<i32>} : memref<1024xi32, #tpu.memory_space<vmem>>, vector<16xi32>,
        %get3A_1130 = vector.shape_cast %get3A_1129 : vector<16xi32> to vector<16xi32>
        %add3A_1131 = arith.constant 0 : i32
        %add3A_1132 = arith.addi %add3A_1045, %add3A_1131 : i32
        %get3A_1133 = arith.index_cast %add3A_1132 : i32 to index
        %get3A_1134 = tpu.vector_load %arg10[%get3A_1133] {strides = array<i32>} : memref<1024xf32, #tpu.memory_space<vmem>>, vector<16xf32>,
        %get3A_1135 = vector.shape_cast %get3A_1134 : vector<16xf32> to vector<16xf32>
        %add3A_1136 = arith.constant 16 : i32
        %add3A_1137 = arith.addi %add3A_1045, %add3A_1136 : i32
        %get3A_1138 = arith.index_cast %add3A_1137 : i32 to index
        %get3A_1139 = tpu.vector_load %arg10[%get3A_1138] {strides = array<i32>} : memref<1024xf32, #tpu.memory_space<vmem>>, vector<16xf32>,
        %get3A_1140 = vector.shape_cast %get3A_1139 : vector<16xf32> to vector<16xf32>
        %add3A_1141 = arith.constant 32 : i32
        %add3A_1142 = arith.addi %add3A_1045, %add3A_1141 : i32
        %get3A_1143 = arith.index_cast %add3A_1142 : i32 to index
        %get3A_1144 = tpu.vector_load %arg10[%get3A_1143] {strides = array<i32>} : memref<1024xf32, #tpu.memory_space<vmem>>, vector<16xf32>,
        %get3A_1145 = vector.shape_cast %get3A_1144 : vector<16xf32> to vector<16xf32>
        %add3A_1146 = arith.constant 48 : i32
        %add3A_1147 = arith.addi %add3A_1045, %add3A_1146 : i32
        %get3A_1148 = arith.index_cast %add3A_1147 : i32 to index
        %get3A_1149 = tpu.vector_load %arg10[%get3A_1148] {strides = array<i32>} : memref<1024xf32, #tpu.memory_space<vmem>>, vector<16xf32>,
        %get3A_1150 = vector.shape_cast %get3A_1149 : vector<16xf32> to vector<16xf32>
        %add3A_1151 = arith.constant 0 : i32
        %add3A_1152 = arith.addi %add3A_1045, %add3A_1151 : i32
        %get3A_1153 = arith.index_cast %add3A_1152 : i32 to index
        %get3A_1154 = tpu.vector_load %arg11[%get3A_1153] {strides = array<i32>} : memref<1024xi32, #tpu.memory_space<vmem>>, vector<16xi32>,
        %get3A_1155 = vector.shape_cast %get3A_1154 : vector<16xi32> to vector<16xi32>
        %add3A_1156 = arith.constant 16 : i32
        %add3A_1157 = arith.addi %add3A_1045, %add3A_1156 : i32
        %get3A_1158 = arith.index_cast %add3A_1157 : i32 to index
        %get3A_1159 = tpu.vector_load %arg11[%get3A_1158] {strides = array<i32>} : memref<1024xi32, #tpu.memory_space<vmem>>, vector<16xi32>,
        %get3A_1160 = vector.shape_cast %get3A_1159 : vector<16xi32> to vector<16xi32>
        %add3A_1161 = arith.constant 32 : i32
        %add3A_1162 = arith.addi %add3A_1045, %add3A_1161 : i32
        %get3A_1163 = arith.index_cast %add3A_1162 : i32 to index
        %get3A_1164 = tpu.vector_load %arg11[%get3A_1163] {strides = array<i32>} : memref<1024xi32, #tpu.memory_space<vmem>>, vector<16xi32>,
        %get3A_1165 = vector.shape_cast %get3A_1164 : vector<16xi32> to vector<16xi32>
        %add3A_1166 = arith.constant 48 : i32
        %add3A_1167 = arith.addi %add3A_1045, %add3A_1166 : i32
        %get3A_1168 = arith.index_cast %add3A_1167 : i32 to index
        %get3A_1169 = tpu.vector_load %arg11[%get3A_1168] {strides = array<i32>} : memref<1024xi32, #tpu.memory_space<vmem>>, vector<16xi32>,
        %get3A_1170 = vector.shape_cast %get3A_1169 : vector<16xi32> to vector<16xi32>
        %add3A_1171 = arith.constant 0 : i32
        %add3A_1172 = arith.addi %add3A_1051, %add3A_1171 : i32
        %get3A_1173 = arith.index_cast %add3A_1172 : i32 to index
        %get3A_1174 = tpu.vector_load %arg10[%get3A_1173] {strides = array<i32>} : memref<1024xf32, #tpu.memory_space<vmem>>, vector<16xf32>,
        %get3A_1175 = vector.shape_cast %get3A_1174 : vector<16xf32> to vector<16xf32>
        %add3A_1176 = arith.constant 16 : i32
        %add3A_1177 = arith.addi %add3A_1051, %add3A_1176 : i32
        %get3A_1178 = arith.index_cast %add3A_1177 : i32 to index
        %get3A_1179 = tpu.vector_load %arg10[%get3A_1178] {strides = array<i32>} : memref<1024xf32, #tpu.memory_space<vmem>>, vector<16xf32>,
        %get3A_1180 = vector.shape_cast %get3A_1179 : vector<16xf32> to vector<16xf32>
        %add3A_1181 = arith.constant 32 : i32
        %add3A_1182 = arith.addi %add3A_1051, %add3A_1181 : i32
        %get3A_1183 = arith.index_cast %add3A_1182 : i32 to index
        %get3A_1184 = tpu.vector_load %arg10[%get3A_1183] {strides = array<i32>} : memref<1024xf32, #tpu.memory_space<vmem>>, vector<16xf32>,
        %get3A_1185 = vector.shape_cast %get3A_1184 : vector<16xf32> to vector<16xf32>
        %add3A_1186 = arith.constant 48 : i32
        %add3A_1187 = arith.addi %add3A_1051, %add3A_1186 : i32
        %get3A_1188 = arith.index_cast %add3A_1187 : i32 to index
        %get3A_1189 = tpu.vector_load %arg10[%get3A_1188] {strides = array<i32>} : memref<1024xf32, #tpu.memory_space<vmem>>, vector<16xf32>,
        %get3A_1190 = vector.shape_cast %get3A_1189 : vector<16xf32> to vector<16xf32>
        %add3A_1191 = arith.constant 0 : i32
        %add3A_1192 = arith.addi %add3A_1051, %add3A_1191 : i32
        %get3A_1193 = arith.index_cast %add3A_1192 : i32 to index
        %get3A_1194 = tpu.vector_load %arg11[%get3A_1193] {strides = array<i32>} : memref<1024xi32, #tpu.memory_space<vmem>>, vector<16xi32>,
        %get3A_1195 = vector.shape_cast %get3A_1194 : vector<16xi32> to vector<16xi32>
        %add3A_1196 = arith.constant 16 : i32
        %add3A_1197 = arith.addi %add3A_1051, %add3A_1196 : i32
        %get3A_1198 = arith.index_cast %add3A_1197 : i32 to index
        %get3A_1199 = tpu.vector_load %arg11[%get3A_1198] {strides = array<i32>} : memref<1024xi32, #tpu.memory_space<vmem>>, vector<16xi32>,
        %get3A_1200 = vector.shape_cast %get3A_1199 : vector<16xi32> to vector<16xi32>
        %add3A_1201 = arith.constant 32 : i32
        %add3A_1202 = arith.addi %add3A_1051, %add3A_1201 : i32
        %get3A_1203 = arith.index_cast %add3A_1202 : i32 to index
        %get3A_1204 = tpu.vector_load %arg11[%get3A_1203] {strides = array<i32>} : memref<1024xi32, #tpu.memory_space<vmem>>, vector<16xi32>,
        %get3A_1205 = vector.shape_cast %get3A_1204 : vector<16xi32> to vector<16xi32>
        %add3A_1206 = arith.constant 48 : i32
        %add3A_1207 = arith.addi %add3A_1051, %add3A_1206 : i32
        %get3A_1208 = arith.index_cast %add3A_1207 : i32 to index
        %get3A_1209 = tpu.vector_load %arg11[%get3A_1208] {strides = array<i32>} : memref<1024xi32, #tpu.memory_space<vmem>>, vector<16xi32>,
        %get3A_1210 = vector.shape_cast %get3A_1209 : vector<16xi32> to vector<16xi32>
        %broadcast_in_dim3A_1211 = arith.constant 0 : i32
        %broadcast_in_dim3A_1212 = vector.broadcast %broadcast_in_dim3A_1211 : i32 to vector<16xi32>
        %add3A_1213 = vector.broadcast %mul3A_1003 : i32 to vector<16xi32>
        %add3A_1214 = arith.addi %broadcast_in_dim3A_1212, %add3A_1213 : vector<16xi32>
        %scan3A_1215 = arith.constant 0 : i32
        %scan3A_1216 = arith.constant 48 : i32
        %scan3A_1217 = arith.addi %scan3A_1215, %scan3A_1216 : i32
        %scan3A_1218 = arith.constant 1 : i32
        %scan3A_1219:33 = scf.for %scan3A_1414 = %scan3A_1215 to %scan3A_1217 step %scan3A_1218 iter_args(%scan3A_1415 = %get3A_1055, %scan3A_1416 = %get3A_1060, %scan3A_1417 = %get3A_1065, %scan3A_1418 = %get3A_1070, %scan3A_1419 = %get3A_1075, %scan3A_1420 = %get3A_1080, %scan3A_1421 = %get3A_1085, %scan3A_1422 = %get3A_1090, %scan3A_1423 = %get3A_1095, %scan3A_1424 = %get3A_1100, %scan3A_1425 = %get3A_1105, %scan3A_1426 = %get3A_1110, %scan3A_1427 = %get3A_1115, %scan3A_1428 = %get3A_1120, %scan3A_1429 = %get3A_1125, %scan3A_1430 = %get3A_1130, %scan3A_1431 = %get3A_1135, %scan3A_1432 = %get3A_1140, %scan3A_1433 = %get3A_1145, %scan3A_1434 = %get3A_1150, %scan3A_1435 = %get3A_1155, %scan3A_1436 = %get3A_1160, %scan3A_1437 = %get3A_1165, %scan3A_1438 = %get3A_1170, %scan3A_1439 = %get3A_1175, %scan3A_1440 = %get3A_1180, %scan3A_1441 = %get3A_1185, %scan3A_1442 = %get3A_1190, %scan3A_1443 = %get3A_1195, %scan3A_1444 = %get3A_1200, %scan3A_1445 = %get3A_1205, %scan3A_1446 = %get3A_1210, %scan3A_1447 = %add3A_1214) -> (vector<16xf32>, vector<16xf32>, vector<16xf32>, vector<16xf32>, vector<16xi32>, vector<16xi32>, vector<16xi32>, vector<16xi32>, vector<16xf32>, vector<16xf32>, vector<16xf32>, vector<16xf32>, vector<16xi32>, vector<16xi32>, vector<16xi32>, vector<16xi32>, vector<16xf32>, vector<16xf32>, vector<16xf32>, vector<16xf32>, vector<16xi32>, vector<16xi32>, vector<16xi32>, vector<16xi32>, vector<16xf32>, vector<16xf32>, vector<16xf32>, vector<16xf32>, vector<16xi32>, vector<16xi32>, vector<16xi32>, vector<16xi32>, vector<16xi32>)  : i32 {
          %mul3A_1448 = arith.constant 2 : i32
          %mul3A_1449 = arith.muli %scan3A_1414, %mul3A_1448 : i32
          %add3A_1450 = arith.constant 0 : i32
          %add3A_1451 = arith.addi %mul3A_1449, %add3A_1450 : i32
          %get3A_1452 = arith.index_cast %add3A_1451 : i32 to index
          %get3A_1453 = arith.index_cast %add3A_1009 : i32 to index
          %get3A_1454 = tpu.vector_load %arg7[%get3A_1452, %get3A_1453] {strides = array<i32>} : memref<96x256xf32, #tpu.memory_space<vmem>>, vector<1x16xf32>,
          %get3A_1455 = vector.shape_cast %get3A_1454 : vector<1x16xf32> to vector<16xf32>
          %lt3A_1456 = arith.cmpf olt, %get3A_1455, %scan3A_1415 : vector<16xf32>
          %lt3A_1457 = arith.cmpf olt, %get3A_1455, %scan3A_1416 : vector<16xf32>
          %lt3A_1458 = arith.cmpf olt, %get3A_1455, %scan3A_1417 : vector<16xf32>
          %lt3A_1459 = arith.cmpf olt, %get3A_1455, %scan3A_1418 : vector<16xf32>
          %select_n3A = arith.select %lt3A_1459, %get3A_1455, %scan3A_1418 : vector<16xi1>, vector<16xf32>
          %select_n3A_1460 = arith.select %lt3A_1458, %scan3A_1417, %select_n3A : vector<16xi1>, vector<16xf32>
          %select_n3A_1461 = arith.select %lt3A_1459, %scan3A_1447, %scan3A_1422 : vector<16xi1>, vector<16xi32>
          %select_n3A_1462 = arith.select %lt3A_1458, %scan3A_1421, %select_n3A_1461 : vector<16xi1>, vector<16xi32>
          %select_n3A_1463 = arith.select %lt3A_1458, %get3A_1455, %scan3A_1417 : vector<16xi1>, vector<16xf32>
          %select_n3A_1464 = arith.select %lt3A_1457, %scan3A_1416, %select_n3A_1463 : vector<16xi1>, vector<16xf32>
          %select_n3A_1465 = arith.select %lt3A_1458, %scan3A_1447, %scan3A_1421 : vector<16xi1>, vector<16xi32>
          %select_n3A_1466 = arith.select %lt3A_1457, %scan3A_1420, %select_n3A_1465 : vector<16xi1>, vector<16xi32>
          %select_n3A_1467 = arith.select %lt3A_1457, %get3A_1455, %scan3A_1416 : vector<16xi1>, vector<16xf32>
          %select_n3A_1468 = arith.select %lt3A_1456, %scan3A_1415, %select_n3A_1467 : vector<16xi1>, vector<16xf32>
          %select_n3A_1469 = arith.select %lt3A_1457, %scan3A_1447, %scan3A_1420 : vector<16xi1>, vector<16xi32>
          %select_n3A_1470 = arith.select %lt3A_1456, %scan3A_1419, %select_n3A_1469 : vector<16xi1>, vector<16xi32>
          %select_n3A_1471 = arith.select %lt3A_1456, %get3A_1455, %scan3A_1415 : vector<16xi1>, vector<16xf32>
          %select_n3A_1472 = arith.select %lt3A_1456, %scan3A_1447, %scan3A_1419 : vector<16xi1>, vector<16xi32>
          %add3A_1473 = arith.constant 0 : i32
          %add3A_1474 = arith.addi %mul3A_1449, %add3A_1473 : i32
          %get3A_1475 = arith.index_cast %add3A_1474 : i32 to index
          %get3A_1476 = arith.index_cast %add3A_1015 : i32 to index
          %get3A_1477 = tpu.vector_load %arg7[%get3A_1475, %get3A_1476] {strides = array<i32>} : memref<96x256xf32, #tpu.memory_space<vmem>>, vector<1x16xf32>,
          %get3A_1478 = vector.shape_cast %get3A_1477 : vector<1x16xf32> to vector<16xf32>
          %lt3A_1479 = arith.cmpf olt, %get3A_1478, %scan3A_1423 : vector<16xf32>
          %lt3A_1480 = arith.cmpf olt, %get3A_1478, %scan3A_1424 : vector<16xf32>
          %lt3A_1481 = arith.cmpf olt, %get3A_1478, %scan3A_1425 : vector<16xf32>
          %lt3A_1482 = arith.cmpf olt, %get3A_1478, %scan3A_1426 : vector<16xf32>
          %select_n3A_1483 = arith.select %lt3A_1482, %get3A_1478, %scan3A_1426 : vector<16xi1>, vector<16xf32>
          %select_n3A_1484 = arith.select %lt3A_1481, %scan3A_1425, %select_n3A_1483 : vector<16xi1>, vector<16xf32>
          %select_n3A_1485 = arith.select %lt3A_1482, %scan3A_1447, %scan3A_1430 : vector<16xi1>, vector<16xi32>
          %select_n3A_1486 = arith.select %lt3A_1481, %scan3A_1429, %select_n3A_1485 : vector<16xi1>, vector<16xi32>
          %select_n3A_1487 = arith.select %lt3A_1481, %get3A_1478, %scan3A_1425 : vector<16xi1>, vector<16xf32>
          %select_n3A_1488 = arith.select %lt3A_1480, %scan3A_1424, %select_n3A_1487 : vector<16xi1>, vector<16xf32>
          %select_n3A_1489 = arith.select %lt3A_1481, %scan3A_1447, %scan3A_1429 : vector<16xi1>, vector<16xi32>
          %select_n3A_1490 = arith.select %lt3A_1480, %scan3A_1428, %select_n3A_1489 : vector<16xi1>, vector<16xi32>
          %select_n3A_1491 = arith.select %lt3A_1480, %get3A_1478, %scan3A_1424 : vector<16xi1>, vector<16xf32>
          %select_n3A_1492 = arith.select %lt3A_1479, %scan3A_1423, %select_n3A_1491 : vector<16xi1>, vector<16xf32>
          %select_n3A_1493 = arith.select %lt3A_1480, %scan3A_1447, %scan3A_1428 : vector<16xi1>, vector<16xi32>
          %select_n3A_1494 = arith.select %lt3A_1479, %scan3A_1427, %select_n3A_1493 : vector<16xi1>, vector<16xi32>
          %select_n3A_1495 = arith.select %lt3A_1479, %get3A_1478, %scan3A_1423 : vector<16xi1>, vector<16xf32>
          %select_n3A_1496 = arith.select %lt3A_1479, %scan3A_1447, %scan3A_1427 : vector<16xi1>, vector<16xi32>
          %add3A_1497 = arith.constant 0 : i32
          %add3A_1498 = arith.addi %mul3A_1449, %add3A_1497 : i32
          %get3A_1499 = arith.index_cast %add3A_1498 : i32 to index
          %get3A_1500 = arith.index_cast %add3A_1021 : i32 to index
          %get3A_1501 = tpu.vector_load %arg7[%get3A_1499, %get3A_1500] {strides = array<i32>} : memref<96x256xf32, #tpu.memory_space<vmem>>, vector<1x16xf32>,
          %get3A_1502 = vector.shape_cast %get3A_1501 : vector<1x16xf32> to vector<16xf32>
          %lt3A_1503 = arith.cmpf olt, %get3A_1502, %scan3A_1431 : vector<16xf32>
          %lt3A_1504 = arith.cmpf olt, %get3A_1502, %scan3A_1432 : vector<16xf32>
          %lt3A_1505 = arith.cmpf olt, %get3A_1502, %scan3A_1433 : vector<16xf32>
          %lt3A_1506 = arith.cmpf olt, %get3A_1502, %scan3A_1434 : vector<16xf32>
          %select_n3A_1507 = arith.select %lt3A_1506, %get3A_1502, %scan3A_1434 : vector<16xi1>, vector<16xf32>
          %select_n3A_1508 = arith.select %lt3A_1505, %scan3A_1433, %select_n3A_1507 : vector<16xi1>, vector<16xf32>
          %select_n3A_1509 = arith.select %lt3A_1506, %scan3A_1447, %scan3A_1438 : vector<16xi1>, vector<16xi32>
          %select_n3A_1510 = arith.select %lt3A_1505, %scan3A_1437, %select_n3A_1509 : vector<16xi1>, vector<16xi32>
          %select_n3A_1511 = arith.select %lt3A_1505, %get3A_1502, %scan3A_1433 : vector<16xi1>, vector<16xf32>
          %select_n3A_1512 = arith.select %lt3A_1504, %scan3A_1432, %select_n3A_1511 : vector<16xi1>, vector<16xf32>
          %select_n3A_1513 = arith.select %lt3A_1505, %scan3A_1447, %scan3A_1437 : vector<16xi1>, vector<16xi32>
          %select_n3A_1514 = arith.select %lt3A_1504, %scan3A_1436, %select_n3A_1513 : vector<16xi1>, vector<16xi32>
          %select_n3A_1515 = arith.select %lt3A_1504, %get3A_1502, %scan3A_1432 : vector<16xi1>, vector<16xf32>
          %select_n3A_1516 = arith.select %lt3A_1503, %scan3A_1431, %select_n3A_1515 : vector<16xi1>, vector<16xf32>
          %select_n3A_1517 = arith.select %lt3A_1504, %scan3A_1447, %scan3A_1436 : vector<16xi1>, vector<16xi32>
          %select_n3A_1518 = arith.select %lt3A_1503, %scan3A_1435, %select_n3A_1517 : vector<16xi1>, vector<16xi32>
          %select_n3A_1519 = arith.select %lt3A_1503, %get3A_1502, %scan3A_1431 : vector<16xi1>, vector<16xf32>
          %select_n3A_1520 = arith.select %lt3A_1503, %scan3A_1447, %scan3A_1435 : vector<16xi1>, vector<16xi32>
          %add3A_1521 = arith.constant 0 : i32
          %add3A_1522 = arith.addi %mul3A_1449, %add3A_1521 : i32
          %get3A_1523 = arith.index_cast %add3A_1522 : i32 to index
          %get3A_1524 = arith.index_cast %add3A_1027 : i32 to index
          %get3A_1525 = tpu.vector_load %arg7[%get3A_1523, %get3A_1524] {strides = array<i32>} : memref<96x256xf32, #tpu.memory_space<vmem>>, vector<1x16xf32>,
          %get3A_1526 = vector.shape_cast %get3A_1525 : vector<1x16xf32> to vector<16xf32>
          %lt3A_1527 = arith.cmpf olt, %get3A_1526, %scan3A_1439 : vector<16xf32>
          %lt3A_1528 = arith.cmpf olt, %get3A_1526, %scan3A_1440 : vector<16xf32>
          %lt3A_1529 = arith.cmpf olt, %get3A_1526, %scan3A_1441 : vector<16xf32>
          %lt3A_1530 = arith.cmpf olt, %get3A_1526, %scan3A_1442 : vector<16xf32>
          %select_n3A_1531 = arith.select %lt3A_1530, %get3A_1526, %scan3A_1442 : vector<16xi1>, vector<16xf32>
          %select_n3A_1532 = arith.select %lt3A_1529, %scan3A_1441, %select_n3A_1531 : vector<16xi1>, vector<16xf32>
          %select_n3A_1533 = arith.select %lt3A_1530, %scan3A_1447, %scan3A_1446 : vector<16xi1>, vector<16xi32>
          %select_n3A_1534 = arith.select %lt3A_1529, %scan3A_1445, %select_n3A_1533 : vector<16xi1>, vector<16xi32>
          %select_n3A_1535 = arith.select %lt3A_1529, %get3A_1526, %scan3A_1441 : vector<16xi1>, vector<16xf32>
          %select_n3A_1536 = arith.select %lt3A_1528, %scan3A_1440, %select_n3A_1535 : vector<16xi1>, vector<16xf32>
          %select_n3A_1537 = arith.select %lt3A_1529, %scan3A_1447, %scan3A_1445 : vector<16xi1>, vector<16xi32>
          %select_n3A_1538 = arith.select %lt3A_1528, %scan3A_1444, %select_n3A_1537 : vector<16xi1>, vector<16xi32>
          %select_n3A_1539 = arith.select %lt3A_1528, %get3A_1526, %scan3A_1440 : vector<16xi1>, vector<16xf32>
          %select_n3A_1540 = arith.select %lt3A_1527, %scan3A_1439, %select_n3A_1539 : vector<16xi1>, vector<16xf32>
          %select_n3A_1541 = arith.select %lt3A_1528, %scan3A_1447, %scan3A_1444 : vector<16xi1>, vector<16xi32>
          %select_n3A_1542 = arith.select %lt3A_1527, %scan3A_1443, %select_n3A_1541 : vector<16xi1>, vector<16xi32>
          %select_n3A_1543 = arith.select %lt3A_1527, %get3A_1526, %scan3A_1439 : vector<16xi1>, vector<16xf32>
          %select_n3A_1544 = arith.select %lt3A_1527, %scan3A_1447, %scan3A_1443 : vector<16xi1>, vector<16xi32>
          %add3A_1545 = arith.constant 1 : i32
          %add3A_1546 = vector.broadcast %add3A_1545 : i32 to vector<16xi32>
          %add3A_1547 = arith.addi %scan3A_1447, %add3A_1546 : vector<16xi32>
          %add3A_1548 = arith.constant 1 : i32
          %add3A_1549 = arith.addi %mul3A_1449, %add3A_1548 : i32
          %get3A_1550 = arith.index_cast %add3A_1549 : i32 to index
          %get3A_1551 = arith.index_cast %add3A_1009 : i32 to index
          %get3A_1552 = tpu.vector_load %arg7[%get3A_1550, %get3A_1551] {strides = array<i32>} : memref<96x256xf32, #tpu.memory_space<vmem>>, vector<1x16xf32>,
          %get3A_1553 = vector.shape_cast %get3A_1552 : vector<1x16xf32> to vector<16xf32>
          %lt3A_1554 = arith.cmpf olt, %get3A_1553, %select_n3A_1471 : vector<16xf32>
          %lt3A_1555 = arith.cmpf olt, %get3A_1553, %select_n3A_1468 : vector<16xf32>
          %lt3A_1556 = arith.cmpf olt, %get3A_1553, %select_n3A_1464 : vector<16xf32>
          %lt3A_1557 = arith.cmpf olt, %get3A_1553, %select_n3A_1460 : vector<16xf32>
          %select_n3A_1558 = arith.select %lt3A_1557, %get3A_1553, %select_n3A_1460 : vector<16xi1>, vector<16xf32>
          %select_n3A_1559 = arith.select %lt3A_1556, %select_n3A_1464, %select_n3A_1558 : vector<16xi1>, vector<16xf32>
          %select_n3A_1560 = arith.select %lt3A_1557, %add3A_1547, %select_n3A_1462 : vector<16xi1>, vector<16xi32>
          %select_n3A_1561 = arith.select %lt3A_1556, %select_n3A_1466, %select_n3A_1560 : vector<16xi1>, vector<16xi32>
          %select_n3A_1562 = arith.select %lt3A_1556, %get3A_1553, %select_n3A_1464 : vector<16xi1>, vector<16xf32>
          %select_n3A_1563 = arith.select %lt3A_1555, %select_n3A_1468, %select_n3A_1562 : vector<16xi1>, vector<16xf32>
          %select_n3A_1564 = arith.select %lt3A_1556, %add3A_1547, %select_n3A_1466 : vector<16xi1>, vector<16xi32>
          %select_n3A_1565 = arith.select %lt3A_1555, %select_n3A_1470, %select_n3A_1564 : vector<16xi1>, vector<16xi32>
          %select_n3A_1566 = arith.select %lt3A_1555, %get3A_1553, %select_n3A_1468 : vector<16xi1>, vector<16xf32>
          %select_n3A_1567 = arith.select %lt3A_1554, %select_n3A_1471, %select_n3A_1566 : vector<16xi1>, vector<16xf32>
          %select_n3A_1568 = arith.select %lt3A_1555, %add3A_1547, %select_n3A_1470 : vector<16xi1>, vector<16xi32>
          %select_n3A_1569 = arith.select %lt3A_1554, %select_n3A_1472, %select_n3A_1568 : vector<16xi1>, vector<16xi32>
          %select_n3A_1570 = arith.select %lt3A_1554, %get3A_1553, %select_n3A_1471 : vector<16xi1>, vector<16xf32>
          %select_n3A_1571 = arith.select %lt3A_1554, %add3A_1547, %select_n3A_1472 : vector<16xi1>, vector<16xi32>
          %add3A_1572 = arith.constant 1 : i32
          %add3A_1573 = arith.addi %mul3A_1449, %add3A_1572 : i32
          %get3A_1574 = arith.index_cast %add3A_1573 : i32 to index
          %get3A_1575 = arith.index_cast %add3A_1015 : i32 to index
          %get3A_1576 = tpu.vector_load %arg7[%get3A_1574, %get3A_1575] {strides = array<i32>} : memref<96x256xf32, #tpu.memory_space<vmem>>, vector<1x16xf32>,
          %get3A_1577 = vector.shape_cast %get3A_1576 : vector<1x16xf32> to vector<16xf32>
          %lt3A_1578 = arith.cmpf olt, %get3A_1577, %select_n3A_1495 : vector<16xf32>
          %lt3A_1579 = arith.cmpf olt, %get3A_1577, %select_n3A_1492 : vector<16xf32>
          %lt3A_1580 = arith.cmpf olt, %get3A_1577, %select_n3A_1488 : vector<16xf32>
          %lt3A_1581 = arith.cmpf olt, %get3A_1577, %select_n3A_1484 : vector<16xf32>
          %select_n3A_1582 = arith.select %lt3A_1581, %get3A_1577, %select_n3A_1484 : vector<16xi1>, vector<16xf32>
          %select_n3A_1583 = arith.select %lt3A_1580, %select_n3A_1488, %select_n3A_1582 : vector<16xi1>, vector<16xf32>
          %select_n3A_1584 = arith.select %lt3A_1581, %add3A_1547, %select_n3A_1486 : vector<16xi1>, vector<16xi32>
          %select_n3A_1585 = arith.select %lt3A_1580, %select_n3A_1490, %select_n3A_1584 : vector<16xi1>, vector<16xi32>
          %select_n3A_1586 = arith.select %lt3A_1580, %get3A_1577, %select_n3A_1488 : vector<16xi1>, vector<16xf32>
          %select_n3A_1587 = arith.select %lt3A_1579, %select_n3A_1492, %select_n3A_1586 : vector<16xi1>, vector<16xf32>
          %select_n3A_1588 = arith.select %lt3A_1580, %add3A_1547, %select_n3A_1490 : vector<16xi1>, vector<16xi32>
          %select_n3A_1589 = arith.select %lt3A_1579, %select_n3A_1494, %select_n3A_1588 : vector<16xi1>, vector<16xi32>
          %select_n3A_1590 = arith.select %lt3A_1579, %get3A_1577, %select_n3A_1492 : vector<16xi1>, vector<16xf32>
          %select_n3A_1591 = arith.select %lt3A_1578, %select_n3A_1495, %select_n3A_1590 : vector<16xi1>, vector<16xf32>
          %select_n3A_1592 = arith.select %lt3A_1579, %add3A_1547, %select_n3A_1494 : vector<16xi1>, vector<16xi32>
          %select_n3A_1593 = arith.select %lt3A_1578, %select_n3A_1496, %select_n3A_1592 : vector<16xi1>, vector<16xi32>
          %select_n3A_1594 = arith.select %lt3A_1578, %get3A_1577, %select_n3A_1495 : vector<16xi1>, vector<16xf32>
          %select_n3A_1595 = arith.select %lt3A_1578, %add3A_1547, %select_n3A_1496 : vector<16xi1>, vector<16xi32>
          %add3A_1596 = arith.constant 1 : i32
          %add3A_1597 = arith.addi %mul3A_1449, %add3A_1596 : i32
          %get3A_1598 = arith.index_cast %add3A_1597 : i32 to index
          %get3A_1599 = arith.index_cast %add3A_1021 : i32 to index
          %get3A_1600 = tpu.vector_load %arg7[%get3A_1598, %get3A_1599] {strides = array<i32>} : memref<96x256xf32, #tpu.memory_space<vmem>>, vector<1x16xf32>,
          %get3A_1601 = vector.shape_cast %get3A_1600 : vector<1x16xf32> to vector<16xf32>
          %lt3A_1602 = arith.cmpf olt, %get3A_1601, %select_n3A_1519 : vector<16xf32>
          %lt3A_1603 = arith.cmpf olt, %get3A_1601, %select_n3A_1516 : vector<16xf32>
          %lt3A_1604 = arith.cmpf olt, %get3A_1601, %select_n3A_1512 : vector<16xf32>
          %lt3A_1605 = arith.cmpf olt, %get3A_1601, %select_n3A_1508 : vector<16xf32>
          %select_n3A_1606 = arith.select %lt3A_1605, %get3A_1601, %select_n3A_1508 : vector<16xi1>, vector<16xf32>
          %select_n3A_1607 = arith.select %lt3A_1604, %select_n3A_1512, %select_n3A_1606 : vector<16xi1>, vector<16xf32>
          %select_n3A_1608 = arith.select %lt3A_1605, %add3A_1547, %select_n3A_1510 : vector<16xi1>, vector<16xi32>
          %select_n3A_1609 = arith.select %lt3A_1604, %select_n3A_1514, %select_n3A_1608 : vector<16xi1>, vector<16xi32>
          %select_n3A_1610 = arith.select %lt3A_1604, %get3A_1601, %select_n3A_1512 : vector<16xi1>, vector<16xf32>
          %select_n3A_1611 = arith.select %lt3A_1603, %select_n3A_1516, %select_n3A_1610 : vector<16xi1>, vector<16xf32>
          %select_n3A_1612 = arith.select %lt3A_1604, %add3A_1547, %select_n3A_1514 : vector<16xi1>, vector<16xi32>
          %select_n3A_1613 = arith.select %lt3A_1603, %select_n3A_1518, %select_n3A_1612 : vector<16xi1>, vector<16xi32>
          %select_n3A_1614 = arith.select %lt3A_1603, %get3A_1601, %select_n3A_1516 : vector<16xi1>, vector<16xf32>
          %select_n3A_1615 = arith.select %lt3A_1602, %select_n3A_1519, %select_n3A_1614 : vector<16xi1>, vector<16xf32>
          %select_n3A_1616 = arith.select %lt3A_1603, %add3A_1547, %select_n3A_1518 : vector<16xi1>, vector<16xi32>
          %select_n3A_1617 = arith.select %lt3A_1602, %select_n3A_1520, %select_n3A_1616 : vector<16xi1>, vector<16xi32>
          %select_n3A_1618 = arith.select %lt3A_1602, %get3A_1601, %select_n3A_1519 : vector<16xi1>, vector<16xf32>
          %select_n3A_1619 = arith.select %lt3A_1602, %add3A_1547, %select_n3A_1520 : vector<16xi1>, vector<16xi32>
          %add3A_1620 = arith.constant 1 : i32
          %add3A_1621 = arith.addi %mul3A_1449, %add3A_1620 : i32
          %get3A_1622 = arith.index_cast %add3A_1621 : i32 to index
          %get3A_1623 = arith.index_cast %add3A_1027 : i32 to index
          %get3A_1624 = tpu.vector_load %arg7[%get3A_1622, %get3A_1623] {strides = array<i32>} : memref<96x256xf32, #tpu.memory_space<vmem>>, vector<1x16xf32>,
          %get3A_1625 = vector.shape_cast %get3A_1624 : vector<1x16xf32> to vector<16xf32>
          %lt3A_1626 = arith.cmpf olt, %get3A_1625, %select_n3A_1543 : vector<16xf32>
          %lt3A_1627 = arith.cmpf olt, %get3A_1625, %select_n3A_1540 : vector<16xf32>
          %lt3A_1628 = arith.cmpf olt, %get3A_1625, %select_n3A_1536 : vector<16xf32>
          %lt3A_1629 = arith.cmpf olt, %get3A_1625, %select_n3A_1532 : vector<16xf32>
          %select_n3A_1630 = arith.select %lt3A_1629, %get3A_1625, %select_n3A_1532 : vector<16xi1>, vector<16xf32>
          %select_n3A_1631 = arith.select %lt3A_1628, %select_n3A_1536, %select_n3A_1630 : vector<16xi1>, vector<16xf32>
          %select_n3A_1632 = arith.select %lt3A_1629, %add3A_1547, %select_n3A_1534 : vector<16xi1>, vector<16xi32>
          %select_n3A_1633 = arith.select %lt3A_1628, %select_n3A_1538, %select_n3A_1632 : vector<16xi1>, vector<16xi32>
          %select_n3A_1634 = arith.select %lt3A_1628, %get3A_1625, %select_n3A_1536 : vector<16xi1>, vector<16xf32>
          %select_n3A_1635 = arith.select %lt3A_1627, %select_n3A_1540, %select_n3A_1634 : vector<16xi1>, vector<16xf32>
          %select_n3A_1636 = arith.select %lt3A_1628, %add3A_1547, %select_n3A_1538 : vector<16xi1>, vector<16xi32>
          %select_n3A_1637 = arith.select %lt3A_1627, %select_n3A_1542, %select_n3A_1636 : vector<16xi1>, vector<16xi32>
          %select_n3A_1638 = arith.select %lt3A_1627, %get3A_1625, %select_n3A_1540 : vector<16xi1>, vector<16xf32>
          %select_n3A_1639 = arith.select %lt3A_1626, %select_n3A_1543, %select_n3A_1638 : vector<16xi1>, vector<16xf32>
          %select_n3A_1640 = arith.select %lt3A_1627, %add3A_1547, %select_n3A_1542 : vector<16xi1>, vector<16xi32>
          %select_n3A_1641 = arith.select %lt3A_1626, %select_n3A_1544, %select_n3A_1640 : vector<16xi1>, vector<16xi32>
          %select_n3A_1642 = arith.select %lt3A_1626, %get3A_1625, %select_n3A_1543 : vector<16xi1>, vector<16xf32>
          %select_n3A_1643 = arith.select %lt3A_1626, %add3A_1547, %select_n3A_1544 : vector<16xi1>, vector<16xi32>
          %add3A_1644 = arith.constant 1 : i32
          %add3A_1645 = vector.broadcast %add3A_1644 : i32 to vector<16xi32>
          %add3A_1646 = arith.addi %add3A_1547, %add3A_1645 : vector<16xi32>
          scf.yield %select_n3A_1570, %select_n3A_1567, %select_n3A_1563, %select_n3A_1559, %select_n3A_1571, %select_n3A_1569, %select_n3A_1565, %select_n3A_1561, %select_n3A_1594, %select_n3A_1591, %select_n3A_1587, %select_n3A_1583, %select_n3A_1595, %select_n3A_1593, %select_n3A_1589, %select_n3A_1585, %select_n3A_1618, %select_n3A_1615, %select_n3A_1611, %select_n3A_1607, %select_n3A_1619, %select_n3A_1617, %select_n3A_1613, %select_n3A_1609, %select_n3A_1642, %select_n3A_1639, %select_n3A_1635, %select_n3A_1631, %select_n3A_1643, %select_n3A_1641, %select_n3A_1637, %select_n3A_1633, %add3A_1646 : vector<16xf32>, vector<16xf32>, vector<16xf32>, vector<16xf32>, vector<16xi32>, vector<16xi32>, vector<16xi32>, vector<16xi32>, vector<16xf32>, vector<16xf32>, vector<16xf32>, vector<16xf32>, vector<16xi32>, vector<16xi32>, vector<16xi32>, vector<16xi32>, vector<16xf32>, vector<16xf32>, vector<16xf32>, vector<16xf32>, vector<16xi32>, vector<16xi32>, vector<16xi32>, vector<16xi32>, vector<16xf32>, vector<16xf32>, vector<16xf32>, vector<16xf32>, vector<16xi32>, vector<16xi32>, vector<16xi32>, vector<16xi32>, vector<16xi32>
        }
        %scan3A_1220 = arith.constant 48 : i32
        %add3A_1221 = arith.constant 0 : i32
        %add3A_1222 = arith.addi %add3A_1033, %add3A_1221 : i32
        %swap3A_1223 = arith.index_cast %add3A_1222 : i32 to index
        %swap3A_1224 = tpu.vector_load %arg10[%swap3A_1223] {strides = array<i32>} : memref<1024xf32, #tpu.memory_space<vmem>>, vector<16xf32>,
        %swap3A_1225 = vector.shape_cast %swap3A_1224 : vector<16xf32> to vector<16xf32>
        %swap3A_1226 = vector.shape_cast %scan3A_1219#0 : vector<16xf32> to vector<16xf32>
        tpu.vector_store %arg10[%swap3A_1223], %swap3A_1226 {strides = array<i32>} : memref<1024xf32, #tpu.memory_space<vmem>>, vector<16xf32>,
        %add3A_1227 = arith.constant 0 : i32
        %add3A_1228 = arith.addi %add3A_1033, %add3A_1227 : i32
        %swap3A_1229 = arith.index_cast %add3A_1228 : i32 to index
        %swap3A_1230 = tpu.vector_load %arg11[%swap3A_1229] {strides = array<i32>} : memref<1024xi32, #tpu.memory_space<vmem>>, vector<16xi32>,
        %swap3A_1231 = vector.shape_cast %swap3A_1230 : vector<16xi32> to vector<16xi32>
        %swap3A_1232 = vector.shape_cast %scan3A_1219#4 : vector<16xi32> to vector<16xi32>
        tpu.vector_store %arg11[%swap3A_1229], %swap3A_1232 {strides = array<i32>} : memref<1024xi32, #tpu.memory_space<vmem>>, vector<16xi32>,
        %add3A_1233 = arith.constant 16 : i32
        %add3A_1234 = arith.addi %add3A_1033, %add3A_1233 : i32
        %swap3A_1235 = arith.index_cast %add3A_1234 : i32 to index
        %swap3A_1236 = tpu.vector_load %arg10[%swap3A_1235] {strides = array<i32>} : memref<1024xf32, #tpu.memory_space<vmem>>, vector<16xf32>,
        %swap3A_1237 = vector.shape_cast %swap3A_1236 : vector<16xf32> to vector<16xf32>
        %swap3A_1238 = vector.shape_cast %scan3A_1219#1 : vector<16xf32> to vector<16xf32>
        tpu.vector_store %arg10[%swap3A_1235], %swap3A_1238 {strides = array<i32>} : memref<1024xf32, #tpu.memory_space<vmem>>, vector<16xf32>,
        %add3A_1239 = arith.constant 16 : i32
        %add3A_1240 = arith.addi %add3A_1033, %add3A_1239 : i32
        %swap3A_1241 = arith.index_cast %add3A_1240 : i32 to index
        %swap3A_1242 = tpu.vector_load %arg11[%swap3A_1241] {strides = array<i32>} : memref<1024xi32, #tpu.memory_space<vmem>>, vector<16xi32>,
        %swap3A_1243 = vector.shape_cast %swap3A_1242 : vector<16xi32> to vector<16xi32>
        %swap3A_1244 = vector.shape_cast %scan3A_1219#5 : vector<16xi32> to vector<16xi32>
        tpu.vector_store %arg11[%swap3A_1241], %swap3A_1244 {strides = array<i32>} : memref<1024xi32, #tpu.memory_space<vmem>>, vector<16xi32>,
        %add3A_1245 = arith.constant 32 : i32
        %add3A_1246 = arith.addi %add3A_1033, %add3A_1245 : i32
        %swap3A_1247 = arith.index_cast %add3A_1246 : i32 to index
        %swap3A_1248 = tpu.vector_load %arg10[%swap3A_1247] {strides = array<i32>} : memref<1024xf32, #tpu.memory_space<vmem>>, vector<16xf32>,
        %swap3A_1249 = vector.shape_cast %swap3A_1248 : vector<16xf32> to vector<16xf32>
        %swap3A_1250 = vector.shape_cast %scan3A_1219#2 : vector<16xf32> to vector<16xf32>
        tpu.vector_store %arg10[%swap3A_1247], %swap3A_1250 {strides = array<i32>} : memref<1024xf32, #tpu.memory_space<vmem>>, vector<16xf32>,
        %add3A_1251 = arith.constant 32 : i32
        %add3A_1252 = arith.addi %add3A_1033, %add3A_1251 : i32
        %swap3A_1253 = arith.index_cast %add3A_1252 : i32 to index
        %swap3A_1254 = tpu.vector_load %arg11[%swap3A_1253] {strides = array<i32>} : memref<1024xi32, #tpu.memory_space<vmem>>, vector<16xi32>,
        %swap3A_1255 = vector.shape_cast %swap3A_1254 : vector<16xi32> to vector<16xi32>
        %swap3A_1256 = vector.shape_cast %scan3A_1219#6 : vector<16xi32> to vector<16xi32>
        tpu.vector_store %arg11[%swap3A_1253], %swap3A_1256 {strides = array<i32>} : memref<1024xi32, #tpu.memory_space<vmem>>, vector<16xi32>,
        %add3A_1257 = arith.constant 48 : i32
        %add3A_1258 = arith.addi %add3A_1033, %add3A_1257 : i32
        %swap3A_1259 = arith.index_cast %add3A_1258 : i32 to index
        %swap3A_1260 = tpu.vector_load %arg10[%swap3A_1259] {strides = array<i32>} : memref<1024xf32, #tpu.memory_space<vmem>>, vector<16xf32>,
        %swap3A_1261 = vector.shape_cast %swap3A_1260 : vector<16xf32> to vector<16xf32>
        %swap3A_1262 = vector.shape_cast %scan3A_1219#3 : vector<16xf32> to vector<16xf32>
        tpu.vector_store %arg10[%swap3A_1259], %swap3A_1262 {strides = array<i32>} : memref<1024xf32, #tpu.memory_space<vmem>>, vector<16xf32>,
        %add3A_1263 = arith.constant 48 : i32
        %add3A_1264 = arith.addi %add3A_1033, %add3A_1263 : i32
        %swap3A_1265 = arith.index_cast %add3A_1264 : i32 to index
        %swap3A_1266 = tpu.vector_load %arg11[%swap3A_1265] {strides = array<i32>} : memref<1024xi32, #tpu.memory_space<vmem>>, vector<16xi32>,
        %swap3A_1267 = vector.shape_cast %swap3A_1266 : vector<16xi32> to vector<16xi32>
        %swap3A_1268 = vector.shape_cast %scan3A_1219#7 : vector<16xi32> to vector<16xi32>
        tpu.vector_store %arg11[%swap3A_1265], %swap3A_1268 {strides = array<i32>} : memref<1024xi32, #tpu.memory_space<vmem>>, vector<16xi32>,
        %add3A_1269 = arith.constant 0 : i32
        %add3A_1270 = arith.addi %add3A_1039, %add3A_1269 : i32
        %swap3A_1271 = arith.index_cast %add3A_1270 : i32 to index
        %swap3A_1272 = tpu.vector_load %arg10[%swap3A_1271] {strides = array<i32>} : memref<1024xf32, #tpu.memory_space<vmem>>, vector<16xf32>,
        %swap3A_1273 = vector.shape_cast %swap3A_1272 : vector<16xf32> to vector<16xf32>
        %swap3A_1274 = vector.shape_cast %scan3A_1219#8 : vector<16xf32> to vector<16xf32>
        tpu.vector_store %arg10[%swap3A_1271], %swap3A_1274 {strides = array<i32>} : memref<1024xf32, #tpu.memory_space<vmem>>, vector<16xf32>,
        %add3A_1275 = arith.constant 0 : i32
        %add3A_1276 = arith.addi %add3A_1039, %add3A_1275 : i32
        %swap3A_1277 = arith.index_cast %add3A_1276 : i32 to index
        %swap3A_1278 = tpu.vector_load %arg11[%swap3A_1277] {strides = array<i32>} : memref<1024xi32, #tpu.memory_space<vmem>>, vector<16xi32>,
        %swap3A_1279 = vector.shape_cast %swap3A_1278 : vector<16xi32> to vector<16xi32>
        %swap3A_1280 = vector.shape_cast %scan3A_1219#12 : vector<16xi32> to vector<16xi32>
        tpu.vector_store %arg11[%swap3A_1277], %swap3A_1280 {strides = array<i32>} : memref<1024xi32, #tpu.memory_space<vmem>>, vector<16xi32>,
        %add3A_1281 = arith.constant 16 : i32
        %add3A_1282 = arith.addi %add3A_1039, %add3A_1281 : i32
        %swap3A_1283 = arith.index_cast %add3A_1282 : i32 to index
        %swap3A_1284 = tpu.vector_load %arg10[%swap3A_1283] {strides = array<i32>} : memref<1024xf32, #tpu.memory_space<vmem>>, vector<16xf32>,
        %swap3A_1285 = vector.shape_cast %swap3A_1284 : vector<16xf32> to vector<16xf32>
        %swap3A_1286 = vector.shape_cast %scan3A_1219#9 : vector<16xf32> to vector<16xf32>
        tpu.vector_store %arg10[%swap3A_1283], %swap3A_1286 {strides = array<i32>} : memref<1024xf32, #tpu.memory_space<vmem>>, vector<16xf32>,
        %add3A_1287 = arith.constant 16 : i32
        %add3A_1288 = arith.addi %add3A_1039, %add3A_1287 : i32
        %swap3A_1289 = arith.index_cast %add3A_1288 : i32 to index
        %swap3A_1290 = tpu.vector_load %arg11[%swap3A_1289] {strides = array<i32>} : memref<1024xi32, #tpu.memory_space<vmem>>, vector<16xi32>,
        %swap3A_1291 = vector.shape_cast %swap3A_1290 : vector<16xi32> to vector<16xi32>
        %swap3A_1292 = vector.shape_cast %scan3A_1219#13 : vector<16xi32> to vector<16xi32>
        tpu.vector_store %arg11[%swap3A_1289], %swap3A_1292 {strides = array<i32>} : memref<1024xi32, #tpu.memory_space<vmem>>, vector<16xi32>,
        %add3A_1293 = arith.constant 32 : i32
        %add3A_1294 = arith.addi %add3A_1039, %add3A_1293 : i32
        %swap3A_1295 = arith.index_cast %add3A_1294 : i32 to index
        %swap3A_1296 = tpu.vector_load %arg10[%swap3A_1295] {strides = array<i32>} : memref<1024xf32, #tpu.memory_space<vmem>>, vector<16xf32>,
        %swap3A_1297 = vector.shape_cast %swap3A_1296 : vector<16xf32> to vector<16xf32>
        %swap3A_1298 = vector.shape_cast %scan3A_1219#10 : vector<16xf32> to vector<16xf32>
        tpu.vector_store %arg10[%swap3A_1295], %swap3A_1298 {strides = array<i32>} : memref<1024xf32, #tpu.memory_space<vmem>>, vector<16xf32>,
        %add3A_1299 = arith.constant 32 : i32
        %add3A_1300 = arith.addi %add3A_1039, %add3A_1299 : i32
        %swap3A_1301 = arith.index_cast %add3A_1300 : i32 to index
        %swap3A_1302 = tpu.vector_load %arg11[%swap3A_1301] {strides = array<i32>} : memref<1024xi32, #tpu.memory_space<vmem>>, vector<16xi32>,
        %swap3A_1303 = vector.shape_cast %swap3A_1302 : vector<16xi32> to vector<16xi32>
        %swap3A_1304 = vector.shape_cast %scan3A_1219#14 : vector<16xi32> to vector<16xi32>
        tpu.vector_store %arg11[%swap3A_1301], %swap3A_1304 {strides = array<i32>} : memref<1024xi32, #tpu.memory_space<vmem>>, vector<16xi32>,
        %add3A_1305 = arith.constant 48 : i32
        %add3A_1306 = arith.addi %add3A_1039, %add3A_1305 : i32
        %swap3A_1307 = arith.index_cast %add3A_1306 : i32 to index
        %swap3A_1308 = tpu.vector_load %arg10[%swap3A_1307] {strides = array<i32>} : memref<1024xf32, #tpu.memory_space<vmem>>, vector<16xf32>,
        %swap3A_1309 = vector.shape_cast %swap3A_1308 : vector<16xf32> to vector<16xf32>
        %swap3A_1310 = vector.shape_cast %scan3A_1219#11 : vector<16xf32> to vector<16xf32>
        tpu.vector_store %arg10[%swap3A_1307], %swap3A_1310 {strides = array<i32>} : memref<1024xf32, #tpu.memory_space<vmem>>, vector<16xf32>,
        %add3A_1311 = arith.constant 48 : i32
        %add3A_1312 = arith.addi %add3A_1039, %add3A_1311 : i32
        %swap3A_1313 = arith.index_cast %add3A_1312 : i32 to index
        %swap3A_1314 = tpu.vector_load %arg11[%swap3A_1313] {strides = array<i32>} : memref<1024xi32, #tpu.memory_space<vmem>>, vector<16xi32>,
        %swap3A_1315 = vector.shape_cast %swap3A_1314 : vector<16xi32> to vector<16xi32>
        %swap3A_1316 = vector.shape_cast %scan3A_1219#15 : vector<16xi32> to vector<16xi32>
        tpu.vector_store %arg11[%swap3A_1313], %swap3A_1316 {strides = array<i32>} : memref<1024xi32, #tpu.memory_space<vmem>>, vector<16xi32>,
        %add3A_1317 = arith.constant 0 : i32
        %add3A_1318 = arith.addi %add3A_1045, %add3A_1317 : i32
        %swap3A_1319 = arith.index_cast %add3A_1318 : i32 to index
        %swap3A_1320 = tpu.vector_load %arg10[%swap3A_1319] {strides = array<i32>} : memref<1024xf32, #tpu.memory_space<vmem>>, vector<16xf32>,
        %swap3A_1321 = vector.shape_cast %swap3A_1320 : vector<16xf32> to vector<16xf32>
        %swap3A_1322 = vector.shape_cast %scan3A_1219#16 : vector<16xf32> to vector<16xf32>
        tpu.vector_store %arg10[%swap3A_1319], %swap3A_1322 {strides = array<i32>} : memref<1024xf32, #tpu.memory_space<vmem>>, vector<16xf32>,
        %add3A_1323 = arith.constant 0 : i32
        %add3A_1324 = arith.addi %add3A_1045, %add3A_1323 : i32
        %swap3A_1325 = arith.index_cast %add3A_1324 : i32 to index
        %swap3A_1326 = tpu.vector_load %arg11[%swap3A_1325] {strides = array<i32>} : memref<1024xi32, #tpu.memory_space<vmem>>, vector<16xi32>,
        %swap3A_1327 = vector.shape_cast %swap3A_1326 : vector<16xi32> to vector<16xi32>
        %swap3A_1328 = vector.shape_cast %scan3A_1219#20 : vector<16xi32> to vector<16xi32>
        tpu.vector_store %arg11[%swap3A_1325], %swap3A_1328 {strides = array<i32>} : memref<1024xi32, #tpu.memory_space<vmem>>, vector<16xi32>,
        %add3A_1329 = arith.constant 16 : i32
        %add3A_1330 = arith.addi %add3A_1045, %add3A_1329 : i32
        %swap3A_1331 = arith.index_cast %add3A_1330 : i32 to index
        %swap3A_1332 = tpu.vector_load %arg10[%swap3A_1331] {strides = array<i32>} : memref<1024xf32, #tpu.memory_space<vmem>>, vector<16xf32>,
        %swap3A_1333 = vector.shape_cast %swap3A_1332 : vector<16xf32> to vector<16xf32>
        %swap3A_1334 = vector.shape_cast %scan3A_1219#17 : vector<16xf32> to vector<16xf32>
        tpu.vector_store %arg10[%swap3A_1331], %swap3A_1334 {strides = array<i32>} : memref<1024xf32, #tpu.memory_space<vmem>>, vector<16xf32>,
        %add3A_1335 = arith.constant 16 : i32
        %add3A_1336 = arith.addi %add3A_1045, %add3A_1335 : i32
        %swap3A_1337 = arith.index_cast %add3A_1336 : i32 to index
        %swap3A_1338 = tpu.vector_load %arg11[%swap3A_1337] {strides = array<i32>} : memref<1024xi32, #tpu.memory_space<vmem>>, vector<16xi32>,
        %swap3A_1339 = vector.shape_cast %swap3A_1338 : vector<16xi32> to vector<16xi32>
        %swap3A_1340 = vector.shape_cast %scan3A_1219#21 : vector<16xi32> to vector<16xi32>
        tpu.vector_store %arg11[%swap3A_1337], %swap3A_1340 {strides = array<i32>} : memref<1024xi32, #tpu.memory_space<vmem>>, vector<16xi32>,
        %add3A_1341 = arith.constant 32 : i32
        %add3A_1342 = arith.addi %add3A_1045, %add3A_1341 : i32
        %swap3A_1343 = arith.index_cast %add3A_1342 : i32 to index
        %swap3A_1344 = tpu.vector_load %arg10[%swap3A_1343] {strides = array<i32>} : memref<1024xf32, #tpu.memory_space<vmem>>, vector<16xf32>,
        %swap3A_1345 = vector.shape_cast %swap3A_1344 : vector<16xf32> to vector<16xf32>
        %swap3A_1346 = vector.shape_cast %scan3A_1219#18 : vector<16xf32> to vector<16xf32>
        tpu.vector_store %arg10[%swap3A_1343], %swap3A_1346 {strides = array<i32>} : memref<1024xf32, #tpu.memory_space<vmem>>, vector<16xf32>,
        %add3A_1347 = arith.constant 32 : i32
        %add3A_1348 = arith.addi %add3A_1045, %add3A_1347 : i32
        %swap3A_1349 = arith.index_cast %add3A_1348 : i32 to index
        %swap3A_1350 = tpu.vector_load %arg11[%swap3A_1349] {strides = array<i32>} : memref<1024xi32, #tpu.memory_space<vmem>>, vector<16xi32>,
        %swap3A_1351 = vector.shape_cast %swap3A_1350 : vector<16xi32> to vector<16xi32>
        %swap3A_1352 = vector.shape_cast %scan3A_1219#22 : vector<16xi32> to vector<16xi32>
        tpu.vector_store %arg11[%swap3A_1349], %swap3A_1352 {strides = array<i32>} : memref<1024xi32, #tpu.memory_space<vmem>>, vector<16xi32>,
        %add3A_1353 = arith.constant 48 : i32
        %add3A_1354 = arith.addi %add3A_1045, %add3A_1353 : i32
        %swap3A_1355 = arith.index_cast %add3A_1354 : i32 to index
        %swap3A_1356 = tpu.vector_load %arg10[%swap3A_1355] {strides = array<i32>} : memref<1024xf32, #tpu.memory_space<vmem>>, vector<16xf32>,
        %swap3A_1357 = vector.shape_cast %swap3A_1356 : vector<16xf32> to vector<16xf32>
        %swap3A_1358 = vector.shape_cast %scan3A_1219#19 : vector<16xf32> to vector<16xf32>
        tpu.vector_store %arg10[%swap3A_1355], %swap3A_1358 {strides = array<i32>} : memref<1024xf32, #tpu.memory_space<vmem>>, vector<16xf32>,
        %add3A_1359 = arith.constant 48 : i32
        %add3A_1360 = arith.addi %add3A_1045, %add3A_1359 : i32
        %swap3A_1361 = arith.index_cast %add3A_1360 : i32 to index
        %swap3A_1362 = tpu.vector_load %arg11[%swap3A_1361] {strides = array<i32>} : memref<1024xi32, #tpu.memory_space<vmem>>, vector<16xi32>,
        %swap3A_1363 = vector.shape_cast %swap3A_1362 : vector<16xi32> to vector<16xi32>
        %swap3A_1364 = vector.shape_cast %scan3A_1219#23 : vector<16xi32> to vector<16xi32>
        tpu.vector_store %arg11[%swap3A_1361], %swap3A_1364 {strides = array<i32>} : memref<1024xi32, #tpu.memory_space<vmem>>, vector<16xi32>,
        %add3A_1365 = arith.constant 0 : i32
        %add3A_1366 = arith.addi %add3A_1051, %add3A_1365 : i32
        %swap3A_1367 = arith.index_cast %add3A_1366 : i32 to index
        %swap3A_1368 = tpu.vector_load %arg10[%swap3A_1367] {strides = array<i32>} : memref<1024xf32, #tpu.memory_space<vmem>>, vector<16xf32>,
        %swap3A_1369 = vector.shape_cast %swap3A_1368 : vector<16xf32> to vector<16xf32>
        %swap3A_1370 = vector.shape_cast %scan3A_1219#24 : vector<16xf32> to vector<16xf32>
        tpu.vector_store %arg10[%swap3A_1367], %swap3A_1370 {strides = array<i32>} : memref<1024xf32, #tpu.memory_space<vmem>>, vector<16xf32>,
        %add3A_1371 = arith.constant 0 : i32
        %add3A_1372 = arith.addi %add3A_1051, %add3A_1371 : i32
        %swap3A_1373 = arith.index_cast %add3A_1372 : i32 to index
        %swap3A_1374 = tpu.vector_load %arg11[%swap3A_1373] {strides = array<i32>} : memref<1024xi32, #tpu.memory_space<vmem>>, vector<16xi32>,
        %swap3A_1375 = vector.shape_cast %swap3A_1374 : vector<16xi32> to vector<16xi32>
        %swap3A_1376 = vector.shape_cast %scan3A_1219#28 : vector<16xi32> to vector<16xi32>
        tpu.vector_store %arg11[%swap3A_1373], %swap3A_1376 {strides = array<i32>} : memref<1024xi32, #tpu.memory_space<vmem>>, vector<16xi32>,
        %add3A_1377 = arith.constant 16 : i32
        %add3A_1378 = arith.addi %add3A_1051, %add3A_1377 : i32
        %swap3A_1379 = arith.index_cast %add3A_1378 : i32 to index
        %swap3A_1380 = tpu.vector_load %arg10[%swap3A_1379] {strides = array<i32>} : memref<1024xf32, #tpu.memory_space<vmem>>, vector<16xf32>,
        %swap3A_1381 = vector.shape_cast %swap3A_1380 : vector<16xf32> to vector<16xf32>
        %swap3A_1382 = vector.shape_cast %scan3A_1219#25 : vector<16xf32> to vector<16xf32>
        tpu.vector_store %arg10[%swap3A_1379], %swap3A_1382 {strides = array<i32>} : memref<1024xf32, #tpu.memory_space<vmem>>, vector<16xf32>,
        %add3A_1383 = arith.constant 16 : i32
        %add3A_1384 = arith.addi %add3A_1051, %add3A_1383 : i32
        %swap3A_1385 = arith.index_cast %add3A_1384 : i32 to index
        %swap3A_1386 = tpu.vector_load %arg11[%swap3A_1385] {strides = array<i32>} : memref<1024xi32, #tpu.memory_space<vmem>>, vector<16xi32>,
        %swap3A_1387 = vector.shape_cast %swap3A_1386 : vector<16xi32> to vector<16xi32>
        %swap3A_1388 = vector.shape_cast %scan3A_1219#29 : vector<16xi32> to vector<16xi32>
        tpu.vector_store %arg11[%swap3A_1385], %swap3A_1388 {strides = array<i32>} : memref<1024xi32, #tpu.memory_space<vmem>>, vector<16xi32>,
        %add3A_1389 = arith.constant 32 : i32
        %add3A_1390 = arith.addi %add3A_1051, %add3A_1389 : i32
        %swap3A_1391 = arith.index_cast %add3A_1390 : i32 to index
        %swap3A_1392 = tpu.vector_load %arg10[%swap3A_1391] {strides = array<i32>} : memref<1024xf32, #tpu.memory_space<vmem>>, vector<16xf32>,
        %swap3A_1393 = vector.shape_cast %swap3A_1392 : vector<16xf32> to vector<16xf32>
        %swap3A_1394 = vector.shape_cast %scan3A_1219#26 : vector<16xf32> to vector<16xf32>
        tpu.vector_store %arg10[%swap3A_1391], %swap3A_1394 {strides = array<i32>} : memref<1024xf32, #tpu.memory_space<vmem>>, vector<16xf32>,
        %add3A_1395 = arith.constant 32 : i32
        %add3A_1396 = arith.addi %add3A_1051, %add3A_1395 : i32
        %swap3A_1397 = arith.index_cast %add3A_1396 : i32 to index
        %swap3A_1398 = tpu.vector_load %arg11[%swap3A_1397] {strides = array<i32>} : memref<1024xi32, #tpu.memory_space<vmem>>, vector<16xi32>,
        %swap3A_1399 = vector.shape_cast %swap3A_1398 : vector<16xi32> to vector<16xi32>
        %swap3A_1400 = vector.shape_cast %scan3A_1219#30 : vector<16xi32> to vector<16xi32>
        tpu.vector_store %arg11[%swap3A_1397], %swap3A_1400 {strides = array<i32>} : memref<1024xi32, #tpu.memory_space<vmem>>, vector<16xi32>,
        %add3A_1401 = arith.constant 48 : i32
        %add3A_1402 = arith.addi %add3A_1051, %add3A_1401 : i32
        %swap3A_1403 = arith.index_cast %add3A_1402 : i32 to index
        %swap3A_1404 = tpu.vector_load %arg10[%swap3A_1403] {strides = array<i32>} : memref<1024xf32, #tpu.memory_space<vmem>>, vector<16xf32>,
        %swap3A_1405 = vector.shape_cast %swap3A_1404 : vector<16xf32> to vector<16xf32>
        %swap3A_1406 = vector.shape_cast %scan3A_1219#27 : vector<16xf32> to vector<16xf32>
        tpu.vector_store %arg10[%swap3A_1403], %swap3A_1406 {strides = array<i32>} : memref<1024xf32, #tpu.memory_space<vmem>>, vector<16xf32>,
        %add3A_1407 = arith.constant 48 : i32
        %add3A_1408 = arith.addi %add3A_1051, %add3A_1407 : i32
        %swap3A_1409 = arith.index_cast %add3A_1408 : i32 to index
        %swap3A_1410 = tpu.vector_load %arg11[%swap3A_1409] {strides = array<i32>} : memref<1024xi32, #tpu.memory_space<vmem>>, vector<16xi32>,
        %swap3A_1411 = vector.shape_cast %swap3A_1410 : vector<16xi32> to vector<16xi32>
        %swap3A_1412 = vector.shape_cast %scan3A_1219#31 : vector<16xi32> to vector<16xi32>
        tpu.vector_store %arg11[%swap3A_1409], %swap3A_1412 {strides = array<i32>} : memref<1024xi32, #tpu.memory_space<vmem>>, vector<16xi32>,
        %scan3A_1413 = arith.constant 0 : i32
        scf.yield %scan3A_1413 : i32
      }
      %scan3A_976 = arith.constant 4 : i32
      %add3A_977 = arith.constant 2 : i32
      %add3A_978 = arith.addi %mul3A_965, %add3A_977 : i32
      %lt3A = arith.constant 72 : i32
      %lt3A_979 = arith.cmpi slt, %add3A_978, %lt3A : i32
      %convert_element_type3A = arith.extui %lt3A_979 : i1 to i32
      %cond3A = arith.constant 0 : i32
      %cond3A_980 = arith.cmpi ne, %convert_element_type3A, %cond3A : i32
      scf.if %cond3A_980 {
        %add3A_1000 = arith.constant 2 : i32
        %add3A_1001 = arith.addi %mul3A_965, %add3A_1000 : i32
        %mul3A_1002 = arith.constant 96 : i32
        %mul3A_1003 = arith.muli %add3A_1001, %mul3A_1002 : i32
        %dma_start3A_1004 = tpu.memref_slice %arg2[%mul3A_1003, %mul3A_2] : memref<6912x8192xf32, #tpu.memory_space<hbm>> -> memref<96x256xf32, #tpu.memory_space<hbm>>
        %dma_start3A_1005 = tpu.memref_slice %arg2[%mul3A_1003, %mul3A_2] : memref<6912x8192xf32, #tpu.memory_space<hbm>> -> memref<96x256xf32, #tpu.memory_space<hbm>>
        tpu.enqueue_dma source(%dma_start3A_1005 : memref<96x256xf32, #tpu.memory_space<hbm>>) target(%arg7 : memref<96x256xf32, #tpu.memory_space<vmem>>) target_semaphore(%arg17 : memref<!tpu.dma_semaphore, #tpu.memory_space<semaphore_mem>>)
      } else {
      }
      %dma_wait3A_981 = arith.constant 0 : i32
      %dma_wait3A_982 = tpu.memref_slice %arg2[%dma_wait3A_981, %mul3A_2] : memref<6912x8192xf32, #tpu.memory_space<hbm>> -> memref<96x256xf32, #tpu.memory_space<hbm>>
      %dma_wait3A_983 = arith.constant 0 : i32
      %dma_wait3A_984 = tpu.memref_slice %arg2[%dma_wait3A_983, %mul3A_2] : memref<6912x8192xf32, #tpu.memory_space<hbm>> -> memref<96x256xf32, #tpu.memory_space<hbm>>
      tpu.wait_dma2 semaphore(%arg18 : memref<!tpu.dma_semaphore, #tpu.memory_space<semaphore_mem>>) src(%dma_wait3A_984 : memref<96x256xf32, #tpu.memory_space<hbm>>) dst(%arg8 : memref<96x256xf32, #tpu.memory_space<vmem>>)
      %scan3A_985 = arith.constant 0 : i32
      %scan3A_986 = arith.constant 0 : i32
      %scan3A_987 = arith.constant 4 : i32
      %scan3A_988 = arith.addi %scan3A_986, %scan3A_987 : i32
      %scan3A_989 = arith.constant 1 : i32
      %scan3A_990 = scf.for %scan3A_1000 = %scan3A_986 to %scan3A_988 step %scan3A_989 iter_args(%scan3A_1001 = %scan3A_985) -> (i32)  : i32 {
        %add3A_1002 = arith.constant 1 : i32
        %add3A_1003 = arith.addi %mul3A_965, %add3A_1002 : i32
        %mul3A_1004 = arith.constant 96 : i32
        %mul3A_1005 = arith.muli %add3A_1003, %mul3A_1004 : i32
        %mul3A_1006 = arith.constant 16 : i32
        %mul3A_1007 = arith.muli %scan3A_1000, %mul3A_1006 : i32
        %mul3A_1008 = arith.constant 4 : i32
        %mul3A_1009 = arith.muli %mul3A_1007, %mul3A_1008 : i32
        %add3A_1010 = arith.constant 0 : i32
        %add3A_1011 = arith.addi %mul3A_1009, %add3A_1010 : i32
        %mul3A_1012 = arith.constant 16 : i32
        %mul3A_1013 = arith.muli %scan3A_1000, %mul3A_1012 : i32
        %mul3A_1014 = arith.constant 4 : i32
        %mul3A_1015 = arith.muli %mul3A_1013, %mul3A_1014 : i32
        %add3A_1016 = arith.constant 16 : i32
        %add3A_1017 = arith.addi %mul3A_1015, %add3A_1016 : i32
        %mul3A_1018 = arith.constant 16 : i32
        %mul3A_1019 = arith.muli %scan3A_1000, %mul3A_1018 : i32
        %mul3A_1020 = arith.constant 4 : i32
        %mul3A_1021 = arith.muli %mul3A_1019, %mul3A_1020 : i32
        %add3A_1022 = arith.constant 32 : i32
        %add3A_1023 = arith.addi %mul3A_1021, %add3A_1022 : i32
        %mul3A_1024 = arith.constant 16 : i32
        %mul3A_1025 = arith.muli %scan3A_1000, %mul3A_1024 : i32
        %mul3A_1026 = arith.constant 4 : i32
        %mul3A_1027 = arith.muli %mul3A_1025, %mul3A_1026 : i32
        %add3A_1028 = arith.constant 48 : i32
        %add3A_1029 = arith.addi %mul3A_1027, %add3A_1028 : i32
        %mul3A_1030 = arith.constant 64 : i32
        %mul3A_1031 = arith.muli %scan3A_1000, %mul3A_1030 : i32
        %mul3A_1032 = arith.constant 4 : i32
        %mul3A_1033 = arith.muli %mul3A_1031, %mul3A_1032 : i32
        %add3A_1034 = arith.constant 0 : i32
        %add3A_1035 = arith.addi %mul3A_1033, %add3A_1034 : i32
        %mul3A_1036 = arith.constant 64 : i32
        %mul3A_1037 = arith.muli %scan3A_1000, %mul3A_1036 : i32
        %mul3A_1038 = arith.constant 4 : i32
        %mul3A_1039 = arith.muli %mul3A_1037, %mul3A_1038 : i32
        %add3A_1040 = arith.constant 64 : i32
        %add3A_1041 = arith.addi %mul3A_1039, %add3A_1040 : i32
        %mul3A_1042 = arith.constant 64 : i32
        %mul3A_1043 = arith.muli %scan3A_1000, %mul3A_1042 : i32
        %mul3A_1044 = arith.constant 4 : i32
        %mul3A_1045 = arith.muli %mul3A_1043, %mul3A_1044 : i32
        %add3A_1046 = arith.constant 128 : i32
        %add3A_1047 = arith.addi %mul3A_1045, %add3A_1046 : i32
        %mul3A_1048 = arith.constant 64 : i32
        %mul3A_1049 = arith.muli %scan3A_1000, %mul3A_1048 : i32
        %mul3A_1050 = arith.constant 4 : i32
        %mul3A_1051 = arith.muli %mul3A_1049, %mul3A_1050 : i32
        %add3A_1052 = arith.constant 192 : i32
        %add3A_1053 = arith.addi %mul3A_1051, %add3A_1052 : i32
        %add3A_1054 = arith.constant 0 : i32
        %add3A_1055 = arith.addi %add3A_1035, %add3A_1054 : i32
        %get3A = arith.index_cast %add3A_1055 : i32 to index
        %get3A_1056 = tpu.vector_load %arg10[%get3A] {strides = array<i32>} : memref<1024xf32, #tpu.memory_space<vmem>>, vector<16xf32>,
        %get3A_1057 = vector.shape_cast %get3A_1056 : vector<16xf32> to vector<16xf32>
        %add3A_1058 = arith.constant 16 : i32
        %add3A_1059 = arith.addi %add3A_1035, %add3A_1058 : i32
        %get3A_1060 = arith.index_cast %add3A_1059 : i32 to index
        %get3A_1061 = tpu.vector_load %arg10[%get3A_1060] {strides = array<i32>} : memref<1024xf32, #tpu.memory_space<vmem>>, vector<16xf32>,
        %get3A_1062 = vector.shape_cast %get3A_1061 : vector<16xf32> to vector<16xf32>
        %add3A_1063 = arith.constant 32 : i32
        %add3A_1064 = arith.addi %add3A_1035, %add3A_1063 : i32
        %get3A_1065 = arith.index_cast %add3A_1064 : i32 to index
        %get3A_1066 = tpu.vector_load %arg10[%get3A_1065] {strides = array<i32>} : memref<1024xf32, #tpu.memory_space<vmem>>, vector<16xf32>,
        %get3A_1067 = vector.shape_cast %get3A_1066 : vector<16xf32> to vector<16xf32>
        %add3A_1068 = arith.constant 48 : i32
        %add3A_1069 = arith.addi %add3A_1035, %add3A_1068 : i32
        %get3A_1070 = arith.index_cast %add3A_1069 : i32 to index
        %get3A_1071 = tpu.vector_load %arg10[%get3A_1070] {strides = array<i32>} : memref<1024xf32, #tpu.memory_space<vmem>>, vector<16xf32>,
        %get3A_1072 = vector.shape_cast %get3A_1071 : vector<16xf32> to vector<16xf32>
        %add3A_1073 = arith.constant 0 : i32
        %add3A_1074 = arith.addi %add3A_1035, %add3A_1073 : i32
        %get3A_1075 = arith.index_cast %add3A_1074 : i32 to index
        %get3A_1076 = tpu.vector_load %arg11[%get3A_1075] {strides = array<i32>} : memref<1024xi32, #tpu.memory_space<vmem>>, vector<16xi32>,
        %get3A_1077 = vector.shape_cast %get3A_1076 : vector<16xi32> to vector<16xi32>
        %add3A_1078 = arith.constant 16 : i32
        %add3A_1079 = arith.addi %add3A_1035, %add3A_1078 : i32
        %get3A_1080 = arith.index_cast %add3A_1079 : i32 to index
        %get3A_1081 = tpu.vector_load %arg11[%get3A_1080] {strides = array<i32>} : memref<1024xi32, #tpu.memory_space<vmem>>, vector<16xi32>,
        %get3A_1082 = vector.shape_cast %get3A_1081 : vector<16xi32> to vector<16xi32>
        %add3A_1083 = arith.constant 32 : i32
        %add3A_1084 = arith.addi %add3A_1035, %add3A_1083 : i32
        %get3A_1085 = arith.index_cast %add3A_1084 : i32 to index
        %get3A_1086 = tpu.vector_load %arg11[%get3A_1085] {strides = array<i32>} : memref<1024xi32, #tpu.memory_space<vmem>>, vector<16xi32>,
        %get3A_1087 = vector.shape_cast %get3A_1086 : vector<16xi32> to vector<16xi32>
        %add3A_1088 = arith.constant 48 : i32
        %add3A_1089 = arith.addi %add3A_1035, %add3A_1088 : i32
        %get3A_1090 = arith.index_cast %add3A_1089 : i32 to index
        %get3A_1091 = tpu.vector_load %arg11[%get3A_1090] {strides = array<i32>} : memref<1024xi32, #tpu.memory_space<vmem>>, vector<16xi32>,
        %get3A_1092 = vector.shape_cast %get3A_1091 : vector<16xi32> to vector<16xi32>
        %add3A_1093 = arith.constant 0 : i32
        %add3A_1094 = arith.addi %add3A_1041, %add3A_1093 : i32
        %get3A_1095 = arith.index_cast %add3A_1094 : i32 to index
        %get3A_1096 = tpu.vector_load %arg10[%get3A_1095] {strides = array<i32>} : memref<1024xf32, #tpu.memory_space<vmem>>, vector<16xf32>,
        %get3A_1097 = vector.shape_cast %get3A_1096 : vector<16xf32> to vector<16xf32>
        %add3A_1098 = arith.constant 16 : i32
        %add3A_1099 = arith.addi %add3A_1041, %add3A_1098 : i32
        %get3A_1100 = arith.index_cast %add3A_1099 : i32 to index
        %get3A_1101 = tpu.vector_load %arg10[%get3A_1100] {strides = array<i32>} : memref<1024xf32, #tpu.memory_space<vmem>>, vector<16xf32>,
        %get3A_1102 = vector.shape_cast %get3A_1101 : vector<16xf32> to vector<16xf32>
        %add3A_1103 = arith.constant 32 : i32
        %add3A_1104 = arith.addi %add3A_1041, %add3A_1103 : i32
        %get3A_1105 = arith.index_cast %add3A_1104 : i32 to index
        %get3A_1106 = tpu.vector_load %arg10[%get3A_1105] {strides = array<i32>} : memref<1024xf32, #tpu.memory_space<vmem>>, vector<16xf32>,
        %get3A_1107 = vector.shape_cast %get3A_1106 : vector<16xf32> to vector<16xf32>
        %add3A_1108 = arith.constant 48 : i32
        %add3A_1109 = arith.addi %add3A_1041, %add3A_1108 : i32
        %get3A_1110 = arith.index_cast %add3A_1109 : i32 to index
        %get3A_1111 = tpu.vector_load %arg10[%get3A_1110] {strides = array<i32>} : memref<1024xf32, #tpu.memory_space<vmem>>, vector<16xf32>,
        %get3A_1112 = vector.shape_cast %get3A_1111 : vector<16xf32> to vector<16xf32>
        %add3A_1113 = arith.constant 0 : i32
        %add3A_1114 = arith.addi %add3A_1041, %add3A_1113 : i32
        %get3A_1115 = arith.index_cast %add3A_1114 : i32 to index
        %get3A_1116 = tpu.vector_load %arg11[%get3A_1115] {strides = array<i32>} : memref<1024xi32, #tpu.memory_space<vmem>>, vector<16xi32>,
        %get3A_1117 = vector.shape_cast %get3A_1116 : vector<16xi32> to vector<16xi32>
        %add3A_1118 = arith.constant 16 : i32
        %add3A_1119 = arith.addi %add3A_1041, %add3A_1118 : i32
        %get3A_1120 = arith.index_cast %add3A_1119 : i32 to index
        %get3A_1121 = tpu.vector_load %arg11[%get3A_1120] {strides = array<i32>} : memref<1024xi32, #tpu.memory_space<vmem>>, vector<16xi32>,
        %get3A_1122 = vector.shape_cast %get3A_1121 : vector<16xi32> to vector<16xi32>
        %add3A_1123 = arith.constant 32 : i32
        %add3A_1124 = arith.addi %add3A_1041, %add3A_1123 : i32
        %get3A_1125 = arith.index_cast %add3A_1124 : i32 to index
        %get3A_1126 = tpu.vector_load %arg11[%get3A_1125] {strides = array<i32>} : memref<1024xi32, #tpu.memory_space<vmem>>, vector<16xi32>,
        %get3A_1127 = vector.shape_cast %get3A_1126 : vector<16xi32> to vector<16xi32>
        %add3A_1128 = arith.constant 48 : i32
        %add3A_1129 = arith.addi %add3A_1041, %add3A_1128 : i32
        %get3A_1130 = arith.index_cast %add3A_1129 : i32 to index
        %get3A_1131 = tpu.vector_load %arg11[%get3A_1130] {strides = array<i32>} : memref<1024xi32, #tpu.memory_space<vmem>>, vector<16xi32>,
        %get3A_1132 = vector.shape_cast %get3A_1131 : vector<16xi32> to vector<16xi32>
        %add3A_1133 = arith.constant 0 : i32
        %add3A_1134 = arith.addi %add3A_1047, %add3A_1133 : i32
        %get3A_1135 = arith.index_cast %add3A_1134 : i32 to index
        %get3A_1136 = tpu.vector_load %arg10[%get3A_1135] {strides = array<i32>} : memref<1024xf32, #tpu.memory_space<vmem>>, vector<16xf32>,
        %get3A_1137 = vector.shape_cast %get3A_1136 : vector<16xf32> to vector<16xf32>
        %add3A_1138 = arith.constant 16 : i32
        %add3A_1139 = arith.addi %add3A_1047, %add3A_1138 : i32
        %get3A_1140 = arith.index_cast %add3A_1139 : i32 to index
        %get3A_1141 = tpu.vector_load %arg10[%get3A_1140] {strides = array<i32>} : memref<1024xf32, #tpu.memory_space<vmem>>, vector<16xf32>,
        %get3A_1142 = vector.shape_cast %get3A_1141 : vector<16xf32> to vector<16xf32>
        %add3A_1143 = arith.constant 32 : i32
        %add3A_1144 = arith.addi %add3A_1047, %add3A_1143 : i32
        %get3A_1145 = arith.index_cast %add3A_1144 : i32 to index
        %get3A_1146 = tpu.vector_load %arg10[%get3A_1145] {strides = array<i32>} : memref<1024xf32, #tpu.memory_space<vmem>>, vector<16xf32>,
        %get3A_1147 = vector.shape_cast %get3A_1146 : vector<16xf32> to vector<16xf32>
        %add3A_1148 = arith.constant 48 : i32
        %add3A_1149 = arith.addi %add3A_1047, %add3A_1148 : i32
        %get3A_1150 = arith.index_cast %add3A_1149 : i32 to index
        %get3A_1151 = tpu.vector_load %arg10[%get3A_1150] {strides = array<i32>} : memref<1024xf32, #tpu.memory_space<vmem>>, vector<16xf32>,
        %get3A_1152 = vector.shape_cast %get3A_1151 : vector<16xf32> to vector<16xf32>
        %add3A_1153 = arith.constant 0 : i32
        %add3A_1154 = arith.addi %add3A_1047, %add3A_1153 : i32
        %get3A_1155 = arith.index_cast %add3A_1154 : i32 to index
        %get3A_1156 = tpu.vector_load %arg11[%get3A_1155] {strides = array<i32>} : memref<1024xi32, #tpu.memory_space<vmem>>, vector<16xi32>,
        %get3A_1157 = vector.shape_cast %get3A_1156 : vector<16xi32> to vector<16xi32>
        %add3A_1158 = arith.constant 16 : i32
        %add3A_1159 = arith.addi %add3A_1047, %add3A_1158 : i32
        %get3A_1160 = arith.index_cast %add3A_1159 : i32 to index
        %get3A_1161 = tpu.vector_load %arg11[%get3A_1160] {strides = array<i32>} : memref<1024xi32, #tpu.memory_space<vmem>>, vector<16xi32>,
        %get3A_1162 = vector.shape_cast %get3A_1161 : vector<16xi32> to vector<16xi32>
        %add3A_1163 = arith.constant 32 : i32
        %add3A_1164 = arith.addi %add3A_1047, %add3A_1163 : i32
        %get3A_1165 = arith.index_cast %add3A_1164 : i32 to index
        %get3A_1166 = tpu.vector_load %arg11[%get3A_1165] {strides = array<i32>} : memref<1024xi32, #tpu.memory_space<vmem>>, vector<16xi32>,
        %get3A_1167 = vector.shape_cast %get3A_1166 : vector<16xi32> to vector<16xi32>
        %add3A_1168 = arith.constant 48 : i32
        %add3A_1169 = arith.addi %add3A_1047, %add3A_1168 : i32
        %get3A_1170 = arith.index_cast %add3A_1169 : i32 to index
        %get3A_1171 = tpu.vector_load %arg11[%get3A_1170] {strides = array<i32>} : memref<1024xi32, #tpu.memory_space<vmem>>, vector<16xi32>,
        %get3A_1172 = vector.shape_cast %get3A_1171 : vector<16xi32> to vector<16xi32>
        %add3A_1173 = arith.constant 0 : i32
        %add3A_1174 = arith.addi %add3A_1053, %add3A_1173 : i32
        %get3A_1175 = arith.index_cast %add3A_1174 : i32 to index
        %get3A_1176 = tpu.vector_load %arg10[%get3A_1175] {strides = array<i32>} : memref<1024xf32, #tpu.memory_space<vmem>>, vector<16xf32>,
        %get3A_1177 = vector.shape_cast %get3A_1176 : vector<16xf32> to vector<16xf32>
        %add3A_1178 = arith.constant 16 : i32
        %add3A_1179 = arith.addi %add3A_1053, %add3A_1178 : i32
        %get3A_1180 = arith.index_cast %add3A_1179 : i32 to index
        %get3A_1181 = tpu.vector_load %arg10[%get3A_1180] {strides = array<i32>} : memref<1024xf32, #tpu.memory_space<vmem>>, vector<16xf32>,
        %get3A_1182 = vector.shape_cast %get3A_1181 : vector<16xf32> to vector<16xf32>
        %add3A_1183 = arith.constant 32 : i32
        %add3A_1184 = arith.addi %add3A_1053, %add3A_1183 : i32
        %get3A_1185 = arith.index_cast %add3A_1184 : i32 to index
        %get3A_1186 = tpu.vector_load %arg10[%get3A_1185] {strides = array<i32>} : memref<1024xf32, #tpu.memory_space<vmem>>, vector<16xf32>,
        %get3A_1187 = vector.shape_cast %get3A_1186 : vector<16xf32> to vector<16xf32>
        %add3A_1188 = arith.constant 48 : i32
        %add3A_1189 = arith.addi %add3A_1053, %add3A_1188 : i32
        %get3A_1190 = arith.index_cast %add3A_1189 : i32 to index
        %get3A_1191 = tpu.vector_load %arg10[%get3A_1190] {strides = array<i32>} : memref<1024xf32, #tpu.memory_space<vmem>>, vector<16xf32>,
        %get3A_1192 = vector.shape_cast %get3A_1191 : vector<16xf32> to vector<16xf32>
        %add3A_1193 = arith.constant 0 : i32
        %add3A_1194 = arith.addi %add3A_1053, %add3A_1193 : i32
        %get3A_1195 = arith.index_cast %add3A_1194 : i32 to index
        %get3A_1196 = tpu.vector_load %arg11[%get3A_1195] {strides = array<i32>} : memref<1024xi32, #tpu.memory_space<vmem>>, vector<16xi32>,
        %get3A_1197 = vector.shape_cast %get3A_1196 : vector<16xi32> to vector<16xi32>
        %add3A_1198 = arith.constant 16 : i32
        %add3A_1199 = arith.addi %add3A_1053, %add3A_1198 : i32
        %get3A_1200 = arith.index_cast %add3A_1199 : i32 to index
        %get3A_1201 = tpu.vector_load %arg11[%get3A_1200] {strides = array<i32>} : memref<1024xi32, #tpu.memory_space<vmem>>, vector<16xi32>,
        %get3A_1202 = vector.shape_cast %get3A_1201 : vector<16xi32> to vector<16xi32>
        %add3A_1203 = arith.constant 32 : i32
        %add3A_1204 = arith.addi %add3A_1053, %add3A_1203 : i32
        %get3A_1205 = arith.index_cast %add3A_1204 : i32 to index
        %get3A_1206 = tpu.vector_load %arg11[%get3A_1205] {strides = array<i32>} : memref<1024xi32, #tpu.memory_space<vmem>>, vector<16xi32>,
        %get3A_1207 = vector.shape_cast %get3A_1206 : vector<16xi32> to vector<16xi32>
        %add3A_1208 = arith.constant 48 : i32
        %add3A_1209 = arith.addi %add3A_1053, %add3A_1208 : i32
        %get3A_1210 = arith.index_cast %add3A_1209 : i32 to index
        %get3A_1211 = tpu.vector_load %arg11[%get3A_1210] {strides = array<i32>} : memref<1024xi32, #tpu.memory_space<vmem>>, vector<16xi32>,
        %get3A_1212 = vector.shape_cast %get3A_1211 : vector<16xi32> to vector<16xi32>
        %broadcast_in_dim3A_1213 = arith.constant 0 : i32
        %broadcast_in_dim3A_1214 = vector.broadcast %broadcast_in_dim3A_1213 : i32 to vector<16xi32>
        %add3A_1215 = vector.broadcast %mul3A_1005 : i32 to vector<16xi32>
        %add3A_1216 = arith.addi %broadcast_in_dim3A_1214, %add3A_1215 : vector<16xi32>
        %scan3A_1217 = arith.constant 0 : i32
        %scan3A_1218 = arith.constant 48 : i32
        %scan3A_1219 = arith.addi %scan3A_1217, %scan3A_1218 : i32
        %scan3A_1220 = arith.constant 1 : i32
        %scan3A_1221:33 = scf.for %scan3A_1416 = %scan3A_1217 to %scan3A_1219 step %scan3A_1220 iter_args(%scan3A_1417 = %get3A_1057, %scan3A_1418 = %get3A_1062, %scan3A_1419 = %get3A_1067, %scan3A_1420 = %get3A_1072, %scan3A_1421 = %get3A_1077, %scan3A_1422 = %get3A_1082, %scan3A_1423 = %get3A_1087, %scan3A_1424 = %get3A_1092, %scan3A_1425 = %get3A_1097, %scan3A_1426 = %get3A_1102, %scan3A_1427 = %get3A_1107, %scan3A_1428 = %get3A_1112, %scan3A_1429 = %get3A_1117, %scan3A_1430 = %get3A_1122, %scan3A_1431 = %get3A_1127, %scan3A_1432 = %get3A_1132, %scan3A_1433 = %get3A_1137, %scan3A_1434 = %get3A_1142, %scan3A_1435 = %get3A_1147, %scan3A_1436 = %get3A_1152, %scan3A_1437 = %get3A_1157, %scan3A_1438 = %get3A_1162, %scan3A_1439 = %get3A_1167, %scan3A_1440 = %get3A_1172, %scan3A_1441 = %get3A_1177, %scan3A_1442 = %get3A_1182, %scan3A_1443 = %get3A_1187, %scan3A_1444 = %get3A_1192, %scan3A_1445 = %get3A_1197, %scan3A_1446 = %get3A_1202, %scan3A_1447 = %get3A_1207, %scan3A_1448 = %get3A_1212, %scan3A_1449 = %add3A_1216) -> (vector<16xf32>, vector<16xf32>, vector<16xf32>, vector<16xf32>, vector<16xi32>, vector<16xi32>, vector<16xi32>, vector<16xi32>, vector<16xf32>, vector<16xf32>, vector<16xf32>, vector<16xf32>, vector<16xi32>, vector<16xi32>, vector<16xi32>, vector<16xi32>, vector<16xf32>, vector<16xf32>, vector<16xf32>, vector<16xf32>, vector<16xi32>, vector<16xi32>, vector<16xi32>, vector<16xi32>, vector<16xf32>, vector<16xf32>, vector<16xf32>, vector<16xf32>, vector<16xi32>, vector<16xi32>, vector<16xi32>, vector<16xi32>, vector<16xi32>)  : i32 {
          %mul3A_1450 = arith.constant 2 : i32
          %mul3A_1451 = arith.muli %scan3A_1416, %mul3A_1450 : i32
          %add3A_1452 = arith.constant 0 : i32
          %add3A_1453 = arith.addi %mul3A_1451, %add3A_1452 : i32
          %get3A_1454 = arith.index_cast %add3A_1453 : i32 to index
          %get3A_1455 = arith.index_cast %add3A_1011 : i32 to index
          %get3A_1456 = tpu.vector_load %arg8[%get3A_1454, %get3A_1455] {strides = array<i32>} : memref<96x256xf32, #tpu.memory_space<vmem>>, vector<1x16xf32>,
          %get3A_1457 = vector.shape_cast %get3A_1456 : vector<1x16xf32> to vector<16xf32>
          %lt3A_1458 = arith.cmpf olt, %get3A_1457, %scan3A_1417 : vector<16xf32>
          %lt3A_1459 = arith.cmpf olt, %get3A_1457, %scan3A_1418 : vector<16xf32>
          %lt3A_1460 = arith.cmpf olt, %get3A_1457, %scan3A_1419 : vector<16xf32>
          %lt3A_1461 = arith.cmpf olt, %get3A_1457, %scan3A_1420 : vector<16xf32>
          %select_n3A = arith.select %lt3A_1461, %get3A_1457, %scan3A_1420 : vector<16xi1>, vector<16xf32>
          %select_n3A_1462 = arith.select %lt3A_1460, %scan3A_1419, %select_n3A : vector<16xi1>, vector<16xf32>
          %select_n3A_1463 = arith.select %lt3A_1461, %scan3A_1449, %scan3A_1424 : vector<16xi1>, vector<16xi32>
          %select_n3A_1464 = arith.select %lt3A_1460, %scan3A_1423, %select_n3A_1463 : vector<16xi1>, vector<16xi32>
          %select_n3A_1465 = arith.select %lt3A_1460, %get3A_1457, %scan3A_1419 : vector<16xi1>, vector<16xf32>
          %select_n3A_1466 = arith.select %lt3A_1459, %scan3A_1418, %select_n3A_1465 : vector<16xi1>, vector<16xf32>
          %select_n3A_1467 = arith.select %lt3A_1460, %scan3A_1449, %scan3A_1423 : vector<16xi1>, vector<16xi32>
          %select_n3A_1468 = arith.select %lt3A_1459, %scan3A_1422, %select_n3A_1467 : vector<16xi1>, vector<16xi32>
          %select_n3A_1469 = arith.select %lt3A_1459, %get3A_1457, %scan3A_1418 : vector<16xi1>, vector<16xf32>
          %select_n3A_1470 = arith.select %lt3A_1458, %scan3A_1417, %select_n3A_1469 : vector<16xi1>, vector<16xf32>
          %select_n3A_1471 = arith.select %lt3A_1459, %scan3A_1449, %scan3A_1422 : vector<16xi1>, vector<16xi32>
          %select_n3A_1472 = arith.select %lt3A_1458, %scan3A_1421, %select_n3A_1471 : vector<16xi1>, vector<16xi32>
          %select_n3A_1473 = arith.select %lt3A_1458, %get3A_1457, %scan3A_1417 : vector<16xi1>, vector<16xf32>
          %select_n3A_1474 = arith.select %lt3A_1458, %scan3A_1449, %scan3A_1421 : vector<16xi1>, vector<16xi32>
          %add3A_1475 = arith.constant 0 : i32
          %add3A_1476 = arith.addi %mul3A_1451, %add3A_1475 : i32
          %get3A_1477 = arith.index_cast %add3A_1476 : i32 to index
          %get3A_1478 = arith.index_cast %add3A_1017 : i32 to index
          %get3A_1479 = tpu.vector_load %arg8[%get3A_1477, %get3A_1478] {strides = array<i32>} : memref<96x256xf32, #tpu.memory_space<vmem>>, vector<1x16xf32>,
          %get3A_1480 = vector.shape_cast %get3A_1479 : vector<1x16xf32> to vector<16xf32>
          %lt3A_1481 = arith.cmpf olt, %get3A_1480, %scan3A_1425 : vector<16xf32>
          %lt3A_1482 = arith.cmpf olt, %get3A_1480, %scan3A_1426 : vector<16xf32>
          %lt3A_1483 = arith.cmpf olt, %get3A_1480, %scan3A_1427 : vector<16xf32>
          %lt3A_1484 = arith.cmpf olt, %get3A_1480, %scan3A_1428 : vector<16xf32>
          %select_n3A_1485 = arith.select %lt3A_1484, %get3A_1480, %scan3A_1428 : vector<16xi1>, vector<16xf32>
          %select_n3A_1486 = arith.select %lt3A_1483, %scan3A_1427, %select_n3A_1485 : vector<16xi1>, vector<16xf32>
          %select_n3A_1487 = arith.select %lt3A_1484, %scan3A_1449, %scan3A_1432 : vector<16xi1>, vector<16xi32>
          %select_n3A_1488 = arith.select %lt3A_1483, %scan3A_1431, %select_n3A_1487 : vector<16xi1>, vector<16xi32>
          %select_n3A_1489 = arith.select %lt3A_1483, %get3A_1480, %scan3A_1427 : vector<16xi1>, vector<16xf32>
          %select_n3A_1490 = arith.select %lt3A_1482, %scan3A_1426, %select_n3A_1489 : vector<16xi1>, vector<16xf32>
          %select_n3A_1491 = arith.select %lt3A_1483, %scan3A_1449, %scan3A_1431 : vector<16xi1>, vector<16xi32>
          %select_n3A_1492 = arith.select %lt3A_1482, %scan3A_1430, %select_n3A_1491 : vector<16xi1>, vector<16xi32>
          %select_n3A_1493 = arith.select %lt3A_1482, %get3A_1480, %scan3A_1426 : vector<16xi1>, vector<16xf32>
          %select_n3A_1494 = arith.select %lt3A_1481, %scan3A_1425, %select_n3A_1493 : vector<16xi1>, vector<16xf32>
          %select_n3A_1495 = arith.select %lt3A_1482, %scan3A_1449, %scan3A_1430 : vector<16xi1>, vector<16xi32>
          %select_n3A_1496 = arith.select %lt3A_1481, %scan3A_1429, %select_n3A_1495 : vector<16xi1>, vector<16xi32>
          %select_n3A_1497 = arith.select %lt3A_1481, %get3A_1480, %scan3A_1425 : vector<16xi1>, vector<16xf32>
          %select_n3A_1498 = arith.select %lt3A_1481, %scan3A_1449, %scan3A_1429 : vector<16xi1>, vector<16xi32>
          %add3A_1499 = arith.constant 0 : i32
          %add3A_1500 = arith.addi %mul3A_1451, %add3A_1499 : i32
          %get3A_1501 = arith.index_cast %add3A_1500 : i32 to index
          %get3A_1502 = arith.index_cast %add3A_1023 : i32 to index
          %get3A_1503 = tpu.vector_load %arg8[%get3A_1501, %get3A_1502] {strides = array<i32>} : memref<96x256xf32, #tpu.memory_space<vmem>>, vector<1x16xf32>,
          %get3A_1504 = vector.shape_cast %get3A_1503 : vector<1x16xf32> to vector<16xf32>
          %lt3A_1505 = arith.cmpf olt, %get3A_1504, %scan3A_1433 : vector<16xf32>
          %lt3A_1506 = arith.cmpf olt, %get3A_1504, %scan3A_1434 : vector<16xf32>
          %lt3A_1507 = arith.cmpf olt, %get3A_1504, %scan3A_1435 : vector<16xf32>
          %lt3A_1508 = arith.cmpf olt, %get3A_1504, %scan3A_1436 : vector<16xf32>
          %select_n3A_1509 = arith.select %lt3A_1508, %get3A_1504, %scan3A_1436 : vector<16xi1>, vector<16xf32>
          %select_n3A_1510 = arith.select %lt3A_1507, %scan3A_1435, %select_n3A_1509 : vector<16xi1>, vector<16xf32>
          %select_n3A_1511 = arith.select %lt3A_1508, %scan3A_1449, %scan3A_1440 : vector<16xi1>, vector<16xi32>
          %select_n3A_1512 = arith.select %lt3A_1507, %scan3A_1439, %select_n3A_1511 : vector<16xi1>, vector<16xi32>
          %select_n3A_1513 = arith.select %lt3A_1507, %get3A_1504, %scan3A_1435 : vector<16xi1>, vector<16xf32>
          %select_n3A_1514 = arith.select %lt3A_1506, %scan3A_1434, %select_n3A_1513 : vector<16xi1>, vector<16xf32>
          %select_n3A_1515 = arith.select %lt3A_1507, %scan3A_1449, %scan3A_1439 : vector<16xi1>, vector<16xi32>
          %select_n3A_1516 = arith.select %lt3A_1506, %scan3A_1438, %select_n3A_1515 : vector<16xi1>, vector<16xi32>
          %select_n3A_1517 = arith.select %lt3A_1506, %get3A_1504, %scan3A_1434 : vector<16xi1>, vector<16xf32>
          %select_n3A_1518 = arith.select %lt3A_1505, %scan3A_1433, %select_n3A_1517 : vector<16xi1>, vector<16xf32>
          %select_n3A_1519 = arith.select %lt3A_1506, %scan3A_1449, %scan3A_1438 : vector<16xi1>, vector<16xi32>
          %select_n3A_1520 = arith.select %lt3A_1505, %scan3A_1437, %select_n3A_1519 : vector<16xi1>, vector<16xi32>
          %select_n3A_1521 = arith.select %lt3A_1505, %get3A_1504, %scan3A_1433 : vector<16xi1>, vector<16xf32>
          %select_n3A_1522 = arith.select %lt3A_1505, %scan3A_1449, %scan3A_1437 : vector<16xi1>, vector<16xi32>
          %add3A_1523 = arith.constant 0 : i32
          %add3A_1524 = arith.addi %mul3A_1451, %add3A_1523 : i32
          %get3A_1525 = arith.index_cast %add3A_1524 : i32 to index
          %get3A_1526 = arith.index_cast %add3A_1029 : i32 to index
          %get3A_1527 = tpu.vector_load %arg8[%get3A_1525, %get3A_1526] {strides = array<i32>} : memref<96x256xf32, #tpu.memory_space<vmem>>, vector<1x16xf32>,
          %get3A_1528 = vector.shape_cast %get3A_1527 : vector<1x16xf32> to vector<16xf32>
          %lt3A_1529 = arith.cmpf olt, %get3A_1528, %scan3A_1441 : vector<16xf32>
          %lt3A_1530 = arith.cmpf olt, %get3A_1528, %scan3A_1442 : vector<16xf32>
          %lt3A_1531 = arith.cmpf olt, %get3A_1528, %scan3A_1443 : vector<16xf32>
          %lt3A_1532 = arith.cmpf olt, %get3A_1528, %scan3A_1444 : vector<16xf32>
          %select_n3A_1533 = arith.select %lt3A_1532, %get3A_1528, %scan3A_1444 : vector<16xi1>, vector<16xf32>
          %select_n3A_1534 = arith.select %lt3A_1531, %scan3A_1443, %select_n3A_1533 : vector<16xi1>, vector<16xf32>
          %select_n3A_1535 = arith.select %lt3A_1532, %scan3A_1449, %scan3A_1448 : vector<16xi1>, vector<16xi32>
          %select_n3A_1536 = arith.select %lt3A_1531, %scan3A_1447, %select_n3A_1535 : vector<16xi1>, vector<16xi32>
          %select_n3A_1537 = arith.select %lt3A_1531, %get3A_1528, %scan3A_1443 : vector<16xi1>, vector<16xf32>
          %select_n3A_1538 = arith.select %lt3A_1530, %scan3A_1442, %select_n3A_1537 : vector<16xi1>, vector<16xf32>
          %select_n3A_1539 = arith.select %lt3A_1531, %scan3A_1449, %scan3A_1447 : vector<16xi1>, vector<16xi32>
          %select_n3A_1540 = arith.select %lt3A_1530, %scan3A_1446, %select_n3A_1539 : vector<16xi1>, vector<16xi32>
          %select_n3A_1541 = arith.select %lt3A_1530, %get3A_1528, %scan3A_1442 : vector<16xi1>, vector<16xf32>
          %select_n3A_1542 = arith.select %lt3A_1529, %scan3A_1441, %select_n3A_1541 : vector<16xi1>, vector<16xf32>
          %select_n3A_1543 = arith.select %lt3A_1530, %scan3A_1449, %scan3A_1446 : vector<16xi1>, vector<16xi32>
          %select_n3A_1544 = arith.select %lt3A_1529, %scan3A_1445, %select_n3A_1543 : vector<16xi1>, vector<16xi32>
          %select_n3A_1545 = arith.select %lt3A_1529, %get3A_1528, %scan3A_1441 : vector<16xi1>, vector<16xf32>
          %select_n3A_1546 = arith.select %lt3A_1529, %scan3A_1449, %scan3A_1445 : vector<16xi1>, vector<16xi32>
          %add3A_1547 = arith.constant 1 : i32
          %add3A_1548 = vector.broadcast %add3A_1547 : i32 to vector<16xi32>
          %add3A_1549 = arith.addi %scan3A_1449, %add3A_1548 : vector<16xi32>
          %add3A_1550 = arith.constant 1 : i32
          %add3A_1551 = arith.addi %mul3A_1451, %add3A_1550 : i32
          %get3A_1552 = arith.index_cast %add3A_1551 : i32 to index
          %get3A_1553 = arith.index_cast %add3A_1011 : i32 to index
          %get3A_1554 = tpu.vector_load %arg8[%get3A_1552, %get3A_1553] {strides = array<i32>} : memref<96x256xf32, #tpu.memory_space<vmem>>, vector<1x16xf32>,
          %get3A_1555 = vector.shape_cast %get3A_1554 : vector<1x16xf32> to vector<16xf32>
          %lt3A_1556 = arith.cmpf olt, %get3A_1555, %select_n3A_1473 : vector<16xf32>
          %lt3A_1557 = arith.cmpf olt, %get3A_1555, %select_n3A_1470 : vector<16xf32>
          %lt3A_1558 = arith.cmpf olt, %get3A_1555, %select_n3A_1466 : vector<16xf32>
          %lt3A_1559 = arith.cmpf olt, %get3A_1555, %select_n3A_1462 : vector<16xf32>
          %select_n3A_1560 = arith.select %lt3A_1559, %get3A_1555, %select_n3A_1462 : vector<16xi1>, vector<16xf32>
          %select_n3A_1561 = arith.select %lt3A_1558, %select_n3A_1466, %select_n3A_1560 : vector<16xi1>, vector<16xf32>
          %select_n3A_1562 = arith.select %lt3A_1559, %add3A_1549, %select_n3A_1464 : vector<16xi1>, vector<16xi32>
          %select_n3A_1563 = arith.select %lt3A_1558, %select_n3A_1468, %select_n3A_1562 : vector<16xi1>, vector<16xi32>
          %select_n3A_1564 = arith.select %lt3A_1558, %get3A_1555, %select_n3A_1466 : vector<16xi1>, vector<16xf32>
          %select_n3A_1565 = arith.select %lt3A_1557, %select_n3A_1470, %select_n3A_1564 : vector<16xi1>, vector<16xf32>
          %select_n3A_1566 = arith.select %lt3A_1558, %add3A_1549, %select_n3A_1468 : vector<16xi1>, vector<16xi32>
          %select_n3A_1567 = arith.select %lt3A_1557, %select_n3A_1472, %select_n3A_1566 : vector<16xi1>, vector<16xi32>
          %select_n3A_1568 = arith.select %lt3A_1557, %get3A_1555, %select_n3A_1470 : vector<16xi1>, vector<16xf32>
          %select_n3A_1569 = arith.select %lt3A_1556, %select_n3A_1473, %select_n3A_1568 : vector<16xi1>, vector<16xf32>
          %select_n3A_1570 = arith.select %lt3A_1557, %add3A_1549, %select_n3A_1472 : vector<16xi1>, vector<16xi32>
          %select_n3A_1571 = arith.select %lt3A_1556, %select_n3A_1474, %select_n3A_1570 : vector<16xi1>, vector<16xi32>
          %select_n3A_1572 = arith.select %lt3A_1556, %get3A_1555, %select_n3A_1473 : vector<16xi1>, vector<16xf32>
          %select_n3A_1573 = arith.select %lt3A_1556, %add3A_1549, %select_n3A_1474 : vector<16xi1>, vector<16xi32>
          %add3A_1574 = arith.constant 1 : i32
          %add3A_1575 = arith.addi %mul3A_1451, %add3A_1574 : i32
          %get3A_1576 = arith.index_cast %add3A_1575 : i32 to index
          %get3A_1577 = arith.index_cast %add3A_1017 : i32 to index
          %get3A_1578 = tpu.vector_load %arg8[%get3A_1576, %get3A_1577] {strides = array<i32>} : memref<96x256xf32, #tpu.memory_space<vmem>>, vector<1x16xf32>,
          %get3A_1579 = vector.shape_cast %get3A_1578 : vector<1x16xf32> to vector<16xf32>
          %lt3A_1580 = arith.cmpf olt, %get3A_1579, %select_n3A_1497 : vector<16xf32>
          %lt3A_1581 = arith.cmpf olt, %get3A_1579, %select_n3A_1494 : vector<16xf32>
          %lt3A_1582 = arith.cmpf olt, %get3A_1579, %select_n3A_1490 : vector<16xf32>
          %lt3A_1583 = arith.cmpf olt, %get3A_1579, %select_n3A_1486 : vector<16xf32>
          %select_n3A_1584 = arith.select %lt3A_1583, %get3A_1579, %select_n3A_1486 : vector<16xi1>, vector<16xf32>
          %select_n3A_1585 = arith.select %lt3A_1582, %select_n3A_1490, %select_n3A_1584 : vector<16xi1>, vector<16xf32>
          %select_n3A_1586 = arith.select %lt3A_1583, %add3A_1549, %select_n3A_1488 : vector<16xi1>, vector<16xi32>
          %select_n3A_1587 = arith.select %lt3A_1582, %select_n3A_1492, %select_n3A_1586 : vector<16xi1>, vector<16xi32>
          %select_n3A_1588 = arith.select %lt3A_1582, %get3A_1579, %select_n3A_1490 : vector<16xi1>, vector<16xf32>
          %select_n3A_1589 = arith.select %lt3A_1581, %select_n3A_1494, %select_n3A_1588 : vector<16xi1>, vector<16xf32>
          %select_n3A_1590 = arith.select %lt3A_1582, %add3A_1549, %select_n3A_1492 : vector<16xi1>, vector<16xi32>
          %select_n3A_1591 = arith.select %lt3A_1581, %select_n3A_1496, %select_n3A_1590 : vector<16xi1>, vector<16xi32>
          %select_n3A_1592 = arith.select %lt3A_1581, %get3A_1579, %select_n3A_1494 : vector<16xi1>, vector<16xf32>
          %select_n3A_1593 = arith.select %lt3A_1580, %select_n3A_1497, %select_n3A_1592 : vector<16xi1>, vector<16xf32>
          %select_n3A_1594 = arith.select %lt3A_1581, %add3A_1549, %select_n3A_1496 : vector<16xi1>, vector<16xi32>
          %select_n3A_1595 = arith.select %lt3A_1580, %select_n3A_1498, %select_n3A_1594 : vector<16xi1>, vector<16xi32>
          %select_n3A_1596 = arith.select %lt3A_1580, %get3A_1579, %select_n3A_1497 : vector<16xi1>, vector<16xf32>
          %select_n3A_1597 = arith.select %lt3A_1580, %add3A_1549, %select_n3A_1498 : vector<16xi1>, vector<16xi32>
          %add3A_1598 = arith.constant 1 : i32
          %add3A_1599 = arith.addi %mul3A_1451, %add3A_1598 : i32
          %get3A_1600 = arith.index_cast %add3A_1599 : i32 to index
          %get3A_1601 = arith.index_cast %add3A_1023 : i32 to index
          %get3A_1602 = tpu.vector_load %arg8[%get3A_1600, %get3A_1601] {strides = array<i32>} : memref<96x256xf32, #tpu.memory_space<vmem>>, vector<1x16xf32>,
          %get3A_1603 = vector.shape_cast %get3A_1602 : vector<1x16xf32> to vector<16xf32>
          %lt3A_1604 = arith.cmpf olt, %get3A_1603, %select_n3A_1521 : vector<16xf32>
          %lt3A_1605 = arith.cmpf olt, %get3A_1603, %select_n3A_1518 : vector<16xf32>
          %lt3A_1606 = arith.cmpf olt, %get3A_1603, %select_n3A_1514 : vector<16xf32>
          %lt3A_1607 = arith.cmpf olt, %get3A_1603, %select_n3A_1510 : vector<16xf32>
          %select_n3A_1608 = arith.select %lt3A_1607, %get3A_1603, %select_n3A_1510 : vector<16xi1>, vector<16xf32>
          %select_n3A_1609 = arith.select %lt3A_1606, %select_n3A_1514, %select_n3A_1608 : vector<16xi1>, vector<16xf32>
          %select_n3A_1610 = arith.select %lt3A_1607, %add3A_1549, %select_n3A_1512 : vector<16xi1>, vector<16xi32>
          %select_n3A_1611 = arith.select %lt3A_1606, %select_n3A_1516, %select_n3A_1610 : vector<16xi1>, vector<16xi32>
          %select_n3A_1612 = arith.select %lt3A_1606, %get3A_1603, %select_n3A_1514 : vector<16xi1>, vector<16xf32>
          %select_n3A_1613 = arith.select %lt3A_1605, %select_n3A_1518, %select_n3A_1612 : vector<16xi1>, vector<16xf32>
          %select_n3A_1614 = arith.select %lt3A_1606, %add3A_1549, %select_n3A_1516 : vector<16xi1>, vector<16xi32>
          %select_n3A_1615 = arith.select %lt3A_1605, %select_n3A_1520, %select_n3A_1614 : vector<16xi1>, vector<16xi32>
          %select_n3A_1616 = arith.select %lt3A_1605, %get3A_1603, %select_n3A_1518 : vector<16xi1>, vector<16xf32>
          %select_n3A_1617 = arith.select %lt3A_1604, %select_n3A_1521, %select_n3A_1616 : vector<16xi1>, vector<16xf32>
          %select_n3A_1618 = arith.select %lt3A_1605, %add3A_1549, %select_n3A_1520 : vector<16xi1>, vector<16xi32>
          %select_n3A_1619 = arith.select %lt3A_1604, %select_n3A_1522, %select_n3A_1618 : vector<16xi1>, vector<16xi32>
          %select_n3A_1620 = arith.select %lt3A_1604, %get3A_1603, %select_n3A_1521 : vector<16xi1>, vector<16xf32>
          %select_n3A_1621 = arith.select %lt3A_1604, %add3A_1549, %select_n3A_1522 : vector<16xi1>, vector<16xi32>
          %add3A_1622 = arith.constant 1 : i32
          %add3A_1623 = arith.addi %mul3A_1451, %add3A_1622 : i32
          %get3A_1624 = arith.index_cast %add3A_1623 : i32 to index
          %get3A_1625 = arith.index_cast %add3A_1029 : i32 to index
          %get3A_1626 = tpu.vector_load %arg8[%get3A_1624, %get3A_1625] {strides = array<i32>} : memref<96x256xf32, #tpu.memory_space<vmem>>, vector<1x16xf32>,
          %get3A_1627 = vector.shape_cast %get3A_1626 : vector<1x16xf32> to vector<16xf32>
          %lt3A_1628 = arith.cmpf olt, %get3A_1627, %select_n3A_1545 : vector<16xf32>
          %lt3A_1629 = arith.cmpf olt, %get3A_1627, %select_n3A_1542 : vector<16xf32>
          %lt3A_1630 = arith.cmpf olt, %get3A_1627, %select_n3A_1538 : vector<16xf32>
          %lt3A_1631 = arith.cmpf olt, %get3A_1627, %select_n3A_1534 : vector<16xf32>
          %select_n3A_1632 = arith.select %lt3A_1631, %get3A_1627, %select_n3A_1534 : vector<16xi1>, vector<16xf32>
          %select_n3A_1633 = arith.select %lt3A_1630, %select_n3A_1538, %select_n3A_1632 : vector<16xi1>, vector<16xf32>
          %select_n3A_1634 = arith.select %lt3A_1631, %add3A_1549, %select_n3A_1536 : vector<16xi1>, vector<16xi32>
          %select_n3A_1635 = arith.select %lt3A_1630, %select_n3A_1540, %select_n3A_1634 : vector<16xi1>, vector<16xi32>
          %select_n3A_1636 = arith.select %lt3A_1630, %get3A_1627, %select_n3A_1538 : vector<16xi1>, vector<16xf32>
          %select_n3A_1637 = arith.select %lt3A_1629, %select_n3A_1542, %select_n3A_1636 : vector<16xi1>, vector<16xf32>
          %select_n3A_1638 = arith.select %lt3A_1630, %add3A_1549, %select_n3A_1540 : vector<16xi1>, vector<16xi32>
          %select_n3A_1639 = arith.select %lt3A_1629, %select_n3A_1544, %select_n3A_1638 : vector<16xi1>, vector<16xi32>
          %select_n3A_1640 = arith.select %lt3A_1629, %get3A_1627, %select_n3A_1542 : vector<16xi1>, vector<16xf32>
          %select_n3A_1641 = arith.select %lt3A_1628, %select_n3A_1545, %select_n3A_1640 : vector<16xi1>, vector<16xf32>
          %select_n3A_1642 = arith.select %lt3A_1629, %add3A_1549, %select_n3A_1544 : vector<16xi1>, vector<16xi32>
          %select_n3A_1643 = arith.select %lt3A_1628, %select_n3A_1546, %select_n3A_1642 : vector<16xi1>, vector<16xi32>
          %select_n3A_1644 = arith.select %lt3A_1628, %get3A_1627, %select_n3A_1545 : vector<16xi1>, vector<16xf32>
          %select_n3A_1645 = arith.select %lt3A_1628, %add3A_1549, %select_n3A_1546 : vector<16xi1>, vector<16xi32>
          %add3A_1646 = arith.constant 1 : i32
          %add3A_1647 = vector.broadcast %add3A_1646 : i32 to vector<16xi32>
          %add3A_1648 = arith.addi %add3A_1549, %add3A_1647 : vector<16xi32>
          scf.yield %select_n3A_1572, %select_n3A_1569, %select_n3A_1565, %select_n3A_1561, %select_n3A_1573, %select_n3A_1571, %select_n3A_1567, %select_n3A_1563, %select_n3A_1596, %select_n3A_1593, %select_n3A_1589, %select_n3A_1585, %select_n3A_1597, %select_n3A_1595, %select_n3A_1591, %select_n3A_1587, %select_n3A_1620, %select_n3A_1617, %select_n3A_1613, %select_n3A_1609, %select_n3A_1621, %select_n3A_1619, %select_n3A_1615, %select_n3A_1611, %select_n3A_1644, %select_n3A_1641, %select_n3A_1637, %select_n3A_1633, %select_n3A_1645, %select_n3A_1643, %select_n3A_1639, %select_n3A_1635, %add3A_1648 : vector<16xf32>, vector<16xf32>, vector<16xf32>, vector<16xf32>, vector<16xi32>, vector<16xi32>, vector<16xi32>, vector<16xi32>, vector<16xf32>, vector<16xf32>, vector<16xf32>, vector<16xf32>, vector<16xi32>, vector<16xi32>, vector<16xi32>, vector<16xi32>, vector<16xf32>, vector<16xf32>, vector<16xf32>, vector<16xf32>, vector<16xi32>, vector<16xi32>, vector<16xi32>, vector<16xi32>, vector<16xf32>, vector<16xf32>, vector<16xf32>, vector<16xf32>, vector<16xi32>, vector<16xi32>, vector<16xi32>, vector<16xi32>, vector<16xi32>
        }
        %scan3A_1222 = arith.constant 48 : i32
        %add3A_1223 = arith.constant 0 : i32
        %add3A_1224 = arith.addi %add3A_1035, %add3A_1223 : i32
        %swap3A_1225 = arith.index_cast %add3A_1224 : i32 to index
        %swap3A_1226 = tpu.vector_load %arg10[%swap3A_1225] {strides = array<i32>} : memref<1024xf32, #tpu.memory_space<vmem>>, vector<16xf32>,
        %swap3A_1227 = vector.shape_cast %swap3A_1226 : vector<16xf32> to vector<16xf32>
        %swap3A_1228 = vector.shape_cast %scan3A_1221#0 : vector<16xf32> to vector<16xf32>
        tpu.vector_store %arg10[%swap3A_1225], %swap3A_1228 {strides = array<i32>} : memref<1024xf32, #tpu.memory_space<vmem>>, vector<16xf32>,
        %add3A_1229 = arith.constant 0 : i32
        %add3A_1230 = arith.addi %add3A_1035, %add3A_1229 : i32
        %swap3A_1231 = arith.index_cast %add3A_1230 : i32 to index
        %swap3A_1232 = tpu.vector_load %arg11[%swap3A_1231] {strides = array<i32>} : memref<1024xi32, #tpu.memory_space<vmem>>, vector<16xi32>,
        %swap3A_1233 = vector.shape_cast %swap3A_1232 : vector<16xi32> to vector<16xi32>
        %swap3A_1234 = vector.shape_cast %scan3A_1221#4 : vector<16xi32> to vector<16xi32>
        tpu.vector_store %arg11[%swap3A_1231], %swap3A_1234 {strides = array<i32>} : memref<1024xi32, #tpu.memory_space<vmem>>, vector<16xi32>,
        %add3A_1235 = arith.constant 16 : i32
        %add3A_1236 = arith.addi %add3A_1035, %add3A_1235 : i32
        %swap3A_1237 = arith.index_cast %add3A_1236 : i32 to index
        %swap3A_1238 = tpu.vector_load %arg10[%swap3A_1237] {strides = array<i32>} : memref<1024xf32, #tpu.memory_space<vmem>>, vector<16xf32>,
        %swap3A_1239 = vector.shape_cast %swap3A_1238 : vector<16xf32> to vector<16xf32>
        %swap3A_1240 = vector.shape_cast %scan3A_1221#1 : vector<16xf32> to vector<16xf32>
        tpu.vector_store %arg10[%swap3A_1237], %swap3A_1240 {strides = array<i32>} : memref<1024xf32, #tpu.memory_space<vmem>>, vector<16xf32>,
        %add3A_1241 = arith.constant 16 : i32
        %add3A_1242 = arith.addi %add3A_1035, %add3A_1241 : i32
        %swap3A_1243 = arith.index_cast %add3A_1242 : i32 to index
        %swap3A_1244 = tpu.vector_load %arg11[%swap3A_1243] {strides = array<i32>} : memref<1024xi32, #tpu.memory_space<vmem>>, vector<16xi32>,
        %swap3A_1245 = vector.shape_cast %swap3A_1244 : vector<16xi32> to vector<16xi32>
        %swap3A_1246 = vector.shape_cast %scan3A_1221#5 : vector<16xi32> to vector<16xi32>
        tpu.vector_store %arg11[%swap3A_1243], %swap3A_1246 {strides = array<i32>} : memref<1024xi32, #tpu.memory_space<vmem>>, vector<16xi32>,
        %add3A_1247 = arith.constant 32 : i32
        %add3A_1248 = arith.addi %add3A_1035, %add3A_1247 : i32
        %swap3A_1249 = arith.index_cast %add3A_1248 : i32 to index
        %swap3A_1250 = tpu.vector_load %arg10[%swap3A_1249] {strides = array<i32>} : memref<1024xf32, #tpu.memory_space<vmem>>, vector<16xf32>,
        %swap3A_1251 = vector.shape_cast %swap3A_1250 : vector<16xf32> to vector<16xf32>
        %swap3A_1252 = vector.shape_cast %scan3A_1221#2 : vector<16xf32> to vector<16xf32>
        tpu.vector_store %arg10[%swap3A_1249], %swap3A_1252 {strides = array<i32>} : memref<1024xf32, #tpu.memory_space<vmem>>, vector<16xf32>,
        %add3A_1253 = arith.constant 32 : i32
        %add3A_1254 = arith.addi %add3A_1035, %add3A_1253 : i32
        %swap3A_1255 = arith.index_cast %add3A_1254 : i32 to index
        %swap3A_1256 = tpu.vector_load %arg11[%swap3A_1255] {strides = array<i32>} : memref<1024xi32, #tpu.memory_space<vmem>>, vector<16xi32>,
        %swap3A_1257 = vector.shape_cast %swap3A_1256 : vector<16xi32> to vector<16xi32>
        %swap3A_1258 = vector.shape_cast %scan3A_1221#6 : vector<16xi32> to vector<16xi32>
        tpu.vector_store %arg11[%swap3A_1255], %swap3A_1258 {strides = array<i32>} : memref<1024xi32, #tpu.memory_space<vmem>>, vector<16xi32>,
        %add3A_1259 = arith.constant 48 : i32
        %add3A_1260 = arith.addi %add3A_1035, %add3A_1259 : i32
        %swap3A_1261 = arith.index_cast %add3A_1260 : i32 to index
        %swap3A_1262 = tpu.vector_load %arg10[%swap3A_1261] {strides = array<i32>} : memref<1024xf32, #tpu.memory_space<vmem>>, vector<16xf32>,
        %swap3A_1263 = vector.shape_cast %swap3A_1262 : vector<16xf32> to vector<16xf32>
        %swap3A_1264 = vector.shape_cast %scan3A_1221#3 : vector<16xf32> to vector<16xf32>
        tpu.vector_store %arg10[%swap3A_1261], %swap3A_1264 {strides = array<i32>} : memref<1024xf32, #tpu.memory_space<vmem>>, vector<16xf32>,
        %add3A_1265 = arith.constant 48 : i32
        %add3A_1266 = arith.addi %add3A_1035, %add3A_1265 : i32
        %swap3A_1267 = arith.index_cast %add3A_1266 : i32 to index
        %swap3A_1268 = tpu.vector_load %arg11[%swap3A_1267] {strides = array<i32>} : memref<1024xi32, #tpu.memory_space<vmem>>, vector<16xi32>,
        %swap3A_1269 = vector.shape_cast %swap3A_1268 : vector<16xi32> to vector<16xi32>
        %swap3A_1270 = vector.shape_cast %scan3A_1221#7 : vector<16xi32> to vector<16xi32>
        tpu.vector_store %arg11[%swap3A_1267], %swap3A_1270 {strides = array<i32>} : memref<1024xi32, #tpu.memory_space<vmem>>, vector<16xi32>,
        %add3A_1271 = arith.constant 0 : i32
        %add3A_1272 = arith.addi %add3A_1041, %add3A_1271 : i32
        %swap3A_1273 = arith.index_cast %add3A_1272 : i32 to index
        %swap3A_1274 = tpu.vector_load %arg10[%swap3A_1273] {strides = array<i32>} : memref<1024xf32, #tpu.memory_space<vmem>>, vector<16xf32>,
        %swap3A_1275 = vector.shape_cast %swap3A_1274 : vector<16xf32> to vector<16xf32>
        %swap3A_1276 = vector.shape_cast %scan3A_1221#8 : vector<16xf32> to vector<16xf32>
        tpu.vector_store %arg10[%swap3A_1273], %swap3A_1276 {strides = array<i32>} : memref<1024xf32, #tpu.memory_space<vmem>>, vector<16xf32>,
        %add3A_1277 = arith.constant 0 : i32
        %add3A_1278 = arith.addi %add3A_1041, %add3A_1277 : i32
        %swap3A_1279 = arith.index_cast %add3A_1278 : i32 to index
        %swap3A_1280 = tpu.vector_load %arg11[%swap3A_1279] {strides = array<i32>} : memref<1024xi32, #tpu.memory_space<vmem>>, vector<16xi32>,
        %swap3A_1281 = vector.shape_cast %swap3A_1280 : vector<16xi32> to vector<16xi32>
        %swap3A_1282 = vector.shape_cast %scan3A_1221#12 : vector<16xi32> to vector<16xi32>
        tpu.vector_store %arg11[%swap3A_1279], %swap3A_1282 {strides = array<i32>} : memref<1024xi32, #tpu.memory_space<vmem>>, vector<16xi32>,
        %add3A_1283 = arith.constant 16 : i32
        %add3A_1284 = arith.addi %add3A_1041, %add3A_1283 : i32
        %swap3A_1285 = arith.index_cast %add3A_1284 : i32 to index
        %swap3A_1286 = tpu.vector_load %arg10[%swap3A_1285] {strides = array<i32>} : memref<1024xf32, #tpu.memory_space<vmem>>, vector<16xf32>,
        %swap3A_1287 = vector.shape_cast %swap3A_1286 : vector<16xf32> to vector<16xf32>
        %swap3A_1288 = vector.shape_cast %scan3A_1221#9 : vector<16xf32> to vector<16xf32>
        tpu.vector_store %arg10[%swap3A_1285], %swap3A_1288 {strides = array<i32>} : memref<1024xf32, #tpu.memory_space<vmem>>, vector<16xf32>,
        %add3A_1289 = arith.constant 16 : i32
        %add3A_1290 = arith.addi %add3A_1041, %add3A_1289 : i32
        %swap3A_1291 = arith.index_cast %add3A_1290 : i32 to index
        %swap3A_1292 = tpu.vector_load %arg11[%swap3A_1291] {strides = array<i32>} : memref<1024xi32, #tpu.memory_space<vmem>>, vector<16xi32>,
        %swap3A_1293 = vector.shape_cast %swap3A_1292 : vector<16xi32> to vector<16xi32>
        %swap3A_1294 = vector.shape_cast %scan3A_1221#13 : vector<16xi32> to vector<16xi32>
        tpu.vector_store %arg11[%swap3A_1291], %swap3A_1294 {strides = array<i32>} : memref<1024xi32, #tpu.memory_space<vmem>>, vector<16xi32>,
        %add3A_1295 = arith.constant 32 : i32
        %add3A_1296 = arith.addi %add3A_1041, %add3A_1295 : i32
        %swap3A_1297 = arith.index_cast %add3A_1296 : i32 to index
        %swap3A_1298 = tpu.vector_load %arg10[%swap3A_1297] {strides = array<i32>} : memref<1024xf32, #tpu.memory_space<vmem>>, vector<16xf32>,
        %swap3A_1299 = vector.shape_cast %swap3A_1298 : vector<16xf32> to vector<16xf32>
        %swap3A_1300 = vector.shape_cast %scan3A_1221#10 : vector<16xf32> to vector<16xf32>
        tpu.vector_store %arg10[%swap3A_1297], %swap3A_1300 {strides = array<i32>} : memref<1024xf32, #tpu.memory_space<vmem>>, vector<16xf32>,
        %add3A_1301 = arith.constant 32 : i32
        %add3A_1302 = arith.addi %add3A_1041, %add3A_1301 : i32
        %swap3A_1303 = arith.index_cast %add3A_1302 : i32 to index
        %swap3A_1304 = tpu.vector_load %arg11[%swap3A_1303] {strides = array<i32>} : memref<1024xi32, #tpu.memory_space<vmem>>, vector<16xi32>,
        %swap3A_1305 = vector.shape_cast %swap3A_1304 : vector<16xi32> to vector<16xi32>
        %swap3A_1306 = vector.shape_cast %scan3A_1221#14 : vector<16xi32> to vector<16xi32>
        tpu.vector_store %arg11[%swap3A_1303], %swap3A_1306 {strides = array<i32>} : memref<1024xi32, #tpu.memory_space<vmem>>, vector<16xi32>,
        %add3A_1307 = arith.constant 48 : i32
        %add3A_1308 = arith.addi %add3A_1041, %add3A_1307 : i32
        %swap3A_1309 = arith.index_cast %add3A_1308 : i32 to index
        %swap3A_1310 = tpu.vector_load %arg10[%swap3A_1309] {strides = array<i32>} : memref<1024xf32, #tpu.memory_space<vmem>>, vector<16xf32>,
        %swap3A_1311 = vector.shape_cast %swap3A_1310 : vector<16xf32> to vector<16xf32>
        %swap3A_1312 = vector.shape_cast %scan3A_1221#11 : vector<16xf32> to vector<16xf32>
        tpu.vector_store %arg10[%swap3A_1309], %swap3A_1312 {strides = array<i32>} : memref<1024xf32, #tpu.memory_space<vmem>>, vector<16xf32>,
        %add3A_1313 = arith.constant 48 : i32
        %add3A_1314 = arith.addi %add3A_1041, %add3A_1313 : i32
        %swap3A_1315 = arith.index_cast %add3A_1314 : i32 to index
        %swap3A_1316 = tpu.vector_load %arg11[%swap3A_1315] {strides = array<i32>} : memref<1024xi32, #tpu.memory_space<vmem>>, vector<16xi32>,
        %swap3A_1317 = vector.shape_cast %swap3A_1316 : vector<16xi32> to vector<16xi32>
        %swap3A_1318 = vector.shape_cast %scan3A_1221#15 : vector<16xi32> to vector<16xi32>
        tpu.vector_store %arg11[%swap3A_1315], %swap3A_1318 {strides = array<i32>} : memref<1024xi32, #tpu.memory_space<vmem>>, vector<16xi32>,
        %add3A_1319 = arith.constant 0 : i32
        %add3A_1320 = arith.addi %add3A_1047, %add3A_1319 : i32
        %swap3A_1321 = arith.index_cast %add3A_1320 : i32 to index
        %swap3A_1322 = tpu.vector_load %arg10[%swap3A_1321] {strides = array<i32>} : memref<1024xf32, #tpu.memory_space<vmem>>, vector<16xf32>,
        %swap3A_1323 = vector.shape_cast %swap3A_1322 : vector<16xf32> to vector<16xf32>
        %swap3A_1324 = vector.shape_cast %scan3A_1221#16 : vector<16xf32> to vector<16xf32>
        tpu.vector_store %arg10[%swap3A_1321], %swap3A_1324 {strides = array<i32>} : memref<1024xf32, #tpu.memory_space<vmem>>, vector<16xf32>,
        %add3A_1325 = arith.constant 0 : i32
        %add3A_1326 = arith.addi %add3A_1047, %add3A_1325 : i32
        %swap3A_1327 = arith.index_cast %add3A_1326 : i32 to index
        %swap3A_1328 = tpu.vector_load %arg11[%swap3A_1327] {strides = array<i32>} : memref<1024xi32, #tpu.memory_space<vmem>>, vector<16xi32>,
        %swap3A_1329 = vector.shape_cast %swap3A_1328 : vector<16xi32> to vector<16xi32>
        %swap3A_1330 = vector.shape_cast %scan3A_1221#20 : vector<16xi32> to vector<16xi32>
        tpu.vector_store %arg11[%swap3A_1327], %swap3A_1330 {strides = array<i32>} : memref<1024xi32, #tpu.memory_space<vmem>>, vector<16xi32>,
        %add3A_1331 = arith.constant 16 : i32
        %add3A_1332 = arith.addi %add3A_1047, %add3A_1331 : i32
        %swap3A_1333 = arith.index_cast %add3A_1332 : i32 to index
        %swap3A_1334 = tpu.vector_load %arg10[%swap3A_1333] {strides = array<i32>} : memref<1024xf32, #tpu.memory_space<vmem>>, vector<16xf32>,
        %swap3A_1335 = vector.shape_cast %swap3A_1334 : vector<16xf32> to vector<16xf32>
        %swap3A_1336 = vector.shape_cast %scan3A_1221#17 : vector<16xf32> to vector<16xf32>
        tpu.vector_store %arg10[%swap3A_1333], %swap3A_1336 {strides = array<i32>} : memref<1024xf32, #tpu.memory_space<vmem>>, vector<16xf32>,
        %add3A_1337 = arith.constant 16 : i32
        %add3A_1338 = arith.addi %add3A_1047, %add3A_1337 : i32
        %swap3A_1339 = arith.index_cast %add3A_1338 : i32 to index
        %swap3A_1340 = tpu.vector_load %arg11[%swap3A_1339] {strides = array<i32>} : memref<1024xi32, #tpu.memory_space<vmem>>, vector<16xi32>,
        %swap3A_1341 = vector.shape_cast %swap3A_1340 : vector<16xi32> to vector<16xi32>
        %swap3A_1342 = vector.shape_cast %scan3A_1221#21 : vector<16xi32> to vector<16xi32>
        tpu.vector_store %arg11[%swap3A_1339], %swap3A_1342 {strides = array<i32>} : memref<1024xi32, #tpu.memory_space<vmem>>, vector<16xi32>,
        %add3A_1343 = arith.constant 32 : i32
        %add3A_1344 = arith.addi %add3A_1047, %add3A_1343 : i32
        %swap3A_1345 = arith.index_cast %add3A_1344 : i32 to index
        %swap3A_1346 = tpu.vector_load %arg10[%swap3A_1345] {strides = array<i32>} : memref<1024xf32, #tpu.memory_space<vmem>>, vector<16xf32>,
        %swap3A_1347 = vector.shape_cast %swap3A_1346 : vector<16xf32> to vector<16xf32>
        %swap3A_1348 = vector.shape_cast %scan3A_1221#18 : vector<16xf32> to vector<16xf32>
        tpu.vector_store %arg10[%swap3A_1345], %swap3A_1348 {strides = array<i32>} : memref<1024xf32, #tpu.memory_space<vmem>>, vector<16xf32>,
        %add3A_1349 = arith.constant 32 : i32
        %add3A_1350 = arith.addi %add3A_1047, %add3A_1349 : i32
        %swap3A_1351 = arith.index_cast %add3A_1350 : i32 to index
        %swap3A_1352 = tpu.vector_load %arg11[%swap3A_1351] {strides = array<i32>} : memref<1024xi32, #tpu.memory_space<vmem>>, vector<16xi32>,
        %swap3A_1353 = vector.shape_cast %swap3A_1352 : vector<16xi32> to vector<16xi32>
        %swap3A_1354 = vector.shape_cast %scan3A_1221#22 : vector<16xi32> to vector<16xi32>
        tpu.vector_store %arg11[%swap3A_1351], %swap3A_1354 {strides = array<i32>} : memref<1024xi32, #tpu.memory_space<vmem>>, vector<16xi32>,
        %add3A_1355 = arith.constant 48 : i32
        %add3A_1356 = arith.addi %add3A_1047, %add3A_1355 : i32
        %swap3A_1357 = arith.index_cast %add3A_1356 : i32 to index
        %swap3A_1358 = tpu.vector_load %arg10[%swap3A_1357] {strides = array<i32>} : memref<1024xf32, #tpu.memory_space<vmem>>, vector<16xf32>,
        %swap3A_1359 = vector.shape_cast %swap3A_1358 : vector<16xf32> to vector<16xf32>
        %swap3A_1360 = vector.shape_cast %scan3A_1221#19 : vector<16xf32> to vector<16xf32>
        tpu.vector_store %arg10[%swap3A_1357], %swap3A_1360 {strides = array<i32>} : memref<1024xf32, #tpu.memory_space<vmem>>, vector<16xf32>,
        %add3A_1361 = arith.constant 48 : i32
        %add3A_1362 = arith.addi %add3A_1047, %add3A_1361 : i32
        %swap3A_1363 = arith.index_cast %add3A_1362 : i32 to index
        %swap3A_1364 = tpu.vector_load %arg11[%swap3A_1363] {strides = array<i32>} : memref<1024xi32, #tpu.memory_space<vmem>>, vector<16xi32>,
        %swap3A_1365 = vector.shape_cast %swap3A_1364 : vector<16xi32> to vector<16xi32>
        %swap3A_1366 = vector.shape_cast %scan3A_1221#23 : vector<16xi32> to vector<16xi32>
        tpu.vector_store %arg11[%swap3A_1363], %swap3A_1366 {strides = array<i32>} : memref<1024xi32, #tpu.memory_space<vmem>>, vector<16xi32>,
        %add3A_1367 = arith.constant 0 : i32
        %add3A_1368 = arith.addi %add3A_1053, %add3A_1367 : i32
        %swap3A_1369 = arith.index_cast %add3A_1368 : i32 to index
        %swap3A_1370 = tpu.vector_load %arg10[%swap3A_1369] {strides = array<i32>} : memref<1024xf32, #tpu.memory_space<vmem>>, vector<16xf32>,
        %swap3A_1371 = vector.shape_cast %swap3A_1370 : vector<16xf32> to vector<16xf32>
        %swap3A_1372 = vector.shape_cast %scan3A_1221#24 : vector<16xf32> to vector<16xf32>
        tpu.vector_store %arg10[%swap3A_1369], %swap3A_1372 {strides = array<i32>} : memref<1024xf32, #tpu.memory_space<vmem>>, vector<16xf32>,
        %add3A_1373 = arith.constant 0 : i32
        %add3A_1374 = arith.addi %add3A_1053, %add3A_1373 : i32
        %swap3A_1375 = arith.index_cast %add3A_1374 : i32 to index
        %swap3A_1376 = tpu.vector_load %arg11[%swap3A_1375] {strides = array<i32>} : memref<1024xi32, #tpu.memory_space<vmem>>, vector<16xi32>,
        %swap3A_1377 = vector.shape_cast %swap3A_1376 : vector<16xi32> to vector<16xi32>
        %swap3A_1378 = vector.shape_cast %scan3A_1221#28 : vector<16xi32> to vector<16xi32>
        tpu.vector_store %arg11[%swap3A_1375], %swap3A_1378 {strides = array<i32>} : memref<1024xi32, #tpu.memory_space<vmem>>, vector<16xi32>,
        %add3A_1379 = arith.constant 16 : i32
        %add3A_1380 = arith.addi %add3A_1053, %add3A_1379 : i32
        %swap3A_1381 = arith.index_cast %add3A_1380 : i32 to index
        %swap3A_1382 = tpu.vector_load %arg10[%swap3A_1381] {strides = array<i32>} : memref<1024xf32, #tpu.memory_space<vmem>>, vector<16xf32>,
        %swap3A_1383 = vector.shape_cast %swap3A_1382 : vector<16xf32> to vector<16xf32>
        %swap3A_1384 = vector.shape_cast %scan3A_1221#25 : vector<16xf32> to vector<16xf32>
        tpu.vector_store %arg10[%swap3A_1381], %swap3A_1384 {strides = array<i32>} : memref<1024xf32, #tpu.memory_space<vmem>>, vector<16xf32>,
        %add3A_1385 = arith.constant 16 : i32
        %add3A_1386 = arith.addi %add3A_1053, %add3A_1385 : i32
        %swap3A_1387 = arith.index_cast %add3A_1386 : i32 to index
        %swap3A_1388 = tpu.vector_load %arg11[%swap3A_1387] {strides = array<i32>} : memref<1024xi32, #tpu.memory_space<vmem>>, vector<16xi32>,
        %swap3A_1389 = vector.shape_cast %swap3A_1388 : vector<16xi32> to vector<16xi32>
        %swap3A_1390 = vector.shape_cast %scan3A_1221#29 : vector<16xi32> to vector<16xi32>
        tpu.vector_store %arg11[%swap3A_1387], %swap3A_1390 {strides = array<i32>} : memref<1024xi32, #tpu.memory_space<vmem>>, vector<16xi32>,
        %add3A_1391 = arith.constant 32 : i32
        %add3A_1392 = arith.addi %add3A_1053, %add3A_1391 : i32
        %swap3A_1393 = arith.index_cast %add3A_1392 : i32 to index
        %swap3A_1394 = tpu.vector_load %arg10[%swap3A_1393] {strides = array<i32>} : memref<1024xf32, #tpu.memory_space<vmem>>, vector<16xf32>,
        %swap3A_1395 = vector.shape_cast %swap3A_1394 : vector<16xf32> to vector<16xf32>
        %swap3A_1396 = vector.shape_cast %scan3A_1221#26 : vector<16xf32> to vector<16xf32>
        tpu.vector_store %arg10[%swap3A_1393], %swap3A_1396 {strides = array<i32>} : memref<1024xf32, #tpu.memory_space<vmem>>, vector<16xf32>,
        %add3A_1397 = arith.constant 32 : i32
        %add3A_1398 = arith.addi %add3A_1053, %add3A_1397 : i32
        %swap3A_1399 = arith.index_cast %add3A_1398 : i32 to index
        %swap3A_1400 = tpu.vector_load %arg11[%swap3A_1399] {strides = array<i32>} : memref<1024xi32, #tpu.memory_space<vmem>>, vector<16xi32>,
        %swap3A_1401 = vector.shape_cast %swap3A_1400 : vector<16xi32> to vector<16xi32>
        %swap3A_1402 = vector.shape_cast %scan3A_1221#30 : vector<16xi32> to vector<16xi32>
        tpu.vector_store %arg11[%swap3A_1399], %swap3A_1402 {strides = array<i32>} : memref<1024xi32, #tpu.memory_space<vmem>>, vector<16xi32>,
        %add3A_1403 = arith.constant 48 : i32
        %add3A_1404 = arith.addi %add3A_1053, %add3A_1403 : i32
        %swap3A_1405 = arith.index_cast %add3A_1404 : i32 to index
        %swap3A_1406 = tpu.vector_load %arg10[%swap3A_1405] {strides = array<i32>} : memref<1024xf32, #tpu.memory_space<vmem>>, vector<16xf32>,
        %swap3A_1407 = vector.shape_cast %swap3A_1406 : vector<16xf32> to vector<16xf32>
        %swap3A_1408 = vector.shape_cast %scan3A_1221#27 : vector<16xf32> to vector<16xf32>
        tpu.vector_store %arg10[%swap3A_1405], %swap3A_1408 {strides = array<i32>} : memref<1024xf32, #tpu.memory_space<vmem>>, vector<16xf32>,
        %add3A_1409 = arith.constant 48 : i32
        %add3A_1410 = arith.addi %add3A_1053, %add3A_1409 : i32
        %swap3A_1411 = arith.index_cast %add3A_1410 : i32 to index
        %swap3A_1412 = tpu.vector_load %arg11[%swap3A_1411] {strides = array<i32>} : memref<1024xi32, #tpu.memory_space<vmem>>, vector<16xi32>,
        %swap3A_1413 = vector.shape_cast %swap3A_1412 : vector<16xi32> to vector<16xi32>
        %swap3A_1414 = vector.shape_cast %scan3A_1221#31 : vector<16xi32> to vector<16xi32>
        tpu.vector_store %arg11[%swap3A_1411], %swap3A_1414 {strides = array<i32>} : memref<1024xi32, #tpu.memory_space<vmem>>, vector<16xi32>,
        %scan3A_1415 = arith.constant 0 : i32
        scf.yield %scan3A_1415 : i32
      }
      %scan3A_991 = arith.constant 4 : i32
      %add3A_992 = arith.constant 3 : i32
      %add3A_993 = arith.addi %mul3A_965, %add3A_992 : i32
      %lt3A_994 = arith.constant 72 : i32
      %lt3A_995 = arith.cmpi slt, %add3A_993, %lt3A_994 : i32
      %convert_element_type3A_996 = arith.extui %lt3A_995 : i1 to i32
      %cond3A_997 = arith.constant 0 : i32
      %cond3A_998 = arith.cmpi ne, %convert_element_type3A_996, %cond3A_997 : i32
      scf.if %cond3A_998 {
        %add3A_1000 = arith.constant 3 : i32
        %add3A_1001 = arith.addi %mul3A_965, %add3A_1000 : i32
        %mul3A_1002 = arith.constant 96 : i32
        %mul3A_1003 = arith.muli %add3A_1001, %mul3A_1002 : i32
        %dma_start3A_1004 = tpu.memref_slice %arg2[%mul3A_1003, %mul3A_2] : memref<6912x8192xf32, #tpu.memory_space<hbm>> -> memref<96x256xf32, #tpu.memory_space<hbm>>
        %dma_start3A_1005 = tpu.memref_slice %arg2[%mul3A_1003, %mul3A_2] : memref<6912x8192xf32, #tpu.memory_space<hbm>> -> memref<96x256xf32, #tpu.memory_space<hbm>>
        tpu.enqueue_dma source(%dma_start3A_1005 : memref<96x256xf32, #tpu.memory_space<hbm>>) target(%arg8 : memref<96x256xf32, #tpu.memory_space<vmem>>) target_semaphore(%arg18 : memref<!tpu.dma_semaphore, #tpu.memory_space<semaphore_mem>>)
      } else {
      }
      %scan3A_999 = arith.constant 0 : i32
      scf.yield %scan3A_999 : i32
    }
    %scan3A_781 = arith.constant 36 : i32
    %scan3A_782 = arith.constant 0 : i32
    %scan3A_783 = arith.constant 0 : i32
    %scan3A_784 = arith.constant 16 : i32
    %scan3A_785 = arith.addi %scan3A_783, %scan3A_784 : i32
    %scan3A_786 = arith.constant 1 : i32
    %scan3A_787 = scf.for %scan3A_962 = %scan3A_783 to %scan3A_785 step %scan3A_786 iter_args(%scan3A_963 = %scan3A_782) -> (i32)  : i32 {
      %mul3A_964 = arith.constant 4 : i32
      %mul3A_965 = arith.muli %scan3A_962, %mul3A_964 : i32
      %add3A_966 = arith.constant 0 : i32
      %add3A_967 = arith.addi %mul3A_965, %add3A_966 : i32
      %mul3A_968 = arith.constant 16 : i32
      %mul3A_969 = arith.muli %add3A_967, %mul3A_968 : i32
      %get3A = arith.index_cast %mul3A_969 : i32 to index
      %get3A_970 = tpu.vector_load %arg10[%get3A] {strides = array<i32>} : memref<1024xf32, #tpu.memory_space<vmem>>, vector<16xf32>,
      %get3A_971 = vector.shape_cast %get3A_970 : vector<16xf32> to vector<16xf32>
      %bitcast_convert_type3A = tpu.bitcast %get3A_971 : vector<16xf32> -> vector<16xi32>
      %shift_right_arithmetic3A = arith.constant 1 : i32
      %shift_right_arithmetic3A_972 = vector.broadcast %shift_right_arithmetic3A : i32 to vector<16xi32>
      %shift_right_arithmetic3A_973 = arith.shrsi %bitcast_convert_type3A, %shift_right_arithmetic3A_972 : vector<16xi32>
      %add3A_974 = arith.constant 532487669 : i32
      %add3A_975 = vector.broadcast %add3A_974 : i32 to vector<16xi32>
      %add3A_976 = arith.addi %shift_right_arithmetic3A_973, %add3A_975 : vector<16xi32>
      %bitcast_convert_type3A_977 = tpu.bitcast %add3A_976 : vector<16xi32> -> vector<16xf32>
      %div3A = arith.divf %get3A_971, %bitcast_convert_type3A_977 : vector<16xf32>
      %add3A_978 = arith.addf %bitcast_convert_type3A_977, %div3A : vector<16xf32>
      %mul3A_979 = arith.constant 5.000000e-01 : f32
      %mul3A_980 = vector.broadcast %mul3A_979 : f32 to vector<16xf32>
      %mul3A_981 = arith.mulf %mul3A_980, %add3A_978 : vector<16xf32>
      %div3A_982 = arith.divf %get3A_971, %mul3A_981 : vector<16xf32>
      %add3A_983 = arith.addf %mul3A_981, %div3A_982 : vector<16xf32>
      %mul3A_984 = arith.constant 5.000000e-01 : f32
      %mul3A_985 = vector.broadcast %mul3A_984 : f32 to vector<16xf32>
      %mul3A_986 = arith.mulf %mul3A_985, %add3A_983 : vector<16xf32>
      %div3A_987 = arith.divf %get3A_971, %mul3A_986 : vector<16xf32>
      %add3A_988 = arith.addf %mul3A_986, %div3A_987 : vector<16xf32>
      %mul3A_989 = arith.constant 5.000000e-01 : f32
      %mul3A_990 = vector.broadcast %mul3A_989 : f32 to vector<16xf32>
      %mul3A_991 = arith.mulf %mul3A_990, %add3A_988 : vector<16xf32>
      %mul3A_992 = arith.constant 4 : i32
      %mul3A_993 = arith.muli %scan3A_962, %mul3A_992 : i32
      %add3A_994 = arith.constant 0 : i32
      %add3A_995 = arith.addi %mul3A_993, %add3A_994 : i32
      %mul3A_996 = arith.constant 16 : i32
      %mul3A_997 = arith.muli %add3A_995, %mul3A_996 : i32
      %swap3A_998 = arith.index_cast %mul3A_997 : i32 to index
      %swap3A_999 = tpu.vector_load %arg12[%swap3A_998] {strides = array<i32>} : memref<1024xf32, #tpu.memory_space<vmem>>, vector<16xf32>,
      %swap3A_1000 = vector.shape_cast %swap3A_999 : vector<16xf32> to vector<16xf32>
      %swap3A_1001 = vector.shape_cast %mul3A_991 : vector<16xf32> to vector<16xf32>
      tpu.vector_store %arg12[%swap3A_998], %swap3A_1001 {strides = array<i32>} : memref<1024xf32, #tpu.memory_space<vmem>>, vector<16xf32>,
      %mul3A_1002 = arith.constant 4 : i32
      %mul3A_1003 = arith.muli %scan3A_962, %mul3A_1002 : i32
      %add3A_1004 = arith.constant 0 : i32
      %add3A_1005 = arith.addi %mul3A_1003, %add3A_1004 : i32
      %mul3A_1006 = arith.constant 16 : i32
      %mul3A_1007 = arith.muli %add3A_1005, %mul3A_1006 : i32
      %get3A_1008 = arith.index_cast %mul3A_1007 : i32 to index
      %get3A_1009 = tpu.vector_load %arg11[%get3A_1008] {strides = array<i32>} : memref<1024xi32, #tpu.memory_space<vmem>>, vector<16xi32>,
      %get3A_1010 = vector.shape_cast %get3A_1009 : vector<16xi32> to vector<16xi32>
      %mul3A_1011 = arith.constant 16 : i32
      %mul3A_1012 = arith.muli %scan3A_962, %mul3A_1011 : i32
      %swap3A_1013 = arith.constant 0 : i32
      %swap3A_1014 = arith.index_cast %swap3A_1013 : i32 to index
      %swap3A_1015 = arith.index_cast %mul3A_1012 : i32 to index
      %swap3A_1016 = tpu.vector_load %arg13[%swap3A_1014, %swap3A_1015] {strides = array<i32>} : memref<4x256xi32, #tpu.memory_space<vmem>>, vector<1x16xi32>,
      %swap3A_1017 = vector.shape_cast %swap3A_1016 : vector<1x16xi32> to vector<16xi32>
      %swap3A_1018 = vector.shape_cast %get3A_1010 : vector<16xi32> to vector<1x16xi32>
      tpu.vector_store %arg13[%swap3A_1014, %swap3A_1015], %swap3A_1018 {strides = array<i32>} : memref<4x256xi32, #tpu.memory_space<vmem>>, vector<1x16xi32>,
      %mul3A_1019 = arith.constant 4 : i32
      %mul3A_1020 = arith.muli %scan3A_962, %mul3A_1019 : i32
      %add3A_1021 = arith.constant 1 : i32
      %add3A_1022 = arith.addi %mul3A_1020, %add3A_1021 : i32
      %mul3A_1023 = arith.constant 16 : i32
      %mul3A_1024 = arith.muli %add3A_1022, %mul3A_1023 : i32
      %get3A_1025 = arith.index_cast %mul3A_1024 : i32 to index
      %get3A_1026 = tpu.vector_load %arg10[%get3A_1025] {strides = array<i32>} : memref<1024xf32, #tpu.memory_space<vmem>>, vector<16xf32>,
      %get3A_1027 = vector.shape_cast %get3A_1026 : vector<16xf32> to vector<16xf32>
      %bitcast_convert_type3A_1028 = tpu.bitcast %get3A_1027 : vector<16xf32> -> vector<16xi32>
      %shift_right_arithmetic3A_1029 = arith.constant 1 : i32
      %shift_right_arithmetic3A_1030 = vector.broadcast %shift_right_arithmetic3A_1029 : i32 to vector<16xi32>
      %shift_right_arithmetic3A_1031 = arith.shrsi %bitcast_convert_type3A_1028, %shift_right_arithmetic3A_1030 : vector<16xi32>
      %add3A_1032 = arith.constant 532487669 : i32
      %add3A_1033 = vector.broadcast %add3A_1032 : i32 to vector<16xi32>
      %add3A_1034 = arith.addi %shift_right_arithmetic3A_1031, %add3A_1033 : vector<16xi32>
      %bitcast_convert_type3A_1035 = tpu.bitcast %add3A_1034 : vector<16xi32> -> vector<16xf32>
      %div3A_1036 = arith.divf %get3A_1027, %bitcast_convert_type3A_1035 : vector<16xf32>
      %add3A_1037 = arith.addf %bitcast_convert_type3A_1035, %div3A_1036 : vector<16xf32>
      %mul3A_1038 = arith.constant 5.000000e-01 : f32
      %mul3A_1039 = vector.broadcast %mul3A_1038 : f32 to vector<16xf32>
      %mul3A_1040 = arith.mulf %mul3A_1039, %add3A_1037 : vector<16xf32>
      %div3A_1041 = arith.divf %get3A_1027, %mul3A_1040 : vector<16xf32>
      %add3A_1042 = arith.addf %mul3A_1040, %div3A_1041 : vector<16xf32>
      %mul3A_1043 = arith.constant 5.000000e-01 : f32
      %mul3A_1044 = vector.broadcast %mul3A_1043 : f32 to vector<16xf32>
      %mul3A_1045 = arith.mulf %mul3A_1044, %add3A_1042 : vector<16xf32>
      %div3A_1046 = arith.divf %get3A_1027, %mul3A_1045 : vector<16xf32>
      %add3A_1047 = arith.addf %mul3A_1045, %div3A_1046 : vector<16xf32>
      %mul3A_1048 = arith.constant 5.000000e-01 : f32
      %mul3A_1049 = vector.broadcast %mul3A_1048 : f32 to vector<16xf32>
      %mul3A_1050 = arith.mulf %mul3A_1049, %add3A_1047 : vector<16xf32>
      %mul3A_1051 = arith.constant 4 : i32
      %mul3A_1052 = arith.muli %scan3A_962, %mul3A_1051 : i32
      %add3A_1053 = arith.constant 1 : i32
      %add3A_1054 = arith.addi %mul3A_1052, %add3A_1053 : i32
      %mul3A_1055 = arith.constant 16 : i32
      %mul3A_1056 = arith.muli %add3A_1054, %mul3A_1055 : i32
      %swap3A_1057 = arith.index_cast %mul3A_1056 : i32 to index
      %swap3A_1058 = tpu.vector_load %arg12[%swap3A_1057] {strides = array<i32>} : memref<1024xf32, #tpu.memory_space<vmem>>, vector<16xf32>,
      %swap3A_1059 = vector.shape_cast %swap3A_1058 : vector<16xf32> to vector<16xf32>
      %swap3A_1060 = vector.shape_cast %mul3A_1050 : vector<16xf32> to vector<16xf32>
      tpu.vector_store %arg12[%swap3A_1057], %swap3A_1060 {strides = array<i32>} : memref<1024xf32, #tpu.memory_space<vmem>>, vector<16xf32>,
      %mul3A_1061 = arith.constant 4 : i32
      %mul3A_1062 = arith.muli %scan3A_962, %mul3A_1061 : i32
      %add3A_1063 = arith.constant 1 : i32
      %add3A_1064 = arith.addi %mul3A_1062, %add3A_1063 : i32
      %mul3A_1065 = arith.constant 16 : i32
      %mul3A_1066 = arith.muli %add3A_1064, %mul3A_1065 : i32
      %get3A_1067 = arith.index_cast %mul3A_1066 : i32 to index
      %get3A_1068 = tpu.vector_load %arg11[%get3A_1067] {strides = array<i32>} : memref<1024xi32, #tpu.memory_space<vmem>>, vector<16xi32>,
      %get3A_1069 = vector.shape_cast %get3A_1068 : vector<16xi32> to vector<16xi32>
      %mul3A_1070 = arith.constant 16 : i32
      %mul3A_1071 = arith.muli %scan3A_962, %mul3A_1070 : i32
      %swap3A_1072 = arith.constant 1 : i32
      %swap3A_1073 = arith.index_cast %swap3A_1072 : i32 to index
      %swap3A_1074 = arith.index_cast %mul3A_1071 : i32 to index
      %swap3A_1075 = tpu.vector_load %arg13[%swap3A_1073, %swap3A_1074] {strides = array<i32>} : memref<4x256xi32, #tpu.memory_space<vmem>>, vector<1x16xi32>,
      %swap3A_1076 = vector.shape_cast %swap3A_1075 : vector<1x16xi32> to vector<16xi32>
      %swap3A_1077 = vector.shape_cast %get3A_1069 : vector<16xi32> to vector<1x16xi32>
      tpu.vector_store %arg13[%swap3A_1073, %swap3A_1074], %swap3A_1077 {strides = array<i32>} : memref<4x256xi32, #tpu.memory_space<vmem>>, vector<1x16xi32>,
      %mul3A_1078 = arith.constant 4 : i32
      %mul3A_1079 = arith.muli %scan3A_962, %mul3A_1078 : i32
      %add3A_1080 = arith.constant 2 : i32
      %add3A_1081 = arith.addi %mul3A_1079, %add3A_1080 : i32
      %mul3A_1082 = arith.constant 16 : i32
      %mul3A_1083 = arith.muli %add3A_1081, %mul3A_1082 : i32
      %get3A_1084 = arith.index_cast %mul3A_1083 : i32 to index
      %get3A_1085 = tpu.vector_load %arg10[%get3A_1084] {strides = array<i32>} : memref<1024xf32, #tpu.memory_space<vmem>>, vector<16xf32>,
      %get3A_1086 = vector.shape_cast %get3A_1085 : vector<16xf32> to vector<16xf32>
      %bitcast_convert_type3A_1087 = tpu.bitcast %get3A_1086 : vector<16xf32> -> vector<16xi32>
      %shift_right_arithmetic3A_1088 = arith.constant 1 : i32
      %shift_right_arithmetic3A_1089 = vector.broadcast %shift_right_arithmetic3A_1088 : i32 to vector<16xi32>
      %shift_right_arithmetic3A_1090 = arith.shrsi %bitcast_convert_type3A_1087, %shift_right_arithmetic3A_1089 : vector<16xi32>
      %add3A_1091 = arith.constant 532487669 : i32
      %add3A_1092 = vector.broadcast %add3A_1091 : i32 to vector<16xi32>
      %add3A_1093 = arith.addi %shift_right_arithmetic3A_1090, %add3A_1092 : vector<16xi32>
      %bitcast_convert_type3A_1094 = tpu.bitcast %add3A_1093 : vector<16xi32> -> vector<16xf32>
      %div3A_1095 = arith.divf %get3A_1086, %bitcast_convert_type3A_1094 : vector<16xf32>
      %add3A_1096 = arith.addf %bitcast_convert_type3A_1094, %div3A_1095 : vector<16xf32>
      %mul3A_1097 = arith.constant 5.000000e-01 : f32
      %mul3A_1098 = vector.broadcast %mul3A_1097 : f32 to vector<16xf32>
      %mul3A_1099 = arith.mulf %mul3A_1098, %add3A_1096 : vector<16xf32>
      %div3A_1100 = arith.divf %get3A_1086, %mul3A_1099 : vector<16xf32>
      %add3A_1101 = arith.addf %mul3A_1099, %div3A_1100 : vector<16xf32>
      %mul3A_1102 = arith.constant 5.000000e-01 : f32
      %mul3A_1103 = vector.broadcast %mul3A_1102 : f32 to vector<16xf32>
      %mul3A_1104 = arith.mulf %mul3A_1103, %add3A_1101 : vector<16xf32>
      %div3A_1105 = arith.divf %get3A_1086, %mul3A_1104 : vector<16xf32>
      %add3A_1106 = arith.addf %mul3A_1104, %div3A_1105 : vector<16xf32>
      %mul3A_1107 = arith.constant 5.000000e-01 : f32
      %mul3A_1108 = vector.broadcast %mul3A_1107 : f32 to vector<16xf32>
      %mul3A_1109 = arith.mulf %mul3A_1108, %add3A_1106 : vector<16xf32>
      %mul3A_1110 = arith.constant 4 : i32
      %mul3A_1111 = arith.muli %scan3A_962, %mul3A_1110 : i32
      %add3A_1112 = arith.constant 2 : i32
      %add3A_1113 = arith.addi %mul3A_1111, %add3A_1112 : i32
      %mul3A_1114 = arith.constant 16 : i32
      %mul3A_1115 = arith.muli %add3A_1113, %mul3A_1114 : i32
      %swap3A_1116 = arith.index_cast %mul3A_1115 : i32 to index
      %swap3A_1117 = tpu.vector_load %arg12[%swap3A_1116] {strides = array<i32>} : memref<1024xf32, #tpu.memory_space<vmem>>, vector<16xf32>,
      %swap3A_1118 = vector.shape_cast %swap3A_1117 : vector<16xf32> to vector<16xf32>
      %swap3A_1119 = vector.shape_cast %mul3A_1109 : vector<16xf32> to vector<16xf32>
      tpu.vector_store %arg12[%swap3A_1116], %swap3A_1119 {strides = array<i32>} : memref<1024xf32, #tpu.memory_space<vmem>>, vector<16xf32>,
      %mul3A_1120 = arith.constant 4 : i32
      %mul3A_1121 = arith.muli %scan3A_962, %mul3A_1120 : i32
      %add3A_1122 = arith.constant 2 : i32
      %add3A_1123 = arith.addi %mul3A_1121, %add3A_1122 : i32
      %mul3A_1124 = arith.constant 16 : i32
      %mul3A_1125 = arith.muli %add3A_1123, %mul3A_1124 : i32
      %get3A_1126 = arith.index_cast %mul3A_1125 : i32 to index
      %get3A_1127 = tpu.vector_load %arg11[%get3A_1126] {strides = array<i32>} : memref<1024xi32, #tpu.memory_space<vmem>>, vector<16xi32>,
      %get3A_1128 = vector.shape_cast %get3A_1127 : vector<16xi32> to vector<16xi32>
      %mul3A_1129 = arith.constant 16 : i32
      %mul3A_1130 = arith.muli %scan3A_962, %mul3A_1129 : i32
      %swap3A_1131 = arith.constant 2 : i32
      %swap3A_1132 = arith.index_cast %swap3A_1131 : i32 to index
      %swap3A_1133 = arith.index_cast %mul3A_1130 : i32 to index
      %swap3A_1134 = tpu.vector_load %arg13[%swap3A_1132, %swap3A_1133] {strides = array<i32>} : memref<4x256xi32, #tpu.memory_space<vmem>>, vector<1x16xi32>,
      %swap3A_1135 = vector.shape_cast %swap3A_1134 : vector<1x16xi32> to vector<16xi32>
      %swap3A_1136 = vector.shape_cast %get3A_1128 : vector<16xi32> to vector<1x16xi32>
      tpu.vector_store %arg13[%swap3A_1132, %swap3A_1133], %swap3A_1136 {strides = array<i32>} : memref<4x256xi32, #tpu.memory_space<vmem>>, vector<1x16xi32>,
      %mul3A_1137 = arith.constant 4 : i32
      %mul3A_1138 = arith.muli %scan3A_962, %mul3A_1137 : i32
      %add3A_1139 = arith.constant 3 : i32
      %add3A_1140 = arith.addi %mul3A_1138, %add3A_1139 : i32
      %mul3A_1141 = arith.constant 16 : i32
      %mul3A_1142 = arith.muli %add3A_1140, %mul3A_1141 : i32
      %get3A_1143 = arith.index_cast %mul3A_1142 : i32 to index
      %get3A_1144 = tpu.vector_load %arg10[%get3A_1143] {strides = array<i32>} : memref<1024xf32, #tpu.memory_space<vmem>>, vector<16xf32>,
      %get3A_1145 = vector.shape_cast %get3A_1144 : vector<16xf32> to vector<16xf32>
      %bitcast_convert_type3A_1146 = tpu.bitcast %get3A_1145 : vector<16xf32> -> vector<16xi32>
      %shift_right_arithmetic3A_1147 = arith.constant 1 : i32
      %shift_right_arithmetic3A_1148 = vector.broadcast %shift_right_arithmetic3A_1147 : i32 to vector<16xi32>
      %shift_right_arithmetic3A_1149 = arith.shrsi %bitcast_convert_type3A_1146, %shift_right_arithmetic3A_1148 : vector<16xi32>
      %add3A_1150 = arith.constant 532487669 : i32
      %add3A_1151 = vector.broadcast %add3A_1150 : i32 to vector<16xi32>
      %add3A_1152 = arith.addi %shift_right_arithmetic3A_1149, %add3A_1151 : vector<16xi32>
      %bitcast_convert_type3A_1153 = tpu.bitcast %add3A_1152 : vector<16xi32> -> vector<16xf32>
      %div3A_1154 = arith.divf %get3A_1145, %bitcast_convert_type3A_1153 : vector<16xf32>
      %add3A_1155 = arith.addf %bitcast_convert_type3A_1153, %div3A_1154 : vector<16xf32>
      %mul3A_1156 = arith.constant 5.000000e-01 : f32
      %mul3A_1157 = vector.broadcast %mul3A_1156 : f32 to vector<16xf32>
      %mul3A_1158 = arith.mulf %mul3A_1157, %add3A_1155 : vector<16xf32>
      %div3A_1159 = arith.divf %get3A_1145, %mul3A_1158 : vector<16xf32>
      %add3A_1160 = arith.addf %mul3A_1158, %div3A_1159 : vector<16xf32>
      %mul3A_1161 = arith.constant 5.000000e-01 : f32
      %mul3A_1162 = vector.broadcast %mul3A_1161 : f32 to vector<16xf32>
      %mul3A_1163 = arith.mulf %mul3A_1162, %add3A_1160 : vector<16xf32>
      %div3A_1164 = arith.divf %get3A_1145, %mul3A_1163 : vector<16xf32>
      %add3A_1165 = arith.addf %mul3A_1163, %div3A_1164 : vector<16xf32>
      %mul3A_1166 = arith.constant 5.000000e-01 : f32
      %mul3A_1167 = vector.broadcast %mul3A_1166 : f32 to vector<16xf32>
      %mul3A_1168 = arith.mulf %mul3A_1167, %add3A_1165 : vector<16xf32>
      %mul3A_1169 = arith.constant 4 : i32
      %mul3A_1170 = arith.muli %scan3A_962, %mul3A_1169 : i32
      %add3A_1171 = arith.constant 3 : i32
      %add3A_1172 = arith.addi %mul3A_1170, %add3A_1171 : i32
      %mul3A_1173 = arith.constant 16 : i32
      %mul3A_1174 = arith.muli %add3A_1172, %mul3A_1173 : i32
      %swap3A_1175 = arith.index_cast %mul3A_1174 : i32 to index
      %swap3A_1176 = tpu.vector_load %arg12[%swap3A_1175] {strides = array<i32>} : memref<1024xf32, #tpu.memory_space<vmem>>, vector<16xf32>,
      %swap3A_1177 = vector.shape_cast %swap3A_1176 : vector<16xf32> to vector<16xf32>
      %swap3A_1178 = vector.shape_cast %mul3A_1168 : vector<16xf32> to vector<16xf32>
      tpu.vector_store %arg12[%swap3A_1175], %swap3A_1178 {strides = array<i32>} : memref<1024xf32, #tpu.memory_space<vmem>>, vector<16xf32>,
      %mul3A_1179 = arith.constant 4 : i32
      %mul3A_1180 = arith.muli %scan3A_962, %mul3A_1179 : i32
      %add3A_1181 = arith.constant 3 : i32
      %add3A_1182 = arith.addi %mul3A_1180, %add3A_1181 : i32
      %mul3A_1183 = arith.constant 16 : i32
      %mul3A_1184 = arith.muli %add3A_1182, %mul3A_1183 : i32
      %get3A_1185 = arith.index_cast %mul3A_1184 : i32 to index
      %get3A_1186 = tpu.vector_load %arg11[%get3A_1185] {strides = array<i32>} : memref<1024xi32, #tpu.memory_space<vmem>>, vector<16xi32>,
      %get3A_1187 = vector.shape_cast %get3A_1186 : vector<16xi32> to vector<16xi32>
      %mul3A_1188 = arith.constant 16 : i32
      %mul3A_1189 = arith.muli %scan3A_962, %mul3A_1188 : i32
      %swap3A_1190 = arith.constant 3 : i32
      %swap3A_1191 = arith.index_cast %swap3A_1190 : i32 to index
      %swap3A_1192 = arith.index_cast %mul3A_1189 : i32 to index
      %swap3A_1193 = tpu.vector_load %arg13[%swap3A_1191, %swap3A_1192] {strides = array<i32>} : memref<4x256xi32, #tpu.memory_space<vmem>>, vector<1x16xi32>,
      %swap3A_1194 = vector.shape_cast %swap3A_1193 : vector<1x16xi32> to vector<16xi32>
      %swap3A_1195 = vector.shape_cast %get3A_1187 : vector<16xi32> to vector<1x16xi32>
      tpu.vector_store %arg13[%swap3A_1191, %swap3A_1192], %swap3A_1195 {strides = array<i32>} : memref<4x256xi32, #tpu.memory_space<vmem>>, vector<1x16xi32>,
      %scan3A_1196 = arith.constant 0 : i32
      scf.yield %scan3A_1196 : i32
    }
    %scan3A_788 = arith.constant 16 : i32
    %dma_start3A_789 = arith.constant 0 : i32
    %dma_start3A_790 = arith.constant 0 : i32
    %dma_start3A_791 = arith.constant 0 : i32
    %dma_start3A_792 = tpu.memref_slice %arg14[%dma_start3A_790, %dma_start3A_791] : memref<512x128xf32, #tpu.memory_space<vmem>> -> memref<128x128xf32, #tpu.memory_space<vmem>>
    %dma_start3A_793 = arith.constant 0 : i32
    %dma_start3A_794 = tpu.memref_slice %arg13[%dma_start3A_789, %dma_start3A_793] : memref<4x256xi32, #tpu.memory_space<vmem>> -> memref<1x128xi32, #tpu.memory_space<vmem>>
    %dma_start3A_795 = tpu.memref_squeeze %dma_start3A_794 : memref<1x128xi32, #tpu.memory_space<vmem>> -> memref<128xi32, #tpu.memory_space<vmem>>
    %dma_start3A_796 = arith.constant 0 : i32
    %dma_start3A_797 = arith.constant 0 : i32
    %dma_start3A_798 = tpu.memref_slice %arg4[%dma_start3A_796, %dma_start3A_797] : memref<6912x128xf32, #tpu.memory_space<hbm>> -> memref<6912x128xf32, #tpu.memory_space<hbm>>
    tpu.enqueue_indirect_dma source(%dma_start3A_798 : memref<6912x128xf32, #tpu.memory_space<hbm>>) target(%dma_start3A_792 : memref<128x128xf32, #tpu.memory_space<vmem>>) offsets(%dma_start3A_795 : memref<128xi32, #tpu.memory_space<vmem>>) semaphore(%arg19 : memref<!tpu.dma_semaphore, #tpu.memory_space<semaphore_mem>>)
    %dma_start3A_799 = arith.constant 1 : i32
    %dma_start3A_800 = arith.constant 128 : i32
    %dma_start3A_801 = arith.constant 0 : i32
    %dma_start3A_802 = tpu.memref_slice %arg14[%dma_start3A_800, %dma_start3A_801] : memref<512x128xf32, #tpu.memory_space<vmem>> -> memref<128x128xf32, #tpu.memory_space<vmem>>
    %dma_start3A_803 = arith.constant 0 : i32
    %dma_start3A_804 = tpu.memref_slice %arg13[%dma_start3A_799, %dma_start3A_803] : memref<4x256xi32, #tpu.memory_space<vmem>> -> memref<1x128xi32, #tpu.memory_space<vmem>>
    %dma_start3A_805 = tpu.memref_squeeze %dma_start3A_804 : memref<1x128xi32, #tpu.memory_space<vmem>> -> memref<128xi32, #tpu.memory_space<vmem>>
    %dma_start3A_806 = arith.constant 0 : i32
    %dma_start3A_807 = arith.constant 0 : i32
    %dma_start3A_808 = tpu.memref_slice %arg4[%dma_start3A_806, %dma_start3A_807] : memref<6912x128xf32, #tpu.memory_space<hbm>> -> memref<6912x128xf32, #tpu.memory_space<hbm>>
    tpu.enqueue_indirect_dma source(%dma_start3A_808 : memref<6912x128xf32, #tpu.memory_space<hbm>>) target(%dma_start3A_802 : memref<128x128xf32, #tpu.memory_space<vmem>>) offsets(%dma_start3A_805 : memref<128xi32, #tpu.memory_space<vmem>>) semaphore(%arg19 : memref<!tpu.dma_semaphore, #tpu.memory_space<semaphore_mem>>)
    %dma_start3A_809 = arith.constant 2 : i32
    %dma_start3A_810 = arith.constant 256 : i32
    %dma_start3A_811 = arith.constant 0 : i32
    %dma_start3A_812 = tpu.memref_slice %arg14[%dma_start3A_810, %dma_start3A_811] : memref<512x128xf32, #tpu.memory_space<vmem>> -> memref<128x128xf32, #tpu.memory_space<vmem>>
    %dma_start3A_813 = arith.constant 0 : i32
    %dma_start3A_814 = tpu.memref_slice %arg13[%dma_start3A_809, %dma_start3A_813] : memref<4x256xi32, #tpu.memory_space<vmem>> -> memref<1x128xi32, #tpu.memory_space<vmem>>
    %dma_start3A_815 = tpu.memref_squeeze %dma_start3A_814 : memref<1x128xi32, #tpu.memory_space<vmem>> -> memref<128xi32, #tpu.memory_space<vmem>>
    %dma_start3A_816 = arith.constant 0 : i32
    %dma_start3A_817 = arith.constant 0 : i32
    %dma_start3A_818 = tpu.memref_slice %arg4[%dma_start3A_816, %dma_start3A_817] : memref<6912x128xf32, #tpu.memory_space<hbm>> -> memref<6912x128xf32, #tpu.memory_space<hbm>>
    tpu.enqueue_indirect_dma source(%dma_start3A_818 : memref<6912x128xf32, #tpu.memory_space<hbm>>) target(%dma_start3A_812 : memref<128x128xf32, #tpu.memory_space<vmem>>) offsets(%dma_start3A_815 : memref<128xi32, #tpu.memory_space<vmem>>) semaphore(%arg19 : memref<!tpu.dma_semaphore, #tpu.memory_space<semaphore_mem>>)
    %dma_start3A_819 = arith.constant 3 : i32
    %dma_start3A_820 = arith.constant 384 : i32
    %dma_start3A_821 = arith.constant 0 : i32
    %dma_start3A_822 = tpu.memref_slice %arg14[%dma_start3A_820, %dma_start3A_821] : memref<512x128xf32, #tpu.memory_space<vmem>> -> memref<128x128xf32, #tpu.memory_space<vmem>>
    %dma_start3A_823 = arith.constant 0 : i32
    %dma_start3A_824 = tpu.memref_slice %arg13[%dma_start3A_819, %dma_start3A_823] : memref<4x256xi32, #tpu.memory_space<vmem>> -> memref<1x128xi32, #tpu.memory_space<vmem>>
    %dma_start3A_825 = tpu.memref_squeeze %dma_start3A_824 : memref<1x128xi32, #tpu.memory_space<vmem>> -> memref<128xi32, #tpu.memory_space<vmem>>
    %dma_start3A_826 = arith.constant 0 : i32
    %dma_start3A_827 = arith.constant 0 : i32
    %dma_start3A_828 = tpu.memref_slice %arg4[%dma_start3A_826, %dma_start3A_827] : memref<6912x128xf32, #tpu.memory_space<hbm>> -> memref<6912x128xf32, #tpu.memory_space<hbm>>
    tpu.enqueue_indirect_dma source(%dma_start3A_828 : memref<6912x128xf32, #tpu.memory_space<hbm>>) target(%dma_start3A_822 : memref<128x128xf32, #tpu.memory_space<vmem>>) offsets(%dma_start3A_825 : memref<128xi32, #tpu.memory_space<vmem>>) semaphore(%arg19 : memref<!tpu.dma_semaphore, #tpu.memory_space<semaphore_mem>>)
    %dma_wait3A = arith.constant 0 : i32
    %dma_wait3A_829 = arith.constant 0 : i32
    %dma_wait3A_830 = arith.constant 0 : i32
    %dma_wait3A_831 = tpu.memref_slice %arg14[%dma_wait3A_829, %dma_wait3A_830] : memref<512x128xf32, #tpu.memory_space<vmem>> -> memref<128x128xf32, #tpu.memory_space<vmem>>
    %dma_wait3A_832 = arith.constant 0 : i32
    %dma_wait3A_833 = tpu.memref_slice %arg13[%dma_wait3A, %dma_wait3A_832] : memref<4x256xi32, #tpu.memory_space<vmem>> -> memref<1x128xi32, #tpu.memory_space<vmem>>
    %dma_wait3A_834 = tpu.memref_squeeze %dma_wait3A_833 : memref<1x128xi32, #tpu.memory_space<vmem>> -> memref<128xi32, #tpu.memory_space<vmem>>
    %dma_wait3A_835 = arith.constant 0 : i32
    %dma_wait3A_836 = arith.constant 0 : i32
    %dma_wait3A_837 = tpu.memref_slice %arg4[%dma_wait3A_835, %dma_wait3A_836] : memref<6912x128xf32, #tpu.memory_space<hbm>> -> memref<6912x128xf32, #tpu.memory_space<hbm>>
    tpu.wait_indirect_dma semaphore(%arg19 : memref<!tpu.dma_semaphore, #tpu.memory_space<semaphore_mem>>) src(%dma_wait3A_837 : memref<6912x128xf32, #tpu.memory_space<hbm>>) dst(%dma_wait3A_831 : memref<128x128xf32, #tpu.memory_space<vmem>>)
    %dma_wait3A_838 = arith.constant 1 : i32
    %dma_wait3A_839 = arith.constant 128 : i32
    %dma_wait3A_840 = arith.constant 0 : i32
    %dma_wait3A_841 = tpu.memref_slice %arg14[%dma_wait3A_839, %dma_wait3A_840] : memref<512x128xf32, #tpu.memory_space<vmem>> -> memref<128x128xf32, #tpu.memory_space<vmem>>
    %dma_wait3A_842 = arith.constant 0 : i32
    %dma_wait3A_843 = tpu.memref_slice %arg13[%dma_wait3A_838, %dma_wait3A_842] : memref<4x256xi32, #tpu.memory_space<vmem>> -> memref<1x128xi32, #tpu.memory_space<vmem>>
    %dma_wait3A_844 = tpu.memref_squeeze %dma_wait3A_843 : memref<1x128xi32, #tpu.memory_space<vmem>> -> memref<128xi32, #tpu.memory_space<vmem>>
    %dma_wait3A_845 = arith.constant 0 : i32
    %dma_wait3A_846 = arith.constant 0 : i32
    %dma_wait3A_847 = tpu.memref_slice %arg4[%dma_wait3A_845, %dma_wait3A_846] : memref<6912x128xf32, #tpu.memory_space<hbm>> -> memref<6912x128xf32, #tpu.memory_space<hbm>>
    tpu.wait_indirect_dma semaphore(%arg19 : memref<!tpu.dma_semaphore, #tpu.memory_space<semaphore_mem>>) src(%dma_wait3A_847 : memref<6912x128xf32, #tpu.memory_space<hbm>>) dst(%dma_wait3A_841 : memref<128x128xf32, #tpu.memory_space<vmem>>)
    %dma_wait3A_848 = arith.constant 2 : i32
    %dma_wait3A_849 = arith.constant 256 : i32
    %dma_wait3A_850 = arith.constant 0 : i32
    %dma_wait3A_851 = tpu.memref_slice %arg14[%dma_wait3A_849, %dma_wait3A_850] : memref<512x128xf32, #tpu.memory_space<vmem>> -> memref<128x128xf32, #tpu.memory_space<vmem>>
    %dma_wait3A_852 = arith.constant 0 : i32
    %dma_wait3A_853 = tpu.memref_slice %arg13[%dma_wait3A_848, %dma_wait3A_852] : memref<4x256xi32, #tpu.memory_space<vmem>> -> memref<1x128xi32, #tpu.memory_space<vmem>>
    %dma_wait3A_854 = tpu.memref_squeeze %dma_wait3A_853 : memref<1x128xi32, #tpu.memory_space<vmem>> -> memref<128xi32, #tpu.memory_space<vmem>>
    %dma_wait3A_855 = arith.constant 0 : i32
    %dma_wait3A_856 = arith.constant 0 : i32
    %dma_wait3A_857 = tpu.memref_slice %arg4[%dma_wait3A_855, %dma_wait3A_856] : memref<6912x128xf32, #tpu.memory_space<hbm>> -> memref<6912x128xf32, #tpu.memory_space<hbm>>
    tpu.wait_indirect_dma semaphore(%arg19 : memref<!tpu.dma_semaphore, #tpu.memory_space<semaphore_mem>>) src(%dma_wait3A_857 : memref<6912x128xf32, #tpu.memory_space<hbm>>) dst(%dma_wait3A_851 : memref<128x128xf32, #tpu.memory_space<vmem>>)
    %dma_wait3A_858 = arith.constant 3 : i32
    %dma_wait3A_859 = arith.constant 384 : i32
    %dma_wait3A_860 = arith.constant 0 : i32
    %dma_wait3A_861 = tpu.memref_slice %arg14[%dma_wait3A_859, %dma_wait3A_860] : memref<512x128xf32, #tpu.memory_space<vmem>> -> memref<128x128xf32, #tpu.memory_space<vmem>>
    %dma_wait3A_862 = arith.constant 0 : i32
    %dma_wait3A_863 = tpu.memref_slice %arg13[%dma_wait3A_858, %dma_wait3A_862] : memref<4x256xi32, #tpu.memory_space<vmem>> -> memref<1x128xi32, #tpu.memory_space<vmem>>
    %dma_wait3A_864 = tpu.memref_squeeze %dma_wait3A_863 : memref<1x128xi32, #tpu.memory_space<vmem>> -> memref<128xi32, #tpu.memory_space<vmem>>
    %dma_wait3A_865 = arith.constant 0 : i32
    %dma_wait3A_866 = arith.constant 0 : i32
    %dma_wait3A_867 = tpu.memref_slice %arg4[%dma_wait3A_865, %dma_wait3A_866] : memref<6912x128xf32, #tpu.memory_space<hbm>> -> memref<6912x128xf32, #tpu.memory_space<hbm>>
    tpu.wait_indirect_dma semaphore(%arg19 : memref<!tpu.dma_semaphore, #tpu.memory_space<semaphore_mem>>) src(%dma_wait3A_867 : memref<6912x128xf32, #tpu.memory_space<hbm>>) dst(%dma_wait3A_861 : memref<128x128xf32, #tpu.memory_space<vmem>>)
    %scan3A_868 = arith.constant 0 : i32
    %scan3A_869 = arith.constant 0 : i32
    %scan3A_870 = arith.constant 8 : i32
    %scan3A_871 = arith.addi %scan3A_869, %scan3A_870 : i32
    %scan3A_872 = arith.constant 1 : i32
    %scan3A_873 = scf.for %scan3A_962 = %scan3A_869 to %scan3A_871 step %scan3A_872 iter_args(%scan3A_963 = %scan3A_868) -> (i32)  : i32 {
      %add3A_964 = arith.constant 0 : i32
      %add3A_965 = arith.addi %add3A_964, %scan3A_962 : i32
      %mul3A_966 = arith.constant 16 : i32
      %mul3A_967 = arith.muli %add3A_965, %mul3A_966 : i32
      %mul3A_968 = arith.constant 16 : i32
      %mul3A_969 = arith.muli %scan3A_962, %mul3A_968 : i32
      %broadcast_in_dim3A_970 = arith.constant 1.000000e+00 : f32
      %broadcast_in_dim3A_971 = vector.broadcast %broadcast_in_dim3A_970 : f32 to vector<16xf32>
      %broadcast_in_dim3A_972 = arith.constant 0.000000e+00 : f32
      %broadcast_in_dim3A_973 = vector.broadcast %broadcast_in_dim3A_972 : f32 to vector<16xf32>
      %scan3A_974 = arith.constant 0 : i32
      %scan3A_975 = arith.constant 16 : i32
      %scan3A_976 = arith.addi %scan3A_974, %scan3A_975 : i32
      %scan3A_977 = arith.constant 1 : i32
      %scan3A_978:3 = scf.for %scan3A_1125 = %scan3A_974 to %scan3A_976 step %scan3A_977 iter_args(%scan3A_1126 = %broadcast_in_dim3A_973, %scan3A_1127 = %broadcast_in_dim3A_973, %scan3A_1128 = %broadcast_in_dim3A_973) -> (vector<16xf32>, vector<16xf32>, vector<16xf32>)  : i32 {
        %add3A_1129 = arith.addi %mul3A_969, %scan3A_1125 : i32
        %get3A_1130 = arith.index_cast %add3A_1129 : i32 to index
        %get3A_1131 = arith.constant 0 : index
        %get3A_1132 = tpu.vector_load %arg14[%get3A_1130, %get3A_1131] {strides = array<i32>} : memref<512x128xf32, #tpu.memory_space<vmem>>, vector<1x16xf32>,
        %get3A_1133 = vector.shape_cast %get3A_1132 : vector<1x16xf32> to vector<16xf32>
        %get3A_1134 = arith.index_cast %add3A_1129 : i32 to index
        %get3A_1135 = arith.constant 16 : index
        %get3A_1136 = tpu.vector_load %arg14[%get3A_1134, %get3A_1135] {strides = array<i32>} : memref<512x128xf32, #tpu.memory_space<vmem>>, vector<1x16xf32>,
        %get3A_1137 = vector.shape_cast %get3A_1136 : vector<1x16xf32> to vector<16xf32>
        %broadcast_in_dim3A_1138 = arith.constant 0 : i32
        %broadcast_in_dim3A_1139 = vector.broadcast %broadcast_in_dim3A_1138 : i32 to vector<16xi32>
        %add3A_1140 = vector.broadcast %scan3A_1125 : i32 to vector<16xi32>
        %add3A_1141 = arith.addi %broadcast_in_dim3A_1139, %add3A_1140 : vector<16xi32>
        %eq3A = arith.cmpi eq, %iota3A, %add3A_1141 : vector<16xi32>
        %add3A_1142 = arith.constant 128 : i32
        %add3A_1143 = arith.addi %add3A_1142, %add3A_1129 : i32
        %get3A_1144 = arith.index_cast %add3A_1143 : i32 to index
        %get3A_1145 = arith.constant 0 : index
        %get3A_1146 = tpu.vector_load %arg14[%get3A_1144, %get3A_1145] {strides = array<i32>} : memref<512x128xf32, #tpu.memory_space<vmem>>, vector<1x16xf32>,
        %get3A_1147 = vector.shape_cast %get3A_1146 : vector<1x16xf32> to vector<16xf32>
        %add3A_1148 = arith.constant 128 : i32
        %add3A_1149 = arith.addi %add3A_1148, %add3A_1129 : i32
        %get3A_1150 = arith.index_cast %add3A_1149 : i32 to index
        %get3A_1151 = arith.constant 16 : index
        %get3A_1152 = tpu.vector_load %arg14[%get3A_1150, %get3A_1151] {strides = array<i32>} : memref<512x128xf32, #tpu.memory_space<vmem>>, vector<1x16xf32>,
        %get3A_1153 = vector.shape_cast %get3A_1152 : vector<1x16xf32> to vector<16xf32>
        %sub3A = arith.subf %get3A_1147, %get3A_1133 : vector<16xf32>
        %abs3A = math.absf %sub3A : vector<16xf32>
        %sub3A_1154 = arith.subf %get3A_1153, %get3A_1137 : vector<16xf32>
        %abs3A_1155 = math.absf %sub3A_1154 : vector<16xf32>
        %add3A_1156 = arith.addf %abs3A, %abs3A_1155 : vector<16xf32>
        %iota3A_1157 = tpu.iota {dimensions = array<i32: 0>} : vector<16xi32>
        %add3A_1158 = arith.constant 8 : i32
        %add3A_1159 = vector.broadcast %add3A_1158 : i32 to vector<16xi32>
        %add3A_1160 = arith.addi %iota3A_1157, %add3A_1159 : vector<16xi32>
        %and3A_1161 = arith.constant 15 : i32
        %and3A_1162 = vector.broadcast %and3A_1161 : i32 to vector<16xi32>
        %and3A_1163 = arith.andi %add3A_1160, %and3A_1162 : vector<16xi32>
        %broadcast_in_dim3A_1164 = vector.shape_cast %and3A_1163 : vector<16xi32> to vector<16x1xi32>
        %gather3A = vector.shape_cast %broadcast_in_dim3A_1164 : vector<16x1xi32> to vector<16xi32>
        %gather3A_1165 = tpu.dynamic_gather %add3A_1156[%gather3A] in [0] : vector<16xf32>, vector<16xi32> -> vector<16xf32>
        %add3A_1166 = arith.addf %add3A_1156, %gather3A_1165 : vector<16xf32>
        %add3A_1167 = arith.constant 4 : i32
        %add3A_1168 = vector.broadcast %add3A_1167 : i32 to vector<16xi32>
        %add3A_1169 = arith.addi %iota3A_1157, %add3A_1168 : vector<16xi32>
        %and3A_1170 = arith.constant 15 : i32
        %and3A_1171 = vector.broadcast %and3A_1170 : i32 to vector<16xi32>
        %and3A_1172 = arith.andi %add3A_1169, %and3A_1171 : vector<16xi32>
        %broadcast_in_dim3A_1173 = vector.shape_cast %and3A_1172 : vector<16xi32> to vector<16x1xi32>
        %gather3A_1174 = vector.shape_cast %broadcast_in_dim3A_1173 : vector<16x1xi32> to vector<16xi32>
        %gather3A_1175 = tpu.dynamic_gather %add3A_1166[%gather3A_1174] in [0] : vector<16xf32>, vector<16xi32> -> vector<16xf32>
        %add3A_1176 = arith.addf %add3A_1166, %gather3A_1175 : vector<16xf32>
        %add3A_1177 = arith.constant 2 : i32
        %add3A_1178 = vector.broadcast %add3A_1177 : i32 to vector<16xi32>
        %add3A_1179 = arith.addi %iota3A_1157, %add3A_1178 : vector<16xi32>
        %and3A_1180 = arith.constant 15 : i32
        %and3A_1181 = vector.broadcast %and3A_1180 : i32 to vector<16xi32>
        %and3A_1182 = arith.andi %add3A_1179, %and3A_1181 : vector<16xi32>
        %broadcast_in_dim3A_1183 = vector.shape_cast %and3A_1182 : vector<16xi32> to vector<16x1xi32>
        %gather3A_1184 = vector.shape_cast %broadcast_in_dim3A_1183 : vector<16x1xi32> to vector<16xi32>
        %gather3A_1185 = tpu.dynamic_gather %add3A_1176[%gather3A_1184] in [0] : vector<16xf32>, vector<16xi32> -> vector<16xf32>
        %add3A_1186 = arith.addf %add3A_1176, %gather3A_1185 : vector<16xf32>
        %add3A_1187 = arith.constant 1 : i32
        %add3A_1188 = vector.broadcast %add3A_1187 : i32 to vector<16xi32>
        %add3A_1189 = arith.addi %iota3A_1157, %add3A_1188 : vector<16xi32>
        %and3A_1190 = arith.constant 15 : i32
        %and3A_1191 = vector.broadcast %and3A_1190 : i32 to vector<16xi32>
        %and3A_1192 = arith.andi %add3A_1189, %and3A_1191 : vector<16xi32>
        %broadcast_in_dim3A_1193 = vector.shape_cast %and3A_1192 : vector<16xi32> to vector<16x1xi32>
        %gather3A_1194 = vector.shape_cast %broadcast_in_dim3A_1193 : vector<16x1xi32> to vector<16xi32>
        %gather3A_1195 = tpu.dynamic_gather %add3A_1186[%gather3A_1194] in [0] : vector<16xf32>, vector<16xi32> -> vector<16xf32>
        %add3A_1196 = arith.addf %add3A_1186, %gather3A_1195 : vector<16xf32>
        %add3A_1197 = arith.constant 256 : i32
        %add3A_1198 = arith.addi %add3A_1197, %add3A_1129 : i32
        %get3A_1199 = arith.index_cast %add3A_1198 : i32 to index
        %get3A_1200 = arith.constant 0 : index
        %get3A_1201 = tpu.vector_load %arg14[%get3A_1199, %get3A_1200] {strides = array<i32>} : memref<512x128xf32, #tpu.memory_space<vmem>>, vector<1x16xf32>,
        %get3A_1202 = vector.shape_cast %get3A_1201 : vector<1x16xf32> to vector<16xf32>
        %add3A_1203 = arith.constant 256 : i32
        %add3A_1204 = arith.addi %add3A_1203, %add3A_1129 : i32
        %get3A_1205 = arith.index_cast %add3A_1204 : i32 to index
        %get3A_1206 = arith.constant 16 : index
        %get3A_1207 = tpu.vector_load %arg14[%get3A_1205, %get3A_1206] {strides = array<i32>} : memref<512x128xf32, #tpu.memory_space<vmem>>, vector<1x16xf32>,
        %get3A_1208 = vector.shape_cast %get3A_1207 : vector<1x16xf32> to vector<16xf32>
        %sub3A_1209 = arith.subf %get3A_1202, %get3A_1133 : vector<16xf32>
        %abs3A_1210 = math.absf %sub3A_1209 : vector<16xf32>
        %sub3A_1211 = arith.subf %get3A_1208, %get3A_1137 : vector<16xf32>
        %abs3A_1212 = math.absf %sub3A_1211 : vector<16xf32>
        %add3A_1213 = arith.addf %abs3A_1210, %abs3A_1212 : vector<16xf32>
        %iota3A_1214 = tpu.iota {dimensions = array<i32: 0>} : vector<16xi32>
        %add3A_1215 = arith.constant 8 : i32
        %add3A_1216 = vector.broadcast %add3A_1215 : i32 to vector<16xi32>
        %add3A_1217 = arith.addi %iota3A_1214, %add3A_1216 : vector<16xi32>
        %and3A_1218 = arith.constant 15 : i32
        %and3A_1219 = vector.broadcast %and3A_1218 : i32 to vector<16xi32>
        %and3A_1220 = arith.andi %add3A_1217, %and3A_1219 : vector<16xi32>
        %broadcast_in_dim3A_1221 = vector.shape_cast %and3A_1220 : vector<16xi32> to vector<16x1xi32>
        %gather3A_1222 = vector.shape_cast %broadcast_in_dim3A_1221 : vector<16x1xi32> to vector<16xi32>
        %gather3A_1223 = tpu.dynamic_gather %add3A_1213[%gather3A_1222] in [0] : vector<16xf32>, vector<16xi32> -> vector<16xf32>
        %add3A_1224 = arith.addf %add3A_1213, %gather3A_1223 : vector<16xf32>
        %add3A_1225 = arith.constant 4 : i32
        %add3A_1226 = vector.broadcast %add3A_1225 : i32 to vector<16xi32>
        %add3A_1227 = arith.addi %iota3A_1214, %add3A_1226 : vector<16xi32>
        %and3A_1228 = arith.constant 15 : i32
        %and3A_1229 = vector.broadcast %and3A_1228 : i32 to vector<16xi32>
        %and3A_1230 = arith.andi %add3A_1227, %and3A_1229 : vector<16xi32>
        %broadcast_in_dim3A_1231 = vector.shape_cast %and3A_1230 : vector<16xi32> to vector<16x1xi32>
        %gather3A_1232 = vector.shape_cast %broadcast_in_dim3A_1231 : vector<16x1xi32> to vector<16xi32>
        %gather3A_1233 = tpu.dynamic_gather %add3A_1224[%gather3A_1232] in [0] : vector<16xf32>, vector<16xi32> -> vector<16xf32>
        %add3A_1234 = arith.addf %add3A_1224, %gather3A_1233 : vector<16xf32>
        %add3A_1235 = arith.constant 2 : i32
        %add3A_1236 = vector.broadcast %add3A_1235 : i32 to vector<16xi32>
        %add3A_1237 = arith.addi %iota3A_1214, %add3A_1236 : vector<16xi32>
        %and3A_1238 = arith.constant 15 : i32
        %and3A_1239 = vector.broadcast %and3A_1238 : i32 to vector<16xi32>
        %and3A_1240 = arith.andi %add3A_1237, %and3A_1239 : vector<16xi32>
        %broadcast_in_dim3A_1241 = vector.shape_cast %and3A_1240 : vector<16xi32> to vector<16x1xi32>
        %gather3A_1242 = vector.shape_cast %broadcast_in_dim3A_1241 : vector<16x1xi32> to vector<16xi32>
        %gather3A_1243 = tpu.dynamic_gather %add3A_1234[%gather3A_1242] in [0] : vector<16xf32>, vector<16xi32> -> vector<16xf32>
        %add3A_1244 = arith.addf %add3A_1234, %gather3A_1243 : vector<16xf32>
        %add3A_1245 = arith.constant 1 : i32
        %add3A_1246 = vector.broadcast %add3A_1245 : i32 to vector<16xi32>
        %add3A_1247 = arith.addi %iota3A_1214, %add3A_1246 : vector<16xi32>
        %and3A_1248 = arith.constant 15 : i32
        %and3A_1249 = vector.broadcast %and3A_1248 : i32 to vector<16xi32>
        %and3A_1250 = arith.andi %add3A_1247, %and3A_1249 : vector<16xi32>
        %broadcast_in_dim3A_1251 = vector.shape_cast %and3A_1250 : vector<16xi32> to vector<16x1xi32>
        %gather3A_1252 = vector.shape_cast %broadcast_in_dim3A_1251 : vector<16x1xi32> to vector<16xi32>
        %gather3A_1253 = tpu.dynamic_gather %add3A_1244[%gather3A_1252] in [0] : vector<16xf32>, vector<16xi32> -> vector<16xf32>
        %add3A_1254 = arith.addf %add3A_1244, %gather3A_1253 : vector<16xf32>
        %add3A_1255 = arith.constant 384 : i32
        %add3A_1256 = arith.addi %add3A_1255, %add3A_1129 : i32
        %get3A_1257 = arith.index_cast %add3A_1256 : i32 to index
        %get3A_1258 = arith.constant 0 : index
        %get3A_1259 = tpu.vector_load %arg14[%get3A_1257, %get3A_1258] {strides = array<i32>} : memref<512x128xf32, #tpu.memory_space<vmem>>, vector<1x16xf32>,
        %get3A_1260 = vector.shape_cast %get3A_1259 : vector<1x16xf32> to vector<16xf32>
        %add3A_1261 = arith.constant 384 : i32
        %add3A_1262 = arith.addi %add3A_1261, %add3A_1129 : i32
        %get3A_1263 = arith.index_cast %add3A_1262 : i32 to index
        %get3A_1264 = arith.constant 16 : index
        %get3A_1265 = tpu.vector_load %arg14[%get3A_1263, %get3A_1264] {strides = array<i32>} : memref<512x128xf32, #tpu.memory_space<vmem>>, vector<1x16xf32>,
        %get3A_1266 = vector.shape_cast %get3A_1265 : vector<1x16xf32> to vector<16xf32>
        %sub3A_1267 = arith.subf %get3A_1260, %get3A_1133 : vector<16xf32>
        %abs3A_1268 = math.absf %sub3A_1267 : vector<16xf32>
        %sub3A_1269 = arith.subf %get3A_1266, %get3A_1137 : vector<16xf32>
        %abs3A_1270 = math.absf %sub3A_1269 : vector<16xf32>
        %add3A_1271 = arith.addf %abs3A_1268, %abs3A_1270 : vector<16xf32>
        %iota3A_1272 = tpu.iota {dimensions = array<i32: 0>} : vector<16xi32>
        %add3A_1273 = arith.constant 8 : i32
        %add3A_1274 = vector.broadcast %add3A_1273 : i32 to vector<16xi32>
        %add3A_1275 = arith.addi %iota3A_1272, %add3A_1274 : vector<16xi32>
        %and3A_1276 = arith.constant 15 : i32
        %and3A_1277 = vector.broadcast %and3A_1276 : i32 to vector<16xi32>
        %and3A_1278 = arith.andi %add3A_1275, %and3A_1277 : vector<16xi32>
        %broadcast_in_dim3A_1279 = vector.shape_cast %and3A_1278 : vector<16xi32> to vector<16x1xi32>
        %gather3A_1280 = vector.shape_cast %broadcast_in_dim3A_1279 : vector<16x1xi32> to vector<16xi32>
        %gather3A_1281 = tpu.dynamic_gather %add3A_1271[%gather3A_1280] in [0] : vector<16xf32>, vector<16xi32> -> vector<16xf32>
        %add3A_1282 = arith.addf %add3A_1271, %gather3A_1281 : vector<16xf32>
        %add3A_1283 = arith.constant 4 : i32
        %add3A_1284 = vector.broadcast %add3A_1283 : i32 to vector<16xi32>
        %add3A_1285 = arith.addi %iota3A_1272, %add3A_1284 : vector<16xi32>
        %and3A_1286 = arith.constant 15 : i32
        %and3A_1287 = vector.broadcast %and3A_1286 : i32 to vector<16xi32>
        %and3A_1288 = arith.andi %add3A_1285, %and3A_1287 : vector<16xi32>
        %broadcast_in_dim3A_1289 = vector.shape_cast %and3A_1288 : vector<16xi32> to vector<16x1xi32>
        %gather3A_1290 = vector.shape_cast %broadcast_in_dim3A_1289 : vector<16x1xi32> to vector<16xi32>
        %gather3A_1291 = tpu.dynamic_gather %add3A_1282[%gather3A_1290] in [0] : vector<16xf32>, vector<16xi32> -> vector<16xf32>
        %add3A_1292 = arith.addf %add3A_1282, %gather3A_1291 : vector<16xf32>
        %add3A_1293 = arith.constant 2 : i32
        %add3A_1294 = vector.broadcast %add3A_1293 : i32 to vector<16xi32>
        %add3A_1295 = arith.addi %iota3A_1272, %add3A_1294 : vector<16xi32>
        %and3A_1296 = arith.constant 15 : i32
        %and3A_1297 = vector.broadcast %and3A_1296 : i32 to vector<16xi32>
        %and3A_1298 = arith.andi %add3A_1295, %and3A_1297 : vector<16xi32>
        %broadcast_in_dim3A_1299 = vector.shape_cast %and3A_1298 : vector<16xi32> to vector<16x1xi32>
        %gather3A_1300 = vector.shape_cast %broadcast_in_dim3A_1299 : vector<16x1xi32> to vector<16xi32>
        %gather3A_1301 = tpu.dynamic_gather %add3A_1292[%gather3A_1300] in [0] : vector<16xf32>, vector<16xi32> -> vector<16xf32>
        %add3A_1302 = arith.addf %add3A_1292, %gather3A_1301 : vector<16xf32>
        %add3A_1303 = arith.constant 1 : i32
        %add3A_1304 = vector.broadcast %add3A_1303 : i32 to vector<16xi32>
        %add3A_1305 = arith.addi %iota3A_1272, %add3A_1304 : vector<16xi32>
        %and3A_1306 = arith.constant 15 : i32
        %and3A_1307 = vector.broadcast %and3A_1306 : i32 to vector<16xi32>
        %and3A_1308 = arith.andi %add3A_1305, %and3A_1307 : vector<16xi32>
        %broadcast_in_dim3A_1309 = vector.shape_cast %and3A_1308 : vector<16xi32> to vector<16x1xi32>
        %gather3A_1310 = vector.shape_cast %broadcast_in_dim3A_1309 : vector<16x1xi32> to vector<16xi32>
        %gather3A_1311 = tpu.dynamic_gather %add3A_1302[%gather3A_1310] in [0] : vector<16xf32>, vector<16xi32> -> vector<16xf32>
        %add3A_1312 = arith.addf %add3A_1302, %gather3A_1311 : vector<16xf32>
        %select_n3A_1313 = arith.select %eq3A, %add3A_1196, %scan3A_1126 : vector<16xi1>, vector<16xf32>
        %select_n3A_1314 = arith.select %eq3A, %add3A_1254, %scan3A_1127 : vector<16xi1>, vector<16xf32>
        %select_n3A_1315 = arith.select %eq3A, %add3A_1312, %scan3A_1128 : vector<16xi1>, vector<16xf32>
        scf.yield %select_n3A_1313, %select_n3A_1314, %select_n3A_1315 : vector<16xf32>, vector<16xf32>, vector<16xf32>
      }
      %scan3A_979 = arith.constant 16 : i32
      %neg3A = arith.constant 0.000000e+00 : f32
      %neg3A_980 = vector.broadcast %neg3A : f32 to vector<16xf32>
      %neg3A_981 = arith.subf %neg3A_980, %scan3A_978#0 : vector<16xf32>
      %div3A = arith.constant 2.000000e-02 : f32
      %div3A_982 = vector.broadcast %div3A : f32 to vector<16xf32>
      %div3A_983 = arith.divf %neg3A_981, %div3A_982 : vector<16xf32>
      %exp3A = math.exp %div3A_983 : vector<16xf32>
      %gt3A = arith.constant 0.899999976 : f32
      %gt3A_984 = vector.broadcast %gt3A : f32 to vector<16xf32>
      %gt3A_985 = arith.cmpf ogt, %exp3A, %gt3A_984 : vector<16xf32>
      %select_n3A = arith.select %gt3A_985, %broadcast_in_dim3A_971, %broadcast_in_dim3A_973 : vector<16xi1>, vector<16xf32>
      %neg3A_986 = arith.constant 0.000000e+00 : f32
      %neg3A_987 = vector.broadcast %neg3A_986 : f32 to vector<16xf32>
      %neg3A_988 = arith.subf %neg3A_987, %scan3A_978#1 : vector<16xf32>
      %div3A_989 = arith.constant 2.000000e-02 : f32
      %div3A_990 = vector.broadcast %div3A_989 : f32 to vector<16xf32>
      %div3A_991 = arith.divf %neg3A_988, %div3A_990 : vector<16xf32>
      %exp3A_992 = math.exp %div3A_991 : vector<16xf32>
      %gt3A_993 = arith.constant 0.899999976 : f32
      %gt3A_994 = vector.broadcast %gt3A_993 : f32 to vector<16xf32>
      %gt3A_995 = arith.cmpf ogt, %exp3A_992, %gt3A_994 : vector<16xf32>
      %select_n3A_996 = arith.select %gt3A_995, %broadcast_in_dim3A_971, %broadcast_in_dim3A_973 : vector<16xi1>, vector<16xf32>
      %neg3A_997 = arith.constant 0.000000e+00 : f32
      %neg3A_998 = vector.broadcast %neg3A_997 : f32 to vector<16xf32>
      %neg3A_999 = arith.subf %neg3A_998, %scan3A_978#2 : vector<16xf32>
      %div3A_1000 = arith.constant 2.000000e-02 : f32
      %div3A_1001 = vector.broadcast %div3A_1000 : f32 to vector<16xf32>
      %div3A_1002 = arith.divf %neg3A_999, %div3A_1001 : vector<16xf32>
      %exp3A_1003 = math.exp %div3A_1002 : vector<16xf32>
      %gt3A_1004 = arith.constant 0.899999976 : f32
      %gt3A_1005 = vector.broadcast %gt3A_1004 : f32 to vector<16xf32>
      %gt3A_1006 = arith.cmpf ogt, %exp3A_1003, %gt3A_1005 : vector<16xf32>
      %select_n3A_1007 = arith.select %gt3A_1006, %broadcast_in_dim3A_971, %broadcast_in_dim3A_973 : vector<16xi1>, vector<16xf32>
      %mul3A_1008 = arith.constant 4 : i32
      %mul3A_1009 = arith.muli %add3A_965, %mul3A_1008 : i32
      %add3A_1010 = arith.constant 0 : i32
      %add3A_1011 = arith.addi %mul3A_1009, %add3A_1010 : i32
      %mul3A_1012 = arith.constant 16 : i32
      %mul3A_1013 = arith.muli %add3A_1011, %mul3A_1012 : i32
      %get3A = arith.index_cast %mul3A_1013 : i32 to index
      %get3A_1014 = tpu.vector_load %arg12[%get3A] {strides = array<i32>} : memref<1024xf32, #tpu.memory_space<vmem>>, vector<16xf32>,
      %get3A_1015 = vector.shape_cast %get3A_1014 : vector<16xf32> to vector<16xf32>
      %mul3A_1016 = arith.constant 4 : i32
      %mul3A_1017 = arith.muli %add3A_965, %mul3A_1016 : i32
      %add3A_1018 = arith.constant 1 : i32
      %add3A_1019 = arith.addi %mul3A_1017, %add3A_1018 : i32
      %mul3A_1020 = arith.constant 16 : i32
      %mul3A_1021 = arith.muli %add3A_1019, %mul3A_1020 : i32
      %get3A_1022 = arith.index_cast %mul3A_1021 : i32 to index
      %get3A_1023 = tpu.vector_load %arg12[%get3A_1022] {strides = array<i32>} : memref<1024xf32, #tpu.memory_space<vmem>>, vector<16xf32>,
      %get3A_1024 = vector.shape_cast %get3A_1023 : vector<16xf32> to vector<16xf32>
      %mul3A_1025 = arith.constant 4 : i32
      %mul3A_1026 = arith.muli %add3A_965, %mul3A_1025 : i32
      %add3A_1027 = arith.constant 2 : i32
      %add3A_1028 = arith.addi %mul3A_1026, %add3A_1027 : i32
      %mul3A_1029 = arith.constant 16 : i32
      %mul3A_1030 = arith.muli %add3A_1028, %mul3A_1029 : i32
      %get3A_1031 = arith.index_cast %mul3A_1030 : i32 to index
      %get3A_1032 = tpu.vector_load %arg12[%get3A_1031] {strides = array<i32>} : memref<1024xf32, #tpu.memory_space<vmem>>, vector<16xf32>,
      %get3A_1033 = vector.shape_cast %get3A_1032 : vector<16xf32> to vector<16xf32>
      %mul3A_1034 = arith.constant 4 : i32
      %mul3A_1035 = arith.muli %add3A_965, %mul3A_1034 : i32
      %add3A_1036 = arith.constant 3 : i32
      %add3A_1037 = arith.addi %mul3A_1035, %add3A_1036 : i32
      %mul3A_1038 = arith.constant 16 : i32
      %mul3A_1039 = arith.muli %add3A_1037, %mul3A_1038 : i32
      %get3A_1040 = arith.index_cast %mul3A_1039 : i32 to index
      %get3A_1041 = tpu.vector_load %arg12[%get3A_1040] {strides = array<i32>} : memref<1024xf32, #tpu.memory_space<vmem>>, vector<16xf32>,
      %get3A_1042 = vector.shape_cast %get3A_1041 : vector<16xf32> to vector<16xf32>
      %neg3A_1043 = arith.constant 0.000000e+00 : f32
      %neg3A_1044 = vector.broadcast %neg3A_1043 : f32 to vector<16xf32>
      %neg3A_1045 = arith.subf %neg3A_1044, %get3A_1015 : vector<16xf32>
      %exp3A_1046 = math.exp %neg3A_1045 : vector<16xf32>
      %neg3A_1047 = arith.constant 0.000000e+00 : f32
      %neg3A_1048 = vector.broadcast %neg3A_1047 : f32 to vector<16xf32>
      %neg3A_1049 = arith.subf %neg3A_1048, %get3A_1024 : vector<16xf32>
      %exp3A_1050 = math.exp %neg3A_1049 : vector<16xf32>
      %mul3A_1051 = arith.mulf %exp3A_1050, %select_n3A : vector<16xf32>
      %neg3A_1052 = arith.constant 0.000000e+00 : f32
      %neg3A_1053 = vector.broadcast %neg3A_1052 : f32 to vector<16xf32>
      %neg3A_1054 = arith.subf %neg3A_1053, %get3A_1033 : vector<16xf32>
      %exp3A_1055 = math.exp %neg3A_1054 : vector<16xf32>
      %mul3A_1056 = arith.mulf %exp3A_1055, %select_n3A_996 : vector<16xf32>
      %neg3A_1057 = arith.constant 0.000000e+00 : f32
      %neg3A_1058 = vector.broadcast %neg3A_1057 : f32 to vector<16xf32>
      %neg3A_1059 = arith.subf %neg3A_1058, %get3A_1042 : vector<16xf32>
      %exp3A_1060 = math.exp %neg3A_1059 : vector<16xf32>
      %mul3A_1061 = arith.mulf %exp3A_1060, %select_n3A_1007 : vector<16xf32>
      %add3A_1062 = arith.addf %exp3A_1046, %mul3A_1051 : vector<16xf32>
      %add3A_1063 = arith.addf %mul3A_1056, %mul3A_1061 : vector<16xf32>
      %add3A_1064 = arith.addf %add3A_1062, %add3A_1063 : vector<16xf32>
      %div3A_1065 = arith.divf %exp3A_1046, %add3A_1064 : vector<16xf32>
      %div3A_1066 = arith.divf %mul3A_1051, %add3A_1064 : vector<16xf32>
      %div3A_1067 = arith.divf %mul3A_1056, %add3A_1064 : vector<16xf32>
      %div3A_1068 = arith.divf %mul3A_1061, %add3A_1064 : vector<16xf32>
      %mul3A_1069 = arith.mulf %div3A_1065, %get3A_1015 : vector<16xf32>
      %mul3A_1070 = arith.mulf %div3A_1066, %get3A_1024 : vector<16xf32>
      %add3A_1071 = arith.addf %mul3A_1069, %mul3A_1070 : vector<16xf32>
      %mul3A_1072 = arith.mulf %div3A_1067, %get3A_1033 : vector<16xf32>
      %add3A_1073 = arith.addf %add3A_1071, %mul3A_1072 : vector<16xf32>
      %mul3A_1074 = arith.mulf %div3A_1068, %get3A_1042 : vector<16xf32>
      %add3A_1075 = arith.addf %add3A_1073, %mul3A_1074 : vector<16xf32>
      %lt3A = arith.constant 2.000000e-01 : f32
      %lt3A_1076 = vector.broadcast %lt3A : f32 to vector<16xf32>
      %lt3A_1077 = arith.cmpf olt, %add3A_1075, %lt3A_1076 : vector<16xf32>
      %select_n3A_1078 = arith.select %lt3A_1077, %broadcast_in_dim3A_971, %broadcast_in_dim3A_973 : vector<16xi1>, vector<16xf32>
      %swap3A_1079 = arith.index_cast %mul3A_967 : i32 to index
      %swap3A_1080 = tpu.vector_load %arg16[%swap3A_1079] {strides = array<i32>} : memref<256xf32, #tpu.memory_space<vmem>>, vector<16xf32>,
      %swap3A_1081 = vector.shape_cast %swap3A_1080 : vector<16xf32> to vector<16xf32>
      %swap3A_1082 = vector.shape_cast %select_n3A_1078 : vector<16xf32> to vector<16xf32>
      tpu.vector_store %arg16[%swap3A_1079], %swap3A_1082 {strides = array<i32>} : memref<256xf32, #tpu.memory_space<vmem>>, vector<16xf32>,
      %get3A_1083 = arith.constant 0 : i32
      %get3A_1084 = arith.index_cast %get3A_1083 : i32 to index
      %get3A_1085 = arith.index_cast %mul3A_967 : i32 to index
      %get3A_1086 = tpu.vector_load %arg9[%get3A_1084, %get3A_1085] {strides = array<i32>} : memref<3x256xf32, #tpu.memory_space<vmem>>, vector<1x16xf32>,
      %get3A_1087 = vector.shape_cast %get3A_1086 : vector<1x16xf32> to vector<16xf32>
      %get3A_1088 = arith.constant 1 : i32
      %get3A_1089 = arith.index_cast %get3A_1088 : i32 to index
      %get3A_1090 = arith.index_cast %mul3A_967 : i32 to index
      %get3A_1091 = tpu.vector_load %arg9[%get3A_1089, %get3A_1090] {strides = array<i32>} : memref<3x256xf32, #tpu.memory_space<vmem>>, vector<1x16xf32>,
      %get3A_1092 = vector.shape_cast %get3A_1091 : vector<1x16xf32> to vector<16xf32>
      %get3A_1093 = arith.constant 2 : i32
      %get3A_1094 = arith.index_cast %get3A_1093 : i32 to index
      %get3A_1095 = arith.index_cast %mul3A_967 : i32 to index
      %get3A_1096 = tpu.vector_load %arg9[%get3A_1094, %get3A_1095] {strides = array<i32>} : memref<3x256xf32, #tpu.memory_space<vmem>>, vector<1x16xf32>,
      %get3A_1097 = vector.shape_cast %get3A_1096 : vector<1x16xf32> to vector<16xf32>
      %and3A = arith.constant 3 : i32
      %and3A_1098 = vector.broadcast %and3A : i32 to vector<16xi32>
      %and3A_1099 = arith.andi %iota3A, %and3A_1098 : vector<16xi32>
      %scan3A_1100 = arith.constant 0 : i32
      %scan3A_1101 = arith.constant 16 : i32
      %scan3A_1102 = arith.addi %scan3A_1100, %scan3A_1101 : i32
      %scan3A_1103 = arith.constant 1 : i32
      %scan3A_1104:3 = scf.for %scan3A_1125 = %scan3A_1100 to %scan3A_1102 step %scan3A_1103 iter_args(%scan3A_1126 = %broadcast_in_dim3A_973, %scan3A_1127 = %broadcast_in_dim3A_973, %scan3A_1128 = %broadcast_in_dim3A_973) -> (vector<16xf32>, vector<16xf32>, vector<16xf32>)  : i32 {
        %add3A_1129 = arith.addi %mul3A_969, %scan3A_1125 : i32
        %broadcast_in_dim3A_1130 = arith.constant 0 : i32
        %broadcast_in_dim3A_1131 = vector.broadcast %broadcast_in_dim3A_1130 : i32 to vector<16xi32>
        %add3A_1132 = vector.broadcast %scan3A_1125 : i32 to vector<16xi32>
        %add3A_1133 = arith.addi %broadcast_in_dim3A_1131, %add3A_1132 : vector<16xi32>
        %broadcast_in_dim3A_1134 = vector.shape_cast %add3A_1133 : vector<16xi32> to vector<16x1xi32>
        %gather3A = vector.shape_cast %broadcast_in_dim3A_1134 : vector<16x1xi32> to vector<16xi32>
        %gather3A_1135 = tpu.dynamic_gather %div3A_1065[%gather3A] in [0] : vector<16xf32>, vector<16xi32> -> vector<16xf32>
        %get3A_1136 = arith.index_cast %add3A_1129 : i32 to index
        %get3A_1137 = arith.constant 32 : index
        %get3A_1138 = tpu.vector_load %arg14[%get3A_1136, %get3A_1137] {strides = array<i32>} : memref<512x128xf32, #tpu.memory_space<vmem>>, vector<1x16xf32>,
        %get3A_1139 = vector.shape_cast %get3A_1138 : vector<1x16xf32> to vector<16xf32>
        %mul3A_1140 = arith.mulf %gather3A_1135, %get3A_1139 : vector<16xf32>
        %broadcast_in_dim3A_1141 = arith.constant 0 : i32
        %broadcast_in_dim3A_1142 = vector.broadcast %broadcast_in_dim3A_1141 : i32 to vector<16xi32>
        %add3A_1143 = vector.broadcast %scan3A_1125 : i32 to vector<16xi32>
        %add3A_1144 = arith.addi %broadcast_in_dim3A_1142, %add3A_1143 : vector<16xi32>
        %broadcast_in_dim3A_1145 = vector.shape_cast %add3A_1144 : vector<16xi32> to vector<16x1xi32>
        %gather3A_1146 = vector.shape_cast %broadcast_in_dim3A_1145 : vector<16x1xi32> to vector<16xi32>
        %gather3A_1147 = tpu.dynamic_gather %div3A_1066[%gather3A_1146] in [0] : vector<16xf32>, vector<16xi32> -> vector<16xf32>
        %add3A_1148 = arith.constant 128 : i32
        %add3A_1149 = arith.addi %add3A_1148, %add3A_1129 : i32
        %get3A_1150 = arith.index_cast %add3A_1149 : i32 to index
        %get3A_1151 = arith.constant 32 : index
        %get3A_1152 = tpu.vector_load %arg14[%get3A_1150, %get3A_1151] {strides = array<i32>} : memref<512x128xf32, #tpu.memory_space<vmem>>, vector<1x16xf32>,
        %get3A_1153 = vector.shape_cast %get3A_1152 : vector<1x16xf32> to vector<16xf32>
        %mul3A_1154 = arith.mulf %gather3A_1147, %get3A_1153 : vector<16xf32>
        %add3A_1155 = arith.addf %mul3A_1140, %mul3A_1154 : vector<16xf32>
        %broadcast_in_dim3A_1156 = arith.constant 0 : i32
        %broadcast_in_dim3A_1157 = vector.broadcast %broadcast_in_dim3A_1156 : i32 to vector<16xi32>
        %add3A_1158 = vector.broadcast %scan3A_1125 : i32 to vector<16xi32>
        %add3A_1159 = arith.addi %broadcast_in_dim3A_1157, %add3A_1158 : vector<16xi32>
        %broadcast_in_dim3A_1160 = vector.shape_cast %add3A_1159 : vector<16xi32> to vector<16x1xi32>
        %gather3A_1161 = vector.shape_cast %broadcast_in_dim3A_1160 : vector<16x1xi32> to vector<16xi32>
        %gather3A_1162 = tpu.dynamic_gather %div3A_1067[%gather3A_1161] in [0] : vector<16xf32>, vector<16xi32> -> vector<16xf32>
        %add3A_1163 = arith.constant 256 : i32
        %add3A_1164 = arith.addi %add3A_1163, %add3A_1129 : i32
        %get3A_1165 = arith.index_cast %add3A_1164 : i32 to index
        %get3A_1166 = arith.constant 32 : index
        %get3A_1167 = tpu.vector_load %arg14[%get3A_1165, %get3A_1166] {strides = array<i32>} : memref<512x128xf32, #tpu.memory_space<vmem>>, vector<1x16xf32>,
        %get3A_1168 = vector.shape_cast %get3A_1167 : vector<1x16xf32> to vector<16xf32>
        %mul3A_1169 = arith.mulf %gather3A_1162, %get3A_1168 : vector<16xf32>
        %add3A_1170 = arith.addf %add3A_1155, %mul3A_1169 : vector<16xf32>
        %broadcast_in_dim3A_1171 = arith.constant 0 : i32
        %broadcast_in_dim3A_1172 = vector.broadcast %broadcast_in_dim3A_1171 : i32 to vector<16xi32>
        %add3A_1173 = vector.broadcast %scan3A_1125 : i32 to vector<16xi32>
        %add3A_1174 = arith.addi %broadcast_in_dim3A_1172, %add3A_1173 : vector<16xi32>
        %broadcast_in_dim3A_1175 = vector.shape_cast %add3A_1174 : vector<16xi32> to vector<16x1xi32>
        %gather3A_1176 = vector.shape_cast %broadcast_in_dim3A_1175 : vector<16x1xi32> to vector<16xi32>
        %gather3A_1177 = tpu.dynamic_gather %div3A_1068[%gather3A_1176] in [0] : vector<16xf32>, vector<16xi32> -> vector<16xf32>
        %add3A_1178 = arith.constant 384 : i32
        %add3A_1179 = arith.addi %add3A_1178, %add3A_1129 : i32
        %get3A_1180 = arith.index_cast %add3A_1179 : i32 to index
        %get3A_1181 = arith.constant 32 : index
        %get3A_1182 = tpu.vector_load %arg14[%get3A_1180, %get3A_1181] {strides = array<i32>} : memref<512x128xf32, #tpu.memory_space<vmem>>, vector<1x16xf32>,
        %get3A_1183 = vector.shape_cast %get3A_1182 : vector<1x16xf32> to vector<16xf32>
        %mul3A_1184 = arith.mulf %gather3A_1177, %get3A_1183 : vector<16xf32>
        %add3A_1185 = arith.addf %add3A_1170, %mul3A_1184 : vector<16xf32>
        %eq3A = arith.constant 0 : i32
        %eq3A_1186 = vector.broadcast %eq3A : i32 to vector<16xi32>
        %eq3A_1187 = arith.cmpi eq, %and3A_1099, %eq3A_1186 : vector<16xi32>
        %broadcast_in_dim3A_1188 = arith.constant 0 : i32
        %broadcast_in_dim3A_1189 = vector.broadcast %broadcast_in_dim3A_1188 : i32 to vector<16xi32>
        %add3A_1190 = vector.broadcast %scan3A_1125 : i32 to vector<16xi32>
        %add3A_1191 = arith.addi %broadcast_in_dim3A_1189, %add3A_1190 : vector<16xi32>
        %broadcast_in_dim3A_1192 = vector.shape_cast %add3A_1191 : vector<16xi32> to vector<16x1xi32>
        %gather3A_1193 = vector.shape_cast %broadcast_in_dim3A_1192 : vector<16x1xi32> to vector<16xi32>
        %gather3A_1194 = tpu.dynamic_gather %get3A_1087[%gather3A_1193] in [0] : vector<16xf32>, vector<16xi32> -> vector<16xf32>
        %eq3A_1195 = arith.constant 1 : i32
        %eq3A_1196 = vector.broadcast %eq3A_1195 : i32 to vector<16xi32>
        %eq3A_1197 = arith.cmpi eq, %and3A_1099, %eq3A_1196 : vector<16xi32>
        %broadcast_in_dim3A_1198 = arith.constant 0 : i32
        %broadcast_in_dim3A_1199 = vector.broadcast %broadcast_in_dim3A_1198 : i32 to vector<16xi32>
        %add3A_1200 = vector.broadcast %scan3A_1125 : i32 to vector<16xi32>
        %add3A_1201 = arith.addi %broadcast_in_dim3A_1199, %add3A_1200 : vector<16xi32>
        %broadcast_in_dim3A_1202 = vector.shape_cast %add3A_1201 : vector<16xi32> to vector<16x1xi32>
        %gather3A_1203 = vector.shape_cast %broadcast_in_dim3A_1202 : vector<16x1xi32> to vector<16xi32>
        %gather3A_1204 = tpu.dynamic_gather %get3A_1092[%gather3A_1203] in [0] : vector<16xf32>, vector<16xi32> -> vector<16xf32>
        %eq3A_1205 = arith.constant 2 : i32
        %eq3A_1206 = vector.broadcast %eq3A_1205 : i32 to vector<16xi32>
        %eq3A_1207 = arith.cmpi eq, %and3A_1099, %eq3A_1206 : vector<16xi32>
        %broadcast_in_dim3A_1208 = arith.constant 0 : i32
        %broadcast_in_dim3A_1209 = vector.broadcast %broadcast_in_dim3A_1208 : i32 to vector<16xi32>
        %add3A_1210 = vector.broadcast %scan3A_1125 : i32 to vector<16xi32>
        %add3A_1211 = arith.addi %broadcast_in_dim3A_1209, %add3A_1210 : vector<16xi32>
        %broadcast_in_dim3A_1212 = vector.shape_cast %add3A_1211 : vector<16xi32> to vector<16x1xi32>
        %gather3A_1213 = vector.shape_cast %broadcast_in_dim3A_1212 : vector<16x1xi32> to vector<16xi32>
        %gather3A_1214 = tpu.dynamic_gather %get3A_1097[%gather3A_1213] in [0] : vector<16xf32>, vector<16xi32> -> vector<16xf32>
        %select_n3A_1215 = arith.select %eq3A_1207, %gather3A_1214, %broadcast_in_dim3A_971 : vector<16xi1>, vector<16xf32>
        %select_n3A_1216 = arith.select %eq3A_1197, %gather3A_1204, %select_n3A_1215 : vector<16xi1>, vector<16xf32>
        %select_n3A_1217 = arith.select %eq3A_1187, %gather3A_1194, %select_n3A_1216 : vector<16xi1>, vector<16xf32>
        %mul3A_1218 = arith.mulf %add3A_1185, %select_n3A_1217 : vector<16xf32>
        %add3A_1219 = arith.constant 1 : i32
        %add3A_1220 = vector.broadcast %add3A_1219 : i32 to vector<16xi32>
        %add3A_1221 = arith.addi %iota3A, %add3A_1220 : vector<16xi32>
        %and3A_1222 = arith.constant 15 : i32
        %and3A_1223 = vector.broadcast %and3A_1222 : i32 to vector<16xi32>
        %and3A_1224 = arith.andi %add3A_1221, %and3A_1223 : vector<16xi32>
        %broadcast_in_dim3A_1225 = vector.shape_cast %and3A_1224 : vector<16xi32> to vector<16x1xi32>
        %gather3A_1226 = vector.shape_cast %broadcast_in_dim3A_1225 : vector<16x1xi32> to vector<16xi32>
        %gather3A_1227 = tpu.dynamic_gather %mul3A_1218[%gather3A_1226] in [0] : vector<16xf32>, vector<16xi32> -> vector<16xf32>
        %add3A_1228 = arith.addf %mul3A_1218, %gather3A_1227 : vector<16xf32>
        %add3A_1229 = arith.constant 2 : i32
        %add3A_1230 = vector.broadcast %add3A_1229 : i32 to vector<16xi32>
        %add3A_1231 = arith.addi %iota3A, %add3A_1230 : vector<16xi32>
        %and3A_1232 = arith.constant 15 : i32
        %and3A_1233 = vector.broadcast %and3A_1232 : i32 to vector<16xi32>
        %and3A_1234 = arith.andi %add3A_1231, %and3A_1233 : vector<16xi32>
        %broadcast_in_dim3A_1235 = vector.shape_cast %and3A_1234 : vector<16xi32> to vector<16x1xi32>
        %gather3A_1236 = vector.shape_cast %broadcast_in_dim3A_1235 : vector<16x1xi32> to vector<16xi32>
        %gather3A_1237 = tpu.dynamic_gather %add3A_1228[%gather3A_1236] in [0] : vector<16xf32>, vector<16xi32> -> vector<16xf32>
        %add3A_1238 = arith.addf %add3A_1228, %gather3A_1237 : vector<16xf32>
        %broadcast_in_dim3A_1239 = arith.constant 0 : i32
        %broadcast_in_dim3A_1240 = vector.broadcast %broadcast_in_dim3A_1239 : i32 to vector<16xi32>
        %add3A_1241 = vector.broadcast %scan3A_1125 : i32 to vector<16xi32>
        %add3A_1242 = arith.addi %broadcast_in_dim3A_1240, %add3A_1241 : vector<16xi32>
        %eq3A_1243 = arith.cmpi eq, %iota3A, %add3A_1242 : vector<16xi32>
        %broadcast_in_dim3A_1244 = arith.constant 0 : i32
        %broadcast_in_dim3A_1245 = vector.broadcast %broadcast_in_dim3A_1244 : i32 to vector<16xi32>
        %add3A_1246 = arith.constant 0 : i32
        %add3A_1247 = vector.broadcast %add3A_1246 : i32 to vector<16xi32>
        %add3A_1248 = arith.addi %broadcast_in_dim3A_1245, %add3A_1247 : vector<16xi32>
        %broadcast_in_dim3A_1249 = vector.shape_cast %add3A_1248 : vector<16xi32> to vector<16x1xi32>
        %gather3A_1250 = vector.shape_cast %broadcast_in_dim3A_1249 : vector<16x1xi32> to vector<16xi32>
        %gather3A_1251 = tpu.dynamic_gather %add3A_1238[%gather3A_1250] in [0] : vector<16xf32>, vector<16xi32> -> vector<16xf32>
        %select_n3A_1252 = arith.select %eq3A_1243, %gather3A_1251, %scan3A_1126 : vector<16xi1>, vector<16xf32>
        %broadcast_in_dim3A_1253 = arith.constant 0 : i32
        %broadcast_in_dim3A_1254 = vector.broadcast %broadcast_in_dim3A_1253 : i32 to vector<16xi32>
        %add3A_1255 = arith.constant 4 : i32
        %add3A_1256 = vector.broadcast %add3A_1255 : i32 to vector<16xi32>
        %add3A_1257 = arith.addi %broadcast_in_dim3A_1254, %add3A_1256 : vector<16xi32>
        %broadcast_in_dim3A_1258 = vector.shape_cast %add3A_1257 : vector<16xi32> to vector<16x1xi32>
        %gather3A_1259 = vector.shape_cast %broadcast_in_dim3A_1258 : vector<16x1xi32> to vector<16xi32>
        %gather3A_1260 = tpu.dynamic_gather %add3A_1238[%gather3A_1259] in [0] : vector<16xf32>, vector<16xi32> -> vector<16xf32>
        %select_n3A_1261 = arith.select %eq3A_1243, %gather3A_1260, %scan3A_1127 : vector<16xi1>, vector<16xf32>
        %broadcast_in_dim3A_1262 = arith.constant 0 : i32
        %broadcast_in_dim3A_1263 = vector.broadcast %broadcast_in_dim3A_1262 : i32 to vector<16xi32>
        %add3A_1264 = arith.constant 8 : i32
        %add3A_1265 = vector.broadcast %add3A_1264 : i32 to vector<16xi32>
        %add3A_1266 = arith.addi %broadcast_in_dim3A_1263, %add3A_1265 : vector<16xi32>
        %broadcast_in_dim3A_1267 = vector.shape_cast %add3A_1266 : vector<16xi32> to vector<16x1xi32>
        %gather3A_1268 = vector.shape_cast %broadcast_in_dim3A_1267 : vector<16x1xi32> to vector<16xi32>
        %gather3A_1269 = tpu.dynamic_gather %add3A_1238[%gather3A_1268] in [0] : vector<16xf32>, vector<16xi32> -> vector<16xf32>
        %select_n3A_1270 = arith.select %eq3A_1243, %gather3A_1269, %scan3A_1128 : vector<16xi1>, vector<16xf32>
        scf.yield %select_n3A_1252, %select_n3A_1261, %select_n3A_1270 : vector<16xf32>, vector<16xf32>, vector<16xf32>
      }
      %scan3A_1105 = arith.constant 16 : i32
      %swap3A_1106 = arith.constant 0 : i32
      %swap3A_1107 = arith.index_cast %swap3A_1106 : i32 to index
      %swap3A_1108 = arith.index_cast %mul3A_967 : i32 to index
      %swap3A_1109 = tpu.vector_load %arg15[%swap3A_1107, %swap3A_1108] {strides = array<i32>} : memref<3x256xf32, #tpu.memory_space<vmem>>, vector<1x16xf32>,
      %swap3A_1110 = vector.shape_cast %swap3A_1109 : vector<1x16xf32> to vector<16xf32>
      %swap3A_1111 = vector.shape_cast %scan3A_1104#0 : vector<16xf32> to vector<1x16xf32>
      tpu.vector_store %arg15[%swap3A_1107, %swap3A_1108], %swap3A_1111 {strides = array<i32>} : memref<3x256xf32, #tpu.memory_space<vmem>>, vector<1x16xf32>,
      %swap3A_1112 = arith.constant 1 : i32
      %swap3A_1113 = arith.index_cast %swap3A_1112 : i32 to index
      %swap3A_1114 = arith.index_cast %mul3A_967 : i32 to index
      %swap3A_1115 = tpu.vector_load %arg15[%swap3A_1113, %swap3A_1114] {strides = array<i32>} : memref<3x256xf32, #tpu.memory_space<vmem>>, vector<1x16xf32>,
      %swap3A_1116 = vector.shape_cast %swap3A_1115 : vector<1x16xf32> to vector<16xf32>
      %swap3A_1117 = vector.shape_cast %scan3A_1104#1 : vector<16xf32> to vector<1x16xf32>
      tpu.vector_store %arg15[%swap3A_1113, %swap3A_1114], %swap3A_1117 {strides = array<i32>} : memref<3x256xf32, #tpu.memory_space<vmem>>, vector<1x16xf32>,
      %swap3A_1118 = arith.constant 2 : i32
      %swap3A_1119 = arith.index_cast %swap3A_1118 : i32 to index
      %swap3A_1120 = arith.index_cast %mul3A_967 : i32 to index
      %swap3A_1121 = tpu.vector_load %arg15[%swap3A_1119, %swap3A_1120] {strides = array<i32>} : memref<3x256xf32, #tpu.memory_space<vmem>>, vector<1x16xf32>,
      %swap3A_1122 = vector.shape_cast %swap3A_1121 : vector<1x16xf32> to vector<16xf32>
      %swap3A_1123 = vector.shape_cast %scan3A_1104#2 : vector<16xf32> to vector<1x16xf32>
      tpu.vector_store %arg15[%swap3A_1119, %swap3A_1120], %swap3A_1123 {strides = array<i32>} : memref<3x256xf32, #tpu.memory_space<vmem>>, vector<1x16xf32>,
      %scan3A_1124 = arith.constant 0 : i32
      scf.yield %scan3A_1124 : i32
    }
    %scan3A_874 = arith.constant 8 : i32
    %dma_start3A_875 = arith.constant 0 : i32
    %dma_start3A_876 = arith.constant 0 : i32
    %dma_start3A_877 = arith.constant 0 : i32
    %dma_start3A_878 = tpu.memref_slice %arg14[%dma_start3A_876, %dma_start3A_877] : memref<512x128xf32, #tpu.memory_space<vmem>> -> memref<128x128xf32, #tpu.memory_space<vmem>>
    %dma_start3A_879 = arith.constant 128 : i32
    %dma_start3A_880 = tpu.memref_slice %arg13[%dma_start3A_875, %dma_start3A_879] : memref<4x256xi32, #tpu.memory_space<vmem>> -> memref<1x128xi32, #tpu.memory_space<vmem>>
    %dma_start3A_881 = tpu.memref_squeeze %dma_start3A_880 : memref<1x128xi32, #tpu.memory_space<vmem>> -> memref<128xi32, #tpu.memory_space<vmem>>
    %dma_start3A_882 = arith.constant 0 : i32
    %dma_start3A_883 = arith.constant 0 : i32
    %dma_start3A_884 = tpu.memref_slice %arg4[%dma_start3A_882, %dma_start3A_883] : memref<6912x128xf32, #tpu.memory_space<hbm>> -> memref<6912x128xf32, #tpu.memory_space<hbm>>
    tpu.enqueue_indirect_dma source(%dma_start3A_884 : memref<6912x128xf32, #tpu.memory_space<hbm>>) target(%dma_start3A_878 : memref<128x128xf32, #tpu.memory_space<vmem>>) offsets(%dma_start3A_881 : memref<128xi32, #tpu.memory_space<vmem>>) semaphore(%arg19 : memref<!tpu.dma_semaphore, #tpu.memory_space<semaphore_mem>>)
    %dma_start3A_885 = arith.constant 1 : i32
    %dma_start3A_886 = arith.constant 128 : i32
    %dma_start3A_887 = arith.constant 0 : i32
    %dma_start3A_888 = tpu.memref_slice %arg14[%dma_start3A_886, %dma_start3A_887] : memref<512x128xf32, #tpu.memory_space<vmem>> -> memref<128x128xf32, #tpu.memory_space<vmem>>
    %dma_start3A_889 = arith.constant 128 : i32
    %dma_start3A_890 = tpu.memref_slice %arg13[%dma_start3A_885, %dma_start3A_889] : memref<4x256xi32, #tpu.memory_space<vmem>> -> memref<1x128xi32, #tpu.memory_space<vmem>>
    %dma_start3A_891 = tpu.memref_squeeze %dma_start3A_890 : memref<1x128xi32, #tpu.memory_space<vmem>> -> memref<128xi32, #tpu.memory_space<vmem>>
    %dma_start3A_892 = arith.constant 0 : i32
    %dma_start3A_893 = arith.constant 0 : i32
    %dma_start3A_894 = tpu.memref_slice %arg4[%dma_start3A_892, %dma_start3A_893] : memref<6912x128xf32, #tpu.memory_space<hbm>> -> memref<6912x128xf32, #tpu.memory_space<hbm>>
    tpu.enqueue_indirect_dma source(%dma_start3A_894 : memref<6912x128xf32, #tpu.memory_space<hbm>>) target(%dma_start3A_888 : memref<128x128xf32, #tpu.memory_space<vmem>>) offsets(%dma_start3A_891 : memref<128xi32, #tpu.memory_space<vmem>>) semaphore(%arg19 : memref<!tpu.dma_semaphore, #tpu.memory_space<semaphore_mem>>)
    %dma_start3A_895 = arith.constant 2 : i32
    %dma_start3A_896 = arith.constant 256 : i32
    %dma_start3A_897 = arith.constant 0 : i32
    %dma_start3A_898 = tpu.memref_slice %arg14[%dma_start3A_896, %dma_start3A_897] : memref<512x128xf32, #tpu.memory_space<vmem>> -> memref<128x128xf32, #tpu.memory_space<vmem>>
    %dma_start3A_899 = arith.constant 128 : i32
    %dma_start3A_900 = tpu.memref_slice %arg13[%dma_start3A_895, %dma_start3A_899] : memref<4x256xi32, #tpu.memory_space<vmem>> -> memref<1x128xi32, #tpu.memory_space<vmem>>
    %dma_start3A_901 = tpu.memref_squeeze %dma_start3A_900 : memref<1x128xi32, #tpu.memory_space<vmem>> -> memref<128xi32, #tpu.memory_space<vmem>>
    %dma_start3A_902 = arith.constant 0 : i32
    %dma_start3A_903 = arith.constant 0 : i32
    %dma_start3A_904 = tpu.memref_slice %arg4[%dma_start3A_902, %dma_start3A_903] : memref<6912x128xf32, #tpu.memory_space<hbm>> -> memref<6912x128xf32, #tpu.memory_space<hbm>>
    tpu.enqueue_indirect_dma source(%dma_start3A_904 : memref<6912x128xf32, #tpu.memory_space<hbm>>) target(%dma_start3A_898 : memref<128x128xf32, #tpu.memory_space<vmem>>) offsets(%dma_start3A_901 : memref<128xi32, #tpu.memory_space<vmem>>) semaphore(%arg19 : memref<!tpu.dma_semaphore, #tpu.memory_space<semaphore_mem>>)
    %dma_start3A_905 = arith.constant 3 : i32
    %dma_start3A_906 = arith.constant 384 : i32
    %dma_start3A_907 = arith.constant 0 : i32
    %dma_start3A_908 = tpu.memref_slice %arg14[%dma_start3A_906, %dma_start3A_907] : memref<512x128xf32, #tpu.memory_space<vmem>> -> memref<128x128xf32, #tpu.memory_space<vmem>>
    %dma_start3A_909 = arith.constant 128 : i32
    %dma_start3A_910 = tpu.memref_slice %arg13[%dma_start3A_905, %dma_start3A_909] : memref<4x256xi32, #tpu.memory_space<vmem>> -> memref<1x128xi32, #tpu.memory_space<vmem>>
    %dma_start3A_911 = tpu.memref_squeeze %dma_start3A_910 : memref<1x128xi32, #tpu.memory_space<vmem>> -> memref<128xi32, #tpu.memory_space<vmem>>
    %dma_start3A_912 = arith.constant 0 : i32
    %dma_start3A_913 = arith.constant 0 : i32
    %dma_start3A_914 = tpu.memref_slice %arg4[%dma_start3A_912, %dma_start3A_913] : memref<6912x128xf32, #tpu.memory_space<hbm>> -> memref<6912x128xf32, #tpu.memory_space<hbm>>
    tpu.enqueue_indirect_dma source(%dma_start3A_914 : memref<6912x128xf32, #tpu.memory_space<hbm>>) target(%dma_start3A_908 : memref<128x128xf32, #tpu.memory_space<vmem>>) offsets(%dma_start3A_911 : memref<128xi32, #tpu.memory_space<vmem>>) semaphore(%arg19 : memref<!tpu.dma_semaphore, #tpu.memory_space<semaphore_mem>>)
    %dma_wait3A_915 = arith.constant 0 : i32
    %dma_wait3A_916 = arith.constant 0 : i32
    %dma_wait3A_917 = arith.constant 0 : i32
    %dma_wait3A_918 = tpu.memref_slice %arg14[%dma_wait3A_916, %dma_wait3A_917] : memref<512x128xf32, #tpu.memory_space<vmem>> -> memref<128x128xf32, #tpu.memory_space<vmem>>
    %dma_wait3A_919 = arith.constant 128 : i32
    %dma_wait3A_920 = tpu.memref_slice %arg13[%dma_wait3A_915, %dma_wait3A_919] : memref<4x256xi32, #tpu.memory_space<vmem>> -> memref<1x128xi32, #tpu.memory_space<vmem>>
    %dma_wait3A_921 = tpu.memref_squeeze %dma_wait3A_920 : memref<1x128xi32, #tpu.memory_space<vmem>> -> memref<128xi32, #tpu.memory_space<vmem>>
    %dma_wait3A_922 = arith.constant 0 : i32
    %dma_wait3A_923 = arith.constant 0 : i32
    %dma_wait3A_924 = tpu.memref_slice %arg4[%dma_wait3A_922, %dma_wait3A_923] : memref<6912x128xf32, #tpu.memory_space<hbm>> -> memref<6912x128xf32, #tpu.memory_space<hbm>>
    tpu.wait_indirect_dma semaphore(%arg19 : memref<!tpu.dma_semaphore, #tpu.memory_space<semaphore_mem>>) src(%dma_wait3A_924 : memref<6912x128xf32, #tpu.memory_space<hbm>>) dst(%dma_wait3A_918 : memref<128x128xf32, #tpu.memory_space<vmem>>)
    %dma_wait3A_925 = arith.constant 1 : i32
    %dma_wait3A_926 = arith.constant 128 : i32
    %dma_wait3A_927 = arith.constant 0 : i32
    %dma_wait3A_928 = tpu.memref_slice %arg14[%dma_wait3A_926, %dma_wait3A_927] : memref<512x128xf32, #tpu.memory_space<vmem>> -> memref<128x128xf32, #tpu.memory_space<vmem>>
    %dma_wait3A_929 = arith.constant 128 : i32
    %dma_wait3A_930 = tpu.memref_slice %arg13[%dma_wait3A_925, %dma_wait3A_929] : memref<4x256xi32, #tpu.memory_space<vmem>> -> memref<1x128xi32, #tpu.memory_space<vmem>>
    %dma_wait3A_931 = tpu.memref_squeeze %dma_wait3A_930 : memref<1x128xi32, #tpu.memory_space<vmem>> -> memref<128xi32, #tpu.memory_space<vmem>>
    %dma_wait3A_932 = arith.constant 0 : i32
    %dma_wait3A_933 = arith.constant 0 : i32
    %dma_wait3A_934 = tpu.memref_slice %arg4[%dma_wait3A_932, %dma_wait3A_933] : memref<6912x128xf32, #tpu.memory_space<hbm>> -> memref<6912x128xf32, #tpu.memory_space<hbm>>
    tpu.wait_indirect_dma semaphore(%arg19 : memref<!tpu.dma_semaphore, #tpu.memory_space<semaphore_mem>>) src(%dma_wait3A_934 : memref<6912x128xf32, #tpu.memory_space<hbm>>) dst(%dma_wait3A_928 : memref<128x128xf32, #tpu.memory_space<vmem>>)
    %dma_wait3A_935 = arith.constant 2 : i32
    %dma_wait3A_936 = arith.constant 256 : i32
    %dma_wait3A_937 = arith.constant 0 : i32
    %dma_wait3A_938 = tpu.memref_slice %arg14[%dma_wait3A_936, %dma_wait3A_937] : memref<512x128xf32, #tpu.memory_space<vmem>> -> memref<128x128xf32, #tpu.memory_space<vmem>>
    %dma_wait3A_939 = arith.constant 128 : i32
    %dma_wait3A_940 = tpu.memref_slice %arg13[%dma_wait3A_935, %dma_wait3A_939] : memref<4x256xi32, #tpu.memory_space<vmem>> -> memref<1x128xi32, #tpu.memory_space<vmem>>
    %dma_wait3A_941 = tpu.memref_squeeze %dma_wait3A_940 : memref<1x128xi32, #tpu.memory_space<vmem>> -> memref<128xi32, #tpu.memory_space<vmem>>
    %dma_wait3A_942 = arith.constant 0 : i32
    %dma_wait3A_943 = arith.constant 0 : i32
    %dma_wait3A_944 = tpu.memref_slice %arg4[%dma_wait3A_942, %dma_wait3A_943] : memref<6912x128xf32, #tpu.memory_space<hbm>> -> memref<6912x128xf32, #tpu.memory_space<hbm>>
    tpu.wait_indirect_dma semaphore(%arg19 : memref<!tpu.dma_semaphore, #tpu.memory_space<semaphore_mem>>) src(%dma_wait3A_944 : memref<6912x128xf32, #tpu.memory_space<hbm>>) dst(%dma_wait3A_938 : memref<128x128xf32, #tpu.memory_space<vmem>>)
    %dma_wait3A_945 = arith.constant 3 : i32
    %dma_wait3A_946 = arith.constant 384 : i32
    %dma_wait3A_947 = arith.constant 0 : i32
    %dma_wait3A_948 = tpu.memref_slice %arg14[%dma_wait3A_946, %dma_wait3A_947] : memref<512x128xf32, #tpu.memory_space<vmem>> -> memref<128x128xf32, #tpu.memory_space<vmem>>
    %dma_wait3A_949 = arith.constant 128 : i32
    %dma_wait3A_950 = tpu.memref_slice %arg13[%dma_wait3A_945, %dma_wait3A_949] : memref<4x256xi32, #tpu.memory_space<vmem>> -> memref<1x128xi32, #tpu.memory_space<vmem>>
    %dma_wait3A_951 = tpu.memref_squeeze %dma_wait3A_950 : memref<1x128xi32, #tpu.memory_space<vmem>> -> memref<128xi32, #tpu.memory_space<vmem>>
    %dma_wait3A_952 = arith.constant 0 : i32
    %dma_wait3A_953 = arith.constant 0 : i32
    %dma_wait3A_954 = tpu.memref_slice %arg4[%dma_wait3A_952, %dma_wait3A_953] : memref<6912x128xf32, #tpu.memory_space<hbm>> -> memref<6912x128xf32, #tpu.memory_space<hbm>>
    tpu.wait_indirect_dma semaphore(%arg19 : memref<!tpu.dma_semaphore, #tpu.memory_space<semaphore_mem>>) src(%dma_wait3A_954 : memref<6912x128xf32, #tpu.memory_space<hbm>>) dst(%dma_wait3A_948 : memref<128x128xf32, #tpu.memory_space<vmem>>)
    %scan3A_955 = arith.constant 0 : i32
    %scan3A_956 = arith.constant 0 : i32
    %scan3A_957 = arith.constant 8 : i32
    %scan3A_958 = arith.addi %scan3A_956, %scan3A_957 : i32
    %scan3A_959 = arith.constant 1 : i32
    %scan3A_960 = scf.for %scan3A_962 = %scan3A_956 to %scan3A_958 step %scan3A_959 iter_args(%scan3A_963 = %scan3A_955) -> (i32)  : i32 {
      %add3A_964 = arith.constant 8 : i32
      %add3A_965 = arith.addi %add3A_964, %scan3A_962 : i32
      %mul3A_966 = arith.constant 16 : i32
      %mul3A_967 = arith.muli %add3A_965, %mul3A_966 : i32
      %mul3A_968 = arith.constant 16 : i32
      %mul3A_969 = arith.muli %scan3A_962, %mul3A_968 : i32
      %broadcast_in_dim3A_970 = arith.constant 1.000000e+00 : f32
      %broadcast_in_dim3A_971 = vector.broadcast %broadcast_in_dim3A_970 : f32 to vector<16xf32>
      %broadcast_in_dim3A_972 = arith.constant 0.000000e+00 : f32
      %broadcast_in_dim3A_973 = vector.broadcast %broadcast_in_dim3A_972 : f32 to vector<16xf32>
      %scan3A_974 = arith.constant 0 : i32
      %scan3A_975 = arith.constant 16 : i32
      %scan3A_976 = arith.addi %scan3A_974, %scan3A_975 : i32
      %scan3A_977 = arith.constant 1 : i32
      %scan3A_978:3 = scf.for %scan3A_1125 = %scan3A_974 to %scan3A_976 step %scan3A_977 iter_args(%scan3A_1126 = %broadcast_in_dim3A_973, %scan3A_1127 = %broadcast_in_dim3A_973, %scan3A_1128 = %broadcast_in_dim3A_973) -> (vector<16xf32>, vector<16xf32>, vector<16xf32>)  : i32 {
        %add3A_1129 = arith.addi %mul3A_969, %scan3A_1125 : i32
        %get3A_1130 = arith.index_cast %add3A_1129 : i32 to index
        %get3A_1131 = arith.constant 0 : index
        %get3A_1132 = tpu.vector_load %arg14[%get3A_1130, %get3A_1131] {strides = array<i32>} : memref<512x128xf32, #tpu.memory_space<vmem>>, vector<1x16xf32>,
        %get3A_1133 = vector.shape_cast %get3A_1132 : vector<1x16xf32> to vector<16xf32>
        %get3A_1134 = arith.index_cast %add3A_1129 : i32 to index
        %get3A_1135 = arith.constant 16 : index
        %get3A_1136 = tpu.vector_load %arg14[%get3A_1134, %get3A_1135] {strides = array<i32>} : memref<512x128xf32, #tpu.memory_space<vmem>>, vector<1x16xf32>,
        %get3A_1137 = vector.shape_cast %get3A_1136 : vector<1x16xf32> to vector<16xf32>
        %broadcast_in_dim3A_1138 = arith.constant 0 : i32
        %broadcast_in_dim3A_1139 = vector.broadcast %broadcast_in_dim3A_1138 : i32 to vector<16xi32>
        %add3A_1140 = vector.broadcast %scan3A_1125 : i32 to vector<16xi32>
        %add3A_1141 = arith.addi %broadcast_in_dim3A_1139, %add3A_1140 : vector<16xi32>
        %eq3A = arith.cmpi eq, %iota3A, %add3A_1141 : vector<16xi32>
        %add3A_1142 = arith.constant 128 : i32
        %add3A_1143 = arith.addi %add3A_1142, %add3A_1129 : i32
        %get3A_1144 = arith.index_cast %add3A_1143 : i32 to index
        %get3A_1145 = arith.constant 0 : index
        %get3A_1146 = tpu.vector_load %arg14[%get3A_1144, %get3A_1145] {strides = array<i32>} : memref<512x128xf32, #tpu.memory_space<vmem>>, vector<1x16xf32>,
        %get3A_1147 = vector.shape_cast %get3A_1146 : vector<1x16xf32> to vector<16xf32>
        %add3A_1148 = arith.constant 128 : i32
        %add3A_1149 = arith.addi %add3A_1148, %add3A_1129 : i32
        %get3A_1150 = arith.index_cast %add3A_1149 : i32 to index
        %get3A_1151 = arith.constant 16 : index
        %get3A_1152 = tpu.vector_load %arg14[%get3A_1150, %get3A_1151] {strides = array<i32>} : memref<512x128xf32, #tpu.memory_space<vmem>>, vector<1x16xf32>,
        %get3A_1153 = vector.shape_cast %get3A_1152 : vector<1x16xf32> to vector<16xf32>
        %sub3A = arith.subf %get3A_1147, %get3A_1133 : vector<16xf32>
        %abs3A = math.absf %sub3A : vector<16xf32>
        %sub3A_1154 = arith.subf %get3A_1153, %get3A_1137 : vector<16xf32>
        %abs3A_1155 = math.absf %sub3A_1154 : vector<16xf32>
        %add3A_1156 = arith.addf %abs3A, %abs3A_1155 : vector<16xf32>
        %iota3A_1157 = tpu.iota {dimensions = array<i32: 0>} : vector<16xi32>
        %add3A_1158 = arith.constant 8 : i32
        %add3A_1159 = vector.broadcast %add3A_1158 : i32 to vector<16xi32>
        %add3A_1160 = arith.addi %iota3A_1157, %add3A_1159 : vector<16xi32>
        %and3A_1161 = arith.constant 15 : i32
        %and3A_1162 = vector.broadcast %and3A_1161 : i32 to vector<16xi32>
        %and3A_1163 = arith.andi %add3A_1160, %and3A_1162 : vector<16xi32>
        %broadcast_in_dim3A_1164 = vector.shape_cast %and3A_1163 : vector<16xi32> to vector<16x1xi32>
        %gather3A = vector.shape_cast %broadcast_in_dim3A_1164 : vector<16x1xi32> to vector<16xi32>
        %gather3A_1165 = tpu.dynamic_gather %add3A_1156[%gather3A] in [0] : vector<16xf32>, vector<16xi32> -> vector<16xf32>
        %add3A_1166 = arith.addf %add3A_1156, %gather3A_1165 : vector<16xf32>
        %add3A_1167 = arith.constant 4 : i32
        %add3A_1168 = vector.broadcast %add3A_1167 : i32 to vector<16xi32>
        %add3A_1169 = arith.addi %iota3A_1157, %add3A_1168 : vector<16xi32>
        %and3A_1170 = arith.constant 15 : i32
        %and3A_1171 = vector.broadcast %and3A_1170 : i32 to vector<16xi32>
        %and3A_1172 = arith.andi %add3A_1169, %and3A_1171 : vector<16xi32>
        %broadcast_in_dim3A_1173 = vector.shape_cast %and3A_1172 : vector<16xi32> to vector<16x1xi32>
        %gather3A_1174 = vector.shape_cast %broadcast_in_dim3A_1173 : vector<16x1xi32> to vector<16xi32>
        %gather3A_1175 = tpu.dynamic_gather %add3A_1166[%gather3A_1174] in [0] : vector<16xf32>, vector<16xi32> -> vector<16xf32>
        %add3A_1176 = arith.addf %add3A_1166, %gather3A_1175 : vector<16xf32>
        %add3A_1177 = arith.constant 2 : i32
        %add3A_1178 = vector.broadcast %add3A_1177 : i32 to vector<16xi32>
        %add3A_1179 = arith.addi %iota3A_1157, %add3A_1178 : vector<16xi32>
        %and3A_1180 = arith.constant 15 : i32
        %and3A_1181 = vector.broadcast %and3A_1180 : i32 to vector<16xi32>
        %and3A_1182 = arith.andi %add3A_1179, %and3A_1181 : vector<16xi32>
        %broadcast_in_dim3A_1183 = vector.shape_cast %and3A_1182 : vector<16xi32> to vector<16x1xi32>
        %gather3A_1184 = vector.shape_cast %broadcast_in_dim3A_1183 : vector<16x1xi32> to vector<16xi32>
        %gather3A_1185 = tpu.dynamic_gather %add3A_1176[%gather3A_1184] in [0] : vector<16xf32>, vector<16xi32> -> vector<16xf32>
        %add3A_1186 = arith.addf %add3A_1176, %gather3A_1185 : vector<16xf32>
        %add3A_1187 = arith.constant 1 : i32
        %add3A_1188 = vector.broadcast %add3A_1187 : i32 to vector<16xi32>
        %add3A_1189 = arith.addi %iota3A_1157, %add3A_1188 : vector<16xi32>
        %and3A_1190 = arith.constant 15 : i32
        %and3A_1191 = vector.broadcast %and3A_1190 : i32 to vector<16xi32>
        %and3A_1192 = arith.andi %add3A_1189, %and3A_1191 : vector<16xi32>
        %broadcast_in_dim3A_1193 = vector.shape_cast %and3A_1192 : vector<16xi32> to vector<16x1xi32>
        %gather3A_1194 = vector.shape_cast %broadcast_in_dim3A_1193 : vector<16x1xi32> to vector<16xi32>
        %gather3A_1195 = tpu.dynamic_gather %add3A_1186[%gather3A_1194] in [0] : vector<16xf32>, vector<16xi32> -> vector<16xf32>
        %add3A_1196 = arith.addf %add3A_1186, %gather3A_1195 : vector<16xf32>
        %add3A_1197 = arith.constant 256 : i32
        %add3A_1198 = arith.addi %add3A_1197, %add3A_1129 : i32
        %get3A_1199 = arith.index_cast %add3A_1198 : i32 to index
        %get3A_1200 = arith.constant 0 : index
        %get3A_1201 = tpu.vector_load %arg14[%get3A_1199, %get3A_1200] {strides = array<i32>} : memref<512x128xf32, #tpu.memory_space<vmem>>, vector<1x16xf32>,
        %get3A_1202 = vector.shape_cast %get3A_1201 : vector<1x16xf32> to vector<16xf32>
        %add3A_1203 = arith.constant 256 : i32
        %add3A_1204 = arith.addi %add3A_1203, %add3A_1129 : i32
        %get3A_1205 = arith.index_cast %add3A_1204 : i32 to index
        %get3A_1206 = arith.constant 16 : index
        %get3A_1207 = tpu.vector_load %arg14[%get3A_1205, %get3A_1206] {strides = array<i32>} : memref<512x128xf32, #tpu.memory_space<vmem>>, vector<1x16xf32>,
        %get3A_1208 = vector.shape_cast %get3A_1207 : vector<1x16xf32> to vector<16xf32>
        %sub3A_1209 = arith.subf %get3A_1202, %get3A_1133 : vector<16xf32>
        %abs3A_1210 = math.absf %sub3A_1209 : vector<16xf32>
        %sub3A_1211 = arith.subf %get3A_1208, %get3A_1137 : vector<16xf32>
        %abs3A_1212 = math.absf %sub3A_1211 : vector<16xf32>
        %add3A_1213 = arith.addf %abs3A_1210, %abs3A_1212 : vector<16xf32>
        %iota3A_1214 = tpu.iota {dimensions = array<i32: 0>} : vector<16xi32>
        %add3A_1215 = arith.constant 8 : i32
        %add3A_1216 = vector.broadcast %add3A_1215 : i32 to vector<16xi32>
        %add3A_1217 = arith.addi %iota3A_1214, %add3A_1216 : vector<16xi32>
        %and3A_1218 = arith.constant 15 : i32
        %and3A_1219 = vector.broadcast %and3A_1218 : i32 to vector<16xi32>
        %and3A_1220 = arith.andi %add3A_1217, %and3A_1219 : vector<16xi32>
        %broadcast_in_dim3A_1221 = vector.shape_cast %and3A_1220 : vector<16xi32> to vector<16x1xi32>
        %gather3A_1222 = vector.shape_cast %broadcast_in_dim3A_1221 : vector<16x1xi32> to vector<16xi32>
        %gather3A_1223 = tpu.dynamic_gather %add3A_1213[%gather3A_1222] in [0] : vector<16xf32>, vector<16xi32> -> vector<16xf32>
        %add3A_1224 = arith.addf %add3A_1213, %gather3A_1223 : vector<16xf32>
        %add3A_1225 = arith.constant 4 : i32
        %add3A_1226 = vector.broadcast %add3A_1225 : i32 to vector<16xi32>
        %add3A_1227 = arith.addi %iota3A_1214, %add3A_1226 : vector<16xi32>
        %and3A_1228 = arith.constant 15 : i32
        %and3A_1229 = vector.broadcast %and3A_1228 : i32 to vector<16xi32>
        %and3A_1230 = arith.andi %add3A_1227, %and3A_1229 : vector<16xi32>
        %broadcast_in_dim3A_1231 = vector.shape_cast %and3A_1230 : vector<16xi32> to vector<16x1xi32>
        %gather3A_1232 = vector.shape_cast %broadcast_in_dim3A_1231 : vector<16x1xi32> to vector<16xi32>
        %gather3A_1233 = tpu.dynamic_gather %add3A_1224[%gather3A_1232] in [0] : vector<16xf32>, vector<16xi32> -> vector<16xf32>
        %add3A_1234 = arith.addf %add3A_1224, %gather3A_1233 : vector<16xf32>
        %add3A_1235 = arith.constant 2 : i32
        %add3A_1236 = vector.broadcast %add3A_1235 : i32 to vector<16xi32>
        %add3A_1237 = arith.addi %iota3A_1214, %add3A_1236 : vector<16xi32>
        %and3A_1238 = arith.constant 15 : i32
        %and3A_1239 = vector.broadcast %and3A_1238 : i32 to vector<16xi32>
        %and3A_1240 = arith.andi %add3A_1237, %and3A_1239 : vector<16xi32>
        %broadcast_in_dim3A_1241 = vector.shape_cast %and3A_1240 : vector<16xi32> to vector<16x1xi32>
        %gather3A_1242 = vector.shape_cast %broadcast_in_dim3A_1241 : vector<16x1xi32> to vector<16xi32>
        %gather3A_1243 = tpu.dynamic_gather %add3A_1234[%gather3A_1242] in [0] : vector<16xf32>, vector<16xi32> -> vector<16xf32>
        %add3A_1244 = arith.addf %add3A_1234, %gather3A_1243 : vector<16xf32>
        %add3A_1245 = arith.constant 1 : i32
        %add3A_1246 = vector.broadcast %add3A_1245 : i32 to vector<16xi32>
        %add3A_1247 = arith.addi %iota3A_1214, %add3A_1246 : vector<16xi32>
        %and3A_1248 = arith.constant 15 : i32
        %and3A_1249 = vector.broadcast %and3A_1248 : i32 to vector<16xi32>
        %and3A_1250 = arith.andi %add3A_1247, %and3A_1249 : vector<16xi32>
        %broadcast_in_dim3A_1251 = vector.shape_cast %and3A_1250 : vector<16xi32> to vector<16x1xi32>
        %gather3A_1252 = vector.shape_cast %broadcast_in_dim3A_1251 : vector<16x1xi32> to vector<16xi32>
        %gather3A_1253 = tpu.dynamic_gather %add3A_1244[%gather3A_1252] in [0] : vector<16xf32>, vector<16xi32> -> vector<16xf32>
        %add3A_1254 = arith.addf %add3A_1244, %gather3A_1253 : vector<16xf32>
        %add3A_1255 = arith.constant 384 : i32
        %add3A_1256 = arith.addi %add3A_1255, %add3A_1129 : i32
        %get3A_1257 = arith.index_cast %add3A_1256 : i32 to index
        %get3A_1258 = arith.constant 0 : index
        %get3A_1259 = tpu.vector_load %arg14[%get3A_1257, %get3A_1258] {strides = array<i32>} : memref<512x128xf32, #tpu.memory_space<vmem>>, vector<1x16xf32>,
        %get3A_1260 = vector.shape_cast %get3A_1259 : vector<1x16xf32> to vector<16xf32>
        %add3A_1261 = arith.constant 384 : i32
        %add3A_1262 = arith.addi %add3A_1261, %add3A_1129 : i32
        %get3A_1263 = arith.index_cast %add3A_1262 : i32 to index
        %get3A_1264 = arith.constant 16 : index
        %get3A_1265 = tpu.vector_load %arg14[%get3A_1263, %get3A_1264] {strides = array<i32>} : memref<512x128xf32, #tpu.memory_space<vmem>>, vector<1x16xf32>,
        %get3A_1266 = vector.shape_cast %get3A_1265 : vector<1x16xf32> to vector<16xf32>
        %sub3A_1267 = arith.subf %get3A_1260, %get3A_1133 : vector<16xf32>
        %abs3A_1268 = math.absf %sub3A_1267 : vector<16xf32>
        %sub3A_1269 = arith.subf %get3A_1266, %get3A_1137 : vector<16xf32>
        %abs3A_1270 = math.absf %sub3A_1269 : vector<16xf32>
        %add3A_1271 = arith.addf %abs3A_1268, %abs3A_1270 : vector<16xf32>
        %iota3A_1272 = tpu.iota {dimensions = array<i32: 0>} : vector<16xi32>
        %add3A_1273 = arith.constant 8 : i32
        %add3A_1274 = vector.broadcast %add3A_1273 : i32 to vector<16xi32>
        %add3A_1275 = arith.addi %iota3A_1272, %add3A_1274 : vector<16xi32>
        %and3A_1276 = arith.constant 15 : i32
        %and3A_1277 = vector.broadcast %and3A_1276 : i32 to vector<16xi32>
        %and3A_1278 = arith.andi %add3A_1275, %and3A_1277 : vector<16xi32>
        %broadcast_in_dim3A_1279 = vector.shape_cast %and3A_1278 : vector<16xi32> to vector<16x1xi32>
        %gather3A_1280 = vector.shape_cast %broadcast_in_dim3A_1279 : vector<16x1xi32> to vector<16xi32>
        %gather3A_1281 = tpu.dynamic_gather %add3A_1271[%gather3A_1280] in [0] : vector<16xf32>, vector<16xi32> -> vector<16xf32>
        %add3A_1282 = arith.addf %add3A_1271, %gather3A_1281 : vector<16xf32>
        %add3A_1283 = arith.constant 4 : i32
        %add3A_1284 = vector.broadcast %add3A_1283 : i32 to vector<16xi32>
        %add3A_1285 = arith.addi %iota3A_1272, %add3A_1284 : vector<16xi32>
        %and3A_1286 = arith.constant 15 : i32
        %and3A_1287 = vector.broadcast %and3A_1286 : i32 to vector<16xi32>
        %and3A_1288 = arith.andi %add3A_1285, %and3A_1287 : vector<16xi32>
        %broadcast_in_dim3A_1289 = vector.shape_cast %and3A_1288 : vector<16xi32> to vector<16x1xi32>
        %gather3A_1290 = vector.shape_cast %broadcast_in_dim3A_1289 : vector<16x1xi32> to vector<16xi32>
        %gather3A_1291 = tpu.dynamic_gather %add3A_1282[%gather3A_1290] in [0] : vector<16xf32>, vector<16xi32> -> vector<16xf32>
        %add3A_1292 = arith.addf %add3A_1282, %gather3A_1291 : vector<16xf32>
        %add3A_1293 = arith.constant 2 : i32
        %add3A_1294 = vector.broadcast %add3A_1293 : i32 to vector<16xi32>
        %add3A_1295 = arith.addi %iota3A_1272, %add3A_1294 : vector<16xi32>
        %and3A_1296 = arith.constant 15 : i32
        %and3A_1297 = vector.broadcast %and3A_1296 : i32 to vector<16xi32>
        %and3A_1298 = arith.andi %add3A_1295, %and3A_1297 : vector<16xi32>
        %broadcast_in_dim3A_1299 = vector.shape_cast %and3A_1298 : vector<16xi32> to vector<16x1xi32>
        %gather3A_1300 = vector.shape_cast %broadcast_in_dim3A_1299 : vector<16x1xi32> to vector<16xi32>
        %gather3A_1301 = tpu.dynamic_gather %add3A_1292[%gather3A_1300] in [0] : vector<16xf32>, vector<16xi32> -> vector<16xf32>
        %add3A_1302 = arith.addf %add3A_1292, %gather3A_1301 : vector<16xf32>
        %add3A_1303 = arith.constant 1 : i32
        %add3A_1304 = vector.broadcast %add3A_1303 : i32 to vector<16xi32>
        %add3A_1305 = arith.addi %iota3A_1272, %add3A_1304 : vector<16xi32>
        %and3A_1306 = arith.constant 15 : i32
        %and3A_1307 = vector.broadcast %and3A_1306 : i32 to vector<16xi32>
        %and3A_1308 = arith.andi %add3A_1305, %and3A_1307 : vector<16xi32>
        %broadcast_in_dim3A_1309 = vector.shape_cast %and3A_1308 : vector<16xi32> to vector<16x1xi32>
        %gather3A_1310 = vector.shape_cast %broadcast_in_dim3A_1309 : vector<16x1xi32> to vector<16xi32>
        %gather3A_1311 = tpu.dynamic_gather %add3A_1302[%gather3A_1310] in [0] : vector<16xf32>, vector<16xi32> -> vector<16xf32>
        %add3A_1312 = arith.addf %add3A_1302, %gather3A_1311 : vector<16xf32>
        %select_n3A_1313 = arith.select %eq3A, %add3A_1196, %scan3A_1126 : vector<16xi1>, vector<16xf32>
        %select_n3A_1314 = arith.select %eq3A, %add3A_1254, %scan3A_1127 : vector<16xi1>, vector<16xf32>
        %select_n3A_1315 = arith.select %eq3A, %add3A_1312, %scan3A_1128 : vector<16xi1>, vector<16xf32>
        scf.yield %select_n3A_1313, %select_n3A_1314, %select_n3A_1315 : vector<16xf32>, vector<16xf32>, vector<16xf32>
      }
      %scan3A_979 = arith.constant 16 : i32
      %neg3A = arith.constant 0.000000e+00 : f32
      %neg3A_980 = vector.broadcast %neg3A : f32 to vector<16xf32>
      %neg3A_981 = arith.subf %neg3A_980, %scan3A_978#0 : vector<16xf32>
      %div3A = arith.constant 2.000000e-02 : f32
      %div3A_982 = vector.broadcast %div3A : f32 to vector<16xf32>
      %div3A_983 = arith.divf %neg3A_981, %div3A_982 : vector<16xf32>
      %exp3A = math.exp %div3A_983 : vector<16xf32>
      %gt3A = arith.constant 0.899999976 : f32
      %gt3A_984 = vector.broadcast %gt3A : f32 to vector<16xf32>
      %gt3A_985 = arith.cmpf ogt, %exp3A, %gt3A_984 : vector<16xf32>
      %select_n3A = arith.select %gt3A_985, %broadcast_in_dim3A_971, %broadcast_in_dim3A_973 : vector<16xi1>, vector<16xf32>
      %neg3A_986 = arith.constant 0.000000e+00 : f32
      %neg3A_987 = vector.broadcast %neg3A_986 : f32 to vector<16xf32>
      %neg3A_988 = arith.subf %neg3A_987, %scan3A_978#1 : vector<16xf32>
      %div3A_989 = arith.constant 2.000000e-02 : f32
      %div3A_990 = vector.broadcast %div3A_989 : f32 to vector<16xf32>
      %div3A_991 = arith.divf %neg3A_988, %div3A_990 : vector<16xf32>
      %exp3A_992 = math.exp %div3A_991 : vector<16xf32>
      %gt3A_993 = arith.constant 0.899999976 : f32
      %gt3A_994 = vector.broadcast %gt3A_993 : f32 to vector<16xf32>
      %gt3A_995 = arith.cmpf ogt, %exp3A_992, %gt3A_994 : vector<16xf32>
      %select_n3A_996 = arith.select %gt3A_995, %broadcast_in_dim3A_971, %broadcast_in_dim3A_973 : vector<16xi1>, vector<16xf32>
      %neg3A_997 = arith.constant 0.000000e+00 : f32
      %neg3A_998 = vector.broadcast %neg3A_997 : f32 to vector<16xf32>
      %neg3A_999 = arith.subf %neg3A_998, %scan3A_978#2 : vector<16xf32>
      %div3A_1000 = arith.constant 2.000000e-02 : f32
      %div3A_1001 = vector.broadcast %div3A_1000 : f32 to vector<16xf32>
      %div3A_1002 = arith.divf %neg3A_999, %div3A_1001 : vector<16xf32>
      %exp3A_1003 = math.exp %div3A_1002 : vector<16xf32>
      %gt3A_1004 = arith.constant 0.899999976 : f32
      %gt3A_1005 = vector.broadcast %gt3A_1004 : f32 to vector<16xf32>
      %gt3A_1006 = arith.cmpf ogt, %exp3A_1003, %gt3A_1005 : vector<16xf32>
      %select_n3A_1007 = arith.select %gt3A_1006, %broadcast_in_dim3A_971, %broadcast_in_dim3A_973 : vector<16xi1>, vector<16xf32>
      %mul3A_1008 = arith.constant 4 : i32
      %mul3A_1009 = arith.muli %add3A_965, %mul3A_1008 : i32
      %add3A_1010 = arith.constant 0 : i32
      %add3A_1011 = arith.addi %mul3A_1009, %add3A_1010 : i32
      %mul3A_1012 = arith.constant 16 : i32
      %mul3A_1013 = arith.muli %add3A_1011, %mul3A_1012 : i32
      %get3A = arith.index_cast %mul3A_1013 : i32 to index
      %get3A_1014 = tpu.vector_load %arg12[%get3A] {strides = array<i32>} : memref<1024xf32, #tpu.memory_space<vmem>>, vector<16xf32>,
      %get3A_1015 = vector.shape_cast %get3A_1014 : vector<16xf32> to vector<16xf32>
      %mul3A_1016 = arith.constant 4 : i32
      %mul3A_1017 = arith.muli %add3A_965, %mul3A_1016 : i32
      %add3A_1018 = arith.constant 1 : i32
      %add3A_1019 = arith.addi %mul3A_1017, %add3A_1018 : i32
      %mul3A_1020 = arith.constant 16 : i32
      %mul3A_1021 = arith.muli %add3A_1019, %mul3A_1020 : i32
      %get3A_1022 = arith.index_cast %mul3A_1021 : i32 to index
      %get3A_1023 = tpu.vector_load %arg12[%get3A_1022] {strides = array<i32>} : memref<1024xf32, #tpu.memory_space<vmem>>, vector<16xf32>,
      %get3A_1024 = vector.shape_cast %get3A_1023 : vector<16xf32> to vector<16xf32>
      %mul3A_1025 = arith.constant 4 : i32
      %mul3A_1026 = arith.muli %add3A_965, %mul3A_1025 : i32
      %add3A_1027 = arith.constant 2 : i32
      %add3A_1028 = arith.addi %mul3A_1026, %add3A_1027 : i32
      %mul3A_1029 = arith.constant 16 : i32
      %mul3A_1030 = arith.muli %add3A_1028, %mul3A_1029 : i32
      %get3A_1031 = arith.index_cast %mul3A_1030 : i32 to index
      %get3A_1032 = tpu.vector_load %arg12[%get3A_1031] {strides = array<i32>} : memref<1024xf32, #tpu.memory_space<vmem>>, vector<16xf32>,
      %get3A_1033 = vector.shape_cast %get3A_1032 : vector<16xf32> to vector<16xf32>
      %mul3A_1034 = arith.constant 4 : i32
      %mul3A_1035 = arith.muli %add3A_965, %mul3A_1034 : i32
      %add3A_1036 = arith.constant 3 : i32
      %add3A_1037 = arith.addi %mul3A_1035, %add3A_1036 : i32
      %mul3A_1038 = arith.constant 16 : i32
      %mul3A_1039 = arith.muli %add3A_1037, %mul3A_1038 : i32
      %get3A_1040 = arith.index_cast %mul3A_1039 : i32 to index
      %get3A_1041 = tpu.vector_load %arg12[%get3A_1040] {strides = array<i32>} : memref<1024xf32, #tpu.memory_space<vmem>>, vector<16xf32>,
      %get3A_1042 = vector.shape_cast %get3A_1041 : vector<16xf32> to vector<16xf32>
      %neg3A_1043 = arith.constant 0.000000e+00 : f32
      %neg3A_1044 = vector.broadcast %neg3A_1043 : f32 to vector<16xf32>
      %neg3A_1045 = arith.subf %neg3A_1044, %get3A_1015 : vector<16xf32>
      %exp3A_1046 = math.exp %neg3A_1045 : vector<16xf32>
      %neg3A_1047 = arith.constant 0.000000e+00 : f32
      %neg3A_1048 = vector.broadcast %neg3A_1047 : f32 to vector<16xf32>
      %neg3A_1049 = arith.subf %neg3A_1048, %get3A_1024 : vector<16xf32>
      %exp3A_1050 = math.exp %neg3A_1049 : vector<16xf32>
      %mul3A_1051 = arith.mulf %exp3A_1050, %select_n3A : vector<16xf32>
      %neg3A_1052 = arith.constant 0.000000e+00 : f32
      %neg3A_1053 = vector.broadcast %neg3A_1052 : f32 to vector<16xf32>
      %neg3A_1054 = arith.subf %neg3A_1053, %get3A_1033 : vector<16xf32>
      %exp3A_1055 = math.exp %neg3A_1054 : vector<16xf32>
      %mul3A_1056 = arith.mulf %exp3A_1055, %select_n3A_996 : vector<16xf32>
      %neg3A_1057 = arith.constant 0.000000e+00 : f32
      %neg3A_1058 = vector.broadcast %neg3A_1057 : f32 to vector<16xf32>
      %neg3A_1059 = arith.subf %neg3A_1058, %get3A_1042 : vector<16xf32>
      %exp3A_1060 = math.exp %neg3A_1059 : vector<16xf32>
      %mul3A_1061 = arith.mulf %exp3A_1060, %select_n3A_1007 : vector<16xf32>
      %add3A_1062 = arith.addf %exp3A_1046, %mul3A_1051 : vector<16xf32>
      %add3A_1063 = arith.addf %mul3A_1056, %mul3A_1061 : vector<16xf32>
      %add3A_1064 = arith.addf %add3A_1062, %add3A_1063 : vector<16xf32>
      %div3A_1065 = arith.divf %exp3A_1046, %add3A_1064 : vector<16xf32>
      %div3A_1066 = arith.divf %mul3A_1051, %add3A_1064 : vector<16xf32>
      %div3A_1067 = arith.divf %mul3A_1056, %add3A_1064 : vector<16xf32>
      %div3A_1068 = arith.divf %mul3A_1061, %add3A_1064 : vector<16xf32>
      %mul3A_1069 = arith.mulf %div3A_1065, %get3A_1015 : vector<16xf32>
      %mul3A_1070 = arith.mulf %div3A_1066, %get3A_1024 : vector<16xf32>
      %add3A_1071 = arith.addf %mul3A_1069, %mul3A_1070 : vector<16xf32>
      %mul3A_1072 = arith.mulf %div3A_1067, %get3A_1033 : vector<16xf32>
      %add3A_1073 = arith.addf %add3A_1071, %mul3A_1072 : vector<16xf32>
      %mul3A_1074 = arith.mulf %div3A_1068, %get3A_1042 : vector<16xf32>
      %add3A_1075 = arith.addf %add3A_1073, %mul3A_1074 : vector<16xf32>
      %lt3A = arith.constant 2.000000e-01 : f32
      %lt3A_1076 = vector.broadcast %lt3A : f32 to vector<16xf32>
      %lt3A_1077 = arith.cmpf olt, %add3A_1075, %lt3A_1076 : vector<16xf32>
      %select_n3A_1078 = arith.select %lt3A_1077, %broadcast_in_dim3A_971, %broadcast_in_dim3A_973 : vector<16xi1>, vector<16xf32>
      %swap3A_1079 = arith.index_cast %mul3A_967 : i32 to index
      %swap3A_1080 = tpu.vector_load %arg16[%swap3A_1079] {strides = array<i32>} : memref<256xf32, #tpu.memory_space<vmem>>, vector<16xf32>,
      %swap3A_1081 = vector.shape_cast %swap3A_1080 : vector<16xf32> to vector<16xf32>
      %swap3A_1082 = vector.shape_cast %select_n3A_1078 : vector<16xf32> to vector<16xf32>
      tpu.vector_store %arg16[%swap3A_1079], %swap3A_1082 {strides = array<i32>} : memref<256xf32, #tpu.memory_space<vmem>>, vector<16xf32>,
      %get3A_1083 = arith.constant 0 : i32
      %get3A_1084 = arith.index_cast %get3A_1083 : i32 to index
      %get3A_1085 = arith.index_cast %mul3A_967 : i32 to index
      %get3A_1086 = tpu.vector_load %arg9[%get3A_1084, %get3A_1085] {strides = array<i32>} : memref<3x256xf32, #tpu.memory_space<vmem>>, vector<1x16xf32>,
      %get3A_1087 = vector.shape_cast %get3A_1086 : vector<1x16xf32> to vector<16xf32>
      %get3A_1088 = arith.constant 1 : i32
      %get3A_1089 = arith.index_cast %get3A_1088 : i32 to index
      %get3A_1090 = arith.index_cast %mul3A_967 : i32 to index
      %get3A_1091 = tpu.vector_load %arg9[%get3A_1089, %get3A_1090] {strides = array<i32>} : memref<3x256xf32, #tpu.memory_space<vmem>>, vector<1x16xf32>,
      %get3A_1092 = vector.shape_cast %get3A_1091 : vector<1x16xf32> to vector<16xf32>
      %get3A_1093 = arith.constant 2 : i32
      %get3A_1094 = arith.index_cast %get3A_1093 : i32 to index
      %get3A_1095 = arith.index_cast %mul3A_967 : i32 to index
      %get3A_1096 = tpu.vector_load %arg9[%get3A_1094, %get3A_1095] {strides = array<i32>} : memref<3x256xf32, #tpu.memory_space<vmem>>, vector<1x16xf32>,
      %get3A_1097 = vector.shape_cast %get3A_1096 : vector<1x16xf32> to vector<16xf32>
      %and3A = arith.constant 3 : i32
      %and3A_1098 = vector.broadcast %and3A : i32 to vector<16xi32>
      %and3A_1099 = arith.andi %iota3A, %and3A_1098 : vector<16xi32>
      %scan3A_1100 = arith.constant 0 : i32
      %scan3A_1101 = arith.constant 16 : i32
      %scan3A_1102 = arith.addi %scan3A_1100, %scan3A_1101 : i32
      %scan3A_1103 = arith.constant 1 : i32
      %scan3A_1104:3 = scf.for %scan3A_1125 = %scan3A_1100 to %scan3A_1102 step %scan3A_1103 iter_args(%scan3A_1126 = %broadcast_in_dim3A_973, %scan3A_1127 = %broadcast_in_dim3A_973, %scan3A_1128 = %broadcast_in_dim3A_973) -> (vector<16xf32>, vector<16xf32>, vector<16xf32>)  : i32 {
        %add3A_1129 = arith.addi %mul3A_969, %scan3A_1125 : i32
        %broadcast_in_dim3A_1130 = arith.constant 0 : i32
        %broadcast_in_dim3A_1131 = vector.broadcast %broadcast_in_dim3A_1130 : i32 to vector<16xi32>
        %add3A_1132 = vector.broadcast %scan3A_1125 : i32 to vector<16xi32>
        %add3A_1133 = arith.addi %broadcast_in_dim3A_1131, %add3A_1132 : vector<16xi32>
        %broadcast_in_dim3A_1134 = vector.shape_cast %add3A_1133 : vector<16xi32> to vector<16x1xi32>
        %gather3A = vector.shape_cast %broadcast_in_dim3A_1134 : vector<16x1xi32> to vector<16xi32>
        %gather3A_1135 = tpu.dynamic_gather %div3A_1065[%gather3A] in [0] : vector<16xf32>, vector<16xi32> -> vector<16xf32>
        %get3A_1136 = arith.index_cast %add3A_1129 : i32 to index
        %get3A_1137 = arith.constant 32 : index
        %get3A_1138 = tpu.vector_load %arg14[%get3A_1136, %get3A_1137] {strides = array<i32>} : memref<512x128xf32, #tpu.memory_space<vmem>>, vector<1x16xf32>,
        %get3A_1139 = vector.shape_cast %get3A_1138 : vector<1x16xf32> to vector<16xf32>
        %mul3A_1140 = arith.mulf %gather3A_1135, %get3A_1139 : vector<16xf32>
        %broadcast_in_dim3A_1141 = arith.constant 0 : i32
        %broadcast_in_dim3A_1142 = vector.broadcast %broadcast_in_dim3A_1141 : i32 to vector<16xi32>
        %add3A_1143 = vector.broadcast %scan3A_1125 : i32 to vector<16xi32>
        %add3A_1144 = arith.addi %broadcast_in_dim3A_1142, %add3A_1143 : vector<16xi32>
        %broadcast_in_dim3A_1145 = vector.shape_cast %add3A_1144 : vector<16xi32> to vector<16x1xi32>
        %gather3A_1146 = vector.shape_cast %broadcast_in_dim3A_1145 : vector<16x1xi32> to vector<16xi32>
        %gather3A_1147 = tpu.dynamic_gather %div3A_1066[%gather3A_1146] in [0] : vector<16xf32>, vector<16xi32> -> vector<16xf32>
        %add3A_1148 = arith.constant 128 : i32
        %add3A_1149 = arith.addi %add3A_1148, %add3A_1129 : i32
        %get3A_1150 = arith.index_cast %add3A_1149 : i32 to index
        %get3A_1151 = arith.constant 32 : index
        %get3A_1152 = tpu.vector_load %arg14[%get3A_1150, %get3A_1151] {strides = array<i32>} : memref<512x128xf32, #tpu.memory_space<vmem>>, vector<1x16xf32>,
        %get3A_1153 = vector.shape_cast %get3A_1152 : vector<1x16xf32> to vector<16xf32>
        %mul3A_1154 = arith.mulf %gather3A_1147, %get3A_1153 : vector<16xf32>
        %add3A_1155 = arith.addf %mul3A_1140, %mul3A_1154 : vector<16xf32>
        %broadcast_in_dim3A_1156 = arith.constant 0 : i32
        %broadcast_in_dim3A_1157 = vector.broadcast %broadcast_in_dim3A_1156 : i32 to vector<16xi32>
        %add3A_1158 = vector.broadcast %scan3A_1125 : i32 to vector<16xi32>
        %add3A_1159 = arith.addi %broadcast_in_dim3A_1157, %add3A_1158 : vector<16xi32>
        %broadcast_in_dim3A_1160 = vector.shape_cast %add3A_1159 : vector<16xi32> to vector<16x1xi32>
        %gather3A_1161 = vector.shape_cast %broadcast_in_dim3A_1160 : vector<16x1xi32> to vector<16xi32>
        %gather3A_1162 = tpu.dynamic_gather %div3A_1067[%gather3A_1161] in [0] : vector<16xf32>, vector<16xi32> -> vector<16xf32>
        %add3A_1163 = arith.constant 256 : i32
        %add3A_1164 = arith.addi %add3A_1163, %add3A_1129 : i32
        %get3A_1165 = arith.index_cast %add3A_1164 : i32 to index
        %get3A_1166 = arith.constant 32 : index
        %get3A_1167 = tpu.vector_load %arg14[%get3A_1165, %get3A_1166] {strides = array<i32>} : memref<512x128xf32, #tpu.memory_space<vmem>>, vector<1x16xf32>,
        %get3A_1168 = vector.shape_cast %get3A_1167 : vector<1x16xf32> to vector<16xf32>
        %mul3A_1169 = arith.mulf %gather3A_1162, %get3A_1168 : vector<16xf32>
        %add3A_1170 = arith.addf %add3A_1155, %mul3A_1169 : vector<16xf32>
        %broadcast_in_dim3A_1171 = arith.constant 0 : i32
        %broadcast_in_dim3A_1172 = vector.broadcast %broadcast_in_dim3A_1171 : i32 to vector<16xi32>
        %add3A_1173 = vector.broadcast %scan3A_1125 : i32 to vector<16xi32>
        %add3A_1174 = arith.addi %broadcast_in_dim3A_1172, %add3A_1173 : vector<16xi32>
        %broadcast_in_dim3A_1175 = vector.shape_cast %add3A_1174 : vector<16xi32> to vector<16x1xi32>
        %gather3A_1176 = vector.shape_cast %broadcast_in_dim3A_1175 : vector<16x1xi32> to vector<16xi32>
        %gather3A_1177 = tpu.dynamic_gather %div3A_1068[%gather3A_1176] in [0] : vector<16xf32>, vector<16xi32> -> vector<16xf32>
        %add3A_1178 = arith.constant 384 : i32
        %add3A_1179 = arith.addi %add3A_1178, %add3A_1129 : i32
        %get3A_1180 = arith.index_cast %add3A_1179 : i32 to index
        %get3A_1181 = arith.constant 32 : index
        %get3A_1182 = tpu.vector_load %arg14[%get3A_1180, %get3A_1181] {strides = array<i32>} : memref<512x128xf32, #tpu.memory_space<vmem>>, vector<1x16xf32>,
        %get3A_1183 = vector.shape_cast %get3A_1182 : vector<1x16xf32> to vector<16xf32>
        %mul3A_1184 = arith.mulf %gather3A_1177, %get3A_1183 : vector<16xf32>
        %add3A_1185 = arith.addf %add3A_1170, %mul3A_1184 : vector<16xf32>
        %eq3A = arith.constant 0 : i32
        %eq3A_1186 = vector.broadcast %eq3A : i32 to vector<16xi32>
        %eq3A_1187 = arith.cmpi eq, %and3A_1099, %eq3A_1186 : vector<16xi32>
        %broadcast_in_dim3A_1188 = arith.constant 0 : i32
        %broadcast_in_dim3A_1189 = vector.broadcast %broadcast_in_dim3A_1188 : i32 to vector<16xi32>
        %add3A_1190 = vector.broadcast %scan3A_1125 : i32 to vector<16xi32>
        %add3A_1191 = arith.addi %broadcast_in_dim3A_1189, %add3A_1190 : vector<16xi32>
        %broadcast_in_dim3A_1192 = vector.shape_cast %add3A_1191 : vector<16xi32> to vector<16x1xi32>
        %gather3A_1193 = vector.shape_cast %broadcast_in_dim3A_1192 : vector<16x1xi32> to vector<16xi32>
        %gather3A_1194 = tpu.dynamic_gather %get3A_1087[%gather3A_1193] in [0] : vector<16xf32>, vector<16xi32> -> vector<16xf32>
        %eq3A_1195 = arith.constant 1 : i32
        %eq3A_1196 = vector.broadcast %eq3A_1195 : i32 to vector<16xi32>
        %eq3A_1197 = arith.cmpi eq, %and3A_1099, %eq3A_1196 : vector<16xi32>
        %broadcast_in_dim3A_1198 = arith.constant 0 : i32
        %broadcast_in_dim3A_1199 = vector.broadcast %broadcast_in_dim3A_1198 : i32 to vector<16xi32>
        %add3A_1200 = vector.broadcast %scan3A_1125 : i32 to vector<16xi32>
        %add3A_1201 = arith.addi %broadcast_in_dim3A_1199, %add3A_1200 : vector<16xi32>
        %broadcast_in_dim3A_1202 = vector.shape_cast %add3A_1201 : vector<16xi32> to vector<16x1xi32>
        %gather3A_1203 = vector.shape_cast %broadcast_in_dim3A_1202 : vector<16x1xi32> to vector<16xi32>
        %gather3A_1204 = tpu.dynamic_gather %get3A_1092[%gather3A_1203] in [0] : vector<16xf32>, vector<16xi32> -> vector<16xf32>
        %eq3A_1205 = arith.constant 2 : i32
        %eq3A_1206 = vector.broadcast %eq3A_1205 : i32 to vector<16xi32>
        %eq3A_1207 = arith.cmpi eq, %and3A_1099, %eq3A_1206 : vector<16xi32>
        %broadcast_in_dim3A_1208 = arith.constant 0 : i32
        %broadcast_in_dim3A_1209 = vector.broadcast %broadcast_in_dim3A_1208 : i32 to vector<16xi32>
        %add3A_1210 = vector.broadcast %scan3A_1125 : i32 to vector<16xi32>
        %add3A_1211 = arith.addi %broadcast_in_dim3A_1209, %add3A_1210 : vector<16xi32>
        %broadcast_in_dim3A_1212 = vector.shape_cast %add3A_1211 : vector<16xi32> to vector<16x1xi32>
        %gather3A_1213 = vector.shape_cast %broadcast_in_dim3A_1212 : vector<16x1xi32> to vector<16xi32>
        %gather3A_1214 = tpu.dynamic_gather %get3A_1097[%gather3A_1213] in [0] : vector<16xf32>, vector<16xi32> -> vector<16xf32>
        %select_n3A_1215 = arith.select %eq3A_1207, %gather3A_1214, %broadcast_in_dim3A_971 : vector<16xi1>, vector<16xf32>
        %select_n3A_1216 = arith.select %eq3A_1197, %gather3A_1204, %select_n3A_1215 : vector<16xi1>, vector<16xf32>
        %select_n3A_1217 = arith.select %eq3A_1187, %gather3A_1194, %select_n3A_1216 : vector<16xi1>, vector<16xf32>
        %mul3A_1218 = arith.mulf %add3A_1185, %select_n3A_1217 : vector<16xf32>
        %add3A_1219 = arith.constant 1 : i32
        %add3A_1220 = vector.broadcast %add3A_1219 : i32 to vector<16xi32>
        %add3A_1221 = arith.addi %iota3A, %add3A_1220 : vector<16xi32>
        %and3A_1222 = arith.constant 15 : i32
        %and3A_1223 = vector.broadcast %and3A_1222 : i32 to vector<16xi32>
        %and3A_1224 = arith.andi %add3A_1221, %and3A_1223 : vector<16xi32>
        %broadcast_in_dim3A_1225 = vector.shape_cast %and3A_1224 : vector<16xi32> to vector<16x1xi32>
        %gather3A_1226 = vector.shape_cast %broadcast_in_dim3A_1225 : vector<16x1xi32> to vector<16xi32>
        %gather3A_1227 = tpu.dynamic_gather %mul3A_1218[%gather3A_1226] in [0] : vector<16xf32>, vector<16xi32> -> vector<16xf32>
        %add3A_1228 = arith.addf %mul3A_1218, %gather3A_1227 : vector<16xf32>
        %add3A_1229 = arith.constant 2 : i32
        %add3A_1230 = vector.broadcast %add3A_1229 : i32 to vector<16xi32>
        %add3A_1231 = arith.addi %iota3A, %add3A_1230 : vector<16xi32>
        %and3A_1232 = arith.constant 15 : i32
        %and3A_1233 = vector.broadcast %and3A_1232 : i32 to vector<16xi32>
        %and3A_1234 = arith.andi %add3A_1231, %and3A_1233 : vector<16xi32>
        %broadcast_in_dim3A_1235 = vector.shape_cast %and3A_1234 : vector<16xi32> to vector<16x1xi32>
        %gather3A_1236 = vector.shape_cast %broadcast_in_dim3A_1235 : vector<16x1xi32> to vector<16xi32>
        %gather3A_1237 = tpu.dynamic_gather %add3A_1228[%gather3A_1236] in [0] : vector<16xf32>, vector<16xi32> -> vector<16xf32>
        %add3A_1238 = arith.addf %add3A_1228, %gather3A_1237 : vector<16xf32>
        %broadcast_in_dim3A_1239 = arith.constant 0 : i32
        %broadcast_in_dim3A_1240 = vector.broadcast %broadcast_in_dim3A_1239 : i32 to vector<16xi32>
        %add3A_1241 = vector.broadcast %scan3A_1125 : i32 to vector<16xi32>
        %add3A_1242 = arith.addi %broadcast_in_dim3A_1240, %add3A_1241 : vector<16xi32>
        %eq3A_1243 = arith.cmpi eq, %iota3A, %add3A_1242 : vector<16xi32>
        %broadcast_in_dim3A_1244 = arith.constant 0 : i32
        %broadcast_in_dim3A_1245 = vector.broadcast %broadcast_in_dim3A_1244 : i32 to vector<16xi32>
        %add3A_1246 = arith.constant 0 : i32
        %add3A_1247 = vector.broadcast %add3A_1246 : i32 to vector<16xi32>
        %add3A_1248 = arith.addi %broadcast_in_dim3A_1245, %add3A_1247 : vector<16xi32>
        %broadcast_in_dim3A_1249 = vector.shape_cast %add3A_1248 : vector<16xi32> to vector<16x1xi32>
        %gather3A_1250 = vector.shape_cast %broadcast_in_dim3A_1249 : vector<16x1xi32> to vector<16xi32>
        %gather3A_1251 = tpu.dynamic_gather %add3A_1238[%gather3A_1250] in [0] : vector<16xf32>, vector<16xi32> -> vector<16xf32>
        %select_n3A_1252 = arith.select %eq3A_1243, %gather3A_1251, %scan3A_1126 : vector<16xi1>, vector<16xf32>
        %broadcast_in_dim3A_1253 = arith.constant 0 : i32
        %broadcast_in_dim3A_1254 = vector.broadcast %broadcast_in_dim3A_1253 : i32 to vector<16xi32>
        %add3A_1255 = arith.constant 4 : i32
        %add3A_1256 = vector.broadcast %add3A_1255 : i32 to vector<16xi32>
        %add3A_1257 = arith.addi %broadcast_in_dim3A_1254, %add3A_1256 : vector<16xi32>
        %broadcast_in_dim3A_1258 = vector.shape_cast %add3A_1257 : vector<16xi32> to vector<16x1xi32>
        %gather3A_1259 = vector.shape_cast %broadcast_in_dim3A_1258 : vector<16x1xi32> to vector<16xi32>
        %gather3A_1260 = tpu.dynamic_gather %add3A_1238[%gather3A_1259] in [0] : vector<16xf32>, vector<16xi32> -> vector<16xf32>
        %select_n3A_1261 = arith.select %eq3A_1243, %gather3A_1260, %scan3A_1127 : vector<16xi1>, vector<16xf32>
        %broadcast_in_dim3A_1262 = arith.constant 0 : i32
        %broadcast_in_dim3A_1263 = vector.broadcast %broadcast_in_dim3A_1262 : i32 to vector<16xi32>
        %add3A_1264 = arith.constant 8 : i32
        %add3A_1265 = vector.broadcast %add3A_1264 : i32 to vector<16xi32>
        %add3A_1266 = arith.addi %broadcast_in_dim3A_1263, %add3A_1265 : vector<16xi32>
        %broadcast_in_dim3A_1267 = vector.shape_cast %add3A_1266 : vector<16xi32> to vector<16x1xi32>
        %gather3A_1268 = vector.shape_cast %broadcast_in_dim3A_1267 : vector<16x1xi32> to vector<16xi32>
        %gather3A_1269 = tpu.dynamic_gather %add3A_1238[%gather3A_1268] in [0] : vector<16xf32>, vector<16xi32> -> vector<16xf32>
        %select_n3A_1270 = arith.select %eq3A_1243, %gather3A_1269, %scan3A_1128 : vector<16xi1>, vector<16xf32>
        scf.yield %select_n3A_1252, %select_n3A_1261, %select_n3A_1270 : vector<16xf32>, vector<16xf32>, vector<16xf32>
      }
      %scan3A_1105 = arith.constant 16 : i32
      %swap3A_1106 = arith.constant 0 : i32
      %swap3A_1107 = arith.index_cast %swap3A_1106 : i32 to index
      %swap3A_1108 = arith.index_cast %mul3A_967 : i32 to index
      %swap3A_1109 = tpu.vector_load %arg15[%swap3A_1107, %swap3A_1108] {strides = array<i32>} : memref<3x256xf32, #tpu.memory_space<vmem>>, vector<1x16xf32>,
      %swap3A_1110 = vector.shape_cast %swap3A_1109 : vector<1x16xf32> to vector<16xf32>
      %swap3A_1111 = vector.shape_cast %scan3A_1104#0 : vector<16xf32> to vector<1x16xf32>
      tpu.vector_store %arg15[%swap3A_1107, %swap3A_1108], %swap3A_1111 {strides = array<i32>} : memref<3x256xf32, #tpu.memory_space<vmem>>, vector<1x16xf32>,
      %swap3A_1112 = arith.constant 1 : i32
      %swap3A_1113 = arith.index_cast %swap3A_1112 : i32 to index
      %swap3A_1114 = arith.index_cast %mul3A_967 : i32 to index
      %swap3A_1115 = tpu.vector_load %arg15[%swap3A_1113, %swap3A_1114] {strides = array<i32>} : memref<3x256xf32, #tpu.memory_space<vmem>>, vector<1x16xf32>,
      %swap3A_1116 = vector.shape_cast %swap3A_1115 : vector<1x16xf32> to vector<16xf32>
      %swap3A_1117 = vector.shape_cast %scan3A_1104#1 : vector<16xf32> to vector<1x16xf32>
      tpu.vector_store %arg15[%swap3A_1113, %swap3A_1114], %swap3A_1117 {strides = array<i32>} : memref<3x256xf32, #tpu.memory_space<vmem>>, vector<1x16xf32>,
      %swap3A_1118 = arith.constant 2 : i32
      %swap3A_1119 = arith.index_cast %swap3A_1118 : i32 to index
      %swap3A_1120 = arith.index_cast %mul3A_967 : i32 to index
      %swap3A_1121 = tpu.vector_load %arg15[%swap3A_1119, %swap3A_1120] {strides = array<i32>} : memref<3x256xf32, #tpu.memory_space<vmem>>, vector<1x16xf32>,
      %swap3A_1122 = vector.shape_cast %swap3A_1121 : vector<1x16xf32> to vector<16xf32>
      %swap3A_1123 = vector.shape_cast %scan3A_1104#2 : vector<16xf32> to vector<1x16xf32>
      tpu.vector_store %arg15[%swap3A_1119, %swap3A_1120], %swap3A_1123 {strides = array<i32>} : memref<3x256xf32, #tpu.memory_space<vmem>>, vector<1x16xf32>,
      %scan3A_1124 = arith.constant 0 : i32
      scf.yield %scan3A_1124 : i32
    }
    %scan3A_961 = arith.constant 8 : i32
    "tpu.region"() ({
      %run_scoped3A = tpu.sem_alloc : memref<!tpu.dma_semaphore, #tpu.memory_space<semaphore_mem>>
      %dma_start3A_962 = arith.constant 0 : i32
      %dma_start3A_963 = tpu.memref_slice %arg5[%dma_start3A_962, %mul3A_2] : memref<3x8192xf32, #tpu.memory_space<hbm>> -> memref<3x256xf32, #tpu.memory_space<hbm>>
      %dma_start3A_964 = arith.constant 0 : i32
      %dma_start3A_965 = tpu.memref_slice %arg5[%dma_start3A_964, %mul3A_2] : memref<3x8192xf32, #tpu.memory_space<hbm>> -> memref<3x256xf32, #tpu.memory_space<hbm>>
      tpu.enqueue_dma source(%arg15 : memref<3x256xf32, #tpu.memory_space<vmem>>) target(%dma_start3A_965 : memref<3x256xf32, #tpu.memory_space<hbm>>) target_semaphore(%run_scoped3A : memref<!tpu.dma_semaphore, #tpu.memory_space<semaphore_mem>>)
      %dma_wait3A_966 = arith.constant 0 : i32
      %dma_wait3A_967 = tpu.memref_slice %arg5[%dma_wait3A_966, %mul3A_2] : memref<3x8192xf32, #tpu.memory_space<hbm>> -> memref<3x256xf32, #tpu.memory_space<hbm>>
      %dma_wait3A_968 = arith.constant 0 : i32
      %dma_wait3A_969 = tpu.memref_slice %arg5[%dma_wait3A_968, %mul3A_2] : memref<3x8192xf32, #tpu.memory_space<hbm>> -> memref<3x256xf32, #tpu.memory_space<hbm>>
      tpu.wait_dma2 semaphore(%run_scoped3A : memref<!tpu.dma_semaphore, #tpu.memory_space<semaphore_mem>>) src(%arg15 : memref<3x256xf32, #tpu.memory_space<vmem>>) dst(%dma_wait3A_969 : memref<3x256xf32, #tpu.memory_space<hbm>>)
      tpu.yield
    }) : () -> ()
    "tpu.region"() ({
      %run_scoped3A = tpu.sem_alloc : memref<!tpu.dma_semaphore, #tpu.memory_space<semaphore_mem>>
      %dma_start3A_962 = tpu.memref_slice %arg6[%mul3A_2] : memref<8192xf32, #tpu.memory_space<hbm>> -> memref<256xf32, #tpu.memory_space<hbm>>
      %dma_start3A_963 = tpu.memref_slice %arg6[%mul3A_2] : memref<8192xf32, #tpu.memory_space<hbm>> -> memref<256xf32, #tpu.memory_space<hbm>>
      tpu.enqueue_dma source(%arg16 : memref<256xf32, #tpu.memory_space<vmem>>) target(%dma_start3A_963 : memref<256xf32, #tpu.memory_space<hbm>>) target_semaphore(%run_scoped3A : memref<!tpu.dma_semaphore, #tpu.memory_space<semaphore_mem>>)
      %dma_wait3A_964 = tpu.memref_slice %arg6[%mul3A_2] : memref<8192xf32, #tpu.memory_space<hbm>> -> memref<256xf32, #tpu.memory_space<hbm>>
      %dma_wait3A_965 = tpu.memref_slice %arg6[%mul3A_2] : memref<8192xf32, #tpu.memory_space<hbm>> -> memref<256xf32, #tpu.memory_space<hbm>>
      tpu.wait_dma2 semaphore(%run_scoped3A : memref<!tpu.dma_semaphore, #tpu.memory_space<semaphore_mem>>) src(%arg16 : memref<256xf32, #tpu.memory_space<vmem>>) dst(%dma_wait3A_965 : memref<256xf32, #tpu.memory_space<hbm>>)
      tpu.yield
    }) : () -> ()
    return
  }
}

module attributes {stable_mosaic.version = 14 : i64} {
  func.func @_d2_kernel(%arg0: i32, %arg1: i32, %arg2: memref<3x2048xf32, #tpu.memory_space<vmem>>, %arg3: memref<384x3xf32, #tpu.memory_space<vmem>>, %arg4: memref<384x2048xf32, #tpu.memory_space<vmem>>) attributes {dimension_semantics = [#tpu.dimension_semantics<arbitrary>, #tpu.dimension_semantics<arbitrary>], iteration_bounds = array<i64: 18, 4>, scalar_prefetch = 0 : i64, scratch_operands = 0 : i64, tpu.core_type = #tpu.core_type<tc>, window_params = [{transform_indices = @transform_0, window_bounds = array<i64: 3, 2048>}, {transform_indices = @transform_1, window_bounds = array<i64: 384, 3>}, {transform_indices = @transform_2, window_bounds = array<i64: 384, 2048>}]} {
    %get3A = arith.constant 0 : index
    %get3A_0 = arith.constant 0 : index
    %get3A_1 = vector.load %arg2[%get3A, %get3A_0] : memref<3x2048xf32, #tpu.memory_space<vmem>>, vector<3x2048xf32>
    %get3A_2 = arith.constant 0 : index
    %get3A_3 = arith.constant 0 : index
    %get3A_4 = vector.load %arg3[%get3A_2, %get3A_3] : memref<384x3xf32, #tpu.memory_space<vmem>>, vector<384x3xf32>
    %convert_element_type3A = arith.truncf %get3A_4 : vector<384x3xf32> to vector<384x3xbf16>
    %convert_element_type3A_5 = arith.truncf %get3A_1 : vector<3x2048xf32> to vector<3x2048xbf16>
    %dot_general3A = arith.constant dense<0.000000e+00> : vector<384x2048xf32>
    %dot_general3A_6 = tpu.matmul %convert_element_type3A, %convert_element_type3A_5, %dot_general3A {dimension_numbers = #tpu.dot_dimension_numbers<[1], [0], [0], [1], [0, 0, 1, 1], [], []>, transpose_lhs_hint = false} : vector<384x3xbf16>, vector<3x2048xbf16>, vector<384x2048xf32> -> vector<384x2048xf32>
    %slice3A = vector.extract_strided_slice %get3A_1 {offsets = [0, 0], sizes = [1, 2048], strides = [1, 1]} : vector<3x2048xf32> to vector<1x2048xf32>
    %slice3A_7 = vector.extract_strided_slice %get3A_1 {offsets = [0, 0], sizes = [1, 2048], strides = [1, 1]} : vector<3x2048xf32> to vector<1x2048xf32>
    %mul3A = arith.mulf %slice3A, %slice3A_7 : vector<1x2048xf32>
    %slice3A_8 = vector.extract_strided_slice %get3A_1 {offsets = [1, 0], sizes = [1, 2048], strides = [1, 1]} : vector<3x2048xf32> to vector<1x2048xf32>
    %slice3A_9 = vector.extract_strided_slice %get3A_1 {offsets = [1, 0], sizes = [1, 2048], strides = [1, 1]} : vector<3x2048xf32> to vector<1x2048xf32>
    %mul3A_10 = arith.mulf %slice3A_8, %slice3A_9 : vector<1x2048xf32>
    %add3A = arith.addf %mul3A, %mul3A_10 : vector<1x2048xf32>
    %slice3A_11 = vector.extract_strided_slice %get3A_1 {offsets = [2, 0], sizes = [1, 2048], strides = [1, 1]} : vector<3x2048xf32> to vector<1x2048xf32>
    %slice3A_12 = vector.extract_strided_slice %get3A_1 {offsets = [2, 0], sizes = [1, 2048], strides = [1, 1]} : vector<3x2048xf32> to vector<1x2048xf32>
    %mul3A_13 = arith.mulf %slice3A_11, %slice3A_12 : vector<1x2048xf32>
    %add3A_14 = arith.addf %add3A, %mul3A_13 : vector<1x2048xf32>
    %slice3A_15 = vector.extract_strided_slice %get3A_4 {offsets = [0, 0], sizes = [384, 1], strides = [1, 1]} : vector<384x3xf32> to vector<384x1xf32>
    %slice3A_16 = vector.extract_strided_slice %get3A_4 {offsets = [0, 0], sizes = [384, 1], strides = [1, 1]} : vector<384x3xf32> to vector<384x1xf32>
    %mul3A_17 = arith.mulf %slice3A_15, %slice3A_16 : vector<384x1xf32>
    %slice3A_18 = vector.extract_strided_slice %get3A_4 {offsets = [0, 1], sizes = [384, 1], strides = [1, 1]} : vector<384x3xf32> to vector<384x1xf32>
    %slice3A_19 = vector.extract_strided_slice %get3A_4 {offsets = [0, 1], sizes = [384, 1], strides = [1, 1]} : vector<384x3xf32> to vector<384x1xf32>
    %mul3A_20 = arith.mulf %slice3A_18, %slice3A_19 : vector<384x1xf32>
    %add3A_21 = arith.addf %mul3A_17, %mul3A_20 : vector<384x1xf32>
    %slice3A_22 = vector.extract_strided_slice %get3A_4 {offsets = [0, 2], sizes = [384, 1], strides = [1, 1]} : vector<384x3xf32> to vector<384x1xf32>
    %slice3A_23 = vector.extract_strided_slice %get3A_4 {offsets = [0, 2], sizes = [384, 1], strides = [1, 1]} : vector<384x3xf32> to vector<384x1xf32>
    %mul3A_24 = arith.mulf %slice3A_22, %slice3A_23 : vector<384x1xf32>
    %add3A_25 = arith.addf %add3A_21, %mul3A_24 : vector<384x1xf32>
    %add3A_26 = vector.broadcast %add3A_14 : vector<1x2048xf32> to vector<384x2048xf32>
    %add3A_27 = vector.broadcast %add3A_25 : vector<384x1xf32> to vector<384x2048xf32>
    %add3A_28 = arith.addf %add3A_26, %add3A_27 : vector<384x2048xf32>
    %mul3A_29 = arith.constant 2.000000e+00 : f32
    %mul3A_30 = vector.broadcast %mul3A_29 : f32 to vector<384x2048xf32>
    %mul3A_31 = arith.mulf %mul3A_30, %dot_general3A_6 : vector<384x2048xf32>
    %sub3A = arith.subf %add3A_28, %mul3A_31 : vector<384x2048xf32>
    %max3A = arith.constant 9.99999996E-13 : f32
    %max3A_32 = vector.broadcast %max3A : f32 to vector<384x2048xf32>
    %max3A_33 = arith.maximumf %sub3A, %max3A_32 : vector<384x2048xf32>
    %swap3A = arith.constant 0 : index
    %swap3A_34 = arith.constant 0 : index
    %swap3A_35 = vector.load %arg4[%swap3A, %swap3A_34] : memref<384x2048xf32, #tpu.memory_space<vmem>>, vector<384x2048xf32>
    tpu.vector_store %arg4[%swap3A, %swap3A_34], %max3A_33 {strides = array<i32>} : memref<384x2048xf32, #tpu.memory_space<vmem>>, vector<384x2048xf32>,
    return
  }
  func.func @transform_0(%arg0: i32, %arg1: i32) -> (i32, i32) {
    %c0_i32 = arith.constant 0 : i32
    %c0_i32_0 = arith.constant 0 : i32
    return %c0_i32, %arg1 : i32, i32
  }
  func.func @transform_1(%arg0: i32, %arg1: i32) -> (i32, i32) {
    %c0_i32 = arith.constant 0 : i32
    %c0_i32_0 = arith.constant 0 : i32
    return %arg0, %c0_i32 : i32, i32
  }
  func.func @transform_2(%arg0: i32, %arg1: i32) -> (i32, i32) {
    %c0_i32 = arith.constant 0 : i32
    return %arg0, %arg1 : i32, i32
  }
}

</mosaic_0001>

<sc_bundles>
// kernel: kernel.4.cloned.1.call-start
scs
__scs_entry_jumppad:
0x0: {  	(pc) =	sbr.rel $0x88, $3  }
0x1: {  	(tag) =	ssettag $0x0;
	lr =	simm.s32 $0x1  }
0x2: {  	[smem:$0x3F9D] =	sst lr;
	_ =	strace $0xD0000000  }
0x3: {  	_ = 	snop  }
0x4: {  	_ = 	snop  }
0x5: {  	_ = 	snop  }
0x6: {  	_ = 	snop  }
0x7: {  	_ = 	snop  }
__scs_overlays_trampoline_lowered:
0x8: {  	[smem:$0x3FAC] =	sst s0  }
0x9: {  	[smem:$0x3FAD] =	sst s1  }
0xa: {  	[smem:$0x3FAE] =	sst s2  }
0xb: {  	[smem:$0x3FAF] =	sst s3  }
0xc: {  	[smem:$0x3FB0] =	sst s4  }
0xd: {  	[smem:$0x3FB1] =	sst s5  }
0xe: {  	[smem:$0x3FB2] =	sst s6  }
0xf: {  	[smem:$0x3FB3] =	sst s7  }
0x10: {  	[smem:$0x3FB4] =	sst s8  }
0x11: {  	[smem:$0x3FB5] =	sst s9;
	s0 =	simm.s32 @!p0 $0x0  }
0x12: {  	s1 =	sld [smem:$0x3F9B];
	s0 =	simm.s32 @p0 $0x1  }
0x13: {  	[smem:$0x3FB6] =	sst s0;
	s0 =	simm.s32 @!p1 $0x0  }
0x14: {  	s2 =	sld [smem:$0x3F9A];
	s0 =	simm.s32 @p1 $0x1  }
0x15: {  	[smem:$0x3FB7] =	sst s0;
	s0 =	simm.s32 @!p2 $0x0  }
0x16: {  	s3 =	sld [smem:$0x3FDB];
	s0 =	simm.s32 @p2 $0x1  }
0x17: {  	s4 =	simm.s32 $0x1BF5;
	[smem:$0x3FB9] =	sst s0  }
0x18: {  	s0 =	sld [smem:$0x3F9C];
	_ =	swait.ge [sflag:s4], $0x0  }
0x19: {  	s7 =	sld [smem:$0x3F9D]  }
0x1a: {  	s8 =	sadd.s32 $0xFFFFE003, lr  }
0x1b: {  	s9 =	sadd.s32 $0xFFFFFEF7, lr;
	s5 =	simm.s32 $0xFFFFFFFF;
	p2 =	slt.u32 s8, $0xFFFFF086  }
0x1c: {  	p1 =	slt.u32 s9, $0xF7A;
	s5 =	simm.s32 @!p2 $0x0  }
0x1d: {  	s5 =	simm.s32 @p1 $0x1;
	p0 =	seq.s32 s7, s2  }
0x1e: {  	s7 =	smul.u32 @!p0 $0xF7A, s2;
	p2 =	seq.s32 @!p0 s5, $0x0  }
0x1f: {  	s9 =	smul.u32 $0xF7A, s1;
	s8 =	simm.s32 @!p0 $0x1BF5;
	p2 =	por !p2, p0  }
0x20: {  	[sflag:s8] =	ssyncset.s32 @!p0 $0xFFFFF086;
	s6 =	sadd.s32 @!p0 s3, s7;
	s7 =	simm.s32 @!p0 $0x108  }
0x21: {  	s3 =	sadd.s32 s3, s9;
	s6 =	sadd.s32 @!p0 $0x88, s6;
	s7 =	simm.s32 @p2 $0x1082  }
0x22: {  	[simem:s7], [sflag:s8] =	dma.local @!p0 [hbm:s6], $0xF7A  }
0x23: {  	s9 =	sor.u32 $0xD0000000, s2;
	s6 =	simm.s32 $0x108;
	_ =	swait.ge @!p0 [sflag:s8], $0x0  }
0x24: {  	s3 =	sadd.s32 $0x88, s3;
	s6 =	simm.s32 @!p1 $0x1082;
	[sflag:s4] =	ssyncset.s32 $0xFFFFF086  }
0x25: {  	[simem:s6], [sflag:s4] =	dma.local [hbm:s3], $0xF7A  }
0x26: {  	[smem:$0x3F9D] =	sst s1;
	(tag) =	ssettag s2;
	_ =	strace s9  }
0x27: {  	s1 =	sld [smem:$0x3FAD]  }
0x28: {  	s2 =	sld [smem:$0x3FAE]  }
0x29: {  	s4 =	sld [smem:$0x3FB0]  }
0x2a: {  	p0 =	seq.s32 s5, $0x0;
	s5 =	sld [smem:$0x3FB1]  }
0x2b: {  	s6 =	sld [smem:$0x3FB2]  }
0x2c: {  	s7 =	sld [smem:$0x3FB3]  }
0x2d: {  	s3 =	simm.s32 $0x108;
	s8 =	sld [smem:$0x3FB4]  }
0x2e: {  	s3 =	simm.s32 @!p0 $0x1082;
	s9 =	sld [smem:$0x3FB5]  }
0x2f: {  	lr =	sadd.s32 s0, s3;
	s0 =	sld [smem:$0x3FAC]  }
0x30: {  	s3 =	sld [smem:$0x3FAF]  }
0x31: {  	[smem:$0x3FB8] =	sst s10  }
0x32: {  	s10 =	sld [smem:$0x3FB6];
	_ =	sdelay $0x3  }
0x33: {  	p0 =	seq.s32 s10, $0x1;
	s10 =	sld [smem:$0x3FB8];
	_ =	sdelay $0x3  }
0x34: {  	[smem:$0x3FB8] =	sst s10  }
0x35: {  	s10 =	sld [smem:$0x3FB7];
	_ =	sdelay $0x3  }
0x36: {  	p1 =	seq.s32 s10, $0x1;
	s10 =	sld [smem:$0x3FB8];
	_ =	sdelay $0x3  }
0x37: {  	[smem:$0x3FB8] =	sst s10  }
0x38: {  	s10 =	sld [smem:$0x3FB9]  }
0x39: {  	_ = 	snop;
	(pc) =	sbr.ind lr, $3  }
0x3a: {  	_ = 	snop  }
0x3b: {  	_ = 	snop  }
0x3c: {  	p2 =	seq.s32 s10, $0x1;
	s10 =	sld [smem:$0x3FB8]  }
0x3d: {  	_ =	shalt  }
0x3e: {  	_ =	shalt  }
0x3f: {  	_ =	shalt  }
0x40: {  	_ =	shalt  }
0x41: {  	_ =	shalt  }
0x42: {  	_ =	shalt  }
0x43: {  	_ =	shalt  }
0x44: {  	_ =	shalt  }
0x45: {  	_ =	shalt  }
0x46: {  	_ =	shalt  }
0x47: {  	_ =	shalt  }
0x48: {  	_ =	shalt  }
0x49: {  	_ =	shalt  }
0x4a: {  	_ =	shalt  }
0x4b: {  	_ =	shalt  }
0x4c: {  	_ =	shalt  }
0x4d: {  	_ =	shalt  }
0x4e: {  	_ =	shalt  }
0x4f: {  	_ =	shalt  }
0x50: {  	_ =	shalt  }
0x51: {  	_ =	shalt  }
0x52: {  	_ =	shalt  }
0x53: {  	_ =	shalt  }
0x54: {  	_ =	shalt  }
0x55: {  	_ =	shalt  }
0x56: {  	_ =	shalt  }
0x57: {  	_ =	shalt  }
0x58: {  	_ =	shalt  }
0x59: {  	_ =	shalt  }
0x5a: {  	_ =	shalt  }
0x5b: {  	_ =	shalt  }
0x5c: {  	_ =	shalt  }
0x5d: {  	_ =	shalt  }
0x5e: {  	_ =	shalt  }
0x5f: {  	_ =	shalt  }
0x60: {  	_ =	shalt  }
0x61: {  	_ =	shalt  }
0x62: {  	_ =	shalt  }
0x63: {  	_ =	shalt  }
0x64: {  	_ =	shalt  }
0x65: {  	_ =	shalt  }
0x66: {  	_ =	shalt  }
0x67: {  	_ =	shalt  }
0x68: {  	_ =	shalt  }
0x69: {  	_ =	shalt  }
0x6a: {  	_ =	shalt  }
0x6b: {  	_ =	shalt  }
0x6c: {  	_ =	shalt  }
0x6d: {  	_ =	shalt  }
0x6e: {  	_ =	shalt  }
0x6f: {  	_ =	shalt  }
0x70: {  	_ =	shalt  }
0x71: {  	_ =	shalt  }
0x72: {  	_ =	shalt  }
0x73: {  	_ =	shalt  }
0x74: {  	_ =	shalt  }
0x75: {  	_ =	shalt  }
0x76: {  	_ =	shalt  }
0x77: {  	_ =	shalt  }
0x78: {  	_ =	shalt  }
0x79: {  	_ =	shalt  }
0x7a: {  	_ =	shalt  }
0x7b: {  	_ =	shalt  }
0x7c: {  	_ =	shalt  }
0x7d: {  	_ =	shalt  }
0x7e: {  	_ =	shalt  }
0x7f: {  	_ =	shalt  }
0x80: {  	_ =	shalt  }
0x81: {  	_ =	shalt  }
0x82: {  	_ =	shalt  }
0x83: {  	_ =	shalt  }
0x84: {  	_ =	shalt  }
0x85: {  	_ =	shalt  }
0x86: {  	_ =	shalt  }
0x87: {  	_ =	shalt  }
.Lfunc_end0:
.L_simem_size_0:
called_computation_lowered:
.L_overlay_start_0:
0x88: {  	s2 =	sld [smem:$0x3FD9]  }
0x89: {  	s3 =	sld [smem:$0x3FFE];
	_ =	sdelay $0x1  }
0x8a: {  	s1 =	srdreg.scid  }
0x8b: {  	s0 =	sand.u32 $0x1, s1  }
0x8c: {  	s14 =	sshll.u32 s0, $0xA;
	s2 =	sadd.s32 s3, s2  }
0x8d: {  	s2 =	sadd.s32 s2, s14  }
0x8e: {  	[smem:$0x3FC4] =	sst s2  }
0x8f: {  	_ = 	snop  }
0x90: {  	s2 =	sld [smem:$0x3FD0];
	_ =	sdelay $0x2  }
0x91: {  	s15 =	simm.s32 $0xA;
	s4 =	simm.s32 $0x10  }
0x92: {  	[smem:s4], [sflag:s15] =	dma.local [hbm:s2], $0x1  }
0x93: {  	_ =	swait.eq [sflag:s15], $0x1  }
0x94: {  	[sflag:s15] =	ssyncset.done $0x0  }
0x95: {  	[sflag:s15] =	ssyncadd.s32 $0xFFFFFFFF  }
0x96: {  	s16 =	sld [smem:$0x11];
	(tm) =	ssettm $0x1  }
0x97: {  	s17 =	sld [smem:$0x3FFB];
	_ =	sdelay $0x3  }
0x98: {  	_ =	strace s17  }
0x99: {  	s3 =	sld [smem:$0x3FFC];
	_ =	sdelay $0x3  }
0x9a: {  	_ =	strace s3  }
0x9b: {  	s3 =	sld [smem:$0x3FFD];
	_ =	sdelay $0x3  }
0x9c: {  	_ =	strace s3  }
0x9d: {  	_ =	strace $0x8FFFFFFF  }
0x9e: {  	s18 =	sld [smem:$0x3FDB];
	_ =	sdelay $0x1  }
0x9f: {  	s19 =	simm.s32 $_scs_section_size  }
0xa0: {  	s5 =	simm.s32 $_size__tile_overlayer_lowered;
	s6 =	simm.s32 $_tile_overlayer_lowered  }
0xa1: {  	s22 =	simm.s32 $0x1BFF;
	s21 =	sshll.u32 s6, $0x1;
	s3 =	sadd.s32 s19, s18  }
0xa2: {  	s7 =	simm.s32 $0x0;
	s20 =	sshll.u32 s5, $0x1;
	s5 =	sadd.s32 s21, s3  }
0xa3: {  	[timem:s7], [sflag:s22] =	dma.local [hbm:s5], s20  }
0xa4: {  	_ =	swait.ge [sflag:s22], s20  }
0xa5: {  	s4 =	ssub.s32 $0x0, s20;
	[sflag:s22] =	ssyncset.done $0x0  }
0xa6: {  	[sflag:s22] =	ssyncadd.s32 s4;
	_ =	sdelay $0x1  }
0xa7: {  	s23 =	simm.s32 $0x1B8B  }
0xa8: {  	_ =	swait.ge [sflag:s23], $0x1  }
0xa9: {  	[sflag:s23] =	ssyncset.done $0x0  }
0xaa: {  	s25 =	simm.s32 $0x1B8E;
	s24 =	sld [smem:$0x3FFE];
	[sflag:s23] =	ssyncadd.s32 $0xFFFFFFFF  }
0xab: {  	s26 =	simm.s32 $execute0_lowered;
	[smem:$0x3FD2] =	sst s25  }
0xac: {  	s5 =	sshll.u32 s26, $0x1;
	_ =	strace $0x80000046;
	[dreg:$0x1] =	wrdreg $0xFFFFFFFF  }
0xad: {  	s28 =	simm.s32 $_size_execute0_lowered;
	s3 =	sadd.s32 s3, s5;
	[dreg:$0x0] =	wrdreg $0x0  }
0xae: {  	s5 =	sshll.u32 s28, $0x1;
	[dreg:$0x2] =	wrdreg s3  }
0xaf: {  	[dreg:$0x3] =	wrdreg s5  }
0xb0: {  	[dreg:$0x4] =	wrdreg $0xC0  }
0xb1: {  	_ =	task [dreg:s7], $0x5FFFF  }
0xb2: {  	[dreg:$0x1] =	wrdreg $0xFFFFFFFF  }
0xb3: {  	[dreg:$0x0] =	wrdreg $0x60  }
0xb4: {  	[dreg:$0x2] =	wrdreg s24  }
0xb5: {  	[dreg:$0x3] =	wrdreg s16  }
0xb6: {  	[dreg:$0x4] =	wrdreg $0x9  }
0xb7: {  	_ =	task.clear_ibuf [dreg:s7], $0x5FFFF;
	_ =	strace $0x90000046  }
0xb8: {  	s29 =	simm.s32 $0x9;
	_ =	strace $0x80000048  }
0xb9: {  	_ =	swait.ge [sflag:s29], $0x1  }
0xba: {  	[sflag:s29] =	ssyncadd.s32 $0xFFFFFFFF  }
0xbb: {  	_ =	strace $0x90000048  }
0xbc: {  	_ =	sfence  }
0xbd: {  	s30 =	sld [smem:$0x0];
	_ =	sdelay $0x2  }
0xbe: {  	s31 =	sshll.u32 s1, $0xD;
	s1 =	sshrl.u32 s1, $0x2  }
0xbf: {  	s3 =	sand.u32 $0x4000, s31;
	s1 =	sadd.s32 s1, s30  }
0xc0: {  	s0 =	sor.u32 s3, s0;
	s1 =	sshll.u32 s1, $0x11  }
0xc1: {  	s0 =	sor.u32 s1, s0  }
0xc2: {  	s0 =	sadd.s32 $0x8F2B, s0  }
0xc3: {  	[sflag:s0] =	ssyncadd.remote.s32 $0x1  }
0xc4: {  	_ =	sfence.sel $0xFFFF  }
0xc5: {  	[dreg:$0x0] =	wrdreg $0xFFFFFFFF;
	(pc) =	sbr.abs _section_cstart, $3  }
0xc6: {  	[dreg:$0x1] =	wrdreg $0xFFFFFFFF  }
0xc7: {  	_ =	task.clear_ibuf [dreg:s7], $0x2FFFF;
	_ =	strace $0x9FFFFFFF  }
0xc8: {  	(tm) =	ssettm $0x7FFFFFFF  }
0xc9: {  	_ =	shalt  }
tec
execute0_lowered:
.L_overlay_start_1:
0x0: {  	(tag) =	ssettag $0x1  }
0x1: {  	v0 =	vimm.f32 $1.999999960e-02;
	v54 =	vimm.s32 $0xFEDCBA98;
	v2 =	vimm.s32 $0x76543210  }
0x2: {  	v55 =	vimm.s32 $0x3210FEDC;
	v5 =	vimm.s32 $0xBA987654;
	v6 =	vimm.s32 $0x10FEDCBA  }
0x3: {  	v7 =	vimm.s32 $0x98765432;
	v8 =	vimm.s32 $0xFEDCBA9;
	v9 =	vimm.s32 $0x87654321  }
0x4: {  	vm0 =	vcmask $0x1F1C;
	vm1 =	vcmask $0xF0C;
	vm7 =	vcmask $0x2F2C  }
0x5: {  	vm8 =	vcmask $0x1F18;
	vm2 =	vcmask $0xF08;
	vm3 =	vcmask $0x3F3C  }
0x6: {  	vm9 =	vcmask $0x2F28;
	vm11 =	vcmask $0x3F38;
	vm12 =	vcmask $0x1310  }
0x7: {  	vm13 =	vcmask $0x300;
	vm14 =	vcmask $0x2320;
	vm15 =	vcmask $0x3330  }
0x8: {  	v4 =	vunpack.c.l.s4.s8 v55;
	v6 =	vunpack.c.l.s4.s8 v6;
	v7 =	vunpack.c.l.s4.s8 v7  }
0x9: {  	s0 =	rddreg [dreg:$0x0];
	s8 =	simm.s32 $0x0;
	v5 =	vunpack.c.l.s4.s8 v5;
	v56 =	vunpack.c.l.s4.s8 v8;
	v57 =	vunpack.c.l.s4.s8 v9  }
0xa: {  	[smem:$0x7FF] =	sst s8;
	v4 =	vunpack.c.0.s8.s32 v4;
	v58 =	vunpack.c.0.s8.s32 v6;
	v59 =	vunpack.c.0.s8.s32 v7  }
0xb: {  	s1 =	rddreg [dreg:$0x1];
	_ =	strace $0x80000047;
	v5 =	vunpack.c.0.s8.s32 v5;
	v60 =	vunpack.c.0.s8.s32 v56;
	v8 =	vunpack.c.0.s8.s32 v57  }
0xc: {  	v61 =	vimm.s32 $0x0;
	(erf) = vrcp.f32 v0;
	v37 =	vcombine.low v59, v58  }
0xd: {  	s2 =	srdreg.scid;
	s3 =	stileid.u32;
	s12 =	simm.s32 $0x800;
	v0 =	vunpack.c.l.s4.s8 v54;
	v4 =	vcombine.low v5, v4;
	v38 =	vcombine.low v8, v60  }
0xe: {  	s13 =	simm.s32 $0x10000;
	s14 =	simm.s32 $0x6000;
	v3 =	vunpack.c.l.s4.s8 v2;
	s2 =	sand.u32 $0x1, s2;
	vm0 =	vmor vm1, vm0;
	vm1 =	vmor vm2, vm8;
	[tilespmem:$0x1FF80] =	vst v37  }
0xf: {  	s15 =	simm.s32 $0x1;
	s3 =	sshll.u32 s3, $0x9;
	s4 =	sshll.u32 s2, $0x8;
	vm0 =	vmor vm0, vm7;
	v0 =	vunpack.c.0.s8.s32 v0;
	v36 =	vand.u32 $0xF, v4;
	[tilespmem:$0x1FF90] =	vst v38  }
0x10: {  	s9 =	sadd.s32 $0x6C1E00, s0;
	s2 =	ssub.s32 $0x2, s2;
	vm10 =	vmor vm1, vm9;
	v3 =	vunpack.c.0.s8.s32 v3;
	s4 =	sor.u32 s4, s3;
	v39 =	vand.u32 $0xF, v37;
	[tilespmem:$0x1FF70] =	vst v36  }
0x11: {  	[dreg:$0x5] =	wrdreg s9;
	s7 =	sshrl.u32 s2, $0x1;
	vm5 =	vmor vm0, vm3;
	s6 =	sadd.s32 s4, s0;
	v0 =	vand.u32 $0xF, v0;
	v40 =	vand.u32 $0xF, v38;
	[tilespmem:$0x1FFC0] =	vst v39  }
0x12: {  	vm0 =	vmor vm13, vm12;
	s5 =	sshrl.u32 s4, $0x1;
	s4 =	sshrl.u32 s4, $0x3;
	s29 =	sadd.s32 $0x19E00, s6;
	v35 =	vcombine.low v0, v3;
	v0 =	vsel vm5, $0xFFFFFFFF, v61;
	[tilespmem:$0x1FFD0] =	vst v40  }
0x13: {  	v62 =	vimm.s32 $0x0;
	vm6 =	vmor vm10, vm11;
	s2 =	ssub.s32 s2, s7;
	vm0 =	vmor vm0, vm14;
	s30 =	sadd.s32 s1, s4;
	[dreg:$0x7] =	wrdreg s29;
	[tilespmem:$0x1FFA0] =	vst v0  }
0x14: {  	v63 =	vimm.s32 $0x0;
	s0 =	sadd.s32 s5, s0;
	s31 =	smax.u32 s2, $0x1;
	vm7 =	vmor vm0, vm15;
	[dreg:$0x9] =	wrdreg s30;
	v0 =	vsel vm6, $0xFFFFFFFF, v62;
	[tilespmem:$0x1FF60] =	vst v35  }
0x15: {  	s16 =	simm.s32 $0x2;
	s28 =	sadd.s32 $0xE00, s0;
	[dreg:$0xa] =	wrdreg s31;
	[tilespmem:$0x1FFB0] =	vst v0;
	v0 =	vsel vm7, $0xFFFFFFFF, v63  }
0x16: {  	s5 =	sadd.s32 $0x1E00, s6;
	s0 =	sadd.s32 $0x6DCE00, s0;
	[dreg:$0x6] =	wrdreg s28;
	[tilespmem:$0x1FFF0] =	vst v0;
	v41 =	vpop (erf)  }
0x17: {  	v33 =	vimm.s32 $0x0;
	s2 =	simm.s32 $0x4;
	s1 =	simm.s32 $0x0;
	[dreg:$0x8] =	wrdreg s0;
	[tilespmem:$0x1FFE0] =	vst v41  }
.LBB2_1:
0x18: {  	[dreg:$0xb] =	wrdreg s1  }
0x19: {  	s0 =	rddreg [dreg:$0x6];
	s30 =	simm.s32 $0xC000  }
0x1a: {  	[tilespmem:s30], [sflag:$0x4] =	stream.linear.gather [hbm4b:s0+s8], $0x400, $0x38;
	[tilespmem:$0x1D900] =	vst v63  }
0x1b: {  	_ =	swait.ge [sflag:s2], $0x400  }
0x1c: {  	[sflag:s2] =	ssyncset.done $0x0  }
0x1d: {  	v0 =	vimm.f32 $3.000000010e+38;
	[sflag:s2] =	ssyncadd.s32 $0xFFFFFC00  }
0x1e: {  	[tilespmem:$0xC400] =	vst v0  }
0x1f: {  	[tilespmem:$0xC800] =	vst v33  }
0x20: {  	[tilespmem:$0xC410] =	vst v0  }
0x21: {  	[tilespmem:$0xC810] =	vst v33  }
0x22: {  	[tilespmem:$0xC420] =	vst v0  }
0x23: {  	[tilespmem:$0xC820] =	vst v33  }
0x24: {  	[tilespmem:$0xC430] =	vst v0  }
0x25: {  	[tilespmem:$0xC830] =	vst v33  }
0x26: {  	[tilespmem:$0xC440] =	vst v0  }
0x27: {  	[tilespmem:$0xC840] =	vst v33  }
0x28: {  	[tilespmem:$0xC450] =	vst v0  }
0x29: {  	[tilespmem:$0xC850] =	vst v33  }
0x2a: {  	[tilespmem:$0xC460] =	vst v0  }
0x2b: {  	[tilespmem:$0xC860] =	vst v33  }
0x2c: {  	[tilespmem:$0xC470] =	vst v0  }
0x2d: {  	[tilespmem:$0xC870] =	vst v33  }
0x2e: {  	[tilespmem:$0xC480] =	vst v0  }
0x2f: {  	[tilespmem:$0xC880] =	vst v33  }
0x30: {  	[tilespmem:$0xC490] =	vst v0  }
0x31: {  	[tilespmem:$0xC890] =	vst v33  }
0x32: {  	[tilespmem:$0xC4A0] =	vst v0  }
0x33: {  	[tilespmem:$0xC8A0] =	vst v33  }
0x34: {  	[tilespmem:$0xC4B0] =	vst v0  }
0x35: {  	[tilespmem:$0xC8B0] =	vst v33  }
0x36: {  	[tilespmem:$0xC4C0] =	vst v0  }
0x37: {  	[tilespmem:$0xC8C0] =	vst v33  }
0x38: {  	[tilespmem:$0xC4D0] =	vst v0  }
0x39: {  	[tilespmem:$0xC8D0] =	vst v33  }
0x3a: {  	[tilespmem:$0xC4E0] =	vst v0  }
0x3b: {  	[tilespmem:$0xC8E0] =	vst v33  }
0x3c: {  	[tilespmem:$0xC4F0] =	vst v0  }
0x3d: {  	[tilespmem:$0xC8F0] =	vst v33  }
0x3e: {  	[tilespmem:$0xC500] =	vst v0  }
0x3f: {  	[tilespmem:$0xC900] =	vst v33  }
0x40: {  	[tilespmem:$0xC510] =	vst v0  }
0x41: {  	[tilespmem:$0xC910] =	vst v33  }
0x42: {  	[tilespmem:$0xC520] =	vst v0  }
0x43: {  	[tilespmem:$0xC920] =	vst v33  }
0x44: {  	[tilespmem:$0xC530] =	vst v0  }
0x45: {  	[tilespmem:$0xC930] =	vst v33  }
0x46: {  	[tilespmem:$0xC540] =	vst v0  }
0x47: {  	[tilespmem:$0xC940] =	vst v33  }
0x48: {  	[tilespmem:$0xC550] =	vst v0  }
0x49: {  	[tilespmem:$0xC950] =	vst v33  }
0x4a: {  	[tilespmem:$0xC560] =	vst v0  }
0x4b: {  	[tilespmem:$0xC960] =	vst v33  }
0x4c: {  	[tilespmem:$0xC570] =	vst v0  }
0x4d: {  	[tilespmem:$0xC970] =	vst v33  }
0x4e: {  	[tilespmem:$0xC580] =	vst v0  }
0x4f: {  	[tilespmem:$0xC980] =	vst v33  }
0x50: {  	[tilespmem:$0xC590] =	vst v0  }
0x51: {  	[tilespmem:$0xC990] =	vst v33  }
0x52: {  	[tilespmem:$0xC5A0] =	vst v0  }
0x53: {  	[tilespmem:$0xC9A0] =	vst v33  }
0x54: {  	[tilespmem:$0xC5B0] =	vst v0  }
0x55: {  	[tilespmem:$0xC9B0] =	vst v33  }
0x56: {  	[tilespmem:$0xC5C0] =	vst v0  }
0x57: {  	[tilespmem:$0xC9C0] =	vst v33  }
0x58: {  	[tilespmem:$0xC5D0] =	vst v0  }
0x59: {  	[tilespmem:$0xC9D0] =	vst v33  }
0x5a: {  	[tilespmem:$0xC5E0] =	vst v0  }
0x5b: {  	[tilespmem:$0xC9E0] =	vst v33  }
0x5c: {  	[tilespmem:$0xC5F0] =	vst v0  }
0x5d: {  	[tilespmem:$0xC9F0] =	vst v33  }
0x5e: {  	[tilespmem:$0xC600] =	vst v0  }
0x5f: {  	[tilespmem:$0xCA00] =	vst v33  }
0x60: {  	[tilespmem:$0xC610] =	vst v0  }
0x61: {  	[tilespmem:$0xCA10] =	vst v33  }
0x62: {  	[tilespmem:$0xC620] =	vst v0  }
0x63: {  	[tilespmem:$0xCA20] =	vst v33  }
0x64: {  	[tilespmem:$0xC630] =	vst v0  }
0x65: {  	[tilespmem:$0xCA30] =	vst v33  }
0x66: {  	[tilespmem:$0xC640] =	vst v0  }
0x67: {  	[tilespmem:$0xCA40] =	vst v33  }
0x68: {  	[tilespmem:$0xC650] =	vst v0  }
0x69: {  	[tilespmem:$0xCA50] =	vst v33  }
0x6a: {  	[tilespmem:$0xC660] =	vst v0  }
0x6b: {  	[tilespmem:$0xCA60] =	vst v33  }
0x6c: {  	[tilespmem:$0xC670] =	vst v0  }
0x6d: {  	[tilespmem:$0xCA70] =	vst v33  }
0x6e: {  	[tilespmem:$0xC680] =	vst v0  }
0x6f: {  	[tilespmem:$0xCA80] =	vst v33  }
0x70: {  	[tilespmem:$0xC690] =	vst v0  }
0x71: {  	[tilespmem:$0xCA90] =	vst v33  }
0x72: {  	[tilespmem:$0xC6A0] =	vst v0  }
0x73: {  	[tilespmem:$0xCAA0] =	vst v33  }
0x74: {  	[tilespmem:$0xC6B0] =	vst v0  }
0x75: {  	[tilespmem:$0xCAB0] =	vst v33  }
0x76: {  	[tilespmem:$0xC6C0] =	vst v0  }
0x77: {  	[tilespmem:$0xCAC0] =	vst v33  }
0x78: {  	[tilespmem:$0xC6D0] =	vst v0  }
0x79: {  	[tilespmem:$0xCAD0] =	vst v33  }
0x7a: {  	[tilespmem:$0xC6E0] =	vst v0  }
0x7b: {  	[tilespmem:$0xCAE0] =	vst v33  }
0x7c: {  	[tilespmem:$0xC6F0] =	vst v0  }
0x7d: {  	[tilespmem:$0xCAF0] =	vst v33  }
0x7e: {  	[tilespmem:$0xC700] =	vst v0  }
0x7f: {  	[tilespmem:$0xCB00] =	vst v33  }
0x80: {  	[tilespmem:$0xC710] =	vst v0  }
0x81: {  	[tilespmem:$0xCB10] =	vst v33  }
0x82: {  	[tilespmem:$0xC720] =	vst v0  }
0x83: {  	[tilespmem:$0xCB20] =	vst v33  }
0x84: {  	[tilespmem:$0xC730] =	vst v0  }
0x85: {  	[tilespmem:$0xCB30] =	vst v33  }
0x86: {  	[tilespmem:$0xC740] =	vst v0  }
0x87: {  	[tilespmem:$0xCB40] =	vst v33  }
0x88: {  	[tilespmem:$0xC750] =	vst v0  }
0x89: {  	[tilespmem:$0xCB50] =	vst v33  }
0x8a: {  	[tilespmem:$0xC760] =	vst v0  }
0x8b: {  	[tilespmem:$0xCB60] =	vst v33  }
0x8c: {  	[tilespmem:$0xC770] =	vst v0  }
0x8d: {  	[tilespmem:$0xCB70] =	vst v33  }
0x8e: {  	[tilespmem:$0xC780] =	vst v0  }
0x8f: {  	[tilespmem:$0xCB80] =	vst v33  }
0x90: {  	[tilespmem:$0xC790] =	vst v0  }
0x91: {  	[tilespmem:$0xCB90] =	vst v33  }
0x92: {  	[tilespmem:$0xC7A0] =	vst v0  }
0x93: {  	[tilespmem:$0xCBA0] =	vst v33  }
0x94: {  	[tilespmem:$0xC7B0] =	vst v0  }
0x95: {  	[tilespmem:$0xCBB0] =	vst v33  }
0x96: {  	[tilespmem:$0xC7C0] =	vst v0  }
0x97: {  	[tilespmem:$0xCBC0] =	vst v33  }
0x98: {  	[tilespmem:$0xC7D0] =	vst v0  }
0x99: {  	[tilespmem:$0xCBD0] =	vst v33  }
0x9a: {  	[tilespmem:$0xC7E0] =	vst v0  }
0x9b: {  	[tilespmem:$0xCBE0] =	vst v33  }
0x9c: {  	[tilespmem:$0xC7F0] =	vst v0  }
0x9d: {  	[tilespmem:$0xCBF0] =	vst v33  }
0x9e: {  	[tilespmem:s8], [sflag:$0x1] =	stream.strided.gather [hbm4b:s5+s12], $0x6000, s13, s12, $0x38;
	[tilespmem:$0x1D900] =	vst v63  }
0x9f: {  	s10 =	simm.s32 $0x0;
	s31 =	rddreg [dreg:$0x7]  }
0xa0: {  	[tilespmem:s14], [sflag:$0x2] =	stream.strided.gather [hbm4b:s31+s12], $0x6000, s13, s12, $0x38;
	[tilespmem:$0x1D900] =	vst v63  }
.LBB2_2:
0xa1: {  	_ =	swait.ge [sflag:s15], $0x6000;
	s18 =	smul.u32 $0xC0, s10  }
0xa2: {  	[sflag:s15] =	ssyncset.done $0x0  }
0xa3: {  	s19 =	simm.s32 $0x0;
	s21 =	simm.s32 $0x0;
	[sflag:s15] =	ssyncadd.s32 $0xFFFFA000;
	v8 =	vmov s18  }
.LBB2_3:
0xa4: {  	s23 =	sshll.u32 s21, $0x8  }
0xa5: {  	v38 =	vld [tilespmem:s23+$0xC400]  }
0xa6: {  	v0 =	vld [tilespmem:s23+$0xC410]  }
0xa7: {  	v9 =	vld [tilespmem:s23+$0xC430]  }
0xa8: {  	v27 =	vld [tilespmem:s23+$0xC810]  }
0xa9: {  	v33 =	vld [tilespmem:s23+$0xC450]  }
0xaa: {  	v28 =	vld [tilespmem:s23+$0xC460]  }
0xab: {  	v29 =	vld [tilespmem:s23+$0xC470]  }
0xac: {  	s0 =	sshll.u32 s21, $0x6;
	v30 =	vld [tilespmem:s23+$0xC480]  }
0xad: {  	s1 =	sshll.u32 s21, $0x9;
	v26 =	vld [tilespmem:s23+$0xC490];
	s0 =	sand.u32 $0x40, s0  }
0xae: {  	s1 =	sand.u32 $0x400, s1;
	v21 =	vld [tilespmem:s23+$0xC4A0];
	s20 =	sor.u32 $0x20, s0;
	v18 =	vmov s0  }
0xaf: {  	v22 =	vld [tilespmem:s23+$0xC4B0];
	[dreg:$0x3] =	wrdreg s1;
	s4 =	sor.u32 $0x10, s0;
	v14 =	vmov s20  }
0xb0: {  	s24 =	sand.u32 $0x7800, s19;
	v32 =	vld [tilespmem:s23+$0xC880];
	s6 =	sor.u32 $0x30, s0;
	s22 =	rddreg [dreg:$0x3];
	v15 =	vmov s4  }
0xb1: {  	s25 =	sand.u32 $0x300, s19;
	v36 =	vld [tilespmem:s23+$0xC4C0];
	v16 =	vmov s6;
	s1 =	sor.u32 s24, s22  }
0xb2: {  	v40 =	vld [tilespmem:s23+$0xC4F0];
	s26 =	sadd.s32 s25, s1  }
0xb3: {  	v42 =	vld.idx.msk [tilespmem:v18+s26+$0x0 ss:$0x1], $0xffff  }
0xb4: {  	v39 =	vld.idx.msk [tilespmem:v14+s26+$0x0 ss:$0x1], $0xffff  }
0xb5: {  	v44 =	vld.idx.msk [tilespmem:v15+s26+$0x0 ss:$0x1], $0xffff  }
0xb6: {  	v37 =	vld.idx.msk [tilespmem:v16+s26+$0x0 ss:$0x1], $0xffff  }
0xb7: {  	v46 =	vld [tilespmem:s23+$0xC4D0]  }
0xb8: {  	v20 =	vadd.s32 $0x2, v8;
	v13 =	vld [tilespmem:s23+$0xC8B0];
	vm15 =	vlt.f32 v42, v0;
	vm13 =	vlt.f32 v42, v9  }
0xb9: {  	v31 =	vld [tilespmem:s23+$0xC8C0];
	vm14 =	vlt.f32 v42, v38;
	vm8 =	vlt.f32 v39, v30;
	vm0 =	vlt.f32 v39, v22  }
0xba: {  	v23 =	vld [tilespmem:s23+$0xC8F0];
	vm11 =	vlt.f32 v44, v33;
	vm12 =	vlt.f32 v44, v28;
	vm7 =	vlt.f32 v44, v29  }
0xbb: {  	v48 =	vld [tilespmem:s23+$0xC8D0];
	vm9 =	vlt.f32 v39, v26;
	vm10 =	vlt.f32 v39, v21;
	vm6 =	vlt.f32 v37, v36  }
0xbc: {  	v52 =	vld [tilespmem:s23+$0xC890];
	v47 =	vsel vm15, v42, v0;
	vm2 =	vlt.f32 v37, v40;
	vm1 =	vlt.f32 v37, v46  }
0xbd: {  	v59 =	vld [tilespmem:s23+$0xC850];
	v9 =	vsel vm13, v42, v9;
	v55 =	vsel vm15, v8, v27;
	v13 =	vsel vm0, v8, v13  }
0xbe: {  	v35 =	vld [tilespmem:s23+$0xC8A0];
	v24 =	vsel vm10, v39, v21;
	v17 =	vsel vm6, v8, v31;
	v19 =	vsel vm6, v37, v36  }
0xbf: {  	v25 =	vsel vm0, v39, v22;
	v61 =	vsel vm8, v8, v32;
	v49 =	vsel vm2, v8, v23  }
0xc0: {  	v54 =	vld [tilespmem:s23+$0xC440];
	s0 =	sadd.s32 $0x80, s26;
	v43 =	vsel vm1, v8, v48;
	v57 =	vsel vm12, v44, v28;
	v56 =	vsel vm9, v39, v26  }
0xc1: {  	v45 =	vld.idx.msk [tilespmem:v14+s0+$0x0 ss:$0x1], $0xffff;
	v60 =	vsel vm11, v44, v33;
	v62 =	vsel vm9, v8, v52;
	v1 =	vsel vm1, v37, v46  }
0xc2: {  	v41 =	vld [tilespmem:s23+$0xC420];
	v11 =	vsel vm14, v38, v47;
	v2 =	vsel vm11, v8, v59;
	v5 =	vsel vm8, v39, v30  }
0xc3: {  	v51 =	vld [tilespmem:s23+$0xC820];
	v34 =	vsel vm10, v35, v13;
	v22 =	vsel vm9, v26, v24;
	v24 =	vsel vm10, v21, v25  }
0xc4: {  	v23 =	vld [tilespmem:s23+$0xC4E0];
	v21 =	vor.u32 $0x1, v8;
	v26 =	vsel vm6, v31, v43;
	v31 =	vsel vm2, v37, v40  }
0xc5: {  	v50 =	vld [tilespmem:s23+$0xC870];
	vm2 =	vlt.f32 v44, v54;
	v30 =	vsel vm8, v30, v56;
	v47 =	vsel vm8, v32, v62  }
0xc6: {  	v63 =	vld [tilespmem:s23+$0xC860];
	vm0 =	vlt.f32 v45, v24;
	vm4 =	vlt.f32 v45, v22;
	vm8 =	vlt.f32 v45, v30  }
0xc7: {  	v13 =	vld.idx.msk [tilespmem:v16+s0+$0x0 ss:$0x1], $0xffff;
	v25 =	vsel vm0, v45, v24;
	v53 =	vsel vm0, v21, v34;
	vm0 =	vlt.f32 v42, v41  }
0xc8: {  	v10 =	vld [tilespmem:s23+$0xC8E0];
	v40 =	vsel vm4, v45, v22;
	v62 =	vsel vm8, v21, v47;
	v58 =	vsel vm0, v8, v51  }
0xc9: {  	v43 =	vsel vm0, v41, v9;
	v9 =	vsel vm0, v42, v41;
	vm5 =	vlt.f32 v37, v23  }
0xca: {  	v41 =	vsel vm15, v0, v9;
	v0 =	vsel vm7, v8, v50;
	v9 =	vsel vm7, v44, v29  }
0xcb: {  	v50 =	vsel vm15, v27, v58;
	v29 =	vsel vm6, v36, v1;
	vm15 =	vlt.f32 v45, v5  }
0xcc: {  	v36 =	vsel vm8, v30, v40;
	vm3 =	vlt.f32 v13, v19;
	v27 =	vsel vm5, v37, v23  }
0xcd: {  	v32 =	vld.idx.msk [tilespmem:v15+s0+$0x0 ss:$0x1], $0xffff;
	v37 =	vsel vm12, v63, v0;
	v0 =	vsel vm10, v8, v35;
	v56 =	vsel vm5, v8, v10  }
0xce: {  	v34 =	vld.idx.msk [tilespmem:v18+s0+$0x0 ss:$0x1], $0xffff;
	v39 =	vsel vm5, v10, v49;
	v10 =	vsel vm8, v45, v30;
	v9 =	vsel vm12, v28, v9  }
0xcf: {  	v63 =	vsel vm12, v8, v63;
	v30 =	vsel vm15, v61, v62;
	v24 =	vsel vm3, v21, v17  }
0xd0: {  	v35 =	vsel vm1, v48, v56;
	v28 =	vsel vm15, v5, v10;
	v40 =	vsel vm1, v46, v27  }
0xd1: {  	v27 =	vsel vm15, v45, v5;
	v5 =	vsel vm14, v42, v38;
	v49 =	vsel vm11, v59, v63  }
0xd2: {  	v1 =	vld [tilespmem:s23+$0xC800];
	v42 =	vsel vm9, v52, v0;
	vm9 =	vlt.f32 v32, v9;
	v63 =	vsel vm11, v33, v57  }
0xd3: {  	vm7 =	vlt.f32 v34, v41;
	vm6 =	vlt.f32 v34, v11;
	vm10 =	vlt.f32 v34, v43  }
0xd4: {  	v0 =	vsel vm4, v21, v42;
	v62 =	vsel vm9, v32, v9;
	v42 =	vsel vm4, v42, v53  }
0xd5: {  	v10 =	vld [tilespmem:s23+$0xC830];
	v9 =	vsel vm2, v54, v60;
	vm1 =	vlt.f32 v34, v5;
	v54 =	vsel vm2, v44, v54  }
0xd6: {  	vm12 =	vlt.f32 v32, v63;
	v44 =	vsel vm15, v21, v61;
	vm11 =	vlt.f32 v13, v40  }
0xd7: {  	v58 =	vsel vm7, v34, v41;
	v48 =	vsel vm6, v34, v11;
	v56 =	vsel vm14, v1, v55;
	v55 =	vld [tilespmem:s23+$0xC840]  }
0xd8: {  	s17 =	simm.s32 $0x100;
	s11 =	simm.s32 $0x0;
	v38 =	vsel vm1, v34, v5;
	v1 =	vsel vm14, v8, v1;
	v45 =	vsel vm6, v11, v58  }
0xd9: {  	s8 =	sor.u32 $0x20, s23;
	s9 =	sor.u32 $0x30, s23;
	s7 =	sor.u32 $0x40, s23;
	v52 =	vsel vm1, v5, v48;
	vm14 =	vlt.f32 v32, v54;
	v58 =	vsel vm12, v21, v49  }
0xda: {  	s31 =	sor.u32 $0xB0, s23;
	s30 =	sor.u32 $0xC0, s23;
	s29 =	sor.u32 $0xD0, s23;
	v33 =	vsel vm1, v21, v1;
	v60 =	vsel vm6, v21, v56;
	v10 =	vsel vm13, v8, v10  }
0xdb: {  	s28 =	sor.u32 $0xE0, s23;
	s6 =	sor.u32 $0x50, s23;
	s4 =	sor.u32 $0x60, s23;
	vm13 =	vlt.f32 v32, v9;
	v53 =	vsel vm1, v1, v60;
	v60 =	vsel vm7, v21, v50  }
0xdc: {  	s20 =	sor.u32 $0x80, s23;
	s22 =	sor.u32 $0x70, s23;
	s24 =	sor.u32 $0x90, s23;
	v59 =	vsel vm2, v55, v2;
	v2 =	vsel vm0, v51, v10;
	v57 =	vsel vm2, v8, v55  }
0xdd: {  	s1 =	sor.u32 $0x10, s23;
	s26 =	sor.u32 $0xF0, s23;
	s0 =	sor.u32 $0xA0, s23;
	v51 =	vsel vm13, v32, v9;
	v55 =	vsel vm13, v21, v59;
	v46 =	vsel vm10, v21, v2  }
.LBB2_4:
0xde: {  	v1 =	vsel vm5, v23, v31;
	v2 =	vsel vm10, v34, v43  }
0xdf: {  	v48 =	vsel vm7, v50, v46;
	v51 =	vsel vm14, v54, v51;
	v55 =	vsel vm14, v57, v55  }
0xe0: {  	s11 =	sadd.s32 $0x200, s11;
	v47 =	vsel vm8, v47, v0;
	v0 =	vsel vm12, v32, v63;
	v61 =	vsel vm13, v59, v58  }
0xe1: {  	s2 =	rddreg [dreg:$0x3];
	s3 =	smov.u32 s17;
	v54 =	vsel vm14, v32, v54;
	v10 =	vsel vm11, v21, v35;
	v57 =	vsel vm14, v21, v57;
	s25 =	sand.u32 $0x7800, s11  }
0xe2: {  	v46 =	vmovc v20;
	v23 =	vsel vm11, v13, v40;
	v60 =	vsel vm6, v56, v60;
	v20 =	vadd.s32 $0x2, v20;
	s3 =	sand.u32 $0x300, s3;
	s2 =	sor.u32 s25, s2  }
0xe3: {  	vm0 =	vlt.f32 v13, v1;
	v2 =	vsel vm7, v41, v2;
	v0 =	vsel vm13, v9, v0;
	s2 =	sadd.s32 s3, s2  }
0xe4: {  	v1 =	vsel vm0, v13, v1;
	v9 =	vsel vm0, v21, v39;
	vm0 =	vlt.f32 v13, v29;
	v11 =	vld.idx.msk [tilespmem:v14+s2+$0x0 ss:$0x1], $0xffff  }
0xe5: {  	v9 =	vsel vm11, v35, v9;
	v35 =	vsel vm12, v63, v62;
	v10 =	vsel vm0, v26, v10;
	v58 =	vld.idx.msk [tilespmem:v15+s2+$0x0 ss:$0x1], $0xffff  }
0xe6: {  	v23 =	vsel vm0, v29, v23;
	v26 =	vsel vm0, v21, v26;
	v1 =	vsel vm11, v40, v1;
	v39 =	vld.idx.msk [tilespmem:v16+s2+$0x0 ss:$0x1], $0xffff  }
0xe7: {  	v29 =	vsel vm0, v13, v29;
	v40 =	vsel vm3, v17, v26;
	v62 =	vld.idx.msk [tilespmem:v18+s2+$0x0 ss:$0x1], $0xffff;
	v17 =	vsel vm9, v21, v37  }
0xe8: {  	v21 =	vsel vm4, v22, v25;
	v63 =	vsel vm3, v19, v29;
	v37 =	vsel vm3, v13, v19  }
0xe9: {  	v29 =	vsel vm12, v49, v17;
	vm8 =	vlt.f32 v11, v27;
	vm0 =	vlt.f32 v11, v21  }
0xea: {  	vm11 =	vlt.f32 v58, v51;
	vm12 =	vlt.f32 v58, v0;
	vm7 =	vlt.f32 v58, v35  }
0xeb: {  	vm9 =	vlt.f32 v11, v28;
	vm10 =	vlt.f32 v11, v36;
	vm6 =	vlt.f32 v39, v37  }
0xec: {  	vm2 =	vlt.f32 v62, v52;
	vm1 =	vlt.f32 v39, v1;
	vm13 =	vlt.f32 v62, v2  }
0xed: {  	vm15 =	vlt.f32 v62, v38;
	vm14 =	vlt.f32 v62, v45;
	vm5 =	vlt.f32 v39, v23  }
0xee: {  	v19 =	vsel vm0, v46, v42;
	v22 =	vsel vm10, v11, v36;
	v17 =	vsel vm6, v46, v24  }
0xef: {  	v21 =	vsel vm0, v11, v21;
	v6 =	vsel vm8, v46, v44;
	v56 =	vsel vm2, v62, v52  }
0xf0: {  	v9 =	vsel vm1, v46, v9;
	vm0 =	vlt.f32 v39, v63;
	v2 =	vsel vm13, v62, v2  }
0xf1: {  	v59 =	vmovc v30;
	s3 =	sadd.s32 $0x80, s2;
	v3 =	vsel vm12, v58, v0;
	v50 =	vsel vm14, v46, v60;
	v31 =	vsel vm1, v39, v1  }
0xf2: {  	v49 =	vld.idx.msk [tilespmem:v14+s3+$0x0 ss:$0x1], $0xffff;
	v4 =	vsel vm11, v58, v51;
	v30 =	vsel vm9, v46, v30;
	vm1 =	vlt.f32 v58, v54  }
0xf3: {  	v5 =	vmovc v24;
	v7 =	vsel vm11, v46, v55;
	v24 =	vsel vm10, v47, v19;
	v19 =	vsel vm6, v39, v37  }
0xf4: {  	v22 =	vsel vm9, v28, v22;
	v25 =	vsel vm10, v36, v21;
	v21 =	vor.u32 $0x1, v46  }
0xf5: {  	v26 =	vsel vm0, v46, v40;
	v36 =	vsel vm2, v46, v53;
	v28 =	vsel vm9, v11, v28  }
0xf6: {  	v43 =	vsel vm14, v45, v2;
	v2 =	vsel vm14, v62, v45;
	v45 =	vsel vm0, v39, v63  }
0xf7: {  	v13 =	vld.idx.msk [tilespmem:v16+s3+$0x0 ss:$0x1], $0xffff;
	v50 =	vsel vm2, v53, v50;
	v11 =	vsel vm8, v11, v27;
	vm3 =	vlt.f32 v49, v25  }
0xf8: {  	v34 =	vld.idx.msk [tilespmem:v18+s3+$0x0 ss:$0x1], $0xffff;
	vm4 =	vlt.f32 v49, v22;
	v26 =	vsel vm6, v5, v26;
	v41 =	vsel vm2, v52, v2  }
0xf9: {  	v2 =	vsel vm7, v46, v29;
	v52 =	vsel vm15, v38, v56;
	v56 =	vsel vm7, v58, v35  }
0xfa: {  	v5 =	vsel vm5, v39, v23;
	v29 =	vsel vm6, v37, v45;
	v27 =	vsel vm8, v27, v28  }
0xfb: {  	v28 =	vsel vm5, v46, v10;
	vm2 =	vlt.f32 v49, v11;
	v39 =	vsel vm5, v10, v9  }
0xfc: {  	v25 =	vsel vm3, v49, v25;
	v12 =	vsel vm3, v21, v24;
	vm3 =	vlt.f32 v13, v19  }
0xfd: {  	v1 =	vsel vm4, v49, v22;
	vm7 =	vlt.f32 v34, v41;
	vm6 =	vlt.f32 v34, v52  }
0xfe: {  	v37 =	vsel vm12, v61, v2;
	v2 =	vsel vm10, v46, v47;
	v47 =	vsel vm8, v44, v30  }
0xff: {  	v35 =	vsel vm0, v40, v28;
	vm8 =	vlt.f32 v49, v27;
	v42 =	vsel vm12, v0, v56  }
0x100: {  	v32 =	vld.idx.msk [tilespmem:v15+s3+$0x0 ss:$0x1], $0xffff;
	vm10 =	vlt.f32 v34, v43;
	v56 =	vsel vm15, v33, v36;
	v0 =	vsel vm12, v46, v61  }
0x101: {  	v40 =	vsel vm0, v63, v5;
	v63 =	vsel vm11, v51, v3;
	v44 =	vsel vm2, v21, v6  }
0x102: {  	v24 =	vsel vm3, v21, v17;
	v53 =	vsel vm7, v34, v41;
	v9 =	vsel vm8, v49, v27  }
0x103: {  	v10 =	vsel vm8, v21, v47;
	v36 =	vsel vm8, v27, v1;
	v27 =	vsel vm2, v49, v11  }
0x104: {  	v1 =	vsel vm15, v62, v38;
	v49 =	vsel vm11, v55, v0;
	v2 =	vsel vm9, v59, v2  }
0x105: {  	v5 =	vsel vm6, v34, v52;
	vm9 =	vlt.f32 v32, v42;
	v59 =	vsel vm1, v57, v7  }
0x106: {  	v57 =	vsel vm1, v46, v57;
	vm12 =	vlt.f32 v32, v63;
	vm11 =	vlt.f32 v13, v40  }
0x107: {  	v28 =	vsel vm2, v11, v9;
	v30 =	vsel vm2, v6, v10;
	v0 =	vsel vm4, v21, v2  }
0x108: {  	v10 =	vsel vm15, v46, v33;
	v62 =	vsel vm9, v32, v42;
	v42 =	vsel vm4, v2, v12  }
0x109: {  	p0 =	sne.s32 s17, $0x2F00;
	v9 =	vsel vm1, v54, v4;
	vm0 =	vlt.f32 v34, v1;
	v2 =	vsel vm13, v46, v48  }
.Ltmp0:
0x10a: {  	v45 =	vsel vm6, v52, v53;
	v54 =	vsel vm1, v58, v54;
	v58 =	vsel vm12, v21, v49;
	(pc) =	sbr.rel @p0 .LBB2_4-.Ltmp0, $4  }
0x10b: {  	v33 =	vsel vm0, v21, v10;
	v2 =	vsel vm14, v60, v2;
	v38 =	vsel vm0, v34, v1  }
0x10c: {  	vm13 =	vlt.f32 v32, v9;
	v52 =	vsel vm0, v1, v5;
	v1 =	vsel vm6, v21, v56  }
0x10d: {  	vm14 =	vlt.f32 v32, v54;
	v60 =	vsel vm7, v21, v50;
	v53 =	vsel vm0, v10, v1  }
0x10e: {  	s17 =	sadd.s32 $0x100, s17;
	v55 =	vsel vm13, v21, v59;
	v51 =	vsel vm13, v32, v9;
	v46 =	vsel vm10, v21, v2  }
0x10f: {  	[tilespmem:s23+$0xC400] =	vst v38  }
0x110: {  	[tilespmem:s23+$0xC800] =	vst v33  }
0x111: {  	[tilespmem:s1+$0xC400] =	vst v52  }
0x112: {  	[tilespmem:s1+$0xC800] =	vst v53  }
0x113: {  	v1 =	vsel vm10, v34, v43;
	v2 =	vsel vm6, v56, v60;
	[tilespmem:s8+$0xC400] =	vst v45  }
0x114: {  	v1 =	vsel vm7, v41, v1;
	[tilespmem:s8+$0xC800] =	vst v2  }
0x115: {  	v38 =	vsel vm7, v50, v46;
	[tilespmem:s9+$0xC400] =	vst v1  }
0x116: {  	v41 =	vsel vm14, v32, v54;
	[tilespmem:s9+$0xC800] =	vst v38  }
0x117: {  	v43 =	vsel vm14, v21, v57;
	[tilespmem:s7+$0xC400] =	vst v41  }
0x118: {  	v45 =	vsel vm14, v54, v51;
	[tilespmem:s7+$0xC800] =	vst v43  }
0x119: {  	v46 =	vsel vm14, v57, v55;
	v3 =	vsel vm12, v32, v63;
	[tilespmem:s6+$0xC400] =	vst v45  }
0x11a: {  	v48 =	vsel vm13, v9, v3;
	[tilespmem:s6+$0xC800] =	vst v46  }
0x11b: {  	v50 =	vsel vm13, v59, v58;
	[tilespmem:s4+$0xC400] =	vst v48  }
0x11c: {  	v52 =	vsel vm9, v21, v37;
	v51 =	vsel vm12, v63, v62;
	[tilespmem:s4+$0xC800] =	vst v50  }
0x11d: {  	v53 =	vsel vm12, v49, v52;
	[tilespmem:s22+$0xC400] =	vst v51  }
0x11e: {  	[tilespmem:s22+$0xC800] =	vst v53  }
0x11f: {  	[tilespmem:s20+$0xC400] =	vst v27  }
0x120: {  	[tilespmem:s20+$0xC800] =	vst v44  }
0x121: {  	[tilespmem:s24+$0xC400] =	vst v28  }
0x122: {  	[tilespmem:s24+$0xC800] =	vst v30  }
0x123: {  	v0 =	vsel vm8, v47, v0;
	[tilespmem:s0+$0xC400] =	vst v36  }
0x124: {  	v54 =	vsel vm4, v22, v25;
	[tilespmem:s0+$0xC800] =	vst v0  }
0x125: {  	[tilespmem:s31+$0xC400] =	vst v54  }
0x126: {  	vm0 =	vlt.f32 v13, v29;
	v55 =	vsel vm3, v13, v19;
	[tilespmem:s31+$0xC800] =	vst v42  }
0x127: {  	v56 =	vsel vm0, v13, v29;
	[tilespmem:s30+$0xC400] =	vst v55  }
0x128: {  	s21 =	sadd.s32 $0x1, s21;
	v57 =	vsel vm0, v21, v26;
	v1 =	vsel vm3, v19, v56;
	[tilespmem:s30+$0xC800] =	vst v24  }
0x129: {  	v58 =	vsel vm5, v23, v31;
	v59 =	vsel vm11, v13, v40;
	p0 =	sne.s32 s21, $0x4;
	v0 =	vsel vm3, v17, v57;
	[tilespmem:s29+$0xC400] =	vst v1  }
.Ltmp1:
0x12a: {  	v60 =	vsel vm11, v21, v35;
	vm1 =	vlt.f32 v13, v58;
	v3 =	vsel vm0, v29, v59;
	[tilespmem:s29+$0xC800] =	vst v0;
	(pc) =	sbr.rel @p0 .LBB2_3-.Ltmp1, $4  }
0x12b: {  	v61 =	vsel vm1, v13, v58;
	v1 =	vsel vm0, v26, v60;
	[tilespmem:s28+$0xC400] =	vst v3  }
0x12c: {  	v62 =	vsel vm1, v21, v39;
	v0 =	vsel vm11, v40, v61;
	[tilespmem:s28+$0xC800] =	vst v1  }
0x12d: {  	v63 =	vsel vm11, v35, v62;
	[tilespmem:s26+$0xC400] =	vst v0  }
0x12e: {  	[tilespmem:s26+$0xC800] =	vst v63  }
0x12f: {  	p0 =	seq.s32 s10, $0x23  }
0x130: {  	s0 =	smul.u32 @!p0 $0x180000, s10;
	_ =	sdelay $0x1  }
0x131: {  	s0 =	sshrl.u32 @!p0 s0, $0x3  }
0x132: {  	s1 =	simm.s32 @!p0 $0x800;
	s0 =	sadd.s32 @!p0 s5, s0  }
0x133: {  	s2 =	simm.s32 @!p0 $0x10000;
	s3 =	simm.s32 @!p0 $0x0;
	s0 =	sadd.s32 @!p0 $0x30000, s0  }
0x134: {  	[tilespmem:s3], [sflag:$0x1] =	stream.strided.gather @!p0 [hbm4b:s0+s1], $0x6000, s2, s1, $0x38;
	[tilespmem:$0x1D900] =	vst v63  }
0x135: {  	s31 =	sadd.s32 $0x60, s18;
	_ =	swait.ge [sflag:s16], $0x6000  }
0x136: {  	v0 =	vmov s31;
	[sflag:s16] =	ssyncset.done $0x0  }
0x137: {  	s18 =	simm.s32 $0x0;
	s19 =	simm.s32 $0x0;
	[tilespmem:$0x1FF50] =	vst v0;
	[sflag:s16] =	ssyncadd.s32 $0xFFFFA000  }
.LBB2_7:
0x138: {  	s21 =	sshll.u32 s19, $0x8;
	v8 =	vld [tilespmem:$0x1FF50]  }
0x139: {  	v38 =	vld [tilespmem:s21+$0xC400]  }
0x13a: {  	v0 =	vld [tilespmem:s21+$0xC410]  }
0x13b: {  	v1 =	vld [tilespmem:s21+$0xC430]  }
0x13c: {  	v2 =	vld [tilespmem:s21+$0xC810]  }
0x13d: {  	v33 =	vld [tilespmem:s21+$0xC450]  }
0x13e: {  	v3 =	vld [tilespmem:s21+$0xC460]  }
0x13f: {  	v4 =	vld [tilespmem:s21+$0xC470]  }
0x140: {  	v5 =	vld [tilespmem:s21+$0xC480]  }
0x141: {  	s0 =	sshll.u32 s19, $0x9;
	s1 =	sshll.u32 s19, $0x6;
	v6 =	vld [tilespmem:s21+$0xC490]  }
0x142: {  	s0 =	sand.u32 $0x400, s0;
	s1 =	sand.u32 $0x40, s1;
	v7 =	vld [tilespmem:s21+$0xC4A0]  }
0x143: {  	v9 =	vld [tilespmem:s21+$0xC4B0];
	s0 =	sor.u32 $0x6000, s0;
	s24 =	sor.u32 $0x20, s1;
	v18 =	vmov s1  }
0x144: {  	v10 =	vld [tilespmem:s21+$0xC880];
	s2 =	sor.u32 $0x10, s1;
	[dreg:$0x4] =	wrdreg s0;
	v14 =	vmov s24  }
0x145: {  	s26 =	sand.u32 $0x7800, s18;
	v11 =	vld [tilespmem:s21+$0xC8A0];
	s3 =	sor.u32 $0x30, s1;
	v15 =	vmov s2;
	s25 =	rddreg [dreg:$0x4]  }
0x146: {  	s31 =	sand.u32 $0x300, s18;
	v27 =	vld [tilespmem:s21+$0xC4C0];
	v16 =	vmov s3;
	s0 =	sadd.s32 s26, s25  }
0x147: {  	v30 =	vld [tilespmem:s21+$0xC4F0];
	s0 =	sadd.s32 s31, s0  }
0x148: {  	v42 =	vld.idx.msk [tilespmem:v18+s0+$0x0 ss:$0x1], $0xffff  }
0x149: {  	v28 =	vld.idx.msk [tilespmem:v14+s0+$0x0 ss:$0x1], $0xffff  }
0x14a: {  	v44 =	vld.idx.msk [tilespmem:v15+s0+$0x0 ss:$0x1], $0xffff  }
0x14b: {  	v29 =	vld.idx.msk [tilespmem:v16+s0+$0x0 ss:$0x1], $0xffff  }
0x14c: {  	v40 =	vld [tilespmem:s21+$0xC4D0]  }
0x14d: {  	v13 =	vld [tilespmem:s21+$0xC8B0];
	v20 =	vadd.s32 $0x2, v8;
	vm15 =	vlt.f32 v42, v0;
	vm13 =	vlt.f32 v42, v1  }
0x14e: {  	v26 =	vld [tilespmem:s21+$0xC8C0];
	vm14 =	vlt.f32 v42, v38;
	vm8 =	vlt.f32 v28, v5;
	vm0 =	vlt.f32 v28, v9  }
0x14f: {  	v32 =	vld [tilespmem:s21+$0xC8D0];
	vm11 =	vlt.f32 v44, v33;
	vm12 =	vlt.f32 v44, v3;
	vm7 =	vlt.f32 v44, v4  }
0x150: {  	v51 =	vld [tilespmem:s21+$0xC890];
	vm9 =	vlt.f32 v28, v6;
	vm10 =	vlt.f32 v28, v7;
	vm6 =	vlt.f32 v29, v27  }
0x151: {  	v54 =	vld [tilespmem:s21+$0xC850];
	v36 =	vsel vm15, v42, v0;
	vm2 =	vlt.f32 v29, v30;
	vm1 =	vlt.f32 v29, v40  }
0x152: {  	v21 =	vld [tilespmem:s21+$0xC8F0];
	v1 =	vsel vm13, v42, v1;
	v49 =	vsel vm15, v8, v2;
	v13 =	vsel vm0, v8, v13  }
0x153: {  	v35 =	vld [tilespmem:s21+$0xC420];
	v22 =	vsel vm10, v28, v7;
	v17 =	vsel vm6, v8, v26;
	v19 =	vsel vm6, v29, v27  }
0x154: {  	v52 =	vld [tilespmem:s21+$0xC440];
	s0 =	sadd.s32 $0x80, s0;
	v9 =	vsel vm0, v28, v9;
	v48 =	vsel vm8, v8, v10;
	v31 =	vsel vm1, v8, v32  }
0x155: {  	v45 =	vld.idx.msk [tilespmem:v14+s0+$0x0 ss:$0x1], $0xffff;
	v53 =	vsel vm12, v44, v3;
	v55 =	vsel vm11, v44, v33;
	v47 =	vsel vm9, v8, v51  }
0x156: {  	v46 =	vld [tilespmem:s21+$0xC820];
	v63 =	vsel vm1, v29, v40;
	v4 =	vsel vm7, v44, v4;
	v59 =	vsel vm11, v8, v54  }
0x157: {  	v37 =	vld [tilespmem:s21+$0xC870];
	v23 =	vsel vm10, v11, v13;
	v22 =	vsel vm9, v6, v22;
	v7 =	vsel vm10, v7, v9  }
0x158: {  	v57 =	vld [tilespmem:s21+$0xC860];
	v9 =	vsel vm2, v8, v21;
	v21 =	vor.u32 $0x1, v8;
	v6 =	vsel vm9, v28, v6  }
0x159: {  	v34 =	vld.idx.msk [tilespmem:v18+s0+$0x0 ss:$0x1], $0xffff;
	v26 =	vsel vm6, v26, v31;
	v31 =	vsel vm2, v29, v30;
	vm2 =	vlt.f32 v44, v52  }
0x15a: {  	v13 =	vld.idx.msk [tilespmem:v16+s0+$0x0 ss:$0x1], $0xffff;
	v47 =	vsel vm8, v10, v47;
	v3 =	vsel vm12, v3, v4;
	vm0 =	vlt.f32 v45, v7  }
0x15b: {  	v25 =	vsel vm0, v45, v7;
	v7 =	vsel vm0, v21, v23;
	vm0 =	vlt.f32 v42, v35  }
0x15c: {  	vm4 =	vlt.f32 v45, v22;
	v43 =	vsel vm0, v35, v1;
	v1 =	vsel vm0, v42, v35  }
0x15d: {  	v23 =	vld [tilespmem:s21+$0xC4E0];
	v30 =	vsel vm4, v45, v22;
	v39 =	vsel vm0, v8, v46;
	v41 =	vsel vm15, v0, v1  }
0x15e: {  	v0 =	vsel vm7, v8, v37;
	v1 =	vsel vm14, v38, v36;
	v50 =	vsel vm15, v2, v39  }
0x15f: {  	v56 =	vld [tilespmem:s21+$0xC8E0];
	vm3 =	vlt.f32 v13, v19;
	vm7 =	vlt.f32 v34, v41;
	v37 =	vsel vm12, v57, v0  }
0x160: {  	v60 =	vld [tilespmem:s21+$0xC800];
	v0 =	vsel vm10, v8, v11;
	v11 =	vsel vm8, v28, v5;
	v5 =	vsel vm8, v5, v6  }
0x161: {  	vm10 =	vlt.f32 v34, v43;
	v24 =	vsel vm3, v21, v17;
	v58 =	vsel vm7, v34, v41  }
0x162: {  	vm15 =	vlt.f32 v45, v11;
	vm8 =	vlt.f32 v45, v5;
	vm5 =	vlt.f32 v29, v23  }
0x163: {  	v36 =	vsel vm8, v45, v5;
	v2 =	vsel vm5, v29, v23;
	v29 =	vsel vm6, v27, v63  }
0x164: {  	vm6 =	vlt.f32 v34, v1;
	v35 =	vsel vm5, v8, v56;
	v39 =	vsel vm5, v56, v9  }
0x165: {  	v9 =	vsel vm8, v21, v47;
	v28 =	vsel vm15, v11, v36;
	v56 =	vsel vm14, v60, v49  }
0x166: {  	v49 =	vsel vm12, v8, v57;
	v36 =	vsel vm8, v5, v30;
	v27 =	vsel vm15, v45, v11  }
0x167: {  	v57 =	vsel vm9, v51, v0;
	v11 =	vsel vm14, v8, v60;
	v63 =	vsel vm11, v33, v53  }
0x168: {  	v60 =	vsel vm7, v21, v50;
	v35 =	vsel vm1, v32, v35;
	v40 =	vsel vm1, v40, v2  }
0x169: {  	v5 =	vld [tilespmem:s21+$0xC840];
	v30 =	vsel vm15, v48, v9;
	v2 =	vsel vm14, v42, v38;
	v49 =	vsel vm11, v54, v49  }
0x16a: {  	v32 =	vld.idx.msk [tilespmem:v15+s0+$0x0 ss:$0x1], $0xffff;
	v10 =	vsel vm6, v34, v1;
	v0 =	vsel vm4, v21, v57;
	v42 =	vsel vm4, v57, v7  }
0x16b: {  	v4 =	vld [tilespmem:s21+$0xC830];
	v9 =	vsel vm2, v52, v55;
	v45 =	vsel vm6, v1, v58;
	v54 =	vsel vm2, v44, v52  }
0x16c: {  	v1 =	vsel vm6, v21, v56;
	v44 =	vsel vm15, v21, v48;
	vm1 =	vlt.f32 v34, v2  }
0x16d: {  	s17 =	simm.s32 $0x100;
	s11 =	simm.s32 $0x0;
	vm11 =	vlt.f32 v13, v40;
	v33 =	vsel vm1, v21, v11;
	v38 =	vsel vm1, v34, v2  }
0x16e: {  	s8 =	sor.u32 $0x20, s21;
	s9 =	sor.u32 $0x30, s21;
	s7 =	sor.u32 $0x40, s21;
	v52 =	vsel vm1, v2, v10;
	v53 =	vsel vm1, v11, v1;
	v59 =	vsel vm2, v5, v59  }
0x16f: {  	s6 =	sor.u32 $0x50, s21;
	s4 =	sor.u32 $0x60, s21;
	s22 =	sor.u32 $0x70, s21;
	v57 =	vsel vm2, v8, v5;
	vm9 =	vlt.f32 v32, v3;
	vm14 =	vlt.f32 v32, v54  }
0x170: {  	s20 =	sor.u32 $0x80, s21;
	s30 =	sor.u32 $0xB0, s21;
	s29 =	sor.u32 $0xC0, s21;
	vm12 =	vlt.f32 v32, v63;
	v62 =	vsel vm9, v32, v3;
	v3 =	vsel vm13, v8, v4  }
0x171: {  	s28 =	sor.u32 $0xD0, s21;
	s23 =	sor.u32 $0xF0, s21;
	s1 =	sor.u32 $0x10, s21;
	vm13 =	vlt.f32 v32, v9;
	v58 =	vsel vm12, v21, v49;
	v3 =	vsel vm0, v46, v3  }
0x172: {  	s24 =	sor.u32 $0x90, s21;
	s26 =	sor.u32 $0xE0, s21;
	s0 =	sor.u32 $0xA0, s21;
	v55 =	vsel vm13, v21, v59;
	v51 =	vsel vm13, v32, v9;
	v46 =	vsel vm10, v21, v3  }
.LBB2_8:
0x173: {  	v1 =	vsel vm5, v23, v31;
	v2 =	vsel vm10, v34, v43  }
0x174: {  	v48 =	vsel vm7, v50, v46;
	v51 =	vsel vm14, v54, v51;
	v55 =	vsel vm14, v57, v55  }
0x175: {  	s11 =	sadd.s32 $0x200, s11;
	v47 =	vsel vm8, v47, v0;
	v0 =	vsel vm12, v32, v63;
	v61 =	vsel vm13, v59, v58  }
0x176: {  	s2 =	rddreg [dreg:$0x4];
	s3 =	smov.u32 s17;
	v54 =	vsel vm14, v32, v54;
	v5 =	vsel vm11, v21, v35;
	v57 =	vsel vm14, v21, v57;
	s25 =	sand.u32 $0x7800, s11  }
0x177: {  	v46 =	vmovc v20;
	v7 =	vsel vm12, v63, v62;
	v60 =	vsel vm6, v56, v60;
	v20 =	vadd.s32 $0x2, v20;
	s3 =	sand.u32 $0x300, s3;
	s2 =	sadd.s32 s25, s2  }
0x178: {  	vm0 =	vlt.f32 v13, v1;
	v2 =	vsel vm7, v41, v2;
	v0 =	vsel vm13, v9, v0;
	s2 =	sadd.s32 s3, s2  }
0x179: {  	v1 =	vsel vm0, v13, v1;
	v4 =	vsel vm0, v21, v39;
	vm0 =	vlt.f32 v13, v29;
	v6 =	vld.idx.msk [tilespmem:v14+s2+$0x0 ss:$0x1], $0xffff  }
0x17a: {  	v9 =	vsel vm11, v13, v40;
	v4 =	vsel vm11, v35, v4;
	v5 =	vsel vm0, v26, v5;
	v58 =	vld.idx.msk [tilespmem:v15+s2+$0x0 ss:$0x1], $0xffff  }
0x17b: {  	v23 =	vsel vm0, v29, v9;
	v9 =	vsel vm0, v21, v26;
	v1 =	vsel vm11, v40, v1;
	v10 =	vld.idx.msk [tilespmem:v16+s2+$0x0 ss:$0x1], $0xffff  }
0x17c: {  	v11 =	vsel vm0, v13, v29;
	v35 =	vsel vm3, v13, v19;
	v9 =	vsel vm3, v17, v9;
	v62 =	vld.idx.msk [tilespmem:v18+s2+$0x0 ss:$0x1], $0xffff  }
0x17d: {  	v17 =	vsel vm9, v21, v37;
	v21 =	vsel vm4, v22, v25;
	v11 =	vsel vm3, v19, v11  }
0x17e: {  	v29 =	vsel vm12, v49, v17;
	vm8 =	vlt.f32 v6, v27;
	vm0 =	vlt.f32 v6, v21  }
0x17f: {  	vm11 =	vlt.f32 v58, v51;
	vm12 =	vlt.f32 v58, v0;
	vm7 =	vlt.f32 v58, v7  }
0x180: {  	vm9 =	vlt.f32 v6, v28;
	vm10 =	vlt.f32 v6, v36;
	vm6 =	vlt.f32 v10, v35  }
0x181: {  	vm2 =	vlt.f32 v62, v52;
	vm1 =	vlt.f32 v10, v1;
	vm15 =	vlt.f32 v10, v11  }
0x182: {  	vm13 =	vlt.f32 v62, v2;
	vm14 =	vlt.f32 v62, v45;
	vm5 =	vlt.f32 v10, v23  }
0x183: {  	v19 =	vsel vm0, v46, v42;
	v22 =	vsel vm10, v6, v36;
	v17 =	vsel vm6, v46, v24  }
0x184: {  	v21 =	vsel vm0, v6, v21;
	v12 =	vsel vm8, v46, v44;
	v50 =	vsel vm2, v62, v52  }
0x185: {  	v4 =	vsel vm1, v46, v4;
	v26 =	vsel vm15, v46, v9;
	v2 =	vsel vm13, v62, v2  }
0x186: {  	v3 =	vmovc v24;
	v63 =	vsel vm12, v58, v0;
	v31 =	vsel vm1, v10, v1;
	v8 =	vsel vm11, v58, v51  }
0x187: {  	v59 =	vmovc v30;
	s3 =	sadd.s32 $0x80, s2;
	v30 =	vsel vm9, v46, v30;
	v56 =	vsel vm15, v10, v11;
	vm1 =	vlt.f32 v58, v54  }
0x188: {  	v49 =	vld.idx.msk [tilespmem:v14+s3+$0x0 ss:$0x1], $0xffff;
	v7 =	vsel vm7, v58, v7;
	v24 =	vsel vm10, v47, v19;
	v19 =	vsel vm6, v10, v35  }
0x189: {  	v13 =	vld.idx.msk [tilespmem:v16+s3+$0x0 ss:$0x1], $0xffff;
	v22 =	vsel vm9, v28, v22;
	v25 =	vsel vm10, v36, v21;
	v21 =	vor.u32 $0x1, v46  }
0x18a: {  	v36 =	vsel vm2, v46, v53;
	v28 =	vsel vm9, v6, v28;
	v26 =	vsel vm6, v3, v26  }
0x18b: {  	v3 =	vsel vm14, v46, v60;
	v43 =	vsel vm14, v45, v2;
	v2 =	vsel vm14, v62, v45  }
0x18c: {  	v6 =	vsel vm8, v6, v27;
	v39 =	vsel vm5, v5, v4;
	v7 =	vsel vm12, v0, v7  }
0x18d: {  	v34 =	vld.idx.msk [tilespmem:v18+s3+$0x0 ss:$0x1], $0xffff;
	v0 =	vsel vm12, v46, v61;
	v63 =	vsel vm11, v51, v63;
	vm0 =	vlt.f32 v49, v25  }
0x18e: {  	vm4 =	vlt.f32 v49, v22;
	vm3 =	vlt.f32 v13, v19;
	v41 =	vsel vm2, v52, v2  }
0x18f: {  	v2 =	vsel vm7, v46, v29;
	v52 =	vsel vm11, v46, v55;
	v29 =	vsel vm6, v35, v56  }
0x190: {  	v32 =	vld.idx.msk [tilespmem:v15+s3+$0x0 ss:$0x1], $0xffff;
	v27 =	vsel vm8, v27, v28;
	v28 =	vsel vm5, v46, v5;
	v25 =	vsel vm0, v49, v25  }
0x191: {  	v42 =	vsel vm0, v21, v24;
	vm0 =	vlt.f32 v62, v38;
	v24 =	vsel vm3, v21, v17  }
0x192: {  	v1 =	vsel vm4, v49, v22;
	vm7 =	vlt.f32 v34, v41;
	v37 =	vsel vm12, v61, v2  }
0x193: {  	v2 =	vsel vm10, v46, v47;
	v47 =	vsel vm8, v44, v30;
	v35 =	vsel vm15, v9, v28  }
0x194: {  	vm8 =	vlt.f32 v49, v27;
	vm10 =	vlt.f32 v34, v43;
	v9 =	vsel vm1, v54, v8  }
0x195: {  	v54 =	vsel vm1, v58, v54;
	vm12 =	vlt.f32 v32, v63;
	v45 =	vsel vm0, v38, v50  }
0x196: {  	v50 =	vsel vm2, v53, v3;
	v3 =	vsel vm5, v10, v23;
	v10 =	vsel vm7, v34, v41  }
0x197: {  	vm2 =	vlt.f32 v49, v6;
	v44 =	vsel vm8, v49, v27;
	v53 =	vsel vm8, v21, v47  }
0x198: {  	v56 =	vsel vm0, v33, v36;
	v36 =	vsel vm8, v27, v1;
	v1 =	vsel vm0, v62, v38  }
0x199: {  	v2 =	vsel vm9, v59, v2;
	vm9 =	vlt.f32 v32, v7;
	v4 =	vsel vm0, v46, v33  }
0x19a: {  	v59 =	vsel vm1, v57, v52;
	v57 =	vsel vm1, v46, v57;
	vm6 =	vlt.f32 v34, v45  }
0x19b: {  	v28 =	vsel vm2, v6, v44;
	v40 =	vsel vm15, v11, v3;
	v30 =	vsel vm2, v12, v53  }
0x19c: {  	v27 =	vsel vm2, v49, v6;
	v49 =	vsel vm11, v55, v0;
	v0 =	vsel vm4, v21, v2  }
0x19d: {  	v62 =	vsel vm9, v32, v7;
	v42 =	vsel vm4, v2, v42;
	vm0 =	vlt.f32 v34, v1  }
0x19e: {  	p1 =	sne.s32 s17, $0x2F00;
	v2 =	vsel vm13, v46, v48;
	vm13 =	vlt.f32 v32, v9;
	v44 =	vsel vm2, v21, v12  }
.Ltmp2:
0x19f: {  	v3 =	vsel vm6, v34, v45;
	v33 =	vsel vm0, v21, v4;
	v2 =	vsel vm14, v60, v2;
	(pc) =	sbr.rel @p1 .LBB2_8-.Ltmp2, $4  }
0x1a0: {  	v45 =	vsel vm6, v45, v10;
	v38 =	vsel vm0, v34, v1;
	vm14 =	vlt.f32 v32, v54  }
0x1a1: {  	v55 =	vsel vm13, v21, v59;
	v60 =	vsel vm7, v21, v50;
	v58 =	vsel vm12, v21, v49  }
0x1a2: {  	v51 =	vsel vm13, v32, v9;
	v52 =	vsel vm0, v1, v3;
	v1 =	vsel vm6, v21, v56  }
0x1a3: {  	s17 =	sadd.s32 $0x100, s17;
	vm11 =	vlt.f32 v13, v40;
	v46 =	vsel vm10, v21, v2;
	v53 =	vsel vm0, v4, v1  }
0x1a4: {  	[tilespmem:s21+$0xC400] =	vst v38  }
0x1a5: {  	[tilespmem:s21+$0xC800] =	vst v33  }
0x1a6: {  	[tilespmem:s1+$0xC400] =	vst v52  }
0x1a7: {  	[tilespmem:s1+$0xC800] =	vst v53  }
0x1a8: {  	v1 =	vsel vm10, v34, v43;
	v2 =	vsel vm6, v56, v60;
	[tilespmem:s8+$0xC400] =	vst v45  }
0x1a9: {  	v1 =	vsel vm7, v41, v1;
	[tilespmem:s8+$0xC800] =	vst v2  }
0x1aa: {  	v38 =	vsel vm7, v50, v46;
	[tilespmem:s9+$0xC400] =	vst v1  }
0x1ab: {  	v41 =	vsel vm14, v32, v54;
	[tilespmem:s9+$0xC800] =	vst v38  }
0x1ac: {  	v43 =	vsel vm14, v21, v57;
	[tilespmem:s7+$0xC400] =	vst v41  }
0x1ad: {  	v45 =	vsel vm14, v54, v51;
	[tilespmem:s7+$0xC800] =	vst v43  }
0x1ae: {  	v46 =	vsel vm14, v57, v55;
	v3 =	vsel vm12, v32, v63;
	[tilespmem:s6+$0xC400] =	vst v45  }
0x1af: {  	v48 =	vsel vm13, v9, v3;
	[tilespmem:s6+$0xC800] =	vst v46  }
0x1b0: {  	v50 =	vsel vm13, v59, v58;
	[tilespmem:s4+$0xC400] =	vst v48  }
0x1b1: {  	v52 =	vsel vm9, v21, v37;
	v51 =	vsel vm12, v63, v62;
	[tilespmem:s4+$0xC800] =	vst v50  }
0x1b2: {  	v53 =	vsel vm12, v49, v52;
	[tilespmem:s22+$0xC400] =	vst v51  }
0x1b3: {  	[tilespmem:s22+$0xC800] =	vst v53  }
0x1b4: {  	[tilespmem:s20+$0xC400] =	vst v27  }
0x1b5: {  	[tilespmem:s20+$0xC800] =	vst v44  }
0x1b6: {  	[tilespmem:s24+$0xC400] =	vst v28  }
0x1b7: {  	[tilespmem:s24+$0xC800] =	vst v30  }
0x1b8: {  	v0 =	vsel vm8, v47, v0;
	[tilespmem:s0+$0xC400] =	vst v36  }
0x1b9: {  	v54 =	vsel vm4, v22, v25;
	[tilespmem:s0+$0xC800] =	vst v0  }
0x1ba: {  	[tilespmem:s30+$0xC400] =	vst v54  }
0x1bb: {  	vm0 =	vlt.f32 v13, v29;
	v55 =	vsel vm3, v13, v19;
	[tilespmem:s30+$0xC800] =	vst v42  }
0x1bc: {  	v56 =	vsel vm0, v13, v29;
	[tilespmem:s29+$0xC400] =	vst v55  }
0x1bd: {  	s19 =	sadd.s32 $0x1, s19;
	v57 =	vsel vm0, v21, v26;
	v1 =	vsel vm3, v19, v56;
	[tilespmem:s29+$0xC800] =	vst v24  }
0x1be: {  	v58 =	vsel vm5, v23, v31;
	v59 =	vsel vm11, v13, v40;
	p1 =	sne.s32 s19, $0x4;
	v0 =	vsel vm3, v17, v57;
	[tilespmem:s28+$0xC400] =	vst v1  }
.Ltmp3:
0x1bf: {  	v60 =	vsel vm11, v21, v35;
	vm1 =	vlt.f32 v13, v58;
	v3 =	vsel vm0, v29, v59;
	[tilespmem:s28+$0xC800] =	vst v0;
	(pc) =	sbr.rel @p1 .LBB2_7-.Ltmp3, $4  }
0x1c0: {  	v61 =	vsel vm1, v13, v58;
	v1 =	vsel vm0, v26, v60;
	[tilespmem:s26+$0xC400] =	vst v3  }
0x1c1: {  	v62 =	vsel vm1, v21, v39;
	v0 =	vsel vm11, v40, v61;
	[tilespmem:s26+$0xC800] =	vst v1  }
0x1c2: {  	v63 =	vsel vm11, v35, v62;
	[tilespmem:s23+$0xC400] =	vst v0  }
0x1c3: {  	[tilespmem:s23+$0xC800] =	vst v63  }
0x1c4: {  	v35 =	vld [tilespmem:$0x1FF60]  }
0x1c5: {  	v36 =	vld [tilespmem:$0x1FF70]  }
0x1c6: {  	v0 =	vld [tilespmem:$0x1FFA0]  }
0x1c7: {  	v62 =	vld [tilespmem:$0x1FFB0]  }
0x1c8: {  	v63 =	vld [tilespmem:$0x1FFF0]  }
.Ltmp4:
0x1c9: {  	v37 =	vld [tilespmem:$0x1FF80];
	(pc) =	sbr.rel @p0 .LBB2_11-.Ltmp4, $4  }
0x1ca: {  	v39 =	vld [tilespmem:$0x1FFC0]  }
0x1cb: {  	v38 =	vld [tilespmem:$0x1FF90]  }
0x1cc: {  	v34 =	vlaneseq.u32;
	v40 =	vld [tilespmem:$0x1FFD0];
	v42 =	vimm.s32 $0x4;
	v43 =	vimm.s32 $0x8  }
0x1cd: {  	v41 =	vld [tilespmem:$0x1FFE0];
	vm5 =	vnez.u8 v0;
	vm6 =	vnez.u8 v62;
	vm7 =	vnez.u8 v63  }
0x1ce: {  	s0 =	smul.u32 $0x180000, s10  }
.Ltmp5:
0x1cf: {  	_ = 	snop;
	(pc) =	sbr.rel .LBB2_2-.Ltmp5, $4  }
0x1d0: {  	s0 =	sshrl.u32 s0, $0x3  }
0x1d1: {  	s0 =	sadd.s32 s5, s0  }
0x1d2: {  	s10 =	sadd.s32 $0x1, s10;
	s0 =	sadd.s32 $0x48000, s0  }
0x1d3: {  	[tilespmem:s14], [sflag:$0x2] =	stream.strided.gather [hbm4b:s0+s12], $0x6000, s13, s12, $0x38;
	[tilespmem:$0x1D900] =	vst v63  }
.LBB2_11:
0x1d4: {  	s19 =	simm.s32 $0xC420  }
0x1d5: {  	v0 =	vld [tilespmem:s19+$0xFFFFFFE0];
	_ =	sdelay $0x4  }
0x1d6: {  	v1 =	vshra.s32 v0, $0x1  }
0x1d7: {  	v1 =	vadd.s32 $0x1FBD1DF5, v1  }
0x1d8: {  	(erf) = vrcp.f32 v1;
	_ =	sdelay $0x8  }
0x1d9: {  	v2 =	vpop (erf)  }
0x1da: {  	v2 =	vmul.f32 v2, v0;
	_ =	sdelay $0x1  }
0x1db: {  	v1 =	vadd.f32 v1, v2;
	_ =	sdelay $0x1  }
0x1dc: {  	v1 =	vmul.f32 $5.000000000e-01, v1;
	_ =	sdelay $0x1  }
0x1dd: {  	(erf) = vrcp.f32 v1;
	_ =	sdelay $0x8  }
0x1de: {  	v2 =	vpop (erf)  }
0x1df: {  	v2 =	vmul.f32 v2, v0;
	_ =	sdelay $0x1  }
0x1e0: {  	v1 =	vadd.f32 v2, v1;
	_ =	sdelay $0x1  }
0x1e1: {  	v1 =	vmul.f32 $5.000000000e-01, v1;
	_ =	sdelay $0x1  }
0x1e2: {  	(erf) = vrcp.f32 v1;
	_ =	sdelay $0x8  }
0x1e3: {  	v2 =	vpop (erf)  }
0x1e4: {  	v0 =	vmul.f32 v2, v0;
	_ =	sdelay $0x1  }
0x1e5: {  	v0 =	vadd.f32 v0, v1;
	_ =	sdelay $0x1  }
0x1e6: {  	v0 =	vmul.f32 $5.000000000e-01, v0  }
0x1e7: {  	s18 =	simm.s32 $0xCC20  }
0x1e8: {  	s0 =	simm.s32 $0xC820;
	[tilespmem:s18+$0xFFFFFFE0] =	vst v0  }
0x1e9: {  	v0 =	vld [tilespmem:s0+$0xFFFFFFE0];
	_ =	sdelay $0x1  }
0x1ea: {  	s10 =	simm.s32 $0x0  }
0x1eb: {  	s1 =	sand.u32 $0x70, s10;
	s2 =	sand.u32 $0x200, s10  }
0x1ec: {  	s26 =	sor.u32 s1, s2  }
0x1ed: {  	[tilespmem:s26+$0xD000] =	vst v0  }
0x1ee: {  	v0 =	vld [tilespmem:s19+$0xFFFFFFF0];
	_ =	sdelay $0x4  }
0x1ef: {  	v1 =	vshra.s32 v0, $0x1  }
0x1f0: {  	v1 =	vadd.s32 $0x1FBD1DF5, v1  }
0x1f1: {  	(erf) = vrcp.f32 v1;
	_ =	sdelay $0x8  }
0x1f2: {  	v2 =	vpop (erf)  }
0x1f3: {  	v2 =	vmul.f32 v2, v0;
	_ =	sdelay $0x1  }
0x1f4: {  	v1 =	vadd.f32 v1, v2;
	_ =	sdelay $0x1  }
0x1f5: {  	v1 =	vmul.f32 $5.000000000e-01, v1;
	_ =	sdelay $0x1  }
0x1f6: {  	(erf) = vrcp.f32 v1;
	_ =	sdelay $0x8  }
0x1f7: {  	v2 =	vpop (erf)  }
0x1f8: {  	v2 =	vmul.f32 v2, v0;
	_ =	sdelay $0x1  }
0x1f9: {  	v1 =	vadd.f32 v2, v1;
	_ =	sdelay $0x1  }
0x1fa: {  	v1 =	vmul.f32 $5.000000000e-01, v1;
	_ =	sdelay $0x1  }
0x1fb: {  	(erf) = vrcp.f32 v1;
	_ =	sdelay $0x8  }
0x1fc: {  	v2 =	vpop (erf)  }
0x1fd: {  	v0 =	vmul.f32 v2, v0;
	_ =	sdelay $0x1  }
0x1fe: {  	v0 =	vadd.f32 v0, v1;
	_ =	sdelay $0x1  }
0x1ff: {  	v0 =	vmul.f32 $5.000000000e-01, v0;
	_ =	sdelay $0x1  }
0x200: {  	[tilespmem:s18+$0xFFFFFFF0] =	vst v0  }
0x201: {  	v0 =	vld [tilespmem:s0+$0xFFFFFFF0];
	_ =	sdelay $0x4  }
0x202: {  	[tilespmem:s26+$0xD080] =	vst v0  }
0x203: {  	v0 =	vld [tilespmem:s19+$0x0];
	_ =	sdelay $0x4  }
0x204: {  	v1 =	vshra.s32 v0, $0x1  }
0x205: {  	v1 =	vadd.s32 $0x1FBD1DF5, v1  }
0x206: {  	(erf) = vrcp.f32 v1;
	_ =	sdelay $0x8  }
0x207: {  	v2 =	vpop (erf)  }
0x208: {  	v2 =	vmul.f32 v2, v0;
	_ =	sdelay $0x1  }
0x209: {  	v1 =	vadd.f32 v1, v2;
	_ =	sdelay $0x1  }
0x20a: {  	v1 =	vmul.f32 $5.000000000e-01, v1;
	_ =	sdelay $0x1  }
0x20b: {  	(erf) = vrcp.f32 v1;
	_ =	sdelay $0x8  }
0x20c: {  	v2 =	vpop (erf)  }
0x20d: {  	v2 =	vmul.f32 v2, v0;
	_ =	sdelay $0x1  }
0x20e: {  	v1 =	vadd.f32 v2, v1;
	_ =	sdelay $0x1  }
0x20f: {  	v1 =	vmul.f32 $5.000000000e-01, v1;
	_ =	sdelay $0x1  }
0x210: {  	(erf) = vrcp.f32 v1;
	_ =	sdelay $0x8  }
0x211: {  	v2 =	vpop (erf)  }
0x212: {  	v0 =	vmul.f32 v2, v0;
	_ =	sdelay $0x1  }
0x213: {  	v0 =	vadd.f32 v0, v1;
	_ =	sdelay $0x1  }
0x214: {  	v0 =	vmul.f32 $5.000000000e-01, v0;
	_ =	sdelay $0x1  }
0x215: {  	[tilespmem:s18+$0x0] =	vst v0  }
0x216: {  	v0 =	vld [tilespmem:s0+$0x0];
	_ =	sdelay $0x4  }
0x217: {  	[tilespmem:s26+$0xD100] =	vst v0  }
0x218: {  	v0 =	vld [tilespmem:s19+$0x10];
	_ =	sdelay $0x4  }
0x219: {  	v1 =	vshra.s32 v0, $0x1  }
0x21a: {  	v1 =	vadd.s32 $0x1FBD1DF5, v1  }
0x21b: {  	(erf) = vrcp.f32 v1;
	_ =	sdelay $0x8  }
0x21c: {  	v2 =	vpop (erf)  }
0x21d: {  	v2 =	vmul.f32 v2, v0;
	_ =	sdelay $0x1  }
0x21e: {  	v1 =	vadd.f32 v1, v2;
	_ =	sdelay $0x1  }
0x21f: {  	v1 =	vmul.f32 $5.000000000e-01, v1;
	_ =	sdelay $0x1  }
0x220: {  	(erf) = vrcp.f32 v1;
	_ =	sdelay $0x8  }
0x221: {  	v2 =	vpop (erf)  }
0x222: {  	v2 =	vmul.f32 v2, v0;
	_ =	sdelay $0x1  }
0x223: {  	v1 =	vadd.f32 v2, v1;
	_ =	sdelay $0x1  }
0x224: {  	v1 =	vmul.f32 $5.000000000e-01, v1;
	_ =	sdelay $0x1  }
0x225: {  	(erf) = vrcp.f32 v1;
	_ =	sdelay $0x8  }
0x226: {  	v2 =	vpop (erf)  }
0x227: {  	v0 =	vmul.f32 v2, v0;
	_ =	sdelay $0x1  }
0x228: {  	v0 =	vadd.f32 v0, v1;
	_ =	sdelay $0x1  }
0x229: {  	v0 =	vmul.f32 $5.000000000e-01, v0;
	_ =	sdelay $0x1  }
0x22a: {  	[tilespmem:s18+$0x10] =	vst v0  }
0x22b: {  	v0 =	vld [tilespmem:s0+$0x10];
	_ =	sdelay $0x3  }
0x22c: {  	v33 =	vimm.s32 $0x0;
	s21 =	simm.s32 $0x40;
	s23 =	simm.s32 $0xC860  }
.LBB2_12:
0x22d: {  	[tilespmem:s26+$0xD180] =	vst v0;
	s10 =	sadd.s32 $0x10, s10;
	s18 =	sadd.s32 $0x40, s18;
	s19 =	sadd.s32 $0x40, s19  }
0x22e: {  	p0 =	sne.s32 s21, $0x3C0;
	s0 =	smov.u32 s21;
	s21 =	sadd.s32 $0x40, s21;
	v0 =	vld [tilespmem:s19+$0xFFFFFFE0]  }
0x22f: {  	_ =	sdelay $0x3  }
0x230: {  	v1 =	vshra.s32 v0, $0x1  }
0x231: {  	v1 =	vadd.s32 $0x1FBD1DF5, v1  }
0x232: {  	(erf) = vrcp.f32 v1;
	_ =	sdelay $0x8  }
0x233: {  	v2 =	vpop (erf)  }
0x234: {  	v2 =	vmul.f32 v2, v0;
	_ =	sdelay $0x1  }
0x235: {  	v1 =	vadd.f32 v1, v2;
	_ =	sdelay $0x1  }
0x236: {  	v1 =	vmul.f32 $5.000000000e-01, v1;
	_ =	sdelay $0x1  }
0x237: {  	(erf) = vrcp.f32 v1;
	_ =	sdelay $0x8  }
0x238: {  	v2 =	vpop (erf)  }
0x239: {  	v2 =	vmul.f32 v2, v0;
	_ =	sdelay $0x1  }
0x23a: {  	v1 =	vadd.f32 v2, v1;
	_ =	sdelay $0x1  }
0x23b: {  	v1 =	vmul.f32 $5.000000000e-01, v1;
	_ =	sdelay $0x1  }
0x23c: {  	(erf) = vrcp.f32 v1;
	_ =	sdelay $0x8  }
0x23d: {  	v2 =	vpop (erf)  }
0x23e: {  	v0 =	vmul.f32 v2, v0;
	_ =	sdelay $0x1  }
0x23f: {  	v0 =	vadd.f32 v0, v1;
	_ =	sdelay $0x1  }
0x240: {  	v0 =	vmul.f32 $5.000000000e-01, v0;
	_ =	sdelay $0x1  }
0x241: {  	[tilespmem:s18+$0xFFFFFFE0] =	vst v0  }
0x242: {  	v0 =	vld [tilespmem:s23+$0xFFFFFFE0];
	_ =	sdelay $0x2  }
0x243: {  	s1 =	sand.u32 $0x70, s10;
	s0 =	sand.u32 $0x200, s0  }
0x244: {  	s26 =	sor.u32 s1, s0  }
0x245: {  	[tilespmem:s26+$0xD000] =	vst v0  }
0x246: {  	v0 =	vld [tilespmem:s19+$0xFFFFFFF0];
	_ =	sdelay $0x4  }
0x247: {  	v1 =	vshra.s32 v0, $0x1  }
0x248: {  	v1 =	vadd.s32 $0x1FBD1DF5, v1  }
0x249: {  	(erf) = vrcp.f32 v1;
	_ =	sdelay $0x8  }
0x24a: {  	v2 =	vpop (erf)  }
0x24b: {  	v2 =	vmul.f32 v2, v0;
	_ =	sdelay $0x1  }
0x24c: {  	v1 =	vadd.f32 v1, v2;
	_ =	sdelay $0x1  }
0x24d: {  	v1 =	vmul.f32 $5.000000000e-01, v1;
	_ =	sdelay $0x1  }
0x24e: {  	(erf) = vrcp.f32 v1;
	_ =	sdelay $0x8  }
0x24f: {  	v2 =	vpop (erf)  }
0x250: {  	v2 =	vmul.f32 v2, v0;
	_ =	sdelay $0x1  }
0x251: {  	v1 =	vadd.f32 v2, v1;
	_ =	sdelay $0x1  }
0x252: {  	v1 =	vmul.f32 $5.000000000e-01, v1;
	_ =	sdelay $0x1  }
0x253: {  	(erf) = vrcp.f32 v1;
	_ =	sdelay $0x8  }
0x254: {  	v2 =	vpop (erf)  }
0x255: {  	v0 =	vmul.f32 v2, v0;
	_ =	sdelay $0x1  }
0x256: {  	v0 =	vadd.f32 v0, v1;
	_ =	sdelay $0x1  }
0x257: {  	v0 =	vmul.f32 $5.000000000e-01, v0;
	_ =	sdelay $0x1  }
0x258: {  	[tilespmem:s18+$0xFFFFFFF0] =	vst v0  }
0x259: {  	v0 =	vld [tilespmem:s23+$0xFFFFFFF0];
	_ =	sdelay $0x4  }
0x25a: {  	[tilespmem:s26+$0xD080] =	vst v0  }
0x25b: {  	v0 =	vld [tilespmem:s19+$0x0];
	_ =	sdelay $0x4  }
0x25c: {  	v1 =	vshra.s32 v0, $0x1  }
0x25d: {  	v1 =	vadd.s32 $0x1FBD1DF5, v1  }
0x25e: {  	(erf) = vrcp.f32 v1;
	_ =	sdelay $0x8  }
0x25f: {  	v2 =	vpop (erf)  }
0x260: {  	v2 =	vmul.f32 v2, v0;
	_ =	sdelay $0x1  }
0x261: {  	v1 =	vadd.f32 v1, v2;
	_ =	sdelay $0x1  }
0x262: {  	v1 =	vmul.f32 $5.000000000e-01, v1;
	_ =	sdelay $0x1  }
0x263: {  	(erf) = vrcp.f32 v1;
	_ =	sdelay $0x8  }
0x264: {  	v2 =	vpop (erf)  }
0x265: {  	v2 =	vmul.f32 v2, v0;
	_ =	sdelay $0x1  }
0x266: {  	v1 =	vadd.f32 v2, v1;
	_ =	sdelay $0x1  }
0x267: {  	v1 =	vmul.f32 $5.000000000e-01, v1;
	_ =	sdelay $0x1  }
0x268: {  	(erf) = vrcp.f32 v1;
	_ =	sdelay $0x8  }
0x269: {  	v2 =	vpop (erf)  }
0x26a: {  	v0 =	vmul.f32 v2, v0;
	_ =	sdelay $0x1  }
0x26b: {  	v0 =	vadd.f32 v0, v1;
	_ =	sdelay $0x1  }
0x26c: {  	v0 =	vmul.f32 $5.000000000e-01, v0;
	_ =	sdelay $0x1  }
0x26d: {  	[tilespmem:s18+$0x0] =	vst v0  }
0x26e: {  	v0 =	vld [tilespmem:s23+$0x0];
	_ =	sdelay $0x4  }
0x26f: {  	[tilespmem:s26+$0xD100] =	vst v0  }
0x270: {  	v0 =	vld [tilespmem:s19+$0x10];
	_ =	sdelay $0x4  }
0x271: {  	v1 =	vshra.s32 v0, $0x1  }
0x272: {  	v1 =	vadd.s32 $0x1FBD1DF5, v1  }
0x273: {  	(erf) = vrcp.f32 v1;
	_ =	sdelay $0x8  }
0x274: {  	v2 =	vpop (erf)  }
0x275: {  	v2 =	vmul.f32 v2, v0;
	_ =	sdelay $0x1  }
0x276: {  	v1 =	vadd.f32 v1, v2;
	_ =	sdelay $0x1  }
0x277: {  	v1 =	vmul.f32 $5.000000000e-01, v1;
	_ =	sdelay $0x1  }
0x278: {  	(erf) = vrcp.f32 v1;
	_ =	sdelay $0x8  }
0x279: {  	v2 =	vpop (erf)  }
0x27a: {  	v2 =	vmul.f32 v2, v0;
	_ =	sdelay $0x1  }
0x27b: {  	v1 =	vadd.f32 v2, v1;
	_ =	sdelay $0x1  }
0x27c: {  	v1 =	vmul.f32 $5.000000000e-01, v1;
	_ =	sdelay $0x1  }
0x27d: {  	(erf) = vrcp.f32 v1;
	_ =	sdelay $0x8  }
0x27e: {  	v2 =	vpop (erf)  }
0x27f: {  	v0 =	vmul.f32 v2, v0;
	_ =	sdelay $0x1  }
0x280: {  	v0 =	vadd.f32 v0, v1;
	_ =	sdelay $0x1  }
0x281: {  	v0 =	vmul.f32 $5.000000000e-01, v0;
	_ =	sdelay $0x1  }
0x282: {  	[tilespmem:s18+$0x10] =	vst v0  }
.Ltmp6:
0x283: {  	v0 =	vld [tilespmem:s23+$0x10];
	(pc) =	sbr.rel @p0 .LBB2_12-.Ltmp6, $2  }
0x284: {  	_ =	sdelay $0x2  }
0x285: {  	s23 =	sadd.s32 $0x40, s23  }
0x286: {  	s10 =	simm.s32 $0xD400  }
0x287: {  	[tilespmem:s26+$0xD180] =	vst v0;
	s9 =	rddreg [dreg:$0x5];
	s3 =	simm.s32 $0x80;
	s0 =	simm.s32 $0xD000  }
0x288: {  	[tilespmem:s10], [sflag:$0x3] =	stream.indirect.gather [hbm4b:s9+s3], $0x80, s0, s3, $0xb8;
	[tilespmem:$0x1D900] =	vst v63  }
0x289: {  	s29 =	simm.s32 $0xD080;
	s7 =	simm.s32 $0x11400  }
0x28a: {  	[tilespmem:s7], [sflag:$0x3] =	stream.indirect.gather [hbm4b:s9+s3], $0x80, s29, s3, $0xb8;
	[tilespmem:$0x1D900] =	vst v63  }
0x28b: {  	s30 =	simm.s32 $0xD100;
	s8 =	simm.s32 $0x15400  }
0x28c: {  	[tilespmem:s8], [sflag:$0x3] =	stream.indirect.gather [hbm4b:s9+s3], $0x80, s30, s3, $0xb8;
	[tilespmem:$0x1D900] =	vst v63  }
0x28d: {  	s31 =	simm.s32 $0xD180;
	s11 =	simm.s32 $0x19400;
	s17 =	simm.s32 $0x3  }
0x28e: {  	[tilespmem:s11], [sflag:$0x3] =	stream.indirect.gather [hbm4b:s9+s3], $0x80, s31, s3, $0xb8;
	[tilespmem:$0x1D900] =	vst v63  }
0x28f: {  	_ =	swait.ge [sflag:s17], $0x4000  }
0x290: {  	[sflag:s17] =	ssyncset.done $0x0  }
0x291: {  	[sflag:s17] =	ssyncadd.s32 $0xFFFFC000  }
0x292: {  	_ =	swait.ge [sflag:s17], $0x4000  }
0x293: {  	[sflag:s17] =	ssyncset.done $0x0  }
0x294: {  	[sflag:s17] =	ssyncadd.s32 $0xFFFFC000  }
0x295: {  	_ =	swait.ge [sflag:s17], $0x4000  }
0x296: {  	[sflag:s17] =	ssyncset.done $0x0  }
0x297: {  	[sflag:s17] =	ssyncadd.s32 $0xFFFFC000  }
0x298: {  	_ =	swait.ge [sflag:s17], $0x4000  }
0x299: {  	[sflag:s17] =	ssyncset.done $0x0  }
0x29a: {  	s18 =	simm.s32 $0x0;
	s19 =	simm.s32 $0x0;
	[sflag:s17] =	ssyncadd.s32 $0xFFFFC000  }
.LBB2_14:
0x29b: {  	v12 =	vmov s10;
	_ =	sdelay $0x3  }
0x29c: {  	s0 =	simm.s32 $0x0  }
0x29d: {  	v0 =	vld.idx.msk [tilespmem:v12+s0+$0x0 ss:$0x1], $0xffff  }
0x29e: {  	v1 =	vld.idx.msk [tilespmem:v12+s0+$0x10 ss:$0x1], $0xffff  }
0x29f: {  	v2 =	vld.idx.msk [tilespmem:v12+s0+$0xC000 ss:$0x1], $0xffff  }
0x2a0: {  	v3 =	vld.idx.msk [tilespmem:v12+s0+$0xC010 ss:$0x1], $0xffff  }
0x2a1: {  	v4 =	vld.idx.msk [tilespmem:v12+s0+$0x4000 ss:$0x1], $0xffff  }
0x2a2: {  	v5 =	vld.idx.msk [tilespmem:v12+s0+$0x4010 ss:$0x1], $0xffff  }
0x2a3: {  	s30 =	simm.s32 $0x80;
	v7 =	vld.idx.msk [tilespmem:v12+s0+$0x8010 ss:$0x1], $0xffff  }
0x2a4: {  	v8 =	vld.idx.msk [tilespmem:v12+s30+$0x0 ss:$0x1], $0xffff  }
0x2a5: {  	v53 =	vld.idx.msk [tilespmem:v12+s30+$0x4000 ss:$0x1], $0xffff  }
0x2a6: {  	v6 =	vld.idx.msk [tilespmem:v12+s0+$0x8000 ss:$0x1], $0xffff;
	v2 =	vsub.f32 v2, v0;
	v3 =	vsub.f32 v3, v1  }
0x2a7: {  	v50 =	vld.idx.msk [tilespmem:v12+s30+$0xC000 ss:$0x1], $0xffff  }
0x2a8: {  	v9 =	vld.idx.msk [tilespmem:v12+s30+$0x10 ss:$0x1], $0xffff;
	v5 =	vsub.f32 v5, v1;
	v2 =	vand.u32 $0x7FFFFFFF, v2;
	v3 =	vand.u32 $0x7FFFFFFF, v3  }
0x2a9: {  	v14 =	vimm.f32 $0.0e+00;
	v54 =	vld.idx.msk [tilespmem:v12+s30+$0x4010 ss:$0x1], $0xffff;
	v2 =	vadd.f32 v3, v2;
	v3 =	vsub.f32 v4, v0  }
0x2aa: {  	v51 =	vld.idx.msk [tilespmem:v12+s30+$0xC010 ss:$0x1], $0xffff;
	v1 =	vsub.f32 v7, v1;
	v7 =	vsub.f32 v53, v8;
	v49 =	vand.u32 $0x7FFFFFFF, v5  }
0x2ab: {  	s31 =	simm.s32 $0x100;
	v0 =	vsub.f32 v6, v0;
	v48 =	vperm.xlane v2, v35;
	v3 =	vand.u32 $0x7FFFFFFF, v3  }
0x2ac: {  	v18 =	vld.idx.msk [tilespmem:v12+s31+$0x10 ss:$0x1], $0xffff;
	v1 =	vand.u32 $0x7FFFFFFF, v1;
	v5 =	vsub.f32 v50, v8;
	v3 =	vadd.f32 v49, v3  }
0x2ad: {  	v59 =	vld.idx.msk [tilespmem:v12+s31+$0x4010 ss:$0x1], $0xffff;
	v7 =	vand.u32 $0x7FFFFFFF, v7;
	v0 =	vand.u32 $0x7FFFFFFF, v0;
	v2 =	vadd.f32 v2, v48  }
0x2ae: {  	v19 =	vld.idx.msk [tilespmem:v12+s31+$0x8010 ss:$0x1], $0xffff;
	v6 =	vsub.f32 v54, v9;
	v0 =	vadd.f32 v1, v0;
	v1 =	vperm.xlane v3, v35  }
0x2af: {  	v4 =	vsub.f32 v51, v9;
	v5 =	vand.u32 $0x7FFFFFFF, v5;
	v52 =	vperm.xlane v2, v36  }
0x2b0: {  	v6 =	vand.u32 $0x7FFFFFFF, v6;
	v10 =	vperm.xlane v0, v35;
	v1 =	vadd.f32 v3, v1;
	v3 =	vld.idx.msk [tilespmem:v12+s30+$0x8000 ss:$0x1], $0xffff  }
0x2b1: {  	v13 =	vld.idx.msk [tilespmem:v12+s30+$0x8010 ss:$0x1], $0xffff;
	v4 =	vand.u32 $0x7FFFFFFF, v4;
	v6 =	vadd.f32 v6, v7;
	v2 =	vadd.f32 v2, v52  }
0x2b2: {  	v7 =	vsub.f32 v59, v18;
	v0 =	vadd.f32 v0, v10;
	v10 =	vperm.xlane v1, v36  }
0x2b3: {  	v63 =	vsub.f32 v19, v18;
	v4 =	vadd.f32 v4, v5;
	v11 =	vperm.xlane v2, v39  }
0x2b4: {  	v7 =	vand.u32 $0x7FFFFFFF, v7;
	v1 =	vadd.f32 v1, v10;
	v10 =	vmov s18  }
0x2b5: {  	v2 =	vadd.f32 v2, v11;
	v11 =	vperm.xlane v0, v36;
	v3 =	vsub.f32 v3, v8  }
0x2b6: {  	v57 =	vld.idx.msk [tilespmem:v12+s31+$0xC000 ss:$0x1], $0xffff;
	v8 =	vsub.f32 v13, v9;
	v9 =	vperm.xlane v4, v35;
	vm0 =	veq.s32 v10, v34  }
0x2b7: {  	v13 =	vld.idx.msk [tilespmem:v12+s31+$0x0 ss:$0x1], $0xffff;
	v58 =	vperm.xlane v1, v39;
	vm3 =	vmmov vm0;
	v55 =	vperm.xlane v2, v40  }
0x2b8: {  	v10 =	vld.idx.msk [tilespmem:v12+s31+$0x4000 ss:$0x1], $0xffff;
	v3 =	vand.u32 $0x7FFFFFFF, v3;
	v56 =	vand.u32 $0x7FFFFFFF, v8;
	v4 =	vadd.f32 v4, v9  }
0x2b9: {  	v0 =	vadd.f32 v0, v11;
	v8 =	vld.idx.msk [tilespmem:v12+s31+$0xC010 ss:$0x1], $0xffff;
	v9 =	vperm.xlane v6, v35;
	v3 =	vadd.f32 v56, v3  }
0x2ba: {  	v15 =	vadd.f32 v1, v58;
	v2 =	vadd.f32 v2, v55;
	v11 =	vperm.xlane v4, v36  }
0x2bb: {  	v1 =	vperm.xlane v0, v39;
	v6 =	vadd.f32 v6, v9;
	v16 =	vperm.xlane v3, v35  }
0x2bc: {  	v17 =	vperm.xlane v15, v40;
	v5 =	vsub.f32 v57, v13;
	v4 =	vadd.f32 v4, v11  }
0x2bd: {  	v9 =	vld.idx.msk [tilespmem:v12+s31+$0x8000 ss:$0x1], $0xffff;
	v10 =	vsub.f32 v10, v13;
	v0 =	vadd.f32 v0, v1;
	v1 =	vperm.xlane v6, v36  }
0x2be: {  	v2 =	vsel vm0, v2, v14;
	v8 =	vsub.f32 v8, v18;
	v11 =	vperm.xlane v4, v39  }
0x2bf: {  	v3 =	vadd.f32 v3, v16;
	v16 =	vperm.xlane v0, v40;
	v20 =	vadd.f32 v6, v1  }
0x2c0: {  	v1 =	vand.u32 $0x7FFFFFFF, v5;
	v60 =	vand.u32 $0x7FFFFFFF, v8;
	v4 =	vadd.f32 v4, v11  }
0x2c1: {  	s0 =	simm.s32 $0x1;
	v6 =	vand.u32 $0x7FFFFFFF, v63;
	v25 =	vperm.xlane v3, v36;
	v1 =	vadd.f32 v60, v1  }
0x2c2: {  	v62 =	vsub.f32 v9, v13;
	v9 =	vmov s0;
	v61 =	vperm.xlane v4, v40  }
0x2c3: {  	s4 =	simm.s32 $0x180;
	v8 =	vand.u32 $0x7FFFFFFF, v10;
	vm4 =	veq.s32 v9, v34;
	v10 =	vperm.xlane v1, v35  }
0x2c4: {  	v21 =	vld.idx.msk [tilespmem:v12+s4+$0xC000 ss:$0x1], $0xffff;
	v22 =	vadd.f32 v7, v8;
	v26 =	vperm.xlane v20, v39;
	v4 =	vadd.f32 v4, v61  }
0x2c5: {  	v19 =	vld.idx.msk [tilespmem:v12+s4+$0x10 ss:$0x1], $0xffff;
	v9 =	vimm.f32 $0.0e+00;
	v5 =	vand.u32 $0x7FFFFFFF, v62;
	v24 =	vadd.f32 v1, v10  }
0x2c6: {  	s21 =	sshll.u32 s19, $0x4;
	s1 =	simm.s32 $0x800;
	v18 =	vld.idx.msk [tilespmem:v12+s4+$0x0 ss:$0x1], $0xffff;
	v25 =	vadd.f32 v3, v25;
	v23 =	vadd.f32 v6, v5;
	v13 =	vsel vm4, v4, v2  }
.LBB2_15:
0x2c7: {  	p0 =	sne.s32 s1, $0x1E00;
	v1 =	vld.idx.msk [tilespmem:v12+s4+$0xC010 ss:$0x1], $0xffff;
	v2 =	vperm.xlane v22, v35;
	v3 =	vperm.xlane v24, v36;
	v4 =	vadd.f32 v15, v17  }
0x2c8: {  	v5 =	vld.idx.msk [tilespmem:v12+s4+$0x4000 ss:$0x1], $0xffff;
	v6 =	vperm.xlane v23, v35;
	v15 =	vadd.f32 v20, v26;
	v7 =	vperm.xlane v25, v39  }
0x2c9: {  	v8 =	vld.idx.msk [tilespmem:v12+s4+$0x4010 ss:$0x1], $0xffff;
	v2 =	vadd.f32 v22, v2;
	v3 =	vadd.f32 v24, v3;
	v14 =	vsel vm3, v4, v14  }
0x2ca: {  	v4 =	vld.idx.msk [tilespmem:v12+s4+$0x8000 ss:$0x1], $0xffff;
	v6 =	vadd.f32 v23, v6;
	v17 =	vperm.xlane v15, v40;
	v7 =	vadd.f32 v25, v7  }
0x2cb: {  	v22 =	vadd.f32 v0, v16;
	v10 =	vld.idx.msk [tilespmem:v12+s4+$0x8010 ss:$0x1], $0xffff;
	v11 =	vperm.xlane v2, v36;
	v20 =	vperm.xlane v3, v39  }
0x2cc: {  	v21 =	vsub.f32 v21, v18;
	v25 =	vperm.xlane v6, v36;
	v16 =	vperm.xlane v7, v40;
	v0 =	vmovc v7  }
0x2cd: {  	v9 =	vsel vm3, v22, v9;
	v1 =	vsub.f32 v1, v19;
	v3 =	vadd.f32 v3, v20  }
0x2ce: {  	vm3 =	vmmov vm4;
	v5 =	vsub.f32 v5, v18;
	v20 =	vadd.f32 v2, v11  }
0x2cf: {  	v2 =	vand.u32 $0x7FFFFFFF, v21;
	v1 =	vand.u32 $0x7FFFFFFF, v1;
	v7 =	vperm.xlane v3, v40  }
0x2d0: {  	s0 =	sadd.s32 $0x1, s0;
	v8 =	vsub.f32 v8, v19;
	v5 =	vand.u32 $0x7FFFFFFF, v5;
	v1 =	vadd.f32 v1, v2  }
.Ltmp7:
0x2d1: {  	v2 =	vsub.f32 v4, v18;
	v4 =	vmov s0;
	v3 =	vadd.f32 v3, v7;
	(pc) =	sbr.rel @p0 .LBB2_15-.Ltmp7, $4  }
0x2d2: {  	s4 =	sshra.s32 s1, $0x2;
	vm4 =	veq.s32 v4, v34;
	v7 =	vsub.f32 v10, v19;
	v10 =	vperm.xlane v1, v35  }
0x2d3: {  	v4 =	vand.u32 $0x7FFFFFFF, v8;
	v2 =	vand.u32 $0x7FFFFFFF, v2;
	v18 =	vld.idx.msk [tilespmem:v12+s4+$0x0 ss:$0x1], $0xffff;
	v13 =	vsel vm4, v3, v13  }
0x2d4: {  	v22 =	vadd.f32 v4, v5;
	v3 =	vand.u32 $0x7FFFFFFF, v7;
	v24 =	vadd.f32 v1, v10;
	v19 =	vld.idx.msk [tilespmem:v12+s4+$0x10 ss:$0x1], $0xffff  }
0x2d5: {  	s1 =	sadd.s32 $0x200, s1;
	v25 =	vadd.f32 v6, v25;
	v26 =	vperm.xlane v20, v39;
	v23 =	vadd.f32 v3, v2;
	v21 =	vld.idx.msk [tilespmem:v12+s4+$0xC000 ss:$0x1], $0xffff  }
0x2d6: {  	_ =	sdelay $0x3  }
0x2d7: {  	v1 =	vld.idx.msk [tilespmem:v12+s4+$0xC010 ss:$0x1], $0xffff  }
0x2d8: {  	v2 =	vld.idx.msk [tilespmem:v12+s4+$0x4000 ss:$0x1], $0xffff;
	v3 =	vperm.xlane v22, v35  }
0x2d9: {  	v4 =	vperm.xlane v24, v36;
	v5 =	vadd.f32 v15, v17;
	v6 =	vld.idx.msk [tilespmem:v12+s4+$0x4010 ss:$0x1], $0xffff;
	v0 =	vadd.f32 v0, v16  }
0x2da: {  	v11 =	vld.idx.msk [tilespmem:v12+s4+$0x8000 ss:$0x1], $0xffff;
	v7 =	vperm.xlane v23, v35;
	v8 =	vadd.f32 v20, v26;
	v10 =	vperm.xlane v25, v39  }
0x2db: {  	v3 =	vadd.f32 v22, v3;
	v4 =	vadd.f32 v24, v4;
	v5 =	vsel vm3, v5, v14;
	v14 =	vld.idx.msk [tilespmem:v12+s4+$0x8010 ss:$0x1], $0xffff  }
0x2dc: {  	v0 =	vsel vm3, v0, v9;
	v7 =	vadd.f32 v23, v7;
	v10 =	vadd.f32 v25, v10  }
0x2dd: {  	v15 =	vperm.xlane v8, v40;
	v21 =	vsub.f32 v21, v18;
	v1 =	vsub.f32 v1, v19  }
0x2de: {  	v20 =	vperm.xlane v4, v39;
	v2 =	vsub.f32 v2, v18;
	v6 =	vsub.f32 v6, v19  }
0x2df: {  	v17 =	vperm.xlane v3, v36;
	v11 =	vsub.f32 v11, v18;
	v8 =	vadd.f32 v8, v15  }
0x2e0: {  	v21 =	vand.u32 $0x7FFFFFFF, v21;
	v4 =	vadd.f32 v4, v20;
	v14 =	vsub.f32 v14, v19  }
0x2e1: {  	v1 =	vand.u32 $0x7FFFFFFF, v1;
	v2 =	vand.u32 $0x7FFFFFFF, v2;
	v6 =	vand.u32 $0x7FFFFFFF, v6  }
0x2e2: {  	v11 =	vand.u32 $0x7FFFFFFF, v11;
	v2 =	vadd.f32 v6, v2;
	v62 =	vand.u32 $0x7FFFFFFF, v14  }
0x2e3: {  	v16 =	vperm.xlane v7, v36;
	v1 =	vadd.f32 v1, v21;
	v6 =	vadd.f32 v62, v11  }
0x2e4: {  	v3 =	vadd.f32 v3, v17;
	v18 =	vperm.xlane v4, v40;
	v11 =	vperm.xlane v2, v35  }
0x2e5: {  	v7 =	vadd.f32 v7, v16;
	v9 =	vperm.xlane v1, v35;
	v17 =	vperm.xlane v6, v35  }
0x2e6: {  	v4 =	vadd.f32 v4, v18;
	v2 =	vadd.f32 v2, v11  }
0x2e7: {  	s0 =	sadd.s32 $0x1, s0;
	v14 =	vperm.xlane v10, v40;
	v1 =	vadd.f32 v1, v9;
	v6 =	vadd.f32 v6, v17  }
0x2e8: {  	v9 =	vmov s0;
	v11 =	vperm.xlane v3, v39;
	v18 =	vperm.xlane v2, v36  }
0x2e9: {  	vm0 =	veq.s32 v9, v34;
	v17 =	vperm.xlane v1, v36;
	v15 =	vperm.xlane v6, v36  }
0x2ea: {  	v9 =	vperm.xlane v7, v39;
	v3 =	vadd.f32 v3, v11;
	v2 =	vadd.f32 v2, v18  }
0x2eb: {  	vm1 =	vmmov vm4;
	v1 =	vadd.f32 v1, v17;
	v6 =	vadd.f32 v6, v15  }
0x2ec: {  	v7 =	vadd.f32 v7, v9;
	v9 =	vadd.f32 v10, v14;
	v11 =	vperm.xlane v2, v39  }
0x2ed: {  	v5 =	vsel vm1, v8, v5;
	v8 =	vperm.xlane v1, v39;
	v10 =	vperm.xlane v6, v39  }
0x2ee: {  	v14 =	vperm.xlane v3, v40;
	v0 =	vsel vm1, v9, v0;
	v2 =	vadd.f32 v2, v11  }
0x2ef: {  	s0 =	sadd.s32 $0x1, s0;
	vm1 =	vmmov vm0;
	v1 =	vadd.f32 v1, v8;
	v6 =	vadd.f32 v6, v10  }
0x2f0: {  	v8 =	vperm.xlane v7, v40;
	v11 =	vmov s0;
	v10 =	vperm.xlane v2, v40  }
0x2f1: {  	v3 =	vadd.f32 v3, v14;
	vm2 =	veq.s32 v11, v34;
	v14 =	vperm.xlane v6, v40  }
0x2f2: {  	v9 =	vperm.xlane v1, v40;
	v7 =	vadd.f32 v7, v8;
	v2 =	vadd.f32 v2, v10  }
0x2f3: {  	s28 =	sshll.u32 s19, $0x6;
	v3 =	vsel vm1, v3, v5;
	vm3 =	vmmov vm2;
	v63 =	vadd.f32 v6, v14  }
0x2f4: {  	s0 =	sand.u32 $0x3FFFFFC0, s28;
	v0 =	vsel vm1, v7, v0;
	v1 =	vadd.f32 v1, v9;
	v2 =	vsel vm3, v2, v3  }
0x2f5: {  	v32 =	vld [tilespmem:s0+$0xCC00];
	v3 =	vsel vm0, v4, v13;
	v2 =	vsub.f32 $0.0e+00, v2;
	v0 =	vsel vm3, v63, v0  }
0x2f6: {  	v1 =	vsel vm2, v1, v3;
	v3 =	vld [tilespmem:s0+$0xCC10];
	v0 =	vsub.f32 $0.0e+00, v0  }
0x2f7: {  	v44 =	vld [tilespmem:s0+$0xCC20];
	v1 =	vsub.f32 $0.0e+00, v1;
	v2 =	vmul.f32 v2, v41  }
0x2f8: {  	v45 =	vld [tilespmem:s0+$0xCC30];
	v0 =	vmul.f32 v0, v41  }
0x2f9: {  	v1 =	vmul.f32 v1, v41;
	v2 =	vmul.f32 $1.442695020e+00, v2  }
0x2fa: {  	v46 =	vsub.f32 $0.0e+00, v32;
	v0 =	vmul.f32 $1.442695020e+00, v0  }
0x2fb: {  	v1 =	vmul.f32 $1.442695020e+00, v1;
	(erf) = vpow2.f32 v2;
	v2 =	vsub.f32 $0.0e+00, v3  }
0x2fc: {  	v47 =	vsub.f32 $0.0e+00, v44;
	(erf) = vpow2.f32 v0;
	v0 =	vmul.f32 $1.442695020e+00, v46  }
0x2fd: {  	(erf) = vpow2.f32 v1;
	v1 =	vmul.f32 $1.442695020e+00, v2;
	v2 =	vsub.f32 $0.0e+00, v45  }
0x2fe: {  	(erf) = vpow2.f32 v0;
	v0 =	vmul.f32 $1.442695020e+00, v47  }
0x2ff: {  	(erf) = vpow2.f32 v1;
	v1 =	vmul.f32 $1.442695020e+00, v2  }
0x300: {  	(erf) = vpow2.f32 v0  }
0x301: {  	(erf) = vpow2.f32 v1;
	_ =	sdelay $0x2  }
0x302: {  	v0 =	vpop (erf)  }
0x303: {  	v1 =	vpop (erf)  }
0x304: {  	v13 =	vimm.f32 $0.0e+00;
	vm0 =	vgt.f32 v0, $8.999999760e-01;
	v2 =	vpop (erf)  }
0x305: {  	v9 =	vsel vm0, $0x3F800000, v13;
	v48 =	vpop (erf)  }
0x306: {  	v8 =	vpop (erf)  }
0x307: {  	vm0 =	vgt.f32 v1, $8.999999760e-01;
	vm1 =	vgt.f32 v2, $8.999999760e-01;
	v0 =	vpop (erf)  }
0x308: {  	v1 =	vsel vm0, $0x3F800000, v13;
	v2 =	vsel vm1, $0x3F800000, v13;
	v8 =	vmul.f32 v8, v9;
	v9 =	vpop (erf)  }
0x309: {  	v0 =	vmul.f32 v0, v1;
	v1 =	vmul.f32 v9, v2;
	_ =	sdelay $0x1  }
0x30a: {  	v2 =	vadd.f32 v8, v48;
	v9 =	vadd.f32 v1, v0;
	_ =	sdelay $0x1  }
0x30b: {  	v2 =	vadd.f32 v9, v2;
	_ =	sdelay $0x1  }
0x30c: {  	(erf) = vrcp.f32 v2;
	_ =	sdelay $0x8  }
0x30d: {  	v2 =	vpop (erf)  }
0x30e: {  	v14 =	vmul.f32 v2, v48;
	v15 =	vmul.f32 v2, v8  }
0x30f: {  	v16 =	vmul.f32 v2, v0  }
0x310: {  	v0 =	vmul.f32 v14, v32;
	v3 =	vmul.f32 v15, v3;
	_ =	sdelay $0x1  }
0x311: {  	v17 =	vmul.f32 v2, v1;
	v1 =	vmul.f32 v16, v44;
	v0 =	vadd.f32 v3, v0;
	_ =	sdelay $0x1  }
0x312: {  	v0 =	vadd.f32 v0, v1;
	v1 =	vmul.f32 v17, v45;
	_ =	sdelay $0x1  }
0x313: {  	v0 =	vadd.f32 v0, v1;
	_ =	sdelay $0x1  }
0x314: {  	vm0 =	vlt.f32 v0, $2.000000030e-01  }
0x315: {  	v0 =	vsel vm0, $0x3F800000, v13  }
0x316: {  	s29 =	simm.s32 $0x0;
	[tilespmem:s21+$0x1D800] =	vst v0  }
0x317: {  	v1 =	vld.idx.msk [tilespmem:v12+s29+$0x20 ss:$0x1], $0xffff  }
0x318: {  	v2 =	vld.idx.msk [tilespmem:v12+s29+$0x4020 ss:$0x1], $0xffff  }
0x319: {  	s1 =	simm.s32 $0x0;
	v19 =	vld [tilespmem:s21+$0xC100]  }
0x31a: {  	v3 =	vmov s1;
	v50 =	vld.idx.msk [tilespmem:v12+s29+$0x8020 ss:$0x1], $0xffff  }
0x31b: {  	v49 =	vperm.xlane v14, v3;
	v51 =	vperm.xlane v15, v3;
	v0 =	vld [tilespmem:s21+$0xC080]  }
0x31c: {  	v53 =	vperm.xlane v16, v3;
	v52 =	vld.idx.msk [tilespmem:v12+s29+$0xC020 ss:$0x1], $0xffff  }
0x31d: {  	v18 =	vld [tilespmem:s21+$0xC000];
	v1 =	vmul.f32 v1, v49;
	v2 =	vmul.f32 v2, v51  }
0x31e: {  	s30 =	simm.s32 $0x80  }
0x31f: {  	s31 =	simm.s32 $0x1;
	v54 =	vperm.xlane v17, v3;
	v55 =	vld.idx.msk [tilespmem:v12+s30+$0x20 ss:$0x1], $0xffff;
	v5 =	vmul.f32 v50, v53;
	v1 =	vadd.f32 v2, v1  }
0x320: {  	v20 =	vmov s31;
	v2 =	vperm.xlane v19, v3  }
0x321: {  	v10 =	vld.idx.msk [tilespmem:v12+s30+$0x8020 ss:$0x1], $0xffff;
	v8 =	vperm.xlane v0, v3;
	v4 =	vmul.f32 v52, v54;
	v1 =	vadd.f32 v5, v1  }
0x322: {  	v9 =	vperm.xlane v14, v20;
	v57 =	vperm.xlane v18, v3;
	v56 =	vld.idx.msk [tilespmem:v12+s30+$0x4020 ss:$0x1], $0xffff;
	v2 =	vsel vm5, $0x3F800000, v2  }
0x323: {  	v61 =	vperm.xlane v18, v20;
	v2 =	vsel vm6, v2, v8;
	v1 =	vadd.f32 v4, v1  }
0x324: {  	v59 =	vld.idx.msk [tilespmem:v12+s30+$0xC020 ss:$0x1], $0xffff;
	v6 =	vmul.f32 v55, v9;
	v9 =	vperm.xlane v16, v20;
	v2 =	vsel vm7, v57, v2  }
0x325: {  	v58 =	vperm.xlane v15, v20;
	v1 =	vmul.f32 v2, v1  }
0x326: {  	s2 =	simm.s32 $0x100;
	s4 =	simm.s32 $0x2;
	vm3 =	veq.s32 v3, v34;
	v10 =	vmul.f32 v10, v9;
	v8 =	vperm.xlane v17, v20  }
0x327: {  	v3 =	vld.idx.msk [tilespmem:v12+s2+$0x20 ss:$0x1], $0xffff;
	v9 =	vmov s4;
	v4 =	vmul.f32 v56, v58;
	v60 =	vperm.xlane v1, v38  }
0x328: {  	v22 =	vimm.f32 $0.0e+00;
	v62 =	vperm.xlane v0, v20;
	v63 =	vperm.xlane v15, v9  }
0x329: {  	v11 =	vld.idx.msk [tilespmem:v12+s2+$0x4020 ss:$0x1], $0xffff;
	v7 =	vmul.f32 v59, v8;
	v4 =	vadd.f32 v4, v6;
	v1 =	vadd.f32 v1, v60  }
0x32a: {  	v21 =	vimm.f32 $0.0e+00;
	v8 =	vperm.xlane v14, v9;
	v2 =	vperm.xlane v19, v20  }
0x32b: {  	v23 =	vperm.xlane v17, v9;
	v4 =	vadd.f32 v10, v4;
	v10 =	vperm.xlane v1, v37  }
0x32c: {  	v27 =	vmul.f32 v3, v8;
	v3 =	vperm.xlane v19, v9;
	v2 =	vsel vm5, $0x3F800000, v2  }
0x32d: {  	v28 =	vld.idx.msk [tilespmem:v12+s2+$0x8020 ss:$0x1], $0xffff;
	v2 =	vsel vm6, v2, v62;
	v4 =	vadd.f32 v7, v4;
	v25 =	vadd.f32 v1, v10  }
0x32e: {  	v32 =	vperm.xlane v16, v9;
	v30 =	vmul.f32 v11, v63;
	v1 =	vsel vm7, v61, v2  }
0x32f: {  	s6 =	simm.s32 $0x600;
	s0 =	sor.u32 $0x100, s21;
	s1 =	sor.u32 $0x80, s21;
	v29 =	vld.idx.msk [tilespmem:v12+s2+$0xC020 ss:$0x1], $0xffff;
	v24 =	vsel vm5, $0x3F800000, v3;
	v26 =	vmul.f32 v1, v4;
	v31 =	vperm.xlane v25, v43  }
.LBB2_17:
0x330: {  	v1 =	vperm.xlane v25, v33  }
0x331: {  	s2 =	sshra.s32 s6, $0x2;
	p0 =	sne.s32 s6, $0x1E00;
	s6 =	sadd.s32 $0x200, s6;
	v2 =	vperm.xlane v25, v42;
	vm0 =	vmmov vm3;
	vm3 =	veq.s32 v20, v34;
	v20 =	vmovc v9  }
0x332: {  	v4 =	vmul.f32 v28, v32;
	v3 =	vld.idx.msk [tilespmem:v12+s2+$0x20 ss:$0x1], $0xffff;
	v5 =	vperm.xlane v26, v38;
	v13 =	vsel vm0, v31, v13  }
0x333: {  	v7 =	vadd.f32 v30, v27;
	v6 =	vld.idx.msk [tilespmem:v12+s2+$0x4020 ss:$0x1], $0xffff;
	v21 =	vsel vm0, v1, v21;
	v22 =	vsel vm0, v2, v22  }
0x334: {  	s4 =	sadd.s32 $0x1, s4;
	v1 =	vperm.xlane v18, v20;
	v2 =	vperm.xlane v0, v20;
	v5 =	vadd.f32 v26, v5  }
0x335: {  	v9 =	vmov s4;
	v4 =	vadd.f32 v4, v7;
	v7 =	vmul.f32 v29, v23  }
.Ltmp8:
0x336: {  	v8 =	vperm.xlane v14, v9;
	v2 =	vsel vm6, v24, v2;
	v28 =	vld.idx.msk [tilespmem:v12+s2+$0x8020 ss:$0x1], $0xffff;
	v10 =	vperm.xlane v5, v37;
	(pc) =	sbr.rel @p0 .LBB2_17-.Ltmp8, $4  }
0x337: {  	v11 =	vperm.xlane v15, v9;
	v23 =	vperm.xlane v17, v9;
	v4 =	vadd.f32 v7, v4  }
0x338: {  	v27 =	vmul.f32 v3, v8;
	v3 =	vperm.xlane v19, v9;
	v25 =	vadd.f32 v5, v10  }
0x339: {  	v32 =	vperm.xlane v16, v9;
	v1 =	vsel vm7, v1, v2;
	v30 =	vmul.f32 v6, v11;
	v29 =	vld.idx.msk [tilespmem:v12+s2+$0xC020 ss:$0x1], $0xffff  }
0x33a: {  	v26 =	vmul.f32 v1, v4;
	v24 =	vsel vm5, $0x3F800000, v3;
	v31 =	vperm.xlane v25, v43  }
0x33b: {  	_ = 	snop  }
0x33c: {  	v1 =	vmul.f32 v28, v32;
	v2 =	vadd.f32 v30, v27;
	_ =	sdelay $0x1  }
0x33d: {  	v0 =	vperm.xlane v0, v9;
	v1 =	vadd.f32 v1, v2;
	v54 =	vmul.f32 v29, v23  }
0x33e: {  	v3 =	vperm.xlane v18, v9  }
0x33f: {  	v0 =	vsel vm6, v24, v0;
	v1 =	vadd.f32 v54, v1  }
0x340: {  	v0 =	vsel vm7, v3, v0  }
0x341: {  	v0 =	vmul.f32 v0, v1  }
0x342: {  	v55 =	vperm.xlane v26, v38  }
0x343: {  	v56 =	vperm.xlane v0, v38  }
0x344: {  	v1 =	vadd.f32 v26, v55  }
0x345: {  	v0 =	vadd.f32 v0, v56  }
0x346: {  	v57 =	vperm.xlane v25, v33;
	v58 =	vperm.xlane v1, v37  }
0x347: {  	v4 =	vperm.xlane v25, v42;
	vm0 =	vmmov vm3;
	v5 =	vperm.xlane v0, v37  }
0x348: {  	vm1 =	veq.s32 v20, v34;
	vm15 =	veq.s32 v9, v34;
	v1 =	vadd.f32 v1, v58  }
0x349: {  	v6 =	vsel vm0, v31, v13;
	vm1 =	vmmov vm1;
	v0 =	vadd.f32 v0, v5  }
0x34a: {  	s19 =	sadd.s32 $0x1, s19;
	v2 =	vsel vm0, v57, v21;
	v60 =	vperm.xlane v1, v43;
	v61 =	vperm.xlane v1, v33  }
0x34b: {  	p0 =	sne.s32 s19, $0x8;
	v59 =	vsel vm0, v4, v22;
	v1 =	vperm.xlane v1, v42;
	v7 =	vperm.xlane v0, v33  }
.Ltmp9:
0x34c: {  	vm0 =	vmmov vm15;
	v2 =	vsel vm1, v61, v2;
	v62 =	vperm.xlane v0, v42;
	(pc) =	sbr.rel @p0 .LBB2_14-.Ltmp9, $4  }
0x34d: {  	v1 =	vsel vm1, v1, v59;
	v0 =	vperm.xlane v0, v43;
	v2 =	vsel vm0, v7, v2  }
0x34e: {  	v63 =	vsel vm1, v60, v6;
	v1 =	vsel vm0, v62, v1;
	[tilespmem:s21+$0x1D400] =	vst v2  }
0x34f: {  	v0 =	vsel vm0, v0, v63;
	[tilespmem:s1+$0x1D400] =	vst v1  }
0x350: {  	s10 =	sadd.s32 $0x800, s10;
	[tilespmem:s0+$0x1D400] =	vst v0  }
0x351: {  	s10 =	simm.s32 $0xD400;
	s0 =	simm.s32 $0xD200  }
0x352: {  	[tilespmem:s10], [sflag:$0x3] =	stream.indirect.gather [hbm4b:s9+s3], $0x80, s0, s3, $0xb8;
	[tilespmem:$0x1D900] =	vst v63  }
0x353: {  	s29 =	simm.s32 $0xD280  }
0x354: {  	[tilespmem:s7], [sflag:$0x3] =	stream.indirect.gather [hbm4b:s9+s3], $0x80, s29, s3, $0xb8;
	[tilespmem:$0x1D900] =	vst v63  }
0x355: {  	s30 =	simm.s32 $0xD300  }
0x356: {  	[tilespmem:s8], [sflag:$0x3] =	stream.indirect.gather [hbm4b:s9+s3], $0x80, s30, s3, $0xb8;
	[tilespmem:$0x1D900] =	vst v63  }
0x357: {  	s31 =	simm.s32 $0xD380  }
0x358: {  	[tilespmem:s11], [sflag:$0x3] =	stream.indirect.gather [hbm4b:s9+s3], $0x80, s31, s3, $0xb8;
	[tilespmem:$0x1D900] =	vst v63  }
0x359: {  	_ =	swait.ge [sflag:s17], $0x4000  }
0x35a: {  	[sflag:s17] =	ssyncset.done $0x0  }
0x35b: {  	[sflag:s17] =	ssyncadd.s32 $0xFFFFC000  }
0x35c: {  	_ =	swait.ge [sflag:s17], $0x4000  }
0x35d: {  	[sflag:s17] =	ssyncset.done $0x0  }
0x35e: {  	[sflag:s17] =	ssyncadd.s32 $0xFFFFC000  }
0x35f: {  	_ =	swait.ge [sflag:s17], $0x4000  }
0x360: {  	[sflag:s17] =	ssyncset.done $0x0  }
0x361: {  	[sflag:s17] =	ssyncadd.s32 $0xFFFFC000  }
0x362: {  	_ =	swait.ge [sflag:s17], $0x4000  }
0x363: {  	[sflag:s17] =	ssyncset.done $0x0  }
0x364: {  	s18 =	simm.s32 $0x0;
	s19 =	simm.s32 $0x0;
	[sflag:s17] =	ssyncadd.s32 $0xFFFFC000  }
.LBB2_20:
0x365: {  	v12 =	vmov s10;
	_ =	sdelay $0x3  }
0x366: {  	s0 =	simm.s32 $0x0  }
0x367: {  	v0 =	vld.idx.msk [tilespmem:v12+s0+$0x0 ss:$0x1], $0xffff  }
0x368: {  	v1 =	vld.idx.msk [tilespmem:v12+s0+$0x10 ss:$0x1], $0xffff  }
0x369: {  	v2 =	vld.idx.msk [tilespmem:v12+s0+$0xC000 ss:$0x1], $0xffff  }
0x36a: {  	v3 =	vld.idx.msk [tilespmem:v12+s0+$0xC010 ss:$0x1], $0xffff  }
0x36b: {  	v4 =	vld.idx.msk [tilespmem:v12+s0+$0x4000 ss:$0x1], $0xffff  }
0x36c: {  	v5 =	vld.idx.msk [tilespmem:v12+s0+$0x4010 ss:$0x1], $0xffff  }
0x36d: {  	s30 =	simm.s32 $0x80;
	v7 =	vld.idx.msk [tilespmem:v12+s0+$0x8010 ss:$0x1], $0xffff  }
0x36e: {  	v8 =	vld.idx.msk [tilespmem:v12+s30+$0x0 ss:$0x1], $0xffff  }
0x36f: {  	v53 =	vld.idx.msk [tilespmem:v12+s30+$0x4000 ss:$0x1], $0xffff  }
0x370: {  	v6 =	vld.idx.msk [tilespmem:v12+s0+$0x8000 ss:$0x1], $0xffff;
	v2 =	vsub.f32 v2, v0;
	v3 =	vsub.f32 v3, v1  }
0x371: {  	v50 =	vld.idx.msk [tilespmem:v12+s30+$0xC000 ss:$0x1], $0xffff  }
0x372: {  	v9 =	vld.idx.msk [tilespmem:v12+s30+$0x10 ss:$0x1], $0xffff;
	v5 =	vsub.f32 v5, v1;
	v2 =	vand.u32 $0x7FFFFFFF, v2;
	v3 =	vand.u32 $0x7FFFFFFF, v3  }
0x373: {  	v14 =	vimm.f32 $0.0e+00;
	v54 =	vld.idx.msk [tilespmem:v12+s30+$0x4010 ss:$0x1], $0xffff;
	v2 =	vadd.f32 v3, v2;
	v3 =	vsub.f32 v4, v0  }
0x374: {  	v51 =	vld.idx.msk [tilespmem:v12+s30+$0xC010 ss:$0x1], $0xffff;
	v1 =	vsub.f32 v7, v1;
	v7 =	vsub.f32 v53, v8;
	v49 =	vand.u32 $0x7FFFFFFF, v5  }
0x375: {  	s31 =	simm.s32 $0x100;
	v0 =	vsub.f32 v6, v0;
	v48 =	vperm.xlane v2, v35;
	v3 =	vand.u32 $0x7FFFFFFF, v3  }
0x376: {  	v18 =	vld.idx.msk [tilespmem:v12+s31+$0x10 ss:$0x1], $0xffff;
	v1 =	vand.u32 $0x7FFFFFFF, v1;
	v5 =	vsub.f32 v50, v8;
	v3 =	vadd.f32 v49, v3  }
0x377: {  	v59 =	vld.idx.msk [tilespmem:v12+s31+$0x4010 ss:$0x1], $0xffff;
	v7 =	vand.u32 $0x7FFFFFFF, v7;
	v0 =	vand.u32 $0x7FFFFFFF, v0;
	v2 =	vadd.f32 v2, v48  }
0x378: {  	v19 =	vld.idx.msk [tilespmem:v12+s31+$0x8010 ss:$0x1], $0xffff;
	v6 =	vsub.f32 v54, v9;
	v0 =	vadd.f32 v1, v0;
	v1 =	vperm.xlane v3, v35  }
0x379: {  	v4 =	vsub.f32 v51, v9;
	v5 =	vand.u32 $0x7FFFFFFF, v5;
	v52 =	vperm.xlane v2, v36  }
0x37a: {  	v6 =	vand.u32 $0x7FFFFFFF, v6;
	v10 =	vperm.xlane v0, v35;
	v1 =	vadd.f32 v3, v1;
	v3 =	vld.idx.msk [tilespmem:v12+s30+$0x8000 ss:$0x1], $0xffff  }
0x37b: {  	v13 =	vld.idx.msk [tilespmem:v12+s30+$0x8010 ss:$0x1], $0xffff;
	v4 =	vand.u32 $0x7FFFFFFF, v4;
	v6 =	vadd.f32 v6, v7;
	v2 =	vadd.f32 v2, v52  }
0x37c: {  	v7 =	vsub.f32 v59, v18;
	v0 =	vadd.f32 v0, v10;
	v10 =	vperm.xlane v1, v36  }
0x37d: {  	v63 =	vsub.f32 v19, v18;
	v4 =	vadd.f32 v4, v5;
	v11 =	vperm.xlane v2, v39  }
0x37e: {  	v7 =	vand.u32 $0x7FFFFFFF, v7;
	v1 =	vadd.f32 v1, v10;
	v10 =	vmov s18  }
0x37f: {  	v2 =	vadd.f32 v2, v11;
	v11 =	vperm.xlane v0, v36;
	v3 =	vsub.f32 v3, v8  }
0x380: {  	v57 =	vld.idx.msk [tilespmem:v12+s31+$0xC000 ss:$0x1], $0xffff;
	v8 =	vsub.f32 v13, v9;
	v9 =	vperm.xlane v4, v35;
	vm0 =	veq.s32 v10, v34  }
0x381: {  	v13 =	vld.idx.msk [tilespmem:v12+s31+$0x0 ss:$0x1], $0xffff;
	v58 =	vperm.xlane v1, v39;
	vm3 =	vmmov vm0;
	v55 =	vperm.xlane v2, v40  }
0x382: {  	v10 =	vld.idx.msk [tilespmem:v12+s31+$0x4000 ss:$0x1], $0xffff;
	v3 =	vand.u32 $0x7FFFFFFF, v3;
	v56 =	vand.u32 $0x7FFFFFFF, v8;
	v4 =	vadd.f32 v4, v9  }
0x383: {  	v0 =	vadd.f32 v0, v11;
	v8 =	vld.idx.msk [tilespmem:v12+s31+$0xC010 ss:$0x1], $0xffff;
	v9 =	vperm.xlane v6, v35;
	v3 =	vadd.f32 v56, v3  }
0x384: {  	v15 =	vadd.f32 v1, v58;
	v2 =	vadd.f32 v2, v55;
	v11 =	vperm.xlane v4, v36  }
0x385: {  	v1 =	vperm.xlane v0, v39;
	v6 =	vadd.f32 v6, v9;
	v16 =	vperm.xlane v3, v35  }
0x386: {  	v17 =	vperm.xlane v15, v40;
	v5 =	vsub.f32 v57, v13;
	v4 =	vadd.f32 v4, v11  }
0x387: {  	v9 =	vld.idx.msk [tilespmem:v12+s31+$0x8000 ss:$0x1], $0xffff;
	v10 =	vsub.f32 v10, v13;
	v0 =	vadd.f32 v0, v1;
	v1 =	vperm.xlane v6, v36  }
0x388: {  	v2 =	vsel vm0, v2, v14;
	v8 =	vsub.f32 v8, v18;
	v11 =	vperm.xlane v4, v39  }
0x389: {  	v3 =	vadd.f32 v3, v16;
	v16 =	vperm.xlane v0, v40;
	v20 =	vadd.f32 v6, v1  }
0x38a: {  	v1 =	vand.u32 $0x7FFFFFFF, v5;
	v60 =	vand.u32 $0x7FFFFFFF, v8;
	v4 =	vadd.f32 v4, v11  }
0x38b: {  	s0 =	simm.s32 $0x1;
	v6 =	vand.u32 $0x7FFFFFFF, v63;
	v25 =	vperm.xlane v3, v36;
	v1 =	vadd.f32 v60, v1  }
0x38c: {  	v62 =	vsub.f32 v9, v13;
	v9 =	vmov s0;
	v61 =	vperm.xlane v4, v40  }
0x38d: {  	s4 =	simm.s32 $0x180;
	v8 =	vand.u32 $0x7FFFFFFF, v10;
	vm4 =	veq.s32 v9, v34;
	v10 =	vperm.xlane v1, v35  }
0x38e: {  	v21 =	vld.idx.msk [tilespmem:v12+s4+$0xC000 ss:$0x1], $0xffff;
	v22 =	vadd.f32 v7, v8;
	v26 =	vperm.xlane v20, v39;
	v4 =	vadd.f32 v4, v61  }
0x38f: {  	v19 =	vld.idx.msk [tilespmem:v12+s4+$0x10 ss:$0x1], $0xffff;
	v9 =	vimm.f32 $0.0e+00;
	v5 =	vand.u32 $0x7FFFFFFF, v62;
	v24 =	vadd.f32 v1, v10  }
0x390: {  	s1 =	simm.s32 $0x800;
	v18 =	vld.idx.msk [tilespmem:v12+s4+$0x0 ss:$0x1], $0xffff;
	v25 =	vadd.f32 v3, v25;
	v23 =	vadd.f32 v6, v5;
	v13 =	vsel vm4, v4, v2  }
.LBB2_21:
0x391: {  	p0 =	sne.s32 s1, $0x1E00;
	v1 =	vld.idx.msk [tilespmem:v12+s4+$0xC010 ss:$0x1], $0xffff;
	v2 =	vperm.xlane v22, v35;
	v3 =	vperm.xlane v24, v36;
	v4 =	vadd.f32 v15, v17  }
0x392: {  	v5 =	vld.idx.msk [tilespmem:v12+s4+$0x4000 ss:$0x1], $0xffff;
	v6 =	vperm.xlane v23, v35;
	v15 =	vadd.f32 v20, v26;
	v7 =	vperm.xlane v25, v39  }
0x393: {  	v8 =	vld.idx.msk [tilespmem:v12+s4+$0x4010 ss:$0x1], $0xffff;
	v2 =	vadd.f32 v22, v2;
	v3 =	vadd.f32 v24, v3;
	v14 =	vsel vm3, v4, v14  }
0x394: {  	v4 =	vld.idx.msk [tilespmem:v12+s4+$0x8000 ss:$0x1], $0xffff;
	v6 =	vadd.f32 v23, v6;
	v17 =	vperm.xlane v15, v40;
	v7 =	vadd.f32 v25, v7  }
0x395: {  	v22 =	vadd.f32 v0, v16;
	v10 =	vld.idx.msk [tilespmem:v12+s4+$0x8010 ss:$0x1], $0xffff;
	v11 =	vperm.xlane v2, v36;
	v20 =	vperm.xlane v3, v39  }
0x396: {  	v21 =	vsub.f32 v21, v18;
	v25 =	vperm.xlane v6, v36;
	v16 =	vperm.xlane v7, v40;
	v0 =	vmovc v7  }
0x397: {  	v9 =	vsel vm3, v22, v9;
	v1 =	vsub.f32 v1, v19;
	v3 =	vadd.f32 v3, v20  }
0x398: {  	vm3 =	vmmov vm4;
	v5 =	vsub.f32 v5, v18;
	v20 =	vadd.f32 v2, v11  }
0x399: {  	v2 =	vand.u32 $0x7FFFFFFF, v21;
	v1 =	vand.u32 $0x7FFFFFFF, v1;
	v7 =	vperm.xlane v3, v40  }
0x39a: {  	s0 =	sadd.s32 $0x1, s0;
	v8 =	vsub.f32 v8, v19;
	v5 =	vand.u32 $0x7FFFFFFF, v5;
	v1 =	vadd.f32 v1, v2  }
.Ltmp10:
0x39b: {  	v2 =	vsub.f32 v4, v18;
	v4 =	vmov s0;
	v3 =	vadd.f32 v3, v7;
	(pc) =	sbr.rel @p0 .LBB2_21-.Ltmp10, $4  }
0x39c: {  	s4 =	sshra.s32 s1, $0x2;
	vm4 =	veq.s32 v4, v34;
	v7 =	vsub.f32 v10, v19;
	v10 =	vperm.xlane v1, v35  }
0x39d: {  	v4 =	vand.u32 $0x7FFFFFFF, v8;
	v2 =	vand.u32 $0x7FFFFFFF, v2;
	v18 =	vld.idx.msk [tilespmem:v12+s4+$0x0 ss:$0x1], $0xffff;
	v13 =	vsel vm4, v3, v13  }
0x39e: {  	v22 =	vadd.f32 v4, v5;
	v3 =	vand.u32 $0x7FFFFFFF, v7;
	v24 =	vadd.f32 v1, v10;
	v19 =	vld.idx.msk [tilespmem:v12+s4+$0x10 ss:$0x1], $0xffff  }
0x39f: {  	s1 =	sadd.s32 $0x200, s1;
	v25 =	vadd.f32 v6, v25;
	v26 =	vperm.xlane v20, v39;
	v23 =	vadd.f32 v3, v2;
	v21 =	vld.idx.msk [tilespmem:v12+s4+$0xC000 ss:$0x1], $0xffff  }
0x3a0: {  	_ =	sdelay $0x3  }
0x3a1: {  	v1 =	vld.idx.msk [tilespmem:v12+s4+$0xC010 ss:$0x1], $0xffff  }
0x3a2: {  	v2 =	vld.idx.msk [tilespmem:v12+s4+$0x4000 ss:$0x1], $0xffff;
	v3 =	vperm.xlane v22, v35  }
0x3a3: {  	v4 =	vperm.xlane v24, v36;
	v5 =	vadd.f32 v15, v17;
	v6 =	vld.idx.msk [tilespmem:v12+s4+$0x4010 ss:$0x1], $0xffff;
	v0 =	vadd.f32 v0, v16  }
0x3a4: {  	v11 =	vld.idx.msk [tilespmem:v12+s4+$0x8000 ss:$0x1], $0xffff;
	v7 =	vperm.xlane v23, v35;
	v8 =	vadd.f32 v20, v26;
	v10 =	vperm.xlane v25, v39  }
0x3a5: {  	v3 =	vadd.f32 v22, v3;
	v4 =	vadd.f32 v24, v4;
	v5 =	vsel vm3, v5, v14;
	v14 =	vld.idx.msk [tilespmem:v12+s4+$0x8010 ss:$0x1], $0xffff  }
0x3a6: {  	v0 =	vsel vm3, v0, v9;
	v7 =	vadd.f32 v23, v7;
	v10 =	vadd.f32 v25, v10  }
0x3a7: {  	v15 =	vperm.xlane v8, v40;
	v21 =	vsub.f32 v21, v18;
	v1 =	vsub.f32 v1, v19  }
0x3a8: {  	v20 =	vperm.xlane v4, v39;
	v2 =	vsub.f32 v2, v18;
	v6 =	vsub.f32 v6, v19  }
0x3a9: {  	v17 =	vperm.xlane v3, v36;
	v11 =	vsub.f32 v11, v18;
	v8 =	vadd.f32 v8, v15  }
0x3aa: {  	v21 =	vand.u32 $0x7FFFFFFF, v21;
	v4 =	vadd.f32 v4, v20;
	v14 =	vsub.f32 v14, v19  }
0x3ab: {  	v1 =	vand.u32 $0x7FFFFFFF, v1;
	v2 =	vand.u32 $0x7FFFFFFF, v2;
	v6 =	vand.u32 $0x7FFFFFFF, v6  }
0x3ac: {  	v11 =	vand.u32 $0x7FFFFFFF, v11;
	v2 =	vadd.f32 v6, v2;
	v62 =	vand.u32 $0x7FFFFFFF, v14  }
0x3ad: {  	v16 =	vperm.xlane v7, v36;
	v1 =	vadd.f32 v1, v21;
	v6 =	vadd.f32 v62, v11  }
0x3ae: {  	v3 =	vadd.f32 v3, v17;
	v18 =	vperm.xlane v4, v40;
	v11 =	vperm.xlane v2, v35  }
0x3af: {  	v7 =	vadd.f32 v7, v16;
	v9 =	vperm.xlane v1, v35;
	v17 =	vperm.xlane v6, v35  }
0x3b0: {  	v4 =	vadd.f32 v4, v18;
	v2 =	vadd.f32 v2, v11  }
0x3b1: {  	s0 =	sadd.s32 $0x1, s0;
	v14 =	vperm.xlane v10, v40;
	v1 =	vadd.f32 v1, v9;
	v6 =	vadd.f32 v6, v17  }
0x3b2: {  	v9 =	vmov s0;
	v11 =	vperm.xlane v3, v39;
	v18 =	vperm.xlane v2, v36  }
0x3b3: {  	vm0 =	veq.s32 v9, v34;
	v17 =	vperm.xlane v1, v36;
	v15 =	vperm.xlane v6, v36  }
0x3b4: {  	v9 =	vperm.xlane v7, v39;
	v3 =	vadd.f32 v3, v11;
	v2 =	vadd.f32 v2, v18  }
0x3b5: {  	vm1 =	vmmov vm4;
	v1 =	vadd.f32 v1, v17;
	v6 =	vadd.f32 v6, v15  }
0x3b6: {  	v7 =	vadd.f32 v7, v9;
	v9 =	vadd.f32 v10, v14;
	v11 =	vperm.xlane v2, v39  }
0x3b7: {  	v5 =	vsel vm1, v8, v5;
	v8 =	vperm.xlane v1, v39;
	v10 =	vperm.xlane v6, v39  }
0x3b8: {  	v14 =	vperm.xlane v3, v40;
	v0 =	vsel vm1, v9, v0;
	v2 =	vadd.f32 v2, v11  }
0x3b9: {  	s0 =	sadd.s32 $0x1, s0;
	vm1 =	vmmov vm0;
	v1 =	vadd.f32 v1, v8;
	v6 =	vadd.f32 v6, v10  }
0x3ba: {  	v8 =	vperm.xlane v7, v40;
	v11 =	vmov s0;
	v10 =	vperm.xlane v2, v40  }
0x3bb: {  	v3 =	vadd.f32 v3, v14;
	vm2 =	veq.s32 v11, v34;
	v14 =	vperm.xlane v6, v40  }
0x3bc: {  	s26 =	sor.u32 $0x8, s19;
	v9 =	vperm.xlane v1, v40;
	v7 =	vadd.f32 v7, v8;
	v2 =	vadd.f32 v2, v10  }
0x3bd: {  	s1 =	sshll.u32 s26, $0x6;
	v3 =	vsel vm1, v3, v5;
	vm3 =	vmmov vm2;
	v63 =	vadd.f32 v6, v14  }
0x3be: {  	s1 =	sand.u32 $0x3FFFFFC0, s1;
	v0 =	vsel vm1, v7, v0;
	v1 =	vadd.f32 v1, v9;
	v2 =	vsel vm3, v2, v3  }
0x3bf: {  	v32 =	vld [tilespmem:s1+$0xCC00];
	v3 =	vsel vm0, v4, v13;
	v2 =	vsub.f32 $0.0e+00, v2;
	v0 =	vsel vm3, v63, v0  }
0x3c0: {  	v1 =	vsel vm2, v1, v3;
	v3 =	vld [tilespmem:s1+$0xCC10];
	v0 =	vsub.f32 $0.0e+00, v0  }
0x3c1: {  	v44 =	vld [tilespmem:s1+$0xCC20];
	v1 =	vsub.f32 $0.0e+00, v1;
	v2 =	vmul.f32 v2, v41  }
0x3c2: {  	v45 =	vld [tilespmem:s1+$0xCC30];
	v0 =	vmul.f32 v0, v41  }
0x3c3: {  	v1 =	vmul.f32 v1, v41;
	v2 =	vmul.f32 $1.442695020e+00, v2  }
0x3c4: {  	v46 =	vsub.f32 $0.0e+00, v32;
	v0 =	vmul.f32 $1.442695020e+00, v0  }
0x3c5: {  	v1 =	vmul.f32 $1.442695020e+00, v1;
	(erf) = vpow2.f32 v2;
	v2 =	vsub.f32 $0.0e+00, v3  }
0x3c6: {  	v47 =	vsub.f32 $0.0e+00, v44;
	(erf) = vpow2.f32 v0;
	v0 =	vmul.f32 $1.442695020e+00, v46  }
0x3c7: {  	(erf) = vpow2.f32 v1;
	v1 =	vmul.f32 $1.442695020e+00, v2;
	v2 =	vsub.f32 $0.0e+00, v45  }
0x3c8: {  	(erf) = vpow2.f32 v0;
	v0 =	vmul.f32 $1.442695020e+00, v47  }
0x3c9: {  	(erf) = vpow2.f32 v1;
	v1 =	vmul.f32 $1.442695020e+00, v2  }
0x3ca: {  	(erf) = vpow2.f32 v0  }
0x3cb: {  	(erf) = vpow2.f32 v1;
	_ =	sdelay $0x2  }
0x3cc: {  	v0 =	vpop (erf)  }
0x3cd: {  	v1 =	vpop (erf)  }
0x3ce: {  	v13 =	vimm.f32 $0.0e+00;
	vm0 =	vgt.f32 v0, $8.999999760e-01;
	v2 =	vpop (erf)  }
0x3cf: {  	v9 =	vsel vm0, $0x3F800000, v13;
	v48 =	vpop (erf)  }
0x3d0: {  	v8 =	vpop (erf)  }
0x3d1: {  	vm0 =	vgt.f32 v1, $8.999999760e-01;
	vm1 =	vgt.f32 v2, $8.999999760e-01;
	v0 =	vpop (erf)  }
0x3d2: {  	v1 =	vsel vm0, $0x3F800000, v13;
	v2 =	vsel vm1, $0x3F800000, v13;
	v8 =	vmul.f32 v8, v9;
	v9 =	vpop (erf)  }
0x3d3: {  	v0 =	vmul.f32 v0, v1;
	v1 =	vmul.f32 v9, v2;
	_ =	sdelay $0x1  }
0x3d4: {  	v2 =	vadd.f32 v8, v48;
	v9 =	vadd.f32 v1, v0;
	_ =	sdelay $0x1  }
0x3d5: {  	v2 =	vadd.f32 v9, v2;
	_ =	sdelay $0x1  }
0x3d6: {  	(erf) = vrcp.f32 v2;
	_ =	sdelay $0x8  }
0x3d7: {  	v2 =	vpop (erf)  }
0x3d8: {  	v14 =	vmul.f32 v2, v48;
	v15 =	vmul.f32 v2, v8  }
0x3d9: {  	v16 =	vmul.f32 v2, v0  }
0x3da: {  	v0 =	vmul.f32 v14, v32;
	v3 =	vmul.f32 v15, v3;
	_ =	sdelay $0x1  }
0x3db: {  	v17 =	vmul.f32 v2, v1;
	v1 =	vmul.f32 v16, v44;
	v0 =	vadd.f32 v3, v0;
	_ =	sdelay $0x1  }
0x3dc: {  	v0 =	vadd.f32 v0, v1;
	v1 =	vmul.f32 v17, v45;
	_ =	sdelay $0x1  }
0x3dd: {  	v0 =	vadd.f32 v0, v1;
	_ =	sdelay $0x1  }
0x3de: {  	vm0 =	vlt.f32 v0, $2.000000030e-01  }
0x3df: {  	s28 =	sshll.u32 s26, $0x4;
	v0 =	vsel vm0, $0x3F800000, v13  }
0x3e0: {  	s2 =	simm.s32 $0x0;
	[tilespmem:s28+$0x1D800] =	vst v0  }
0x3e1: {  	v1 =	vld.idx.msk [tilespmem:v12+s2+$0x20 ss:$0x1], $0xffff  }
0x3e2: {  	s0 =	sor.u32 $0x280, s28;
	v2 =	vld.idx.msk [tilespmem:v12+s2+$0x4020 ss:$0x1], $0xffff  }
0x3e3: {  	s3 =	simm.s32 $0x0;
	v0 =	vld [tilespmem:s0+$0xC000]  }
0x3e4: {  	s1 =	sand.u32 $0x70, s28;
	v3 =	vmov s3;
	v50 =	vld.idx.msk [tilespmem:v12+s2+$0x8020 ss:$0x1], $0xffff  }
0x3e5: {  	v49 =	vperm.xlane v14, v3;
	v51 =	vperm.xlane v15, v3;
	v19 =	vld [tilespmem:s1+$0xC300]  }
0x3e6: {  	v53 =	vperm.xlane v16, v3;
	v52 =	vld.idx.msk [tilespmem:v12+s2+$0xC020 ss:$0x1], $0xffff  }
0x3e7: {  	v18 =	vld [tilespmem:s1+$0xC200];
	v1 =	vmul.f32 v1, v49;
	v2 =	vmul.f32 v2, v51  }
0x3e8: {  	s29 =	simm.s32 $0x80  }
0x3e9: {  	s30 =	simm.s32 $0x1;
	v54 =	vperm.xlane v17, v3;
	v55 =	vld.idx.msk [tilespmem:v12+s29+$0x20 ss:$0x1], $0xffff;
	v5 =	vmul.f32 v50, v53;
	v1 =	vadd.f32 v2, v1  }
0x3ea: {  	v20 =	vmov s30;
	v2 =	vperm.xlane v19, v3  }
0x3eb: {  	v10 =	vld.idx.msk [tilespmem:v12+s29+$0x8020 ss:$0x1], $0xffff;
	v8 =	vperm.xlane v0, v3;
	v4 =	vmul.f32 v52, v54;
	v1 =	vadd.f32 v5, v1  }
0x3ec: {  	v9 =	vperm.xlane v14, v20;
	v56 =	vld.idx.msk [tilespmem:v12+s29+$0x4020 ss:$0x1], $0xffff;
	v57 =	vperm.xlane v18, v3;
	v2 =	vsel vm5, $0x3F800000, v2  }
0x3ed: {  	v58 =	vperm.xlane v15, v20;
	v2 =	vsel vm6, v2, v8;
	v1 =	vadd.f32 v4, v1  }
0x3ee: {  	v59 =	vld.idx.msk [tilespmem:v12+s29+$0xC020 ss:$0x1], $0xffff;
	v6 =	vmul.f32 v55, v9;
	v9 =	vperm.xlane v16, v20;
	v2 =	vsel vm7, v57, v2  }
0x3ef: {  	v61 =	vperm.xlane v18, v20;
	v1 =	vmul.f32 v2, v1  }
0x3f0: {  	s31 =	simm.s32 $0x100;
	s6 =	simm.s32 $0x2;
	vm3 =	veq.s32 v3, v34;
	v10 =	vmul.f32 v10, v9;
	v8 =	vperm.xlane v17, v20  }
0x3f1: {  	v3 =	vld.idx.msk [tilespmem:v12+s31+$0x20 ss:$0x1], $0xffff;
	v9 =	vmov s6;
	v4 =	vmul.f32 v56, v58;
	v60 =	vperm.xlane v1, v38  }
0x3f2: {  	v22 =	vimm.f32 $0.0e+00;
	v62 =	vperm.xlane v0, v20;
	v63 =	vperm.xlane v15, v9  }
0x3f3: {  	v11 =	vld.idx.msk [tilespmem:v12+s31+$0x4020 ss:$0x1], $0xffff;
	v7 =	vmul.f32 v59, v8;
	v4 =	vadd.f32 v4, v6;
	v1 =	vadd.f32 v1, v60  }
0x3f4: {  	v21 =	vimm.f32 $0.0e+00;
	v8 =	vperm.xlane v14, v9;
	v2 =	vperm.xlane v19, v20  }
0x3f5: {  	v23 =	vperm.xlane v17, v9;
	v4 =	vadd.f32 v10, v4;
	v10 =	vperm.xlane v1, v37  }
0x3f6: {  	v27 =	vmul.f32 v3, v8;
	v3 =	vperm.xlane v19, v9;
	v2 =	vsel vm5, $0x3F800000, v2  }
0x3f7: {  	v28 =	vld.idx.msk [tilespmem:v12+s31+$0x8020 ss:$0x1], $0xffff;
	v2 =	vsel vm6, v2, v62;
	v4 =	vadd.f32 v7, v4;
	v25 =	vadd.f32 v1, v10  }
0x3f8: {  	v32 =	vperm.xlane v16, v9;
	v30 =	vmul.f32 v11, v63;
	v1 =	vsel vm7, v61, v2  }
0x3f9: {  	s7 =	simm.s32 $0x600;
	s4 =	sor.u32 $0x200, s1;
	s1 =	sor.u32 $0x300, s1;
	v29 =	vld.idx.msk [tilespmem:v12+s31+$0xC020 ss:$0x1], $0xffff;
	v24 =	vsel vm5, $0x3F800000, v3;
	v26 =	vmul.f32 v1, v4;
	v31 =	vperm.xlane v25, v43  }
.LBB2_23:
0x3fa: {  	v1 =	vperm.xlane v25, v33  }
0x3fb: {  	s2 =	sshra.s32 s7, $0x2;
	p0 =	sne.s32 s7, $0x1E00;
	s7 =	sadd.s32 $0x200, s7;
	v2 =	vperm.xlane v25, v42;
	vm0 =	vmmov vm3;
	vm3 =	veq.s32 v20, v34;
	v20 =	vmovc v9  }
0x3fc: {  	v4 =	vmul.f32 v28, v32;
	v3 =	vld.idx.msk [tilespmem:v12+s2+$0x20 ss:$0x1], $0xffff;
	v5 =	vperm.xlane v26, v38;
	v13 =	vsel vm0, v31, v13  }
0x3fd: {  	v7 =	vadd.f32 v30, v27;
	v6 =	vld.idx.msk [tilespmem:v12+s2+$0x4020 ss:$0x1], $0xffff;
	v21 =	vsel vm0, v1, v21;
	v22 =	vsel vm0, v2, v22  }
0x3fe: {  	s6 =	sadd.s32 $0x1, s6;
	v1 =	vperm.xlane v18, v20;
	v2 =	vperm.xlane v0, v20;
	v5 =	vadd.f32 v26, v5  }
0x3ff: {  	v9 =	vmov s6;
	v4 =	vadd.f32 v4, v7;
	v7 =	vmul.f32 v29, v23  }
.Ltmp11:
0x400: {  	v8 =	vperm.xlane v14, v9;
	v2 =	vsel vm6, v24, v2;
	v28 =	vld.idx.msk [tilespmem:v12+s2+$0x8020 ss:$0x1], $0xffff;
	v10 =	vperm.xlane v5, v37;
	(pc) =	sbr.rel @p0 .LBB2_23-.Ltmp11, $4  }
0x401: {  	v11 =	vperm.xlane v15, v9;
	v23 =	vperm.xlane v17, v9;
	v4 =	vadd.f32 v7, v4  }
0x402: {  	v27 =	vmul.f32 v3, v8;
	v3 =	vperm.xlane v19, v9;
	v25 =	vadd.f32 v5, v10  }
0x403: {  	v32 =	vperm.xlane v16, v9;
	v1 =	vsel vm7, v1, v2;
	v30 =	vmul.f32 v6, v11;
	v29 =	vld.idx.msk [tilespmem:v12+s2+$0xC020 ss:$0x1], $0xffff  }
0x404: {  	v26 =	vmul.f32 v1, v4;
	v24 =	vsel vm5, $0x3F800000, v3;
	v31 =	vperm.xlane v25, v43  }
0x405: {  	_ = 	snop  }
0x406: {  	v1 =	vmul.f32 v28, v32;
	v2 =	vadd.f32 v30, v27;
	_ =	sdelay $0x1  }
0x407: {  	v0 =	vperm.xlane v0, v9;
	v1 =	vadd.f32 v1, v2;
	v54 =	vmul.f32 v29, v23  }
0x408: {  	v3 =	vperm.xlane v18, v9  }
0x409: {  	v0 =	vsel vm6, v24, v0;
	v1 =	vadd.f32 v54, v1  }
0x40a: {  	v0 =	vsel vm7, v3, v0  }
0x40b: {  	v0 =	vmul.f32 v0, v1  }
0x40c: {  	v55 =	vperm.xlane v26, v38  }
0x40d: {  	v56 =	vperm.xlane v0, v38  }
0x40e: {  	v1 =	vadd.f32 v26, v55  }
0x40f: {  	v0 =	vadd.f32 v0, v56  }
0x410: {  	v57 =	vperm.xlane v25, v33;
	v58 =	vperm.xlane v1, v37  }
0x411: {  	v4 =	vperm.xlane v25, v42;
	vm0 =	vmmov vm3;
	v5 =	vperm.xlane v0, v37  }
0x412: {  	vm1 =	veq.s32 v20, v34;
	vm15 =	veq.s32 v9, v34;
	v1 =	vadd.f32 v1, v58  }
0x413: {  	v6 =	vsel vm0, v31, v13;
	vm1 =	vmmov vm1;
	v0 =	vadd.f32 v0, v5  }
0x414: {  	s19 =	sadd.s32 $0x1, s19;
	v2 =	vsel vm0, v57, v21;
	v60 =	vperm.xlane v1, v43;
	v61 =	vperm.xlane v1, v33  }
0x415: {  	p0 =	sne.s32 s19, $0x8;
	v59 =	vsel vm0, v4, v22;
	v1 =	vperm.xlane v1, v42;
	v7 =	vperm.xlane v0, v33  }
.Ltmp12:
0x416: {  	vm0 =	vmmov vm15;
	v2 =	vsel vm1, v61, v2;
	v62 =	vperm.xlane v0, v42;
	(pc) =	sbr.rel @p0 .LBB2_20-.Ltmp12, $4  }
0x417: {  	v1 =	vsel vm1, v1, v59;
	v0 =	vperm.xlane v0, v43;
	v2 =	vsel vm0, v7, v2  }
0x418: {  	v63 =	vsel vm1, v60, v6;
	v1 =	vsel vm0, v62, v1;
	[tilespmem:s4+$0x1D400] =	vst v2  }
0x419: {  	v0 =	vsel vm0, v0, v63;
	[tilespmem:s0+$0x1D400] =	vst v1  }
0x41a: {  	s10 =	sadd.s32 $0x800, s10;
	[tilespmem:s1+$0x1D400] =	vst v0  }
0x41b: {  	s8 =	simm.s32 $0x0  }
0x41c: {  	s0 =	rddreg [dreg:$0x8];
	s1 =	simm.s32 $0x1D400;
	s2 =	simm.s32 $0x4  }
0x41d: {  	[hbm4b:s0+s8] =	stream.linear.scatter [tilespmem:s1], [sflag:$0x4], $0x400, $0x38;
	[tilespmem:$0x1D900] =	vst v63  }
0x41e: {  	_ =	swait.ge [sflag:s2], $0x400  }
0x41f: {  	[sflag:s2] =	ssyncset.done $0x0  }
0x420: {  	s29 =	simm.s32 $0x1D800;
	s28 =	rddreg [dreg:$0x9];
	[sflag:s2] =	ssyncadd.s32 $0xFFFFFC00  }
0x421: {  	[hbm4b:s28+s8] =	stream.linear.scatter [tilespmem:s29], [sflag:$0x4], $0x100, $0x38;
	[tilespmem:$0x1D900] =	vst v63  }
0x422: {  	_ =	swait.ge [sflag:s2], $0x100  }
0x423: {  	s30 =	rddreg [dreg:$0xb]  }
0x424: {  	s31 =	rddreg [dreg:$0xa];
	s1 =	sadd.s32 $0x1, s30  }
0x425: {  	p0 =	sne.s32 s1, s31  }
.Ltmp13:
0x426: {  	_ = 	snop;
	(pc) =	sbr.rel @p0 .LBB2_1-.Ltmp13, $3  }
0x427: {  	_ =	sdelay $0x1  }
0x428: {  	[sflag:s2] =	ssyncset.done $0x0  }
0x429: {  	[sflag:s2] =	ssyncadd.s32 $0xFFFFFF00  }
0x42a: {  	_ =	sfence.sel $0x180000  }
0x42b: {  	[bflag:$0x0] =	sbarrier.arrive $0xFFFF  }
0x42c: {  	_ =	strace $0x90000047  }
0x42d: {  	s0 =	stileid.u32;
	[bflag:$0x2] =	sbarrier.arrive $0xFFFF  }
0x42e: {  	p0 =	sne.s32 s0, $0x0;
	s0 =	rddreg [dreg:$0x2]  }
0x42f: {  	s0 =	sadd.s32 @!p0 $0x100000, s0  }
0x430: {  	[sflag:s0] =	ssyncadd.tile.s32 @!p0 $0x1;
	_ =	shalt  }
.Lfunc_end2:
_tile_overlayer_lowered:
.L_overlay_start_2:
0x431: {  	(tag) =	ssettag $0x2  }
0x432: {  	s0 =	rddreg [dreg:$0x0];
	s2 =	stileid.u32  }
0x433: {  	s1 =	rddreg [dreg:$0x1];
	p0 =	sne.s32 s2, $0x0  }
0x434: {  	s3 =	rddreg [dreg:$0x2];
	[bflag:$0x3] =	sbarrier.arrive $0xFFFF;
	s2 =	simm.s32 @!p0 $0x1C04  }
0x435: {  	[timem:s3], [sflag:s2] =	dma.local @!p0 [hbm:s0], s1  }
0x436: {  	s0 =	simm.s32 @!p0 $0x4  }
0x437: {  	_ =	swait.ge @!p0 [sflag:s0], s1  }
0x438: {  	s1 =	ssub.s32 @!p0 $0x0, s1;
	[sflag:s0] =	ssyncset.done @!p0 $0x0  }
0x439: {  	[sflag:s0] =	ssyncadd.s32 @!p0 s1  }
0x43a: {  	[bflag:$0x3] =	sbarrier.arrive $0xFFFF  }
0x43b: {  	_ =	shalt  }

</sc_bundles>
